<compile_context>
chip_gen: v7x
topology: tpu7x:2x2x1
jax: 0.10.2.dev20260603
libtpu: 0.0.44.dev20260713+nightly
codegen_flags: <defaults>
</compile_context>

<pallas_src>
import functools

import jax
import jax.numpy as jnp
from jax import lax
from jax.experimental import pallas as pl
from jax.experimental.pallas import tpu as pltpu
from jax.experimental.pallas import tpu_sc as plsc

POOL = 8192
PLEN = 8
EMB = 768
BATCH = 1024
K = 5

_BB = 256
_CH = 1024
_NCH = POOL // _CH

_NSPLIT = 4
_PB = BATCH // _NSPLIT
_PBLK = _PB // _BB

_NW = 32
_ROWS = BATCH * K
_PROWS = _PB * K
_BPW = _PROWS // _NW
_GCH = 8
_NGCH = _BPW // _GCH


def _topk_lex(d, cols, k):
    big = jnp.int32(2**30)
    ms, gs = [], []
    m_prev = g_prev = None
    for t in range(k):
        if t == 0:
            md = d
        else:
            active = (d > m_prev) | ((d == m_prev) & (cols > g_prev))
            md = jnp.where(active, d, jnp.inf)
        m = jnp.min(md, axis=1, keepdims=True)
        gi = jnp.min(jnp.where(md == m, cols, big), axis=1, keepdims=True)
        m_prev, g_prev = m, gi
        ms.append(m)
        gs.append(gi)
    return ms, gs


_KSTEPS = 2
_KHALF = POOL // _KSTEPS
_NCHS = _KHALF // _CH
_NCAND = _NCHS * K


def _simtopk_body(q_ref, kn_ref, sim_ref, tkv_ref, tki_ref, cd_ref, ci_ref):
    j = pl.program_id(0)
    qn = q_ref[...]

    cols = lax.broadcasted_iota(jnp.int32, (_BB, _CH), 1)
    d_list, i_list = [], []
    for c in range(_NCHS):
        kc = kn_ref[pl.ds(c * _CH, _CH), :]
        s = lax.dot_general(qn, kc, (((1,), (1,)), ((), ())),
                            preferred_element_type=jnp.float32)
        sim_ref[:, pl.ds(c * _CH, _CH)] = s
        ms, gs = _topk_lex(1.0 - s, cols, K)
        d_list += ms
        i_list += [g + (j * _KHALF + c * _CH) for g in gs]

    cd = jnp.concatenate(d_list, axis=1)
    ci = jnp.concatenate(i_list, axis=1)

    @pl.when(j == 0)
    def _():
        cd_ref[...] = cd
        ci_ref[...] = ci

    @pl.when(j == _KSTEPS - 1)
    def _():
        cda = jnp.concatenate([cd_ref[...], cd], axis=1)
        cia = jnp.concatenate([ci_ref[...], ci], axis=1)
        ms, gs = _topk_lex(cda, cia, K)
        outv = [1.0 - m for m in ms]
        tkv_ref[...] = jnp.concatenate(outv + [outv[-1]] * 3, axis=1)
        tki_ref[...] = jnp.concatenate(gs + [gs[-1]] * 3, axis=1)


def _simtopk_part(qn_part, kn, sim_in, part):
    off = part * _PBLK
    out_specs = [
        pl.BlockSpec((_BB, _KHALF), lambda j: (off, j)),
        pl.BlockSpec((_BB, 8), lambda j: (0, 0)),
        pl.BlockSpec((_BB, 8), lambda j: (0, 0)),
    ]
    out_shape = [
        jax.ShapeDtypeStruct((BATCH, POOL), jnp.float32),
        jax.ShapeDtypeStruct((_PB, 8), jnp.float32),
        jax.ShapeDtypeStruct((_PB, 8), jnp.int32),
    ]
    in_specs = [
        pl.BlockSpec((_BB, EMB), lambda j: (0, 0)),
        pl.BlockSpec((_KHALF, EMB), lambda j: (j, 0)),
    ]
    scratch = [
        pltpu.VMEM((_BB, _NCAND), jnp.float32),
        pltpu.VMEM((_BB, _NCAND), jnp.int32),
    ]
    if part == 0:
        return pl.pallas_call(
            _simtopk_body,
            grid=(_KSTEPS,),
            in_specs=in_specs,
            out_specs=out_specs,
            out_shape=out_shape,
            scratch_shapes=scratch,
        )(qn_part, kn)
    return pl.pallas_call(
        lambda q_ref, kn_ref, si_ref, sim_ref, tkv_ref, tki_ref, cd_ref, ci_ref:
            _simtopk_body(q_ref, kn_ref, sim_ref, tkv_ref, tki_ref,
                          cd_ref, ci_ref),
        grid=(_KSTEPS,),
        in_specs=in_specs + [pl.BlockSpec(memory_space=pl.ANY)],
        out_specs=out_specs,
        out_shape=out_shape,
        scratch_shapes=scratch,
        input_output_aliases={2: 0},
    )(qn_part, kn, sim_in)


def _sc_gather_rows(idx_hbm, table_hbm, out_hbm, idx_v, bufs, sems, row0):
    wid = lax.axis_index("s") * 2 + lax.axis_index("c")
    base = wid * _BPW
    pltpu.sync_copy(idx_hbm.at[pl.ds(base, _BPW)], idx_v)

    def start(g):
        return pltpu.async_copy(
            table_hbm.at[idx_v.at[pl.ds(g * _GCH, _GCH)]],
            bufs[g % 2], sems[g % 2])

    h = start(0)
    for g in range(_NGCH):
        h.wait()
        if g + 1 < _NGCH:
            h = start(g + 1)
        pltpu.sync_copy(bufs[g % 2],
                        out_hbm.at[pl.ds(row0 + base + g * _GCH, _GCH)])


def _make_sc_body(row0):
    def body(idx_hbm, table_hbm, out, idx_v, buf0, buf1, sem0, sem1):
        _sc_gather_rows(idx_hbm, table_hbm, out, idx_v,
                        (buf0, buf1), (sem0, sem1), row0)
    return body


_SC_SCRATCH = [
    pltpu.VMEM((_BPW,), jnp.int32),
    pltpu.VMEM((_GCH, PLEN, EMB), jnp.float32),
    pltpu.VMEM((_GCH, PLEN, EMB), jnp.float32),
    pltpu.SemaphoreType.DMA,
    pltpu.SemaphoreType.DMA,
]


def _sc_mesh():
    return plsc.VectorSubcoreMesh(core_axis_name="c", subcore_axis_name="s")


def _sc_gather_first(idx_flat, table):
    f = functools.partial(
        pl.kernel,
        mesh=_sc_mesh(),
        out_type=jax.ShapeDtypeStruct((_ROWS, PLEN, EMB), jnp.float32),
        scratch_types=_SC_SCRATCH,
    )(_make_sc_body(0))
    return f(idx_flat, table)


def _sc_gather_into(idx_flat, table, out_ref, part):
    f = functools.partial(
        pl.kernel,
        mesh=_sc_mesh(),
        out_type=(),
        scratch_types=_SC_SCRATCH,
    )(_make_sc_body(part * _PROWS))
    return f(idx_flat, table, out_ref)


def _l2n(x):
    n = jnp.sqrt(jnp.sum(x * x, axis=1, keepdims=True))
    return (x / jnp.maximum(n, 1e-12)).astype(jnp.bfloat16)


def kernel(query, prompt_pool, prompt_key):
    qn = _l2n(query)
    kn = _l2n(prompt_key)

    sim = None
    tkvs, idxs = [], []
    for p in range(_NSPLIT):
        sim, tkv, tki = _simtopk_part(qn[p * _PB:(p + 1) * _PB], kn, sim, p)
        tkvs.append(tkv[:, :K])
        idxs.append(tki[:, :K].reshape(-1))

    sel0 = _sc_gather_first(idxs[0], prompt_pool)
    out_ref = jax.new_ref(sel0)
    for p in range(1, _NSPLIT):
        _sc_gather_into(idxs[p], prompt_pool, out_ref, p)
    sel = out_ref[...]

    tkv = jnp.concatenate(tkvs, axis=0)
    return sel.reshape(BATCH, K * PLEN, EMB), sim, tkv

# --- scband reference (transcript-rebuilt; emitter-appended) ---
"""Pipeline reference for scband-prompt-pool-4647154614542 (READ-ONLY COPY).

The authoritative reference and input builder live on the scoring server;
editing this copy changes nothing except your own understanding.
"""

import jax, jax.numpy as jnp
import numpy as np

POOL_SIZE = 8192
PROMPT_LEN = 8
EMBED_DIM = 768
BATCH = 1024
TOP_K = 5


def _l2norm(x, axis):
    n = jnp.sqrt(jnp.sum(x * x, axis=axis, keepdims=True))
    return x / jnp.maximum(n, 1e-12)


def setup_inputs(seed: int = 0) -> dict:
    key = jax.random.key(seed)
    k1, k2, k3 = jax.random.split(key, 3)
    query = jax.random.normal(k1, (BATCH, EMBED_DIM), dtype=jnp.float32)
    # learned params sized per init_kwargs
    prompt_pool = jax.random.normal(k2, (POOL_SIZE, PROMPT_LEN, EMBED_DIM), dtype=jnp.float32) * 0.02
    prompt_key = jax.random.uniform(k3, (POOL_SIZE, EMBED_DIM), minval=-0.1, maxval=0.1, dtype=jnp.float32)
    return {"query": query, "prompt_pool": prompt_pool, "prompt_key": prompt_key}


def reference(query, prompt_pool, prompt_key):
    batch_size = query.shape[0]
    query_norm = _l2norm(query, 1)
    key_norm = _l2norm(prompt_key, 1)
    similarity = query_norm @ key_norm.T            # [B, P]
    distance = 1.0 - similarity
    # torch.topk(distance, k, largest=False) == top_k of negated distance
    _, top_k_indices = jax.lax.top_k(-distance, TOP_K)   # [B, k]
    top_k_similarity = jnp.take_along_axis(similarity, top_k_indices, axis=1)
    selected_prompts = jnp.take(prompt_pool, top_k_indices.reshape(-1), axis=0)
    selected_prompts = selected_prompts.reshape(batch_size, TOP_K * PROMPT_LEN, EMBED_DIM)
    return (selected_prompts, similarity, top_k_similarity)

if __name__ == "__main__":
    import jax
    _d = setup_inputs()
    print(jax.jit(kernel)(*tuple(_d.values())))

</pallas_src>

<mosaic_0001>
#map = affine_map<(d0, d1) -> (0)>
#map1 = affine_map<(d0, d1) -> (0, 0, 0)>
module attributes {stable_mosaic.version = 14 : i64} {
  func.func @new_body(%arg0: i32, %arg1: i32, %arg2: memref<1280xi32, #tpu.memory_space<hbm>>, %arg3: memref<8192x8x768xf32, #tpu.memory_space<hbm>>, %arg4: memref<5120x8x768xf32, #tpu.memory_space<hbm>>, %arg5: memref<5120x8x768xf32, #tpu.memory_space<hbm>>, %arg6: memref<40xi32, #tpu.memory_space<vmem>>, %arg7: memref<8x8x768xf32, #tpu.memory_space<vmem>>, %arg8: memref<8x8x768xf32, #tpu.memory_space<vmem>>, %arg9: memref<!tpu.dma_semaphore, #tpu.memory_space<semaphore_mem>>, %arg10: memref<!tpu.dma_semaphore, #tpu.memory_space<semaphore_mem>>) attributes {dimension_semantics = [#tpu.dimension_semantics<core_parallel>, #tpu.dimension_semantics<subcore_parallel>], iteration_bounds = array<i64: 2, 16>, scalar_prefetch = 0 : i64, scratch_operands = 5 : i64, tpu.core_type = #tpu.core_type<sc_vector_subcore>, window_params = [{transform_indices = #map}, {transform_indices = #map1}, {transform_indices = #map1}, {transform_indices = #map1}]} {
    %mul3A = arith.constant 2 : i32
    %mul3A_0 = arith.muli %arg1, %mul3A : i32
    %add3A = arith.addi %mul3A_0, %arg0 : i32
    %mul3A_1 = arith.constant 40 : i32
    %mul3A_2 = arith.muli %add3A, %mul3A_1 : i32
    "tpu.region"() ({
      %run_scoped3A = tpu.sem_alloc : memref<!tpu.dma_semaphore, #tpu.memory_space<semaphore_mem>>
      %dma_start3A_81 = tpu.memref_slice %arg2[%mul3A_2] : memref<1280xi32, #tpu.memory_space<hbm>> -> memref<40xi32, #tpu.memory_space<hbm>>
      %dma_start3A_82 = tpu.memref_slice %arg2[%mul3A_2] : memref<1280xi32, #tpu.memory_space<hbm>> -> memref<40xi32, #tpu.memory_space<hbm>>
      tpu.enqueue_dma source(%dma_start3A_82 : memref<40xi32, #tpu.memory_space<hbm>>) target(%arg6 : memref<40xi32, #tpu.memory_space<vmem>>) target_semaphore(%run_scoped3A : memref<!tpu.dma_semaphore, #tpu.memory_space<semaphore_mem>>)
      %dma_wait3A_83 = tpu.memref_slice %arg2[%mul3A_2] : memref<1280xi32, #tpu.memory_space<hbm>> -> memref<40xi32, #tpu.memory_space<hbm>>
      %dma_wait3A_84 = tpu.memref_slice %arg2[%mul3A_2] : memref<1280xi32, #tpu.memory_space<hbm>> -> memref<40xi32, #tpu.memory_space<hbm>>
      tpu.wait_dma2 semaphore(%run_scoped3A : memref<!tpu.dma_semaphore, #tpu.memory_space<semaphore_mem>>) src(%dma_wait3A_84 : memref<40xi32, #tpu.memory_space<hbm>>) dst(%arg6 : memref<40xi32, #tpu.memory_space<vmem>>)
      tpu.yield
    }) : () -> ()
    %dma_start3A = arith.constant 0 : i32
    %dma_start3A_3 = tpu.memref_slice %arg6[%dma_start3A] : memref<40xi32, #tpu.memory_space<vmem>> -> memref<8xi32, #tpu.memory_space<vmem>>
    %dma_start3A_4 = arith.constant 0 : i32
    %dma_start3A_5 = arith.constant 0 : i32
    %dma_start3A_6 = arith.constant 0 : i32
    %dma_start3A_7 = tpu.memref_slice %arg3[%dma_start3A_4, %dma_start3A_5, %dma_start3A_6] : memref<8192x8x768xf32, #tpu.memory_space<hbm>> -> memref<8192x8x768xf32, #tpu.memory_space<hbm>>
    tpu.enqueue_indirect_dma source(%dma_start3A_7 : memref<8192x8x768xf32, #tpu.memory_space<hbm>>) target(%arg7 : memref<8x8x768xf32, #tpu.memory_space<vmem>>) offsets(%dma_start3A_3 : memref<8xi32, #tpu.memory_space<vmem>>) semaphore(%arg9 : memref<!tpu.dma_semaphore, #tpu.memory_space<semaphore_mem>>)
    %dma_wait3A = arith.constant 0 : i32
    %dma_wait3A_8 = tpu.memref_slice %arg6[%dma_wait3A] : memref<40xi32, #tpu.memory_space<vmem>> -> memref<8xi32, #tpu.memory_space<vmem>>
    %dma_wait3A_9 = arith.constant 0 : i32
    %dma_wait3A_10 = arith.constant 0 : i32
    %dma_wait3A_11 = arith.constant 0 : i32
    %dma_wait3A_12 = tpu.memref_slice %arg3[%dma_wait3A_9, %dma_wait3A_10, %dma_wait3A_11] : memref<8192x8x768xf32, #tpu.memory_space<hbm>> -> memref<8192x8x768xf32, #tpu.memory_space<hbm>>
    tpu.wait_indirect_dma semaphore(%arg9 : memref<!tpu.dma_semaphore, #tpu.memory_space<semaphore_mem>>) src(%dma_wait3A_12 : memref<8192x8x768xf32, #tpu.memory_space<hbm>>) dst(%arg7 : memref<8x8x768xf32, #tpu.memory_space<vmem>>)
    %dma_start3A_13 = arith.constant 8 : i32
    %dma_start3A_14 = tpu.memref_slice %arg6[%dma_start3A_13] : memref<40xi32, #tpu.memory_space<vmem>> -> memref<8xi32, #tpu.memory_space<vmem>>
    %dma_start3A_15 = arith.constant 0 : i32
    %dma_start3A_16 = arith.constant 0 : i32
    %dma_start3A_17 = arith.constant 0 : i32
    %dma_start3A_18 = tpu.memref_slice %arg3[%dma_start3A_15, %dma_start3A_16, %dma_start3A_17] : memref<8192x8x768xf32, #tpu.memory_space<hbm>> -> memref<8192x8x768xf32, #tpu.memory_space<hbm>>
    tpu.enqueue_indirect_dma source(%dma_start3A_18 : memref<8192x8x768xf32, #tpu.memory_space<hbm>>) target(%arg8 : memref<8x8x768xf32, #tpu.memory_space<vmem>>) offsets(%dma_start3A_14 : memref<8xi32, #tpu.memory_space<vmem>>) semaphore(%arg10 : memref<!tpu.dma_semaphore, #tpu.memory_space<semaphore_mem>>)
    %add3A_19 = arith.constant 1280 : i32
    %add3A_20 = arith.addi %add3A_19, %mul3A_2 : i32
    %add3A_21 = arith.constant 0 : i32
    %add3A_22 = arith.addi %add3A_20, %add3A_21 : i32
    "tpu.region"() ({
      %run_scoped3A = tpu.sem_alloc : memref<!tpu.dma_semaphore, #tpu.memory_space<semaphore_mem>>
      %dma_start3A_81 = arith.constant 0 : i32
      %dma_start3A_82 = arith.constant 0 : i32
      %dma_start3A_83 = tpu.memref_slice %arg4[%add3A_22, %dma_start3A_81, %dma_start3A_82] : memref<5120x8x768xf32, #tpu.memory_space<hbm>> -> memref<8x8x768xf32, #tpu.memory_space<hbm>>
      %dma_start3A_84 = arith.constant 0 : i32
      %dma_start3A_85 = arith.constant 0 : i32
      %dma_start3A_86 = tpu.memref_slice %arg4[%add3A_22, %dma_start3A_84, %dma_start3A_85] : memref<5120x8x768xf32, #tpu.memory_space<hbm>> -> memref<8x8x768xf32, #tpu.memory_space<hbm>>
      tpu.enqueue_dma source(%arg7 : memref<8x8x768xf32, #tpu.memory_space<vmem>>) target(%dma_start3A_86 : memref<8x8x768xf32, #tpu.memory_space<hbm>>) target_semaphore(%run_scoped3A : memref<!tpu.dma_semaphore, #tpu.memory_space<semaphore_mem>>)
      %dma_wait3A_87 = arith.constant 0 : i32
      %dma_wait3A_88 = arith.constant 0 : i32
      %dma_wait3A_89 = tpu.memref_slice %arg4[%add3A_22, %dma_wait3A_87, %dma_wait3A_88] : memref<5120x8x768xf32, #tpu.memory_space<hbm>> -> memref<8x8x768xf32, #tpu.memory_space<hbm>>
      %dma_wait3A_90 = arith.constant 0 : i32
      %dma_wait3A_91 = arith.constant 0 : i32
      %dma_wait3A_92 = tpu.memref_slice %arg4[%add3A_22, %dma_wait3A_90, %dma_wait3A_91] : memref<5120x8x768xf32, #tpu.memory_space<hbm>> -> memref<8x8x768xf32, #tpu.memory_space<hbm>>
      tpu.wait_dma2 semaphore(%run_scoped3A : memref<!tpu.dma_semaphore, #tpu.memory_space<semaphore_mem>>) src(%arg7 : memref<8x8x768xf32, #tpu.memory_space<vmem>>) dst(%dma_wait3A_92 : memref<8x8x768xf32, #tpu.memory_space<hbm>>)
      tpu.yield
    }) : () -> ()
    %dma_wait3A_23 = arith.constant 8 : i32
    %dma_wait3A_24 = tpu.memref_slice %arg6[%dma_wait3A_23] : memref<40xi32, #tpu.memory_space<vmem>> -> memref<8xi32, #tpu.memory_space<vmem>>
    %dma_wait3A_25 = arith.constant 0 : i32
    %dma_wait3A_26 = arith.constant 0 : i32
    %dma_wait3A_27 = arith.constant 0 : i32
    %dma_wait3A_28 = tpu.memref_slice %arg3[%dma_wait3A_25, %dma_wait3A_26, %dma_wait3A_27] : memref<8192x8x768xf32, #tpu.memory_space<hbm>> -> memref<8192x8x768xf32, #tpu.memory_space<hbm>>
    tpu.wait_indirect_dma semaphore(%arg10 : memref<!tpu.dma_semaphore, #tpu.memory_space<semaphore_mem>>) src(%dma_wait3A_28 : memref<8192x8x768xf32, #tpu.memory_space<hbm>>) dst(%arg8 : memref<8x8x768xf32, #tpu.memory_space<vmem>>)
    %dma_start3A_29 = arith.constant 16 : i32
    %dma_start3A_30 = tpu.memref_slice %arg6[%dma_start3A_29] : memref<40xi32, #tpu.memory_space<vmem>> -> memref<8xi32, #tpu.memory_space<vmem>>
    %dma_start3A_31 = arith.constant 0 : i32
    %dma_start3A_32 = arith.constant 0 : i32
    %dma_start3A_33 = arith.constant 0 : i32
    %dma_start3A_34 = tpu.memref_slice %arg3[%dma_start3A_31, %dma_start3A_32, %dma_start3A_33] : memref<8192x8x768xf32, #tpu.memory_space<hbm>> -> memref<8192x8x768xf32, #tpu.memory_space<hbm>>
    tpu.enqueue_indirect_dma source(%dma_start3A_34 : memref<8192x8x768xf32, #tpu.memory_space<hbm>>) target(%arg7 : memref<8x8x768xf32, #tpu.memory_space<vmem>>) offsets(%dma_start3A_30 : memref<8xi32, #tpu.memory_space<vmem>>) semaphore(%arg9 : memref<!tpu.dma_semaphore, #tpu.memory_space<semaphore_mem>>)
    %add3A_35 = arith.constant 1280 : i32
    %add3A_36 = arith.addi %add3A_35, %mul3A_2 : i32
    %add3A_37 = arith.constant 8 : i32
    %add3A_38 = arith.addi %add3A_36, %add3A_37 : i32
    "tpu.region"() ({
      %run_scoped3A = tpu.sem_alloc : memref<!tpu.dma_semaphore, #tpu.memory_space<semaphore_mem>>
      %dma_start3A_81 = arith.constant 0 : i32
      %dma_start3A_82 = arith.constant 0 : i32
      %dma_start3A_83 = tpu.memref_slice %arg4[%add3A_38, %dma_start3A_81, %dma_start3A_82] : memref<5120x8x768xf32, #tpu.memory_space<hbm>> -> memref<8x8x768xf32, #tpu.memory_space<hbm>>
      %dma_start3A_84 = arith.constant 0 : i32
      %dma_start3A_85 = arith.constant 0 : i32
      %dma_start3A_86 = tpu.memref_slice %arg4[%add3A_38, %dma_start3A_84, %dma_start3A_85] : memref<5120x8x768xf32, #tpu.memory_space<hbm>> -> memref<8x8x768xf32, #tpu.memory_space<hbm>>
      tpu.enqueue_dma source(%arg8 : memref<8x8x768xf32, #tpu.memory_space<vmem>>) target(%dma_start3A_86 : memref<8x8x768xf32, #tpu.memory_space<hbm>>) target_semaphore(%run_scoped3A : memref<!tpu.dma_semaphore, #tpu.memory_space<semaphore_mem>>)
      %dma_wait3A_87 = arith.constant 0 : i32
      %dma_wait3A_88 = arith.constant 0 : i32
      %dma_wait3A_89 = tpu.memref_slice %arg4[%add3A_38, %dma_wait3A_87, %dma_wait3A_88] : memref<5120x8x768xf32, #tpu.memory_space<hbm>> -> memref<8x8x768xf32, #tpu.memory_space<hbm>>
      %dma_wait3A_90 = arith.constant 0 : i32
      %dma_wait3A_91 = arith.constant 0 : i32
      %dma_wait3A_92 = tpu.memref_slice %arg4[%add3A_38, %dma_wait3A_90, %dma_wait3A_91] : memref<5120x8x768xf32, #tpu.memory_space<hbm>> -> memref<8x8x768xf32, #tpu.memory_space<hbm>>
      tpu.wait_dma2 semaphore(%run_scoped3A : memref<!tpu.dma_semaphore, #tpu.memory_space<semaphore_mem>>) src(%arg8 : memref<8x8x768xf32, #tpu.memory_space<vmem>>) dst(%dma_wait3A_92 : memref<8x8x768xf32, #tpu.memory_space<hbm>>)
      tpu.yield
    }) : () -> ()
    %dma_wait3A_39 = arith.constant 16 : i32
    %dma_wait3A_40 = tpu.memref_slice %arg6[%dma_wait3A_39] : memref<40xi32, #tpu.memory_space<vmem>> -> memref<8xi32, #tpu.memory_space<vmem>>
    %dma_wait3A_41 = arith.constant 0 : i32
    %dma_wait3A_42 = arith.constant 0 : i32
    %dma_wait3A_43 = arith.constant 0 : i32
    %dma_wait3A_44 = tpu.memref_slice %arg3[%dma_wait3A_41, %dma_wait3A_42, %dma_wait3A_43] : memref<8192x8x768xf32, #tpu.memory_space<hbm>> -> memref<8192x8x768xf32, #tpu.memory_space<hbm>>
    tpu.wait_indirect_dma semaphore(%arg9 : memref<!tpu.dma_semaphore, #tpu.memory_space<semaphore_mem>>) src(%dma_wait3A_44 : memref<8192x8x768xf32, #tpu.memory_space<hbm>>) dst(%arg7 : memref<8x8x768xf32, #tpu.memory_space<vmem>>)
    %dma_start3A_45 = arith.constant 24 : i32
    %dma_start3A_46 = tpu.memref_slice %arg6[%dma_start3A_45] : memref<40xi32, #tpu.memory_space<vmem>> -> memref<8xi32, #tpu.memory_space<vmem>>
    %dma_start3A_47 = arith.constant 0 : i32
    %dma_start3A_48 = arith.constant 0 : i32
    %dma_start3A_49 = arith.constant 0 : i32
    %dma_start3A_50 = tpu.memref_slice %arg3[%dma_start3A_47, %dma_start3A_48, %dma_start3A_49] : memref<8192x8x768xf32, #tpu.memory_space<hbm>> -> memref<8192x8x768xf32, #tpu.memory_space<hbm>>
    tpu.enqueue_indirect_dma source(%dma_start3A_50 : memref<8192x8x768xf32, #tpu.memory_space<hbm>>) target(%arg8 : memref<8x8x768xf32, #tpu.memory_space<vmem>>) offsets(%dma_start3A_46 : memref<8xi32, #tpu.memory_space<vmem>>) semaphore(%arg10 : memref<!tpu.dma_semaphore, #tpu.memory_space<semaphore_mem>>)
    %add3A_51 = arith.constant 1280 : i32
    %add3A_52 = arith.addi %add3A_51, %mul3A_2 : i32
    %add3A_53 = arith.constant 16 : i32
    %add3A_54 = arith.addi %add3A_52, %add3A_53 : i32
    "tpu.region"() ({
      %run_scoped3A = tpu.sem_alloc : memref<!tpu.dma_semaphore, #tpu.memory_space<semaphore_mem>>
      %dma_start3A_81 = arith.constant 0 : i32
      %dma_start3A_82 = arith.constant 0 : i32
      %dma_start3A_83 = tpu.memref_slice %arg4[%add3A_54, %dma_start3A_81, %dma_start3A_82] : memref<5120x8x768xf32, #tpu.memory_space<hbm>> -> memref<8x8x768xf32, #tpu.memory_space<hbm>>
      %dma_start3A_84 = arith.constant 0 : i32
      %dma_start3A_85 = arith.constant 0 : i32
      %dma_start3A_86 = tpu.memref_slice %arg4[%add3A_54, %dma_start3A_84, %dma_start3A_85] : memref<5120x8x768xf32, #tpu.memory_space<hbm>> -> memref<8x8x768xf32, #tpu.memory_space<hbm>>
      tpu.enqueue_dma source(%arg7 : memref<8x8x768xf32, #tpu.memory_space<vmem>>) target(%dma_start3A_86 : memref<8x8x768xf32, #tpu.memory_space<hbm>>) target_semaphore(%run_scoped3A : memref<!tpu.dma_semaphore, #tpu.memory_space<semaphore_mem>>)
      %dma_wait3A_87 = arith.constant 0 : i32
      %dma_wait3A_88 = arith.constant 0 : i32
      %dma_wait3A_89 = tpu.memref_slice %arg4[%add3A_54, %dma_wait3A_87, %dma_wait3A_88] : memref<5120x8x768xf32, #tpu.memory_space<hbm>> -> memref<8x8x768xf32, #tpu.memory_space<hbm>>
      %dma_wait3A_90 = arith.constant 0 : i32
      %dma_wait3A_91 = arith.constant 0 : i32
      %dma_wait3A_92 = tpu.memref_slice %arg4[%add3A_54, %dma_wait3A_90, %dma_wait3A_91] : memref<5120x8x768xf32, #tpu.memory_space<hbm>> -> memref<8x8x768xf32, #tpu.memory_space<hbm>>
      tpu.wait_dma2 semaphore(%run_scoped3A : memref<!tpu.dma_semaphore, #tpu.memory_space<semaphore_mem>>) src(%arg7 : memref<8x8x768xf32, #tpu.memory_space<vmem>>) dst(%dma_wait3A_92 : memref<8x8x768xf32, #tpu.memory_space<hbm>>)
      tpu.yield
    }) : () -> ()
    %dma_wait3A_55 = arith.constant 24 : i32
    %dma_wait3A_56 = tpu.memref_slice %arg6[%dma_wait3A_55] : memref<40xi32, #tpu.memory_space<vmem>> -> memref<8xi32, #tpu.memory_space<vmem>>
    %dma_wait3A_57 = arith.constant 0 : i32
    %dma_wait3A_58 = arith.constant 0 : i32
    %dma_wait3A_59 = arith.constant 0 : i32
    %dma_wait3A_60 = tpu.memref_slice %arg3[%dma_wait3A_57, %dma_wait3A_58, %dma_wait3A_59] : memref<8192x8x768xf32, #tpu.memory_space<hbm>> -> memref<8192x8x768xf32, #tpu.memory_space<hbm>>
    tpu.wait_indirect_dma semaphore(%arg10 : memref<!tpu.dma_semaphore, #tpu.memory_space<semaphore_mem>>) src(%dma_wait3A_60 : memref<8192x8x768xf32, #tpu.memory_space<hbm>>) dst(%arg8 : memref<8x8x768xf32, #tpu.memory_space<vmem>>)
    %dma_start3A_61 = arith.constant 32 : i32
    %dma_start3A_62 = tpu.memref_slice %arg6[%dma_start3A_61] : memref<40xi32, #tpu.memory_space<vmem>> -> memref<8xi32, #tpu.memory_space<vmem>>
    %dma_start3A_63 = arith.constant 0 : i32
    %dma_start3A_64 = arith.constant 0 : i32
    %dma_start3A_65 = arith.constant 0 : i32
    %dma_start3A_66 = tpu.memref_slice %arg3[%dma_start3A_63, %dma_start3A_64, %dma_start3A_65] : memref<8192x8x768xf32, #tpu.memory_space<hbm>> -> memref<8192x8x768xf32, #tpu.memory_space<hbm>>
    tpu.enqueue_indirect_dma source(%dma_start3A_66 : memref<8192x8x768xf32, #tpu.memory_space<hbm>>) target(%arg7 : memref<8x8x768xf32, #tpu.memory_space<vmem>>) offsets(%dma_start3A_62 : memref<8xi32, #tpu.memory_space<vmem>>) semaphore(%arg9 : memref<!tpu.dma_semaphore, #tpu.memory_space<semaphore_mem>>)
    %add3A_67 = arith.constant 1280 : i32
    %add3A_68 = arith.addi %add3A_67, %mul3A_2 : i32
    %add3A_69 = arith.constant 24 : i32
    %add3A_70 = arith.addi %add3A_68, %add3A_69 : i32
    "tpu.region"() ({
      %run_scoped3A = tpu.sem_alloc : memref<!tpu.dma_semaphore, #tpu.memory_space<semaphore_mem>>
      %dma_start3A_81 = arith.constant 0 : i32
      %dma_start3A_82 = arith.constant 0 : i32
      %dma_start3A_83 = tpu.memref_slice %arg4[%add3A_70, %dma_start3A_81, %dma_start3A_82] : memref<5120x8x768xf32, #tpu.memory_space<hbm>> -> memref<8x8x768xf32, #tpu.memory_space<hbm>>
      %dma_start3A_84 = arith.constant 0 : i32
      %dma_start3A_85 = arith.constant 0 : i32
      %dma_start3A_86 = tpu.memref_slice %arg4[%add3A_70, %dma_start3A_84, %dma_start3A_85] : memref<5120x8x768xf32, #tpu.memory_space<hbm>> -> memref<8x8x768xf32, #tpu.memory_space<hbm>>
      tpu.enqueue_dma source(%arg8 : memref<8x8x768xf32, #tpu.memory_space<vmem>>) target(%dma_start3A_86 : memref<8x8x768xf32, #tpu.memory_space<hbm>>) target_semaphore(%run_scoped3A : memref<!tpu.dma_semaphore, #tpu.memory_space<semaphore_mem>>)
      %dma_wait3A_87 = arith.constant 0 : i32
      %dma_wait3A_88 = arith.constant 0 : i32
      %dma_wait3A_89 = tpu.memref_slice %arg4[%add3A_70, %dma_wait3A_87, %dma_wait3A_88] : memref<5120x8x768xf32, #tpu.memory_space<hbm>> -> memref<8x8x768xf32, #tpu.memory_space<hbm>>
      %dma_wait3A_90 = arith.constant 0 : i32
      %dma_wait3A_91 = arith.constant 0 : i32
      %dma_wait3A_92 = tpu.memref_slice %arg4[%add3A_70, %dma_wait3A_90, %dma_wait3A_91] : memref<5120x8x768xf32, #tpu.memory_space<hbm>> -> memref<8x8x768xf32, #tpu.memory_space<hbm>>
      tpu.wait_dma2 semaphore(%run_scoped3A : memref<!tpu.dma_semaphore, #tpu.memory_space<semaphore_mem>>) src(%arg8 : memref<8x8x768xf32, #tpu.memory_space<vmem>>) dst(%dma_wait3A_92 : memref<8x8x768xf32, #tpu.memory_space<hbm>>)
      tpu.yield
    }) : () -> ()
    %dma_wait3A_71 = arith.constant 32 : i32
    %dma_wait3A_72 = tpu.memref_slice %arg6[%dma_wait3A_71] : memref<40xi32, #tpu.memory_space<vmem>> -> memref<8xi32, #tpu.memory_space<vmem>>
    %dma_wait3A_73 = arith.constant 0 : i32
    %dma_wait3A_74 = arith.constant 0 : i32
    %dma_wait3A_75 = arith.constant 0 : i32
    %dma_wait3A_76 = tpu.memref_slice %arg3[%dma_wait3A_73, %dma_wait3A_74, %dma_wait3A_75] : memref<8192x8x768xf32, #tpu.memory_space<hbm>> -> memref<8192x8x768xf32, #tpu.memory_space<hbm>>
    tpu.wait_indirect_dma semaphore(%arg9 : memref<!tpu.dma_semaphore, #tpu.memory_space<semaphore_mem>>) src(%dma_wait3A_76 : memref<8192x8x768xf32, #tpu.memory_space<hbm>>) dst(%arg7 : memref<8x8x768xf32, #tpu.memory_space<vmem>>)
    %add3A_77 = arith.constant 1280 : i32
    %add3A_78 = arith.addi %add3A_77, %mul3A_2 : i32
    %add3A_79 = arith.constant 32 : i32
    %add3A_80 = arith.addi %add3A_78, %add3A_79 : i32
    "tpu.region"() ({
      %run_scoped3A = tpu.sem_alloc : memref<!tpu.dma_semaphore, #tpu.memory_space<semaphore_mem>>
      %dma_start3A_81 = arith.constant 0 : i32
      %dma_start3A_82 = arith.constant 0 : i32
      %dma_start3A_83 = tpu.memref_slice %arg4[%add3A_80, %dma_start3A_81, %dma_start3A_82] : memref<5120x8x768xf32, #tpu.memory_space<hbm>> -> memref<8x8x768xf32, #tpu.memory_space<hbm>>
      %dma_start3A_84 = arith.constant 0 : i32
      %dma_start3A_85 = arith.constant 0 : i32
      %dma_start3A_86 = tpu.memref_slice %arg4[%add3A_80, %dma_start3A_84, %dma_start3A_85] : memref<5120x8x768xf32, #tpu.memory_space<hbm>> -> memref<8x8x768xf32, #tpu.memory_space<hbm>>
      tpu.enqueue_dma source(%arg7 : memref<8x8x768xf32, #tpu.memory_space<vmem>>) target(%dma_start3A_86 : memref<8x8x768xf32, #tpu.memory_space<hbm>>) target_semaphore(%run_scoped3A : memref<!tpu.dma_semaphore, #tpu.memory_space<semaphore_mem>>)
      %dma_wait3A_87 = arith.constant 0 : i32
      %dma_wait3A_88 = arith.constant 0 : i32
      %dma_wait3A_89 = tpu.memref_slice %arg4[%add3A_80, %dma_wait3A_87, %dma_wait3A_88] : memref<5120x8x768xf32, #tpu.memory_space<hbm>> -> memref<8x8x768xf32, #tpu.memory_space<hbm>>
      %dma_wait3A_90 = arith.constant 0 : i32
      %dma_wait3A_91 = arith.constant 0 : i32
      %dma_wait3A_92 = tpu.memref_slice %arg4[%add3A_80, %dma_wait3A_90, %dma_wait3A_91] : memref<5120x8x768xf32, #tpu.memory_space<hbm>> -> memref<8x8x768xf32, #tpu.memory_space<hbm>>
      tpu.wait_dma2 semaphore(%run_scoped3A : memref<!tpu.dma_semaphore, #tpu.memory_space<semaphore_mem>>) src(%arg7 : memref<8x8x768xf32, #tpu.memory_space<vmem>>) dst(%dma_wait3A_92 : memref<8x8x768xf32, #tpu.memory_space<hbm>>)
      tpu.yield
    }) : () -> ()
    return
  }
}

#map = affine_map<(d0, d1) -> (0)>
#map1 = affine_map<(d0, d1) -> (0, 0, 0)>
module attributes {stable_mosaic.version = 14 : i64} {
  func.func @new_body(%arg0: i32, %arg1: i32, %arg2: memref<1280xi32, #tpu.memory_space<hbm>>, %arg3: memref<8192x8x768xf32, #tpu.memory_space<hbm>>, %arg4: memref<5120x8x768xf32, #tpu.memory_space<hbm>>, %arg5: memref<5120x8x768xf32, #tpu.memory_space<hbm>>, %arg6: memref<40xi32, #tpu.memory_space<vmem>>, %arg7: memref<8x8x768xf32, #tpu.memory_space<vmem>>, %arg8: memref<8x8x768xf32, #tpu.memory_space<vmem>>, %arg9: memref<!tpu.dma_semaphore, #tpu.memory_space<semaphore_mem>>, %arg10: memref<!tpu.dma_semaphore, #tpu.memory_space<semaphore_mem>>) attributes {dimension_semantics = [#tpu.dimension_semantics<core_parallel>, #tpu.dimension_semantics<subcore_parallel>], iteration_bounds = array<i64: 2, 16>, scalar_prefetch = 0 : i64, scratch_operands = 5 : i64, tpu.core_type = #tpu.core_type<sc_vector_subcore>, window_params = [{transform_indices = #map}, {transform_indices = #map1}, {transform_indices = #map1}, {transform_indices = #map1}]} {
    %mul3A = arith.constant 2 : i32
    %mul3A_0 = arith.muli %arg1, %mul3A : i32
    %add3A = arith.addi %mul3A_0, %arg0 : i32
    %mul3A_1 = arith.constant 40 : i32
    %mul3A_2 = arith.muli %add3A, %mul3A_1 : i32
    "tpu.region"() ({
      %run_scoped3A = tpu.sem_alloc : memref<!tpu.dma_semaphore, #tpu.memory_space<semaphore_mem>>
      %dma_start3A_81 = tpu.memref_slice %arg2[%mul3A_2] : memref<1280xi32, #tpu.memory_space<hbm>> -> memref<40xi32, #tpu.memory_space<hbm>>
      %dma_start3A_82 = tpu.memref_slice %arg2[%mul3A_2] : memref<1280xi32, #tpu.memory_space<hbm>> -> memref<40xi32, #tpu.memory_space<hbm>>
      tpu.enqueue_dma source(%dma_start3A_82 : memref<40xi32, #tpu.memory_space<hbm>>) target(%arg6 : memref<40xi32, #tpu.memory_space<vmem>>) target_semaphore(%run_scoped3A : memref<!tpu.dma_semaphore, #tpu.memory_space<semaphore_mem>>)
      %dma_wait3A_83 = tpu.memref_slice %arg2[%mul3A_2] : memref<1280xi32, #tpu.memory_space<hbm>> -> memref<40xi32, #tpu.memory_space<hbm>>
      %dma_wait3A_84 = tpu.memref_slice %arg2[%mul3A_2] : memref<1280xi32, #tpu.memory_space<hbm>> -> memref<40xi32, #tpu.memory_space<hbm>>
      tpu.wait_dma2 semaphore(%run_scoped3A : memref<!tpu.dma_semaphore, #tpu.memory_space<semaphore_mem>>) src(%dma_wait3A_84 : memref<40xi32, #tpu.memory_space<hbm>>) dst(%arg6 : memref<40xi32, #tpu.memory_space<vmem>>)
      tpu.yield
    }) : () -> ()
    %dma_start3A = arith.constant 0 : i32
    %dma_start3A_3 = tpu.memref_slice %arg6[%dma_start3A] : memref<40xi32, #tpu.memory_space<vmem>> -> memref<8xi32, #tpu.memory_space<vmem>>
    %dma_start3A_4 = arith.constant 0 : i32
    %dma_start3A_5 = arith.constant 0 : i32
    %dma_start3A_6 = arith.constant 0 : i32
    %dma_start3A_7 = tpu.memref_slice %arg3[%dma_start3A_4, %dma_start3A_5, %dma_start3A_6] : memref<8192x8x768xf32, #tpu.memory_space<hbm>> -> memref<8192x8x768xf32, #tpu.memory_space<hbm>>
    tpu.enqueue_indirect_dma source(%dma_start3A_7 : memref<8192x8x768xf32, #tpu.memory_space<hbm>>) target(%arg7 : memref<8x8x768xf32, #tpu.memory_space<vmem>>) offsets(%dma_start3A_3 : memref<8xi32, #tpu.memory_space<vmem>>) semaphore(%arg9 : memref<!tpu.dma_semaphore, #tpu.memory_space<semaphore_mem>>)
    %dma_wait3A = arith.constant 0 : i32
    %dma_wait3A_8 = tpu.memref_slice %arg6[%dma_wait3A] : memref<40xi32, #tpu.memory_space<vmem>> -> memref<8xi32, #tpu.memory_space<vmem>>
    %dma_wait3A_9 = arith.constant 0 : i32
    %dma_wait3A_10 = arith.constant 0 : i32
    %dma_wait3A_11 = arith.constant 0 : i32
    %dma_wait3A_12 = tpu.memref_slice %arg3[%dma_wait3A_9, %dma_wait3A_10, %dma_wait3A_11] : memref<8192x8x768xf32, #tpu.memory_space<hbm>> -> memref<8192x8x768xf32, #tpu.memory_space<hbm>>
    tpu.wait_indirect_dma semaphore(%arg9 : memref<!tpu.dma_semaphore, #tpu.memory_space<semaphore_mem>>) src(%dma_wait3A_12 : memref<8192x8x768xf32, #tpu.memory_space<hbm>>) dst(%arg7 : memref<8x8x768xf32, #tpu.memory_space<vmem>>)
    %dma_start3A_13 = arith.constant 8 : i32
    %dma_start3A_14 = tpu.memref_slice %arg6[%dma_start3A_13] : memref<40xi32, #tpu.memory_space<vmem>> -> memref<8xi32, #tpu.memory_space<vmem>>
    %dma_start3A_15 = arith.constant 0 : i32
    %dma_start3A_16 = arith.constant 0 : i32
    %dma_start3A_17 = arith.constant 0 : i32
    %dma_start3A_18 = tpu.memref_slice %arg3[%dma_start3A_15, %dma_start3A_16, %dma_start3A_17] : memref<8192x8x768xf32, #tpu.memory_space<hbm>> -> memref<8192x8x768xf32, #tpu.memory_space<hbm>>
    tpu.enqueue_indirect_dma source(%dma_start3A_18 : memref<8192x8x768xf32, #tpu.memory_space<hbm>>) target(%arg8 : memref<8x8x768xf32, #tpu.memory_space<vmem>>) offsets(%dma_start3A_14 : memref<8xi32, #tpu.memory_space<vmem>>) semaphore(%arg10 : memref<!tpu.dma_semaphore, #tpu.memory_space<semaphore_mem>>)
    %add3A_19 = arith.constant 3840 : i32
    %add3A_20 = arith.addi %add3A_19, %mul3A_2 : i32
    %add3A_21 = arith.constant 0 : i32
    %add3A_22 = arith.addi %add3A_20, %add3A_21 : i32
    "tpu.region"() ({
      %run_scoped3A = tpu.sem_alloc : memref<!tpu.dma_semaphore, #tpu.memory_space<semaphore_mem>>
      %dma_start3A_81 = arith.constant 0 : i32
      %dma_start3A_82 = arith.constant 0 : i32
      %dma_start3A_83 = tpu.memref_slice %arg4[%add3A_22, %dma_start3A_81, %dma_start3A_82] : memref<5120x8x768xf32, #tpu.memory_space<hbm>> -> memref<8x8x768xf32, #tpu.memory_space<hbm>>
      %dma_start3A_84 = arith.constant 0 : i32
      %dma_start3A_85 = arith.constant 0 : i32
      %dma_start3A_86 = tpu.memref_slice %arg4[%add3A_22, %dma_start3A_84, %dma_start3A_85] : memref<5120x8x768xf32, #tpu.memory_space<hbm>> -> memref<8x8x768xf32, #tpu.memory_space<hbm>>
      tpu.enqueue_dma source(%arg7 : memref<8x8x768xf32, #tpu.memory_space<vmem>>) target(%dma_start3A_86 : memref<8x8x768xf32, #tpu.memory_space<hbm>>) target_semaphore(%run_scoped3A : memref<!tpu.dma_semaphore, #tpu.memory_space<semaphore_mem>>)
      %dma_wait3A_87 = arith.constant 0 : i32
      %dma_wait3A_88 = arith.constant 0 : i32
      %dma_wait3A_89 = tpu.memref_slice %arg4[%add3A_22, %dma_wait3A_87, %dma_wait3A_88] : memref<5120x8x768xf32, #tpu.memory_space<hbm>> -> memref<8x8x768xf32, #tpu.memory_space<hbm>>
      %dma_wait3A_90 = arith.constant 0 : i32
      %dma_wait3A_91 = arith.constant 0 : i32
      %dma_wait3A_92 = tpu.memref_slice %arg4[%add3A_22, %dma_wait3A_90, %dma_wait3A_91] : memref<5120x8x768xf32, #tpu.memory_space<hbm>> -> memref<8x8x768xf32, #tpu.memory_space<hbm>>
      tpu.wait_dma2 semaphore(%run_scoped3A : memref<!tpu.dma_semaphore, #tpu.memory_space<semaphore_mem>>) src(%arg7 : memref<8x8x768xf32, #tpu.memory_space<vmem>>) dst(%dma_wait3A_92 : memref<8x8x768xf32, #tpu.memory_space<hbm>>)
      tpu.yield
    }) : () -> ()
    %dma_wait3A_23 = arith.constant 8 : i32
    %dma_wait3A_24 = tpu.memref_slice %arg6[%dma_wait3A_23] : memref<40xi32, #tpu.memory_space<vmem>> -> memref<8xi32, #tpu.memory_space<vmem>>
    %dma_wait3A_25 = arith.constant 0 : i32
    %dma_wait3A_26 = arith.constant 0 : i32
    %dma_wait3A_27 = arith.constant 0 : i32
    %dma_wait3A_28 = tpu.memref_slice %arg3[%dma_wait3A_25, %dma_wait3A_26, %dma_wait3A_27] : memref<8192x8x768xf32, #tpu.memory_space<hbm>> -> memref<8192x8x768xf32, #tpu.memory_space<hbm>>
    tpu.wait_indirect_dma semaphore(%arg10 : memref<!tpu.dma_semaphore, #tpu.memory_space<semaphore_mem>>) src(%dma_wait3A_28 : memref<8192x8x768xf32, #tpu.memory_space<hbm>>) dst(%arg8 : memref<8x8x768xf32, #tpu.memory_space<vmem>>)
    %dma_start3A_29 = arith.constant 16 : i32
    %dma_start3A_30 = tpu.memref_slice %arg6[%dma_start3A_29] : memref<40xi32, #tpu.memory_space<vmem>> -> memref<8xi32, #tpu.memory_space<vmem>>
    %dma_start3A_31 = arith.constant 0 : i32
    %dma_start3A_32 = arith.constant 0 : i32
    %dma_start3A_33 = arith.constant 0 : i32
    %dma_start3A_34 = tpu.memref_slice %arg3[%dma_start3A_31, %dma_start3A_32, %dma_start3A_33] : memref<8192x8x768xf32, #tpu.memory_space<hbm>> -> memref<8192x8x768xf32, #tpu.memory_space<hbm>>
    tpu.enqueue_indirect_dma source(%dma_start3A_34 : memref<8192x8x768xf32, #tpu.memory_space<hbm>>) target(%arg7 : memref<8x8x768xf32, #tpu.memory_space<vmem>>) offsets(%dma_start3A_30 : memref<8xi32, #tpu.memory_space<vmem>>) semaphore(%arg9 : memref<!tpu.dma_semaphore, #tpu.memory_space<semaphore_mem>>)
    %add3A_35 = arith.constant 3840 : i32
    %add3A_36 = arith.addi %add3A_35, %mul3A_2 : i32
    %add3A_37 = arith.constant 8 : i32
    %add3A_38 = arith.addi %add3A_36, %add3A_37 : i32
    "tpu.region"() ({
      %run_scoped3A = tpu.sem_alloc : memref<!tpu.dma_semaphore, #tpu.memory_space<semaphore_mem>>
      %dma_start3A_81 = arith.constant 0 : i32
      %dma_start3A_82 = arith.constant 0 : i32
      %dma_start3A_83 = tpu.memref_slice %arg4[%add3A_38, %dma_start3A_81, %dma_start3A_82] : memref<5120x8x768xf32, #tpu.memory_space<hbm>> -> memref<8x8x768xf32, #tpu.memory_space<hbm>>
      %dma_start3A_84 = arith.constant 0 : i32
      %dma_start3A_85 = arith.constant 0 : i32
      %dma_start3A_86 = tpu.memref_slice %arg4[%add3A_38, %dma_start3A_84, %dma_start3A_85] : memref<5120x8x768xf32, #tpu.memory_space<hbm>> -> memref<8x8x768xf32, #tpu.memory_space<hbm>>
      tpu.enqueue_dma source(%arg8 : memref<8x8x768xf32, #tpu.memory_space<vmem>>) target(%dma_start3A_86 : memref<8x8x768xf32, #tpu.memory_space<hbm>>) target_semaphore(%run_scoped3A : memref<!tpu.dma_semaphore, #tpu.memory_space<semaphore_mem>>)
      %dma_wait3A_87 = arith.constant 0 : i32
      %dma_wait3A_88 = arith.constant 0 : i32
      %dma_wait3A_89 = tpu.memref_slice %arg4[%add3A_38, %dma_wait3A_87, %dma_wait3A_88] : memref<5120x8x768xf32, #tpu.memory_space<hbm>> -> memref<8x8x768xf32, #tpu.memory_space<hbm>>
      %dma_wait3A_90 = arith.constant 0 : i32
      %dma_wait3A_91 = arith.constant 0 : i32
      %dma_wait3A_92 = tpu.memref_slice %arg4[%add3A_38, %dma_wait3A_90, %dma_wait3A_91] : memref<5120x8x768xf32, #tpu.memory_space<hbm>> -> memref<8x8x768xf32, #tpu.memory_space<hbm>>
      tpu.wait_dma2 semaphore(%run_scoped3A : memref<!tpu.dma_semaphore, #tpu.memory_space<semaphore_mem>>) src(%arg8 : memref<8x8x768xf32, #tpu.memory_space<vmem>>) dst(%dma_wait3A_92 : memref<8x8x768xf32, #tpu.memory_space<hbm>>)
      tpu.yield
    }) : () -> ()
    %dma_wait3A_39 = arith.constant 16 : i32
    %dma_wait3A_40 = tpu.memref_slice %arg6[%dma_wait3A_39] : memref<40xi32, #tpu.memory_space<vmem>> -> memref<8xi32, #tpu.memory_space<vmem>>
    %dma_wait3A_41 = arith.constant 0 : i32
    %dma_wait3A_42 = arith.constant 0 : i32
    %dma_wait3A_43 = arith.constant 0 : i32
    %dma_wait3A_44 = tpu.memref_slice %arg3[%dma_wait3A_41, %dma_wait3A_42, %dma_wait3A_43] : memref<8192x8x768xf32, #tpu.memory_space<hbm>> -> memref<8192x8x768xf32, #tpu.memory_space<hbm>>
    tpu.wait_indirect_dma semaphore(%arg9 : memref<!tpu.dma_semaphore, #tpu.memory_space<semaphore_mem>>) src(%dma_wait3A_44 : memref<8192x8x768xf32, #tpu.memory_space<hbm>>) dst(%arg7 : memref<8x8x768xf32, #tpu.memory_space<vmem>>)
    %dma_start3A_45 = arith.constant 24 : i32
    %dma_start3A_46 = tpu.memref_slice %arg6[%dma_start3A_45] : memref<40xi32, #tpu.memory_space<vmem>> -> memref<8xi32, #tpu.memory_space<vmem>>
    %dma_start3A_47 = arith.constant 0 : i32
    %dma_start3A_48 = arith.constant 0 : i32
    %dma_start3A_49 = arith.constant 0 : i32
    %dma_start3A_50 = tpu.memref_slice %arg3[%dma_start3A_47, %dma_start3A_48, %dma_start3A_49] : memref<8192x8x768xf32, #tpu.memory_space<hbm>> -> memref<8192x8x768xf32, #tpu.memory_space<hbm>>
    tpu.enqueue_indirect_dma source(%dma_start3A_50 : memref<8192x8x768xf32, #tpu.memory_space<hbm>>) target(%arg8 : memref<8x8x768xf32, #tpu.memory_space<vmem>>) offsets(%dma_start3A_46 : memref<8xi32, #tpu.memory_space<vmem>>) semaphore(%arg10 : memref<!tpu.dma_semaphore, #tpu.memory_space<semaphore_mem>>)
    %add3A_51 = arith.constant 3840 : i32
    %add3A_52 = arith.addi %add3A_51, %mul3A_2 : i32
    %add3A_53 = arith.constant 16 : i32
    %add3A_54 = arith.addi %add3A_52, %add3A_53 : i32
    "tpu.region"() ({
      %run_scoped3A = tpu.sem_alloc : memref<!tpu.dma_semaphore, #tpu.memory_space<semaphore_mem>>
      %dma_start3A_81 = arith.constant 0 : i32
      %dma_start3A_82 = arith.constant 0 : i32
      %dma_start3A_83 = tpu.memref_slice %arg4[%add3A_54, %dma_start3A_81, %dma_start3A_82] : memref<5120x8x768xf32, #tpu.memory_space<hbm>> -> memref<8x8x768xf32, #tpu.memory_space<hbm>>
      %dma_start3A_84 = arith.constant 0 : i32
      %dma_start3A_85 = arith.constant 0 : i32
      %dma_start3A_86 = tpu.memref_slice %arg4[%add3A_54, %dma_start3A_84, %dma_start3A_85] : memref<5120x8x768xf32, #tpu.memory_space<hbm>> -> memref<8x8x768xf32, #tpu.memory_space<hbm>>
      tpu.enqueue_dma source(%arg7 : memref<8x8x768xf32, #tpu.memory_space<vmem>>) target(%dma_start3A_86 : memref<8x8x768xf32, #tpu.memory_space<hbm>>) target_semaphore(%run_scoped3A : memref<!tpu.dma_semaphore, #tpu.memory_space<semaphore_mem>>)
      %dma_wait3A_87 = arith.constant 0 : i32
      %dma_wait3A_88 = arith.constant 0 : i32
      %dma_wait3A_89 = tpu.memref_slice %arg4[%add3A_54, %dma_wait3A_87, %dma_wait3A_88] : memref<5120x8x768xf32, #tpu.memory_space<hbm>> -> memref<8x8x768xf32, #tpu.memory_space<hbm>>
      %dma_wait3A_90 = arith.constant 0 : i32
      %dma_wait3A_91 = arith.constant 0 : i32
      %dma_wait3A_92 = tpu.memref_slice %arg4[%add3A_54, %dma_wait3A_90, %dma_wait3A_91] : memref<5120x8x768xf32, #tpu.memory_space<hbm>> -> memref<8x8x768xf32, #tpu.memory_space<hbm>>
      tpu.wait_dma2 semaphore(%run_scoped3A : memref<!tpu.dma_semaphore, #tpu.memory_space<semaphore_mem>>) src(%arg7 : memref<8x8x768xf32, #tpu.memory_space<vmem>>) dst(%dma_wait3A_92 : memref<8x8x768xf32, #tpu.memory_space<hbm>>)
      tpu.yield
    }) : () -> ()
    %dma_wait3A_55 = arith.constant 24 : i32
    %dma_wait3A_56 = tpu.memref_slice %arg6[%dma_wait3A_55] : memref<40xi32, #tpu.memory_space<vmem>> -> memref<8xi32, #tpu.memory_space<vmem>>
    %dma_wait3A_57 = arith.constant 0 : i32
    %dma_wait3A_58 = arith.constant 0 : i32
    %dma_wait3A_59 = arith.constant 0 : i32
    %dma_wait3A_60 = tpu.memref_slice %arg3[%dma_wait3A_57, %dma_wait3A_58, %dma_wait3A_59] : memref<8192x8x768xf32, #tpu.memory_space<hbm>> -> memref<8192x8x768xf32, #tpu.memory_space<hbm>>
    tpu.wait_indirect_dma semaphore(%arg10 : memref<!tpu.dma_semaphore, #tpu.memory_space<semaphore_mem>>) src(%dma_wait3A_60 : memref<8192x8x768xf32, #tpu.memory_space<hbm>>) dst(%arg8 : memref<8x8x768xf32, #tpu.memory_space<vmem>>)
    %dma_start3A_61 = arith.constant 32 : i32
    %dma_start3A_62 = tpu.memref_slice %arg6[%dma_start3A_61] : memref<40xi32, #tpu.memory_space<vmem>> -> memref<8xi32, #tpu.memory_space<vmem>>
    %dma_start3A_63 = arith.constant 0 : i32
    %dma_start3A_64 = arith.constant 0 : i32
    %dma_start3A_65 = arith.constant 0 : i32
    %dma_start3A_66 = tpu.memref_slice %arg3[%dma_start3A_63, %dma_start3A_64, %dma_start3A_65] : memref<8192x8x768xf32, #tpu.memory_space<hbm>> -> memref<8192x8x768xf32, #tpu.memory_space<hbm>>
    tpu.enqueue_indirect_dma source(%dma_start3A_66 : memref<8192x8x768xf32, #tpu.memory_space<hbm>>) target(%arg7 : memref<8x8x768xf32, #tpu.memory_space<vmem>>) offsets(%dma_start3A_62 : memref<8xi32, #tpu.memory_space<vmem>>) semaphore(%arg9 : memref<!tpu.dma_semaphore, #tpu.memory_space<semaphore_mem>>)
    %add3A_67 = arith.constant 3840 : i32
    %add3A_68 = arith.addi %add3A_67, %mul3A_2 : i32
    %add3A_69 = arith.constant 24 : i32
    %add3A_70 = arith.addi %add3A_68, %add3A_69 : i32
    "tpu.region"() ({
      %run_scoped3A = tpu.sem_alloc : memref<!tpu.dma_semaphore, #tpu.memory_space<semaphore_mem>>
      %dma_start3A_81 = arith.constant 0 : i32
      %dma_start3A_82 = arith.constant 0 : i32
      %dma_start3A_83 = tpu.memref_slice %arg4[%add3A_70, %dma_start3A_81, %dma_start3A_82] : memref<5120x8x768xf32, #tpu.memory_space<hbm>> -> memref<8x8x768xf32, #tpu.memory_space<hbm>>
      %dma_start3A_84 = arith.constant 0 : i32
      %dma_start3A_85 = arith.constant 0 : i32
      %dma_start3A_86 = tpu.memref_slice %arg4[%add3A_70, %dma_start3A_84, %dma_start3A_85] : memref<5120x8x768xf32, #tpu.memory_space<hbm>> -> memref<8x8x768xf32, #tpu.memory_space<hbm>>
      tpu.enqueue_dma source(%arg8 : memref<8x8x768xf32, #tpu.memory_space<vmem>>) target(%dma_start3A_86 : memref<8x8x768xf32, #tpu.memory_space<hbm>>) target_semaphore(%run_scoped3A : memref<!tpu.dma_semaphore, #tpu.memory_space<semaphore_mem>>)
      %dma_wait3A_87 = arith.constant 0 : i32
      %dma_wait3A_88 = arith.constant 0 : i32
      %dma_wait3A_89 = tpu.memref_slice %arg4[%add3A_70, %dma_wait3A_87, %dma_wait3A_88] : memref<5120x8x768xf32, #tpu.memory_space<hbm>> -> memref<8x8x768xf32, #tpu.memory_space<hbm>>
      %dma_wait3A_90 = arith.constant 0 : i32
      %dma_wait3A_91 = arith.constant 0 : i32
      %dma_wait3A_92 = tpu.memref_slice %arg4[%add3A_70, %dma_wait3A_90, %dma_wait3A_91] : memref<5120x8x768xf32, #tpu.memory_space<hbm>> -> memref<8x8x768xf32, #tpu.memory_space<hbm>>
      tpu.wait_dma2 semaphore(%run_scoped3A : memref<!tpu.dma_semaphore, #tpu.memory_space<semaphore_mem>>) src(%arg8 : memref<8x8x768xf32, #tpu.memory_space<vmem>>) dst(%dma_wait3A_92 : memref<8x8x768xf32, #tpu.memory_space<hbm>>)
      tpu.yield
    }) : () -> ()
    %dma_wait3A_71 = arith.constant 32 : i32
    %dma_wait3A_72 = tpu.memref_slice %arg6[%dma_wait3A_71] : memref<40xi32, #tpu.memory_space<vmem>> -> memref<8xi32, #tpu.memory_space<vmem>>
    %dma_wait3A_73 = arith.constant 0 : i32
    %dma_wait3A_74 = arith.constant 0 : i32
    %dma_wait3A_75 = arith.constant 0 : i32
    %dma_wait3A_76 = tpu.memref_slice %arg3[%dma_wait3A_73, %dma_wait3A_74, %dma_wait3A_75] : memref<8192x8x768xf32, #tpu.memory_space<hbm>> -> memref<8192x8x768xf32, #tpu.memory_space<hbm>>
    tpu.wait_indirect_dma semaphore(%arg9 : memref<!tpu.dma_semaphore, #tpu.memory_space<semaphore_mem>>) src(%dma_wait3A_76 : memref<8192x8x768xf32, #tpu.memory_space<hbm>>) dst(%arg7 : memref<8x8x768xf32, #tpu.memory_space<vmem>>)
    %add3A_77 = arith.constant 3840 : i32
    %add3A_78 = arith.addi %add3A_77, %mul3A_2 : i32
    %add3A_79 = arith.constant 32 : i32
    %add3A_80 = arith.addi %add3A_78, %add3A_79 : i32
    "tpu.region"() ({
      %run_scoped3A = tpu.sem_alloc : memref<!tpu.dma_semaphore, #tpu.memory_space<semaphore_mem>>
      %dma_start3A_81 = arith.constant 0 : i32
      %dma_start3A_82 = arith.constant 0 : i32
      %dma_start3A_83 = tpu.memref_slice %arg4[%add3A_80, %dma_start3A_81, %dma_start3A_82] : memref<5120x8x768xf32, #tpu.memory_space<hbm>> -> memref<8x8x768xf32, #tpu.memory_space<hbm>>
      %dma_start3A_84 = arith.constant 0 : i32
      %dma_start3A_85 = arith.constant 0 : i32
      %dma_start3A_86 = tpu.memref_slice %arg4[%add3A_80, %dma_start3A_84, %dma_start3A_85] : memref<5120x8x768xf32, #tpu.memory_space<hbm>> -> memref<8x8x768xf32, #tpu.memory_space<hbm>>
      tpu.enqueue_dma source(%arg7 : memref<8x8x768xf32, #tpu.memory_space<vmem>>) target(%dma_start3A_86 : memref<8x8x768xf32, #tpu.memory_space<hbm>>) target_semaphore(%run_scoped3A : memref<!tpu.dma_semaphore, #tpu.memory_space<semaphore_mem>>)
      %dma_wait3A_87 = arith.constant 0 : i32
      %dma_wait3A_88 = arith.constant 0 : i32
      %dma_wait3A_89 = tpu.memref_slice %arg4[%add3A_80, %dma_wait3A_87, %dma_wait3A_88] : memref<5120x8x768xf32, #tpu.memory_space<hbm>> -> memref<8x8x768xf32, #tpu.memory_space<hbm>>
      %dma_wait3A_90 = arith.constant 0 : i32
      %dma_wait3A_91 = arith.constant 0 : i32
      %dma_wait3A_92 = tpu.memref_slice %arg4[%add3A_80, %dma_wait3A_90, %dma_wait3A_91] : memref<5120x8x768xf32, #tpu.memory_space<hbm>> -> memref<8x8x768xf32, #tpu.memory_space<hbm>>
      tpu.wait_dma2 semaphore(%run_scoped3A : memref<!tpu.dma_semaphore, #tpu.memory_space<semaphore_mem>>) src(%arg7 : memref<8x8x768xf32, #tpu.memory_space<vmem>>) dst(%dma_wait3A_92 : memref<8x8x768xf32, #tpu.memory_space<hbm>>)
      tpu.yield
    }) : () -> ()
    return
  }
}

#map = affine_map<(d0, d1) -> (0)>
#map1 = affine_map<(d0, d1) -> (0, 0, 0)>
module attributes {stable_mosaic.version = 14 : i64} {
  func.func @body(%arg0: i32, %arg1: i32, %arg2: memref<1280xi32, #tpu.memory_space<hbm>>, %arg3: memref<8192x8x768xf32, #tpu.memory_space<hbm>>, %arg4: memref<5120x8x768xf32, #tpu.memory_space<hbm>>, %arg5: memref<40xi32, #tpu.memory_space<vmem>>, %arg6: memref<8x8x768xf32, #tpu.memory_space<vmem>>, %arg7: memref<8x8x768xf32, #tpu.memory_space<vmem>>, %arg8: memref<!tpu.dma_semaphore, #tpu.memory_space<semaphore_mem>>, %arg9: memref<!tpu.dma_semaphore, #tpu.memory_space<semaphore_mem>>) attributes {dimension_semantics = [#tpu.dimension_semantics<core_parallel>, #tpu.dimension_semantics<subcore_parallel>], iteration_bounds = array<i64: 2, 16>, scalar_prefetch = 0 : i64, scratch_operands = 5 : i64, tpu.core_type = #tpu.core_type<sc_vector_subcore>, window_params = [{transform_indices = #map}, {transform_indices = #map1}, {transform_indices = #map1}]} {
    %mul3A = arith.constant 2 : i32
    %mul3A_0 = arith.muli %arg1, %mul3A : i32
    %add3A = arith.addi %mul3A_0, %arg0 : i32
    %mul3A_1 = arith.constant 40 : i32
    %mul3A_2 = arith.muli %add3A, %mul3A_1 : i32
    "tpu.region"() ({
      %run_scoped3A = tpu.sem_alloc : memref<!tpu.dma_semaphore, #tpu.memory_space<semaphore_mem>>
      %dma_start3A_81 = tpu.memref_slice %arg2[%mul3A_2] : memref<1280xi32, #tpu.memory_space<hbm>> -> memref<40xi32, #tpu.memory_space<hbm>>
      %dma_start3A_82 = tpu.memref_slice %arg2[%mul3A_2] : memref<1280xi32, #tpu.memory_space<hbm>> -> memref<40xi32, #tpu.memory_space<hbm>>
      tpu.enqueue_dma source(%dma_start3A_82 : memref<40xi32, #tpu.memory_space<hbm>>) target(%arg5 : memref<40xi32, #tpu.memory_space<vmem>>) target_semaphore(%run_scoped3A : memref<!tpu.dma_semaphore, #tpu.memory_space<semaphore_mem>>)
      %dma_wait3A_83 = tpu.memref_slice %arg2[%mul3A_2] : memref<1280xi32, #tpu.memory_space<hbm>> -> memref<40xi32, #tpu.memory_space<hbm>>
      %dma_wait3A_84 = tpu.memref_slice %arg2[%mul3A_2] : memref<1280xi32, #tpu.memory_space<hbm>> -> memref<40xi32, #tpu.memory_space<hbm>>
      tpu.wait_dma2 semaphore(%run_scoped3A : memref<!tpu.dma_semaphore, #tpu.memory_space<semaphore_mem>>) src(%dma_wait3A_84 : memref<40xi32, #tpu.memory_space<hbm>>) dst(%arg5 : memref<40xi32, #tpu.memory_space<vmem>>)
      tpu.yield
    }) : () -> ()
    %dma_start3A = arith.constant 0 : i32
    %dma_start3A_3 = tpu.memref_slice %arg5[%dma_start3A] : memref<40xi32, #tpu.memory_space<vmem>> -> memref<8xi32, #tpu.memory_space<vmem>>
    %dma_start3A_4 = arith.constant 0 : i32
    %dma_start3A_5 = arith.constant 0 : i32
    %dma_start3A_6 = arith.constant 0 : i32
    %dma_start3A_7 = tpu.memref_slice %arg3[%dma_start3A_4, %dma_start3A_5, %dma_start3A_6] : memref<8192x8x768xf32, #tpu.memory_space<hbm>> -> memref<8192x8x768xf32, #tpu.memory_space<hbm>>
    tpu.enqueue_indirect_dma source(%dma_start3A_7 : memref<8192x8x768xf32, #tpu.memory_space<hbm>>) target(%arg6 : memref<8x8x768xf32, #tpu.memory_space<vmem>>) offsets(%dma_start3A_3 : memref<8xi32, #tpu.memory_space<vmem>>) semaphore(%arg8 : memref<!tpu.dma_semaphore, #tpu.memory_space<semaphore_mem>>)
    %dma_wait3A = arith.constant 0 : i32
    %dma_wait3A_8 = tpu.memref_slice %arg5[%dma_wait3A] : memref<40xi32, #tpu.memory_space<vmem>> -> memref<8xi32, #tpu.memory_space<vmem>>
    %dma_wait3A_9 = arith.constant 0 : i32
    %dma_wait3A_10 = arith.constant 0 : i32
    %dma_wait3A_11 = arith.constant 0 : i32
    %dma_wait3A_12 = tpu.memref_slice %arg3[%dma_wait3A_9, %dma_wait3A_10, %dma_wait3A_11] : memref<8192x8x768xf32, #tpu.memory_space<hbm>> -> memref<8192x8x768xf32, #tpu.memory_space<hbm>>
    tpu.wait_indirect_dma semaphore(%arg8 : memref<!tpu.dma_semaphore, #tpu.memory_space<semaphore_mem>>) src(%dma_wait3A_12 : memref<8192x8x768xf32, #tpu.memory_space<hbm>>) dst(%arg6 : memref<8x8x768xf32, #tpu.memory_space<vmem>>)
    %dma_start3A_13 = arith.constant 8 : i32
    %dma_start3A_14 = tpu.memref_slice %arg5[%dma_start3A_13] : memref<40xi32, #tpu.memory_space<vmem>> -> memref<8xi32, #tpu.memory_space<vmem>>
    %dma_start3A_15 = arith.constant 0 : i32
    %dma_start3A_16 = arith.constant 0 : i32
    %dma_start3A_17 = arith.constant 0 : i32
    %dma_start3A_18 = tpu.memref_slice %arg3[%dma_start3A_15, %dma_start3A_16, %dma_start3A_17] : memref<8192x8x768xf32, #tpu.memory_space<hbm>> -> memref<8192x8x768xf32, #tpu.memory_space<hbm>>
    tpu.enqueue_indirect_dma source(%dma_start3A_18 : memref<8192x8x768xf32, #tpu.memory_space<hbm>>) target(%arg7 : memref<8x8x768xf32, #tpu.memory_space<vmem>>) offsets(%dma_start3A_14 : memref<8xi32, #tpu.memory_space<vmem>>) semaphore(%arg9 : memref<!tpu.dma_semaphore, #tpu.memory_space<semaphore_mem>>)
    %add3A_19 = arith.constant 0 : i32
    %add3A_20 = arith.addi %add3A_19, %mul3A_2 : i32
    %add3A_21 = arith.constant 0 : i32
    %add3A_22 = arith.addi %add3A_20, %add3A_21 : i32
    "tpu.region"() ({
      %run_scoped3A = tpu.sem_alloc : memref<!tpu.dma_semaphore, #tpu.memory_space<semaphore_mem>>
      %dma_start3A_81 = arith.constant 0 : i32
      %dma_start3A_82 = arith.constant 0 : i32
      %dma_start3A_83 = tpu.memref_slice %arg4[%add3A_22, %dma_start3A_81, %dma_start3A_82] : memref<5120x8x768xf32, #tpu.memory_space<hbm>> -> memref<8x8x768xf32, #tpu.memory_space<hbm>>
      %dma_start3A_84 = arith.constant 0 : i32
      %dma_start3A_85 = arith.constant 0 : i32
      %dma_start3A_86 = tpu.memref_slice %arg4[%add3A_22, %dma_start3A_84, %dma_start3A_85] : memref<5120x8x768xf32, #tpu.memory_space<hbm>> -> memref<8x8x768xf32, #tpu.memory_space<hbm>>
      tpu.enqueue_dma source(%arg6 : memref<8x8x768xf32, #tpu.memory_space<vmem>>) target(%dma_start3A_86 : memref<8x8x768xf32, #tpu.memory_space<hbm>>) target_semaphore(%run_scoped3A : memref<!tpu.dma_semaphore, #tpu.memory_space<semaphore_mem>>)
      %dma_wait3A_87 = arith.constant 0 : i32
      %dma_wait3A_88 = arith.constant 0 : i32
      %dma_wait3A_89 = tpu.memref_slice %arg4[%add3A_22, %dma_wait3A_87, %dma_wait3A_88] : memref<5120x8x768xf32, #tpu.memory_space<hbm>> -> memref<8x8x768xf32, #tpu.memory_space<hbm>>
      %dma_wait3A_90 = arith.constant 0 : i32
      %dma_wait3A_91 = arith.constant 0 : i32
      %dma_wait3A_92 = tpu.memref_slice %arg4[%add3A_22, %dma_wait3A_90, %dma_wait3A_91] : memref<5120x8x768xf32, #tpu.memory_space<hbm>> -> memref<8x8x768xf32, #tpu.memory_space<hbm>>
      tpu.wait_dma2 semaphore(%run_scoped3A : memref<!tpu.dma_semaphore, #tpu.memory_space<semaphore_mem>>) src(%arg6 : memref<8x8x768xf32, #tpu.memory_space<vmem>>) dst(%dma_wait3A_92 : memref<8x8x768xf32, #tpu.memory_space<hbm>>)
      tpu.yield
    }) : () -> ()
    %dma_wait3A_23 = arith.constant 8 : i32
    %dma_wait3A_24 = tpu.memref_slice %arg5[%dma_wait3A_23] : memref<40xi32, #tpu.memory_space<vmem>> -> memref<8xi32, #tpu.memory_space<vmem>>
    %dma_wait3A_25 = arith.constant 0 : i32
    %dma_wait3A_26 = arith.constant 0 : i32
    %dma_wait3A_27 = arith.constant 0 : i32
    %dma_wait3A_28 = tpu.memref_slice %arg3[%dma_wait3A_25, %dma_wait3A_26, %dma_wait3A_27] : memref<8192x8x768xf32, #tpu.memory_space<hbm>> -> memref<8192x8x768xf32, #tpu.memory_space<hbm>>
    tpu.wait_indirect_dma semaphore(%arg9 : memref<!tpu.dma_semaphore, #tpu.memory_space<semaphore_mem>>) src(%dma_wait3A_28 : memref<8192x8x768xf32, #tpu.memory_space<hbm>>) dst(%arg7 : memref<8x8x768xf32, #tpu.memory_space<vmem>>)
    %dma_start3A_29 = arith.constant 16 : i32
    %dma_start3A_30 = tpu.memref_slice %arg5[%dma_start3A_29] : memref<40xi32, #tpu.memory_space<vmem>> -> memref<8xi32, #tpu.memory_space<vmem>>
    %dma_start3A_31 = arith.constant 0 : i32
    %dma_start3A_32 = arith.constant 0 : i32
    %dma_start3A_33 = arith.constant 0 : i32
    %dma_start3A_34 = tpu.memref_slice %arg3[%dma_start3A_31, %dma_start3A_32, %dma_start3A_33] : memref<8192x8x768xf32, #tpu.memory_space<hbm>> -> memref<8192x8x768xf32, #tpu.memory_space<hbm>>
    tpu.enqueue_indirect_dma source(%dma_start3A_34 : memref<8192x8x768xf32, #tpu.memory_space<hbm>>) target(%arg6 : memref<8x8x768xf32, #tpu.memory_space<vmem>>) offsets(%dma_start3A_30 : memref<8xi32, #tpu.memory_space<vmem>>) semaphore(%arg8 : memref<!tpu.dma_semaphore, #tpu.memory_space<semaphore_mem>>)
    %add3A_35 = arith.constant 0 : i32
    %add3A_36 = arith.addi %add3A_35, %mul3A_2 : i32
    %add3A_37 = arith.constant 8 : i32
    %add3A_38 = arith.addi %add3A_36, %add3A_37 : i32
    "tpu.region"() ({
      %run_scoped3A = tpu.sem_alloc : memref<!tpu.dma_semaphore, #tpu.memory_space<semaphore_mem>>
      %dma_start3A_81 = arith.constant 0 : i32
      %dma_start3A_82 = arith.constant 0 : i32
      %dma_start3A_83 = tpu.memref_slice %arg4[%add3A_38, %dma_start3A_81, %dma_start3A_82] : memref<5120x8x768xf32, #tpu.memory_space<hbm>> -> memref<8x8x768xf32, #tpu.memory_space<hbm>>
      %dma_start3A_84 = arith.constant 0 : i32
      %dma_start3A_85 = arith.constant 0 : i32
      %dma_start3A_86 = tpu.memref_slice %arg4[%add3A_38, %dma_start3A_84, %dma_start3A_85] : memref<5120x8x768xf32, #tpu.memory_space<hbm>> -> memref<8x8x768xf32, #tpu.memory_space<hbm>>
      tpu.enqueue_dma source(%arg7 : memref<8x8x768xf32, #tpu.memory_space<vmem>>) target(%dma_start3A_86 : memref<8x8x768xf32, #tpu.memory_space<hbm>>) target_semaphore(%run_scoped3A : memref<!tpu.dma_semaphore, #tpu.memory_space<semaphore_mem>>)
      %dma_wait3A_87 = arith.constant 0 : i32
      %dma_wait3A_88 = arith.constant 0 : i32
      %dma_wait3A_89 = tpu.memref_slice %arg4[%add3A_38, %dma_wait3A_87, %dma_wait3A_88] : memref<5120x8x768xf32, #tpu.memory_space<hbm>> -> memref<8x8x768xf32, #tpu.memory_space<hbm>>
      %dma_wait3A_90 = arith.constant 0 : i32
      %dma_wait3A_91 = arith.constant 0 : i32
      %dma_wait3A_92 = tpu.memref_slice %arg4[%add3A_38, %dma_wait3A_90, %dma_wait3A_91] : memref<5120x8x768xf32, #tpu.memory_space<hbm>> -> memref<8x8x768xf32, #tpu.memory_space<hbm>>
      tpu.wait_dma2 semaphore(%run_scoped3A : memref<!tpu.dma_semaphore, #tpu.memory_space<semaphore_mem>>) src(%arg7 : memref<8x8x768xf32, #tpu.memory_space<vmem>>) dst(%dma_wait3A_92 : memref<8x8x768xf32, #tpu.memory_space<hbm>>)
      tpu.yield
    }) : () -> ()
    %dma_wait3A_39 = arith.constant 16 : i32
    %dma_wait3A_40 = tpu.memref_slice %arg5[%dma_wait3A_39] : memref<40xi32, #tpu.memory_space<vmem>> -> memref<8xi32, #tpu.memory_space<vmem>>
    %dma_wait3A_41 = arith.constant 0 : i32
    %dma_wait3A_42 = arith.constant 0 : i32
    %dma_wait3A_43 = arith.constant 0 : i32
    %dma_wait3A_44 = tpu.memref_slice %arg3[%dma_wait3A_41, %dma_wait3A_42, %dma_wait3A_43] : memref<8192x8x768xf32, #tpu.memory_space<hbm>> -> memref<8192x8x768xf32, #tpu.memory_space<hbm>>
    tpu.wait_indirect_dma semaphore(%arg8 : memref<!tpu.dma_semaphore, #tpu.memory_space<semaphore_mem>>) src(%dma_wait3A_44 : memref<8192x8x768xf32, #tpu.memory_space<hbm>>) dst(%arg6 : memref<8x8x768xf32, #tpu.memory_space<vmem>>)
    %dma_start3A_45 = arith.constant 24 : i32
    %dma_start3A_46 = tpu.memref_slice %arg5[%dma_start3A_45] : memref<40xi32, #tpu.memory_space<vmem>> -> memref<8xi32, #tpu.memory_space<vmem>>
    %dma_start3A_47 = arith.constant 0 : i32
    %dma_start3A_48 = arith.constant 0 : i32
    %dma_start3A_49 = arith.constant 0 : i32
    %dma_start3A_50 = tpu.memref_slice %arg3[%dma_start3A_47, %dma_start3A_48, %dma_start3A_49] : memref<8192x8x768xf32, #tpu.memory_space<hbm>> -> memref<8192x8x768xf32, #tpu.memory_space<hbm>>
    tpu.enqueue_indirect_dma source(%dma_start3A_50 : memref<8192x8x768xf32, #tpu.memory_space<hbm>>) target(%arg7 : memref<8x8x768xf32, #tpu.memory_space<vmem>>) offsets(%dma_start3A_46 : memref<8xi32, #tpu.memory_space<vmem>>) semaphore(%arg9 : memref<!tpu.dma_semaphore, #tpu.memory_space<semaphore_mem>>)
    %add3A_51 = arith.constant 0 : i32
    %add3A_52 = arith.addi %add3A_51, %mul3A_2 : i32
    %add3A_53 = arith.constant 16 : i32
    %add3A_54 = arith.addi %add3A_52, %add3A_53 : i32
    "tpu.region"() ({
      %run_scoped3A = tpu.sem_alloc : memref<!tpu.dma_semaphore, #tpu.memory_space<semaphore_mem>>
      %dma_start3A_81 = arith.constant 0 : i32
      %dma_start3A_82 = arith.constant 0 : i32
      %dma_start3A_83 = tpu.memref_slice %arg4[%add3A_54, %dma_start3A_81, %dma_start3A_82] : memref<5120x8x768xf32, #tpu.memory_space<hbm>> -> memref<8x8x768xf32, #tpu.memory_space<hbm>>
      %dma_start3A_84 = arith.constant 0 : i32
      %dma_start3A_85 = arith.constant 0 : i32
      %dma_start3A_86 = tpu.memref_slice %arg4[%add3A_54, %dma_start3A_84, %dma_start3A_85] : memref<5120x8x768xf32, #tpu.memory_space<hbm>> -> memref<8x8x768xf32, #tpu.memory_space<hbm>>
      tpu.enqueue_dma source(%arg6 : memref<8x8x768xf32, #tpu.memory_space<vmem>>) target(%dma_start3A_86 : memref<8x8x768xf32, #tpu.memory_space<hbm>>) target_semaphore(%run_scoped3A : memref<!tpu.dma_semaphore, #tpu.memory_space<semaphore_mem>>)
      %dma_wait3A_87 = arith.constant 0 : i32
      %dma_wait3A_88 = arith.constant 0 : i32
      %dma_wait3A_89 = tpu.memref_slice %arg4[%add3A_54, %dma_wait3A_87, %dma_wait3A_88] : memref<5120x8x768xf32, #tpu.memory_space<hbm>> -> memref<8x8x768xf32, #tpu.memory_space<hbm>>
      %dma_wait3A_90 = arith.constant 0 : i32
      %dma_wait3A_91 = arith.constant 0 : i32
      %dma_wait3A_92 = tpu.memref_slice %arg4[%add3A_54, %dma_wait3A_90, %dma_wait3A_91] : memref<5120x8x768xf32, #tpu.memory_space<hbm>> -> memref<8x8x768xf32, #tpu.memory_space<hbm>>
      tpu.wait_dma2 semaphore(%run_scoped3A : memref<!tpu.dma_semaphore, #tpu.memory_space<semaphore_mem>>) src(%arg6 : memref<8x8x768xf32, #tpu.memory_space<vmem>>) dst(%dma_wait3A_92 : memref<8x8x768xf32, #tpu.memory_space<hbm>>)
      tpu.yield
    }) : () -> ()
    %dma_wait3A_55 = arith.constant 24 : i32
    %dma_wait3A_56 = tpu.memref_slice %arg5[%dma_wait3A_55] : memref<40xi32, #tpu.memory_space<vmem>> -> memref<8xi32, #tpu.memory_space<vmem>>
    %dma_wait3A_57 = arith.constant 0 : i32
    %dma_wait3A_58 = arith.constant 0 : i32
    %dma_wait3A_59 = arith.constant 0 : i32
    %dma_wait3A_60 = tpu.memref_slice %arg3[%dma_wait3A_57, %dma_wait3A_58, %dma_wait3A_59] : memref<8192x8x768xf32, #tpu.memory_space<hbm>> -> memref<8192x8x768xf32, #tpu.memory_space<hbm>>
    tpu.wait_indirect_dma semaphore(%arg9 : memref<!tpu.dma_semaphore, #tpu.memory_space<semaphore_mem>>) src(%dma_wait3A_60 : memref<8192x8x768xf32, #tpu.memory_space<hbm>>) dst(%arg7 : memref<8x8x768xf32, #tpu.memory_space<vmem>>)
    %dma_start3A_61 = arith.constant 32 : i32
    %dma_start3A_62 = tpu.memref_slice %arg5[%dma_start3A_61] : memref<40xi32, #tpu.memory_space<vmem>> -> memref<8xi32, #tpu.memory_space<vmem>>
    %dma_start3A_63 = arith.constant 0 : i32
    %dma_start3A_64 = arith.constant 0 : i32
    %dma_start3A_65 = arith.constant 0 : i32
    %dma_start3A_66 = tpu.memref_slice %arg3[%dma_start3A_63, %dma_start3A_64, %dma_start3A_65] : memref<8192x8x768xf32, #tpu.memory_space<hbm>> -> memref<8192x8x768xf32, #tpu.memory_space<hbm>>
    tpu.enqueue_indirect_dma source(%dma_start3A_66 : memref<8192x8x768xf32, #tpu.memory_space<hbm>>) target(%arg6 : memref<8x8x768xf32, #tpu.memory_space<vmem>>) offsets(%dma_start3A_62 : memref<8xi32, #tpu.memory_space<vmem>>) semaphore(%arg8 : memref<!tpu.dma_semaphore, #tpu.memory_space<semaphore_mem>>)
    %add3A_67 = arith.constant 0 : i32
    %add3A_68 = arith.addi %add3A_67, %mul3A_2 : i32
    %add3A_69 = arith.constant 24 : i32
    %add3A_70 = arith.addi %add3A_68, %add3A_69 : i32
    "tpu.region"() ({
      %run_scoped3A = tpu.sem_alloc : memref<!tpu.dma_semaphore, #tpu.memory_space<semaphore_mem>>
      %dma_start3A_81 = arith.constant 0 : i32
      %dma_start3A_82 = arith.constant 0 : i32
      %dma_start3A_83 = tpu.memref_slice %arg4[%add3A_70, %dma_start3A_81, %dma_start3A_82] : memref<5120x8x768xf32, #tpu.memory_space<hbm>> -> memref<8x8x768xf32, #tpu.memory_space<hbm>>
      %dma_start3A_84 = arith.constant 0 : i32
      %dma_start3A_85 = arith.constant 0 : i32
      %dma_start3A_86 = tpu.memref_slice %arg4[%add3A_70, %dma_start3A_84, %dma_start3A_85] : memref<5120x8x768xf32, #tpu.memory_space<hbm>> -> memref<8x8x768xf32, #tpu.memory_space<hbm>>
      tpu.enqueue_dma source(%arg7 : memref<8x8x768xf32, #tpu.memory_space<vmem>>) target(%dma_start3A_86 : memref<8x8x768xf32, #tpu.memory_space<hbm>>) target_semaphore(%run_scoped3A : memref<!tpu.dma_semaphore, #tpu.memory_space<semaphore_mem>>)
      %dma_wait3A_87 = arith.constant 0 : i32
      %dma_wait3A_88 = arith.constant 0 : i32
      %dma_wait3A_89 = tpu.memref_slice %arg4[%add3A_70, %dma_wait3A_87, %dma_wait3A_88] : memref<5120x8x768xf32, #tpu.memory_space<hbm>> -> memref<8x8x768xf32, #tpu.memory_space<hbm>>
      %dma_wait3A_90 = arith.constant 0 : i32
      %dma_wait3A_91 = arith.constant 0 : i32
      %dma_wait3A_92 = tpu.memref_slice %arg4[%add3A_70, %dma_wait3A_90, %dma_wait3A_91] : memref<5120x8x768xf32, #tpu.memory_space<hbm>> -> memref<8x8x768xf32, #tpu.memory_space<hbm>>
      tpu.wait_dma2 semaphore(%run_scoped3A : memref<!tpu.dma_semaphore, #tpu.memory_space<semaphore_mem>>) src(%arg7 : memref<8x8x768xf32, #tpu.memory_space<vmem>>) dst(%dma_wait3A_92 : memref<8x8x768xf32, #tpu.memory_space<hbm>>)
      tpu.yield
    }) : () -> ()
    %dma_wait3A_71 = arith.constant 32 : i32
    %dma_wait3A_72 = tpu.memref_slice %arg5[%dma_wait3A_71] : memref<40xi32, #tpu.memory_space<vmem>> -> memref<8xi32, #tpu.memory_space<vmem>>
    %dma_wait3A_73 = arith.constant 0 : i32
    %dma_wait3A_74 = arith.constant 0 : i32
    %dma_wait3A_75 = arith.constant 0 : i32
    %dma_wait3A_76 = tpu.memref_slice %arg3[%dma_wait3A_73, %dma_wait3A_74, %dma_wait3A_75] : memref<8192x8x768xf32, #tpu.memory_space<hbm>> -> memref<8192x8x768xf32, #tpu.memory_space<hbm>>
    tpu.wait_indirect_dma semaphore(%arg8 : memref<!tpu.dma_semaphore, #tpu.memory_space<semaphore_mem>>) src(%dma_wait3A_76 : memref<8192x8x768xf32, #tpu.memory_space<hbm>>) dst(%arg6 : memref<8x8x768xf32, #tpu.memory_space<vmem>>)
    %add3A_77 = arith.constant 0 : i32
    %add3A_78 = arith.addi %add3A_77, %mul3A_2 : i32
    %add3A_79 = arith.constant 32 : i32
    %add3A_80 = arith.addi %add3A_78, %add3A_79 : i32
    "tpu.region"() ({
      %run_scoped3A = tpu.sem_alloc : memref<!tpu.dma_semaphore, #tpu.memory_space<semaphore_mem>>
      %dma_start3A_81 = arith.constant 0 : i32
      %dma_start3A_82 = arith.constant 0 : i32
      %dma_start3A_83 = tpu.memref_slice %arg4[%add3A_80, %dma_start3A_81, %dma_start3A_82] : memref<5120x8x768xf32, #tpu.memory_space<hbm>> -> memref<8x8x768xf32, #tpu.memory_space<hbm>>
      %dma_start3A_84 = arith.constant 0 : i32
      %dma_start3A_85 = arith.constant 0 : i32
      %dma_start3A_86 = tpu.memref_slice %arg4[%add3A_80, %dma_start3A_84, %dma_start3A_85] : memref<5120x8x768xf32, #tpu.memory_space<hbm>> -> memref<8x8x768xf32, #tpu.memory_space<hbm>>
      tpu.enqueue_dma source(%arg6 : memref<8x8x768xf32, #tpu.memory_space<vmem>>) target(%dma_start3A_86 : memref<8x8x768xf32, #tpu.memory_space<hbm>>) target_semaphore(%run_scoped3A : memref<!tpu.dma_semaphore, #tpu.memory_space<semaphore_mem>>)
      %dma_wait3A_87 = arith.constant 0 : i32
      %dma_wait3A_88 = arith.constant 0 : i32
      %dma_wait3A_89 = tpu.memref_slice %arg4[%add3A_80, %dma_wait3A_87, %dma_wait3A_88] : memref<5120x8x768xf32, #tpu.memory_space<hbm>> -> memref<8x8x768xf32, #tpu.memory_space<hbm>>
      %dma_wait3A_90 = arith.constant 0 : i32
      %dma_wait3A_91 = arith.constant 0 : i32
      %dma_wait3A_92 = tpu.memref_slice %arg4[%add3A_80, %dma_wait3A_90, %dma_wait3A_91] : memref<5120x8x768xf32, #tpu.memory_space<hbm>> -> memref<8x8x768xf32, #tpu.memory_space<hbm>>
      tpu.wait_dma2 semaphore(%run_scoped3A : memref<!tpu.dma_semaphore, #tpu.memory_space<semaphore_mem>>) src(%arg6 : memref<8x8x768xf32, #tpu.memory_space<vmem>>) dst(%dma_wait3A_92 : memref<8x8x768xf32, #tpu.memory_space<hbm>>)
      tpu.yield
    }) : () -> ()
    return
  }
}

#map = affine_map<(d0, d1) -> (0)>
#map1 = affine_map<(d0, d1) -> (0, 0, 0)>
module attributes {stable_mosaic.version = 14 : i64} {
  func.func @new_body(%arg0: i32, %arg1: i32, %arg2: memref<1280xi32, #tpu.memory_space<hbm>>, %arg3: memref<8192x8x768xf32, #tpu.memory_space<hbm>>, %arg4: memref<5120x8x768xf32, #tpu.memory_space<hbm>>, %arg5: memref<5120x8x768xf32, #tpu.memory_space<hbm>>, %arg6: memref<40xi32, #tpu.memory_space<vmem>>, %arg7: memref<8x8x768xf32, #tpu.memory_space<vmem>>, %arg8: memref<8x8x768xf32, #tpu.memory_space<vmem>>, %arg9: memref<!tpu.dma_semaphore, #tpu.memory_space<semaphore_mem>>, %arg10: memref<!tpu.dma_semaphore, #tpu.memory_space<semaphore_mem>>) attributes {dimension_semantics = [#tpu.dimension_semantics<core_parallel>, #tpu.dimension_semantics<subcore_parallel>], iteration_bounds = array<i64: 2, 16>, scalar_prefetch = 0 : i64, scratch_operands = 5 : i64, tpu.core_type = #tpu.core_type<sc_vector_subcore>, window_params = [{transform_indices = #map}, {transform_indices = #map1}, {transform_indices = #map1}, {transform_indices = #map1}]} {
    %mul3A = arith.constant 2 : i32
    %mul3A_0 = arith.muli %arg1, %mul3A : i32
    %add3A = arith.addi %mul3A_0, %arg0 : i32
    %mul3A_1 = arith.constant 40 : i32
    %mul3A_2 = arith.muli %add3A, %mul3A_1 : i32
    "tpu.region"() ({
      %run_scoped3A = tpu.sem_alloc : memref<!tpu.dma_semaphore, #tpu.memory_space<semaphore_mem>>
      %dma_start3A_81 = tpu.memref_slice %arg2[%mul3A_2] : memref<1280xi32, #tpu.memory_space<hbm>> -> memref<40xi32, #tpu.memory_space<hbm>>
      %dma_start3A_82 = tpu.memref_slice %arg2[%mul3A_2] : memref<1280xi32, #tpu.memory_space<hbm>> -> memref<40xi32, #tpu.memory_space<hbm>>
      tpu.enqueue_dma source(%dma_start3A_82 : memref<40xi32, #tpu.memory_space<hbm>>) target(%arg6 : memref<40xi32, #tpu.memory_space<vmem>>) target_semaphore(%run_scoped3A : memref<!tpu.dma_semaphore, #tpu.memory_space<semaphore_mem>>)
      %dma_wait3A_83 = tpu.memref_slice %arg2[%mul3A_2] : memref<1280xi32, #tpu.memory_space<hbm>> -> memref<40xi32, #tpu.memory_space<hbm>>
      %dma_wait3A_84 = tpu.memref_slice %arg2[%mul3A_2] : memref<1280xi32, #tpu.memory_space<hbm>> -> memref<40xi32, #tpu.memory_space<hbm>>
      tpu.wait_dma2 semaphore(%run_scoped3A : memref<!tpu.dma_semaphore, #tpu.memory_space<semaphore_mem>>) src(%dma_wait3A_84 : memref<40xi32, #tpu.memory_space<hbm>>) dst(%arg6 : memref<40xi32, #tpu.memory_space<vmem>>)
      tpu.yield
    }) : () -> ()
    %dma_start3A = arith.constant 0 : i32
    %dma_start3A_3 = tpu.memref_slice %arg6[%dma_start3A] : memref<40xi32, #tpu.memory_space<vmem>> -> memref<8xi32, #tpu.memory_space<vmem>>
    %dma_start3A_4 = arith.constant 0 : i32
    %dma_start3A_5 = arith.constant 0 : i32
    %dma_start3A_6 = arith.constant 0 : i32
    %dma_start3A_7 = tpu.memref_slice %arg3[%dma_start3A_4, %dma_start3A_5, %dma_start3A_6] : memref<8192x8x768xf32, #tpu.memory_space<hbm>> -> memref<8192x8x768xf32, #tpu.memory_space<hbm>>
    tpu.enqueue_indirect_dma source(%dma_start3A_7 : memref<8192x8x768xf32, #tpu.memory_space<hbm>>) target(%arg7 : memref<8x8x768xf32, #tpu.memory_space<vmem>>) offsets(%dma_start3A_3 : memref<8xi32, #tpu.memory_space<vmem>>) semaphore(%arg9 : memref<!tpu.dma_semaphore, #tpu.memory_space<semaphore_mem>>)
    %dma_wait3A = arith.constant 0 : i32
    %dma_wait3A_8 = tpu.memref_slice %arg6[%dma_wait3A] : memref<40xi32, #tpu.memory_space<vmem>> -> memref<8xi32, #tpu.memory_space<vmem>>
    %dma_wait3A_9 = arith.constant 0 : i32
    %dma_wait3A_10 = arith.constant 0 : i32
    %dma_wait3A_11 = arith.constant 0 : i32
    %dma_wait3A_12 = tpu.memref_slice %arg3[%dma_wait3A_9, %dma_wait3A_10, %dma_wait3A_11] : memref<8192x8x768xf32, #tpu.memory_space<hbm>> -> memref<8192x8x768xf32, #tpu.memory_space<hbm>>
    tpu.wait_indirect_dma semaphore(%arg9 : memref<!tpu.dma_semaphore, #tpu.memory_space<semaphore_mem>>) src(%dma_wait3A_12 : memref<8192x8x768xf32, #tpu.memory_space<hbm>>) dst(%arg7 : memref<8x8x768xf32, #tpu.memory_space<vmem>>)
    %dma_start3A_13 = arith.constant 8 : i32
    %dma_start3A_14 = tpu.memref_slice %arg6[%dma_start3A_13] : memref<40xi32, #tpu.memory_space<vmem>> -> memref<8xi32, #tpu.memory_space<vmem>>
    %dma_start3A_15 = arith.constant 0 : i32
    %dma_start3A_16 = arith.constant 0 : i32
    %dma_start3A_17 = arith.constant 0 : i32
    %dma_start3A_18 = tpu.memref_slice %arg3[%dma_start3A_15, %dma_start3A_16, %dma_start3A_17] : memref<8192x8x768xf32, #tpu.memory_space<hbm>> -> memref<8192x8x768xf32, #tpu.memory_space<hbm>>
    tpu.enqueue_indirect_dma source(%dma_start3A_18 : memref<8192x8x768xf32, #tpu.memory_space<hbm>>) target(%arg8 : memref<8x8x768xf32, #tpu.memory_space<vmem>>) offsets(%dma_start3A_14 : memref<8xi32, #tpu.memory_space<vmem>>) semaphore(%arg10 : memref<!tpu.dma_semaphore, #tpu.memory_space<semaphore_mem>>)
    %add3A_19 = arith.constant 2560 : i32
    %add3A_20 = arith.addi %add3A_19, %mul3A_2 : i32
    %add3A_21 = arith.constant 0 : i32
    %add3A_22 = arith.addi %add3A_20, %add3A_21 : i32
    "tpu.region"() ({
      %run_scoped3A = tpu.sem_alloc : memref<!tpu.dma_semaphore, #tpu.memory_space<semaphore_mem>>
      %dma_start3A_81 = arith.constant 0 : i32
      %dma_start3A_82 = arith.constant 0 : i32
      %dma_start3A_83 = tpu.memref_slice %arg4[%add3A_22, %dma_start3A_81, %dma_start3A_82] : memref<5120x8x768xf32, #tpu.memory_space<hbm>> -> memref<8x8x768xf32, #tpu.memory_space<hbm>>
      %dma_start3A_84 = arith.constant 0 : i32
      %dma_start3A_85 = arith.constant 0 : i32
      %dma_start3A_86 = tpu.memref_slice %arg4[%add3A_22, %dma_start3A_84, %dma_start3A_85] : memref<5120x8x768xf32, #tpu.memory_space<hbm>> -> memref<8x8x768xf32, #tpu.memory_space<hbm>>
      tpu.enqueue_dma source(%arg7 : memref<8x8x768xf32, #tpu.memory_space<vmem>>) target(%dma_start3A_86 : memref<8x8x768xf32, #tpu.memory_space<hbm>>) target_semaphore(%run_scoped3A : memref<!tpu.dma_semaphore, #tpu.memory_space<semaphore_mem>>)
      %dma_wait3A_87 = arith.constant 0 : i32
      %dma_wait3A_88 = arith.constant 0 : i32
      %dma_wait3A_89 = tpu.memref_slice %arg4[%add3A_22, %dma_wait3A_87, %dma_wait3A_88] : memref<5120x8x768xf32, #tpu.memory_space<hbm>> -> memref<8x8x768xf32, #tpu.memory_space<hbm>>
      %dma_wait3A_90 = arith.constant 0 : i32
      %dma_wait3A_91 = arith.constant 0 : i32
      %dma_wait3A_92 = tpu.memref_slice %arg4[%add3A_22, %dma_wait3A_90, %dma_wait3A_91] : memref<5120x8x768xf32, #tpu.memory_space<hbm>> -> memref<8x8x768xf32, #tpu.memory_space<hbm>>
      tpu.wait_dma2 semaphore(%run_scoped3A : memref<!tpu.dma_semaphore, #tpu.memory_space<semaphore_mem>>) src(%arg7 : memref<8x8x768xf32, #tpu.memory_space<vmem>>) dst(%dma_wait3A_92 : memref<8x8x768xf32, #tpu.memory_space<hbm>>)
      tpu.yield
    }) : () -> ()
    %dma_wait3A_23 = arith.constant 8 : i32
    %dma_wait3A_24 = tpu.memref_slice %arg6[%dma_wait3A_23] : memref<40xi32, #tpu.memory_space<vmem>> -> memref<8xi32, #tpu.memory_space<vmem>>
    %dma_wait3A_25 = arith.constant 0 : i32
    %dma_wait3A_26 = arith.constant 0 : i32
    %dma_wait3A_27 = arith.constant 0 : i32
    %dma_wait3A_28 = tpu.memref_slice %arg3[%dma_wait3A_25, %dma_wait3A_26, %dma_wait3A_27] : memref<8192x8x768xf32, #tpu.memory_space<hbm>> -> memref<8192x8x768xf32, #tpu.memory_space<hbm>>
    tpu.wait_indirect_dma semaphore(%arg10 : memref<!tpu.dma_semaphore, #tpu.memory_space<semaphore_mem>>) src(%dma_wait3A_28 : memref<8192x8x768xf32, #tpu.memory_space<hbm>>) dst(%arg8 : memref<8x8x768xf32, #tpu.memory_space<vmem>>)
    %dma_start3A_29 = arith.constant 16 : i32
    %dma_start3A_30 = tpu.memref_slice %arg6[%dma_start3A_29] : memref<40xi32, #tpu.memory_space<vmem>> -> memref<8xi32, #tpu.memory_space<vmem>>
    %dma_start3A_31 = arith.constant 0 : i32
    %dma_start3A_32 = arith.constant 0 : i32
    %dma_start3A_33 = arith.constant 0 : i32
    %dma_start3A_34 = tpu.memref_slice %arg3[%dma_start3A_31, %dma_start3A_32, %dma_start3A_33] : memref<8192x8x768xf32, #tpu.memory_space<hbm>> -> memref<8192x8x768xf32, #tpu.memory_space<hbm>>
    tpu.enqueue_indirect_dma source(%dma_start3A_34 : memref<8192x8x768xf32, #tpu.memory_space<hbm>>) target(%arg7 : memref<8x8x768xf32, #tpu.memory_space<vmem>>) offsets(%dma_start3A_30 : memref<8xi32, #tpu.memory_space<vmem>>) semaphore(%arg9 : memref<!tpu.dma_semaphore, #tpu.memory_space<semaphore_mem>>)
    %add3A_35 = arith.constant 2560 : i32
    %add3A_36 = arith.addi %add3A_35, %mul3A_2 : i32
    %add3A_37 = arith.constant 8 : i32
    %add3A_38 = arith.addi %add3A_36, %add3A_37 : i32
    "tpu.region"() ({
      %run_scoped3A = tpu.sem_alloc : memref<!tpu.dma_semaphore, #tpu.memory_space<semaphore_mem>>
      %dma_start3A_81 = arith.constant 0 : i32
      %dma_start3A_82 = arith.constant 0 : i32
      %dma_start3A_83 = tpu.memref_slice %arg4[%add3A_38, %dma_start3A_81, %dma_start3A_82] : memref<5120x8x768xf32, #tpu.memory_space<hbm>> -> memref<8x8x768xf32, #tpu.memory_space<hbm>>
      %dma_start3A_84 = arith.constant 0 : i32
      %dma_start3A_85 = arith.constant 0 : i32
      %dma_start3A_86 = tpu.memref_slice %arg4[%add3A_38, %dma_start3A_84, %dma_start3A_85] : memref<5120x8x768xf32, #tpu.memory_space<hbm>> -> memref<8x8x768xf32, #tpu.memory_space<hbm>>
      tpu.enqueue_dma source(%arg8 : memref<8x8x768xf32, #tpu.memory_space<vmem>>) target(%dma_start3A_86 : memref<8x8x768xf32, #tpu.memory_space<hbm>>) target_semaphore(%run_scoped3A : memref<!tpu.dma_semaphore, #tpu.memory_space<semaphore_mem>>)
      %dma_wait3A_87 = arith.constant 0 : i32
      %dma_wait3A_88 = arith.constant 0 : i32
      %dma_wait3A_89 = tpu.memref_slice %arg4[%add3A_38, %dma_wait3A_87, %dma_wait3A_88] : memref<5120x8x768xf32, #tpu.memory_space<hbm>> -> memref<8x8x768xf32, #tpu.memory_space<hbm>>
      %dma_wait3A_90 = arith.constant 0 : i32
      %dma_wait3A_91 = arith.constant 0 : i32
      %dma_wait3A_92 = tpu.memref_slice %arg4[%add3A_38, %dma_wait3A_90, %dma_wait3A_91] : memref<5120x8x768xf32, #tpu.memory_space<hbm>> -> memref<8x8x768xf32, #tpu.memory_space<hbm>>
      tpu.wait_dma2 semaphore(%run_scoped3A : memref<!tpu.dma_semaphore, #tpu.memory_space<semaphore_mem>>) src(%arg8 : memref<8x8x768xf32, #tpu.memory_space<vmem>>) dst(%dma_wait3A_92 : memref<8x8x768xf32, #tpu.memory_space<hbm>>)
      tpu.yield
    }) : () -> ()
    %dma_wait3A_39 = arith.constant 16 : i32
    %dma_wait3A_40 = tpu.memref_slice %arg6[%dma_wait3A_39] : memref<40xi32, #tpu.memory_space<vmem>> -> memref<8xi32, #tpu.memory_space<vmem>>
    %dma_wait3A_41 = arith.constant 0 : i32
    %dma_wait3A_42 = arith.constant 0 : i32
    %dma_wait3A_43 = arith.constant 0 : i32
    %dma_wait3A_44 = tpu.memref_slice %arg3[%dma_wait3A_41, %dma_wait3A_42, %dma_wait3A_43] : memref<8192x8x768xf32, #tpu.memory_space<hbm>> -> memref<8192x8x768xf32, #tpu.memory_space<hbm>>
    tpu.wait_indirect_dma semaphore(%arg9 : memref<!tpu.dma_semaphore, #tpu.memory_space<semaphore_mem>>) src(%dma_wait3A_44 : memref<8192x8x768xf32, #tpu.memory_space<hbm>>) dst(%arg7 : memref<8x8x768xf32, #tpu.memory_space<vmem>>)
    %dma_start3A_45 = arith.constant 24 : i32
    %dma_start3A_46 = tpu.memref_slice %arg6[%dma_start3A_45] : memref<40xi32, #tpu.memory_space<vmem>> -> memref<8xi32, #tpu.memory_space<vmem>>
    %dma_start3A_47 = arith.constant 0 : i32
    %dma_start3A_48 = arith.constant 0 : i32
    %dma_start3A_49 = arith.constant 0 : i32
    %dma_start3A_50 = tpu.memref_slice %arg3[%dma_start3A_47, %dma_start3A_48, %dma_start3A_49] : memref<8192x8x768xf32, #tpu.memory_space<hbm>> -> memref<8192x8x768xf32, #tpu.memory_space<hbm>>
    tpu.enqueue_indirect_dma source(%dma_start3A_50 : memref<8192x8x768xf32, #tpu.memory_space<hbm>>) target(%arg8 : memref<8x8x768xf32, #tpu.memory_space<vmem>>) offsets(%dma_start3A_46 : memref<8xi32, #tpu.memory_space<vmem>>) semaphore(%arg10 : memref<!tpu.dma_semaphore, #tpu.memory_space<semaphore_mem>>)
    %add3A_51 = arith.constant 2560 : i32
    %add3A_52 = arith.addi %add3A_51, %mul3A_2 : i32
    %add3A_53 = arith.constant 16 : i32
    %add3A_54 = arith.addi %add3A_52, %add3A_53 : i32
    "tpu.region"() ({
      %run_scoped3A = tpu.sem_alloc : memref<!tpu.dma_semaphore, #tpu.memory_space<semaphore_mem>>
      %dma_start3A_81 = arith.constant 0 : i32
      %dma_start3A_82 = arith.constant 0 : i32
      %dma_start3A_83 = tpu.memref_slice %arg4[%add3A_54, %dma_start3A_81, %dma_start3A_82] : memref<5120x8x768xf32, #tpu.memory_space<hbm>> -> memref<8x8x768xf32, #tpu.memory_space<hbm>>
      %dma_start3A_84 = arith.constant 0 : i32
      %dma_start3A_85 = arith.constant 0 : i32
      %dma_start3A_86 = tpu.memref_slice %arg4[%add3A_54, %dma_start3A_84, %dma_start3A_85] : memref<5120x8x768xf32, #tpu.memory_space<hbm>> -> memref<8x8x768xf32, #tpu.memory_space<hbm>>
      tpu.enqueue_dma source(%arg7 : memref<8x8x768xf32, #tpu.memory_space<vmem>>) target(%dma_start3A_86 : memref<8x8x768xf32, #tpu.memory_space<hbm>>) target_semaphore(%run_scoped3A : memref<!tpu.dma_semaphore, #tpu.memory_space<semaphore_mem>>)
      %dma_wait3A_87 = arith.constant 0 : i32
      %dma_wait3A_88 = arith.constant 0 : i32
      %dma_wait3A_89 = tpu.memref_slice %arg4[%add3A_54, %dma_wait3A_87, %dma_wait3A_88] : memref<5120x8x768xf32, #tpu.memory_space<hbm>> -> memref<8x8x768xf32, #tpu.memory_space<hbm>>
      %dma_wait3A_90 = arith.constant 0 : i32
      %dma_wait3A_91 = arith.constant 0 : i32
      %dma_wait3A_92 = tpu.memref_slice %arg4[%add3A_54, %dma_wait3A_90, %dma_wait3A_91] : memref<5120x8x768xf32, #tpu.memory_space<hbm>> -> memref<8x8x768xf32, #tpu.memory_space<hbm>>
      tpu.wait_dma2 semaphore(%run_scoped3A : memref<!tpu.dma_semaphore, #tpu.memory_space<semaphore_mem>>) src(%arg7 : memref<8x8x768xf32, #tpu.memory_space<vmem>>) dst(%dma_wait3A_92 : memref<8x8x768xf32, #tpu.memory_space<hbm>>)
      tpu.yield
    }) : () -> ()
    %dma_wait3A_55 = arith.constant 24 : i32
    %dma_wait3A_56 = tpu.memref_slice %arg6[%dma_wait3A_55] : memref<40xi32, #tpu.memory_space<vmem>> -> memref<8xi32, #tpu.memory_space<vmem>>
    %dma_wait3A_57 = arith.constant 0 : i32
    %dma_wait3A_58 = arith.constant 0 : i32
    %dma_wait3A_59 = arith.constant 0 : i32
    %dma_wait3A_60 = tpu.memref_slice %arg3[%dma_wait3A_57, %dma_wait3A_58, %dma_wait3A_59] : memref<8192x8x768xf32, #tpu.memory_space<hbm>> -> memref<8192x8x768xf32, #tpu.memory_space<hbm>>
    tpu.wait_indirect_dma semaphore(%arg10 : memref<!tpu.dma_semaphore, #tpu.memory_space<semaphore_mem>>) src(%dma_wait3A_60 : memref<8192x8x768xf32, #tpu.memory_space<hbm>>) dst(%arg8 : memref<8x8x768xf32, #tpu.memory_space<vmem>>)
    %dma_start3A_61 = arith.constant 32 : i32
    %dma_start3A_62 = tpu.memref_slice %arg6[%dma_start3A_61] : memref<40xi32, #tpu.memory_space<vmem>> -> memref<8xi32, #tpu.memory_space<vmem>>
    %dma_start3A_63 = arith.constant 0 : i32
    %dma_start3A_64 = arith.constant 0 : i32
    %dma_start3A_65 = arith.constant 0 : i32
    %dma_start3A_66 = tpu.memref_slice %arg3[%dma_start3A_63, %dma_start3A_64, %dma_start3A_65] : memref<8192x8x768xf32, #tpu.memory_space<hbm>> -> memref<8192x8x768xf32, #tpu.memory_space<hbm>>
    tpu.enqueue_indirect_dma source(%dma_start3A_66 : memref<8192x8x768xf32, #tpu.memory_space<hbm>>) target(%arg7 : memref<8x8x768xf32, #tpu.memory_space<vmem>>) offsets(%dma_start3A_62 : memref<8xi32, #tpu.memory_space<vmem>>) semaphore(%arg9 : memref<!tpu.dma_semaphore, #tpu.memory_space<semaphore_mem>>)
    %add3A_67 = arith.constant 2560 : i32
    %add3A_68 = arith.addi %add3A_67, %mul3A_2 : i32
    %add3A_69 = arith.constant 24 : i32
    %add3A_70 = arith.addi %add3A_68, %add3A_69 : i32
    "tpu.region"() ({
      %run_scoped3A = tpu.sem_alloc : memref<!tpu.dma_semaphore, #tpu.memory_space<semaphore_mem>>
      %dma_start3A_81 = arith.constant 0 : i32
      %dma_start3A_82 = arith.constant 0 : i32
      %dma_start3A_83 = tpu.memref_slice %arg4[%add3A_70, %dma_start3A_81, %dma_start3A_82] : memref<5120x8x768xf32, #tpu.memory_space<hbm>> -> memref<8x8x768xf32, #tpu.memory_space<hbm>>
      %dma_start3A_84 = arith.constant 0 : i32
      %dma_start3A_85 = arith.constant 0 : i32
      %dma_start3A_86 = tpu.memref_slice %arg4[%add3A_70, %dma_start3A_84, %dma_start3A_85] : memref<5120x8x768xf32, #tpu.memory_space<hbm>> -> memref<8x8x768xf32, #tpu.memory_space<hbm>>
      tpu.enqueue_dma source(%arg8 : memref<8x8x768xf32, #tpu.memory_space<vmem>>) target(%dma_start3A_86 : memref<8x8x768xf32, #tpu.memory_space<hbm>>) target_semaphore(%run_scoped3A : memref<!tpu.dma_semaphore, #tpu.memory_space<semaphore_mem>>)
      %dma_wait3A_87 = arith.constant 0 : i32
      %dma_wait3A_88 = arith.constant 0 : i32
      %dma_wait3A_89 = tpu.memref_slice %arg4[%add3A_70, %dma_wait3A_87, %dma_wait3A_88] : memref<5120x8x768xf32, #tpu.memory_space<hbm>> -> memref<8x8x768xf32, #tpu.memory_space<hbm>>
      %dma_wait3A_90 = arith.constant 0 : i32
      %dma_wait3A_91 = arith.constant 0 : i32
      %dma_wait3A_92 = tpu.memref_slice %arg4[%add3A_70, %dma_wait3A_90, %dma_wait3A_91] : memref<5120x8x768xf32, #tpu.memory_space<hbm>> -> memref<8x8x768xf32, #tpu.memory_space<hbm>>
      tpu.wait_dma2 semaphore(%run_scoped3A : memref<!tpu.dma_semaphore, #tpu.memory_space<semaphore_mem>>) src(%arg8 : memref<8x8x768xf32, #tpu.memory_space<vmem>>) dst(%dma_wait3A_92 : memref<8x8x768xf32, #tpu.memory_space<hbm>>)
      tpu.yield
    }) : () -> ()
    %dma_wait3A_71 = arith.constant 32 : i32
    %dma_wait3A_72 = tpu.memref_slice %arg6[%dma_wait3A_71] : memref<40xi32, #tpu.memory_space<vmem>> -> memref<8xi32, #tpu.memory_space<vmem>>
    %dma_wait3A_73 = arith.constant 0 : i32
    %dma_wait3A_74 = arith.constant 0 : i32
    %dma_wait3A_75 = arith.constant 0 : i32
    %dma_wait3A_76 = tpu.memref_slice %arg3[%dma_wait3A_73, %dma_wait3A_74, %dma_wait3A_75] : memref<8192x8x768xf32, #tpu.memory_space<hbm>> -> memref<8192x8x768xf32, #tpu.memory_space<hbm>>
    tpu.wait_indirect_dma semaphore(%arg9 : memref<!tpu.dma_semaphore, #tpu.memory_space<semaphore_mem>>) src(%dma_wait3A_76 : memref<8192x8x768xf32, #tpu.memory_space<hbm>>) dst(%arg7 : memref<8x8x768xf32, #tpu.memory_space<vmem>>)
    %add3A_77 = arith.constant 2560 : i32
    %add3A_78 = arith.addi %add3A_77, %mul3A_2 : i32
    %add3A_79 = arith.constant 32 : i32
    %add3A_80 = arith.addi %add3A_78, %add3A_79 : i32
    "tpu.region"() ({
      %run_scoped3A = tpu.sem_alloc : memref<!tpu.dma_semaphore, #tpu.memory_space<semaphore_mem>>
      %dma_start3A_81 = arith.constant 0 : i32
      %dma_start3A_82 = arith.constant 0 : i32
      %dma_start3A_83 = tpu.memref_slice %arg4[%add3A_80, %dma_start3A_81, %dma_start3A_82] : memref<5120x8x768xf32, #tpu.memory_space<hbm>> -> memref<8x8x768xf32, #tpu.memory_space<hbm>>
      %dma_start3A_84 = arith.constant 0 : i32
      %dma_start3A_85 = arith.constant 0 : i32
      %dma_start3A_86 = tpu.memref_slice %arg4[%add3A_80, %dma_start3A_84, %dma_start3A_85] : memref<5120x8x768xf32, #tpu.memory_space<hbm>> -> memref<8x8x768xf32, #tpu.memory_space<hbm>>
      tpu.enqueue_dma source(%arg7 : memref<8x8x768xf32, #tpu.memory_space<vmem>>) target(%dma_start3A_86 : memref<8x8x768xf32, #tpu.memory_space<hbm>>) target_semaphore(%run_scoped3A : memref<!tpu.dma_semaphore, #tpu.memory_space<semaphore_mem>>)
      %dma_wait3A_87 = arith.constant 0 : i32
      %dma_wait3A_88 = arith.constant 0 : i32
      %dma_wait3A_89 = tpu.memref_slice %arg4[%add3A_80, %dma_wait3A_87, %dma_wait3A_88] : memref<5120x8x768xf32, #tpu.memory_space<hbm>> -> memref<8x8x768xf32, #tpu.memory_space<hbm>>
      %dma_wait3A_90 = arith.constant 0 : i32
      %dma_wait3A_91 = arith.constant 0 : i32
      %dma_wait3A_92 = tpu.memref_slice %arg4[%add3A_80, %dma_wait3A_90, %dma_wait3A_91] : memref<5120x8x768xf32, #tpu.memory_space<hbm>> -> memref<8x8x768xf32, #tpu.memory_space<hbm>>
      tpu.wait_dma2 semaphore(%run_scoped3A : memref<!tpu.dma_semaphore, #tpu.memory_space<semaphore_mem>>) src(%arg7 : memref<8x8x768xf32, #tpu.memory_space<vmem>>) dst(%dma_wait3A_92 : memref<8x8x768xf32, #tpu.memory_space<hbm>>)
      tpu.yield
    }) : () -> ()
    return
  }
}

module attributes {stable_mosaic.version = 14 : i64} {
  func.func @_simtopk_body(%arg0: i32, %arg1: memref<256x768xbf16, #tpu.memory_space<vmem>>, %arg2: memref<4096x768xbf16, #tpu.memory_space<vmem>>, %arg3: memref<256x4096xf32, #tpu.memory_space<vmem>>, %arg4: memref<256x8xf32, #tpu.memory_space<vmem>>, %arg5: memref<256x8xi32, #tpu.memory_space<vmem>>, %arg6: memref<256x20xf32, #tpu.memory_space<vmem>>, %arg7: memref<256x20xi32, #tpu.memory_space<vmem>>) attributes {dimension_semantics = [#tpu.dimension_semantics<arbitrary>], iteration_bounds = array<i64: 2>, scalar_prefetch = 0 : i64, scratch_operands = 2 : i64, tpu.core_type = #tpu.core_type<tc>, window_params = [{pipeline_mode = #tpu.pipeline_mode<synchronous>, transform_indices = @transform_0, window_bounds = array<i64: 256, 768>}, {transform_indices = @transform_1, window_bounds = array<i64: 4096, 768>}, {transform_indices = @transform_2, window_bounds = array<i64: 256, 4096>}, {pipeline_mode = #tpu.pipeline_mode<synchronous>, transform_indices = @transform_3, window_bounds = array<i64: 256, 8>}, {pipeline_mode = #tpu.pipeline_mode<synchronous>, transform_indices = @transform_4, window_bounds = array<i64: 256, 8>}]} {
    %get3A = arith.constant 0 : index
    %get3A_0 = arith.constant 0 : index
    %get3A_1 = vector.load %arg1[%get3A, %get3A_0] : memref<256x768xbf16, #tpu.memory_space<vmem>>, vector<256x768xbf16>
    %iota3A = tpu.iota {dimensions = array<i32: 1>} : vector<256x1024xi32>
    %get3A_2 = arith.constant 0 : index
    %get3A_3 = arith.constant 0 : index
    %get3A_4 = vector.load %arg2[%get3A_2, %get3A_3] : memref<4096x768xbf16, #tpu.memory_space<vmem>>, vector<1024x768xbf16>
    %dot_general3A = arith.constant dense<0.000000e+00> : vector<256x1024xf32>
    %dot_general3A_5 = tpu.matmul %get3A_1, %get3A_4, %dot_general3A {dimension_numbers = #tpu.dot_dimension_numbers<[1], [1], [0], [0], [0, 0, 1, 0], [], []>, transpose_lhs_hint = false} : vector<256x768xbf16>, vector<1024x768xbf16>, vector<256x1024xf32> -> vector<256x1024xf32>
    %swap3A = arith.constant 0 : index
    %swap3A_6 = arith.constant 0 : index
    %swap3A_7 = vector.load %arg3[%swap3A, %swap3A_6] : memref<256x4096xf32, #tpu.memory_space<vmem>>, vector<256x1024xf32>
    tpu.vector_store %arg3[%swap3A, %swap3A_6], %dot_general3A_5 {strides = array<i32>} : memref<256x4096xf32, #tpu.memory_space<vmem>>, vector<256x1024xf32>,
    %sub3A = arith.constant 1.000000e+00 : f32
    %sub3A_8 = vector.broadcast %sub3A : f32 to vector<256x1024xf32>
    %sub3A_9 = arith.subf %sub3A_8, %dot_general3A_5 : vector<256x1024xf32>
    %reduce_min3A = arith.constant dense<0x7F800000> : vector<256xf32>
    %reduce_min3A_10 = vector.multi_reduction <minimumf>, %sub3A_9, %reduce_min3A [1] : vector<256x1024xf32> to vector<256xf32>
    %broadcast_in_dim3A = vector.shape_cast %reduce_min3A_10 : vector<256xf32> to vector<256x1xf32>
    %eq3A = vector.broadcast %broadcast_in_dim3A : vector<256x1xf32> to vector<256x1024xf32>
    %eq3A_11 = arith.cmpf oeq, %sub3A_9, %eq3A : vector<256x1024xf32>
    %jit3A = arith.constant 1073741824 : i32
    %broadcast_in_dim3A_12 = vector.broadcast %jit3A : i32 to vector<256x1024xi32>
    %select_n3A = arith.select %eq3A_11, %iota3A, %broadcast_in_dim3A_12 : vector<256x1024xi1>, vector<256x1024xi32>
    %reduce_min3A_13 = arith.constant dense<2147483647> : vector<256xi32>
    %reduce_min3A_14 = vector.multi_reduction <minsi>, %select_n3A, %reduce_min3A_13 [1] : vector<256x1024xi32> to vector<256xi32>
    %broadcast_in_dim3A_15 = vector.shape_cast %reduce_min3A_14 : vector<256xi32> to vector<256x1xi32>
    %gt3A = vector.broadcast %broadcast_in_dim3A : vector<256x1xf32> to vector<256x1024xf32>
    %gt3A_16 = arith.cmpf ogt, %sub3A_9, %gt3A : vector<256x1024xf32>
    %eq3A_17 = vector.broadcast %broadcast_in_dim3A : vector<256x1xf32> to vector<256x1024xf32>
    %eq3A_18 = arith.cmpf oeq, %sub3A_9, %eq3A_17 : vector<256x1024xf32>
    %gt3A_19 = vector.broadcast %broadcast_in_dim3A_15 : vector<256x1xi32> to vector<256x1024xi32>
    %gt3A_20 = arith.cmpi sgt, %iota3A, %gt3A_19 : vector<256x1024xi32>
    %and3A = arith.andi %eq3A_18, %gt3A_20 : vector<256x1024xi1>
    %or3A = arith.ori %gt3A_16, %and3A : vector<256x1024xi1>
    %jit3A_21 = arith.constant 0x7F800000 : f32
    %broadcast_in_dim3A_22 = vector.broadcast %jit3A_21 : f32 to vector<256x1024xf32>
    %select_n3A_23 = arith.select %or3A, %sub3A_9, %broadcast_in_dim3A_22 : vector<256x1024xi1>, vector<256x1024xf32>
    %reduce_min3A_24 = arith.constant dense<0x7F800000> : vector<256xf32>
    %reduce_min3A_25 = vector.multi_reduction <minimumf>, %select_n3A_23, %reduce_min3A_24 [1] : vector<256x1024xf32> to vector<256xf32>
    %broadcast_in_dim3A_26 = vector.shape_cast %reduce_min3A_25 : vector<256xf32> to vector<256x1xf32>
    %eq3A_27 = vector.broadcast %broadcast_in_dim3A_26 : vector<256x1xf32> to vector<256x1024xf32>
    %eq3A_28 = arith.cmpf oeq, %select_n3A_23, %eq3A_27 : vector<256x1024xf32>
    %jit3A_29 = arith.constant 1073741824 : i32
    %broadcast_in_dim3A_30 = vector.broadcast %jit3A_29 : i32 to vector<256x1024xi32>
    %select_n3A_31 = arith.select %eq3A_28, %iota3A, %broadcast_in_dim3A_30 : vector<256x1024xi1>, vector<256x1024xi32>
    %reduce_min3A_32 = arith.constant dense<2147483647> : vector<256xi32>
    %reduce_min3A_33 = vector.multi_reduction <minsi>, %select_n3A_31, %reduce_min3A_32 [1] : vector<256x1024xi32> to vector<256xi32>
    %broadcast_in_dim3A_34 = vector.shape_cast %reduce_min3A_33 : vector<256xi32> to vector<256x1xi32>
    %gt3A_35 = vector.broadcast %broadcast_in_dim3A_26 : vector<256x1xf32> to vector<256x1024xf32>
    %gt3A_36 = arith.cmpf ogt, %sub3A_9, %gt3A_35 : vector<256x1024xf32>
    %eq3A_37 = vector.broadcast %broadcast_in_dim3A_26 : vector<256x1xf32> to vector<256x1024xf32>
    %eq3A_38 = arith.cmpf oeq, %sub3A_9, %eq3A_37 : vector<256x1024xf32>
    %gt3A_39 = vector.broadcast %broadcast_in_dim3A_34 : vector<256x1xi32> to vector<256x1024xi32>
    %gt3A_40 = arith.cmpi sgt, %iota3A, %gt3A_39 : vector<256x1024xi32>
    %and3A_41 = arith.andi %eq3A_38, %gt3A_40 : vector<256x1024xi1>
    %or3A_42 = arith.ori %gt3A_36, %and3A_41 : vector<256x1024xi1>
    %jit3A_43 = arith.constant 0x7F800000 : f32
    %broadcast_in_dim3A_44 = vector.broadcast %jit3A_43 : f32 to vector<256x1024xf32>
    %select_n3A_45 = arith.select %or3A_42, %sub3A_9, %broadcast_in_dim3A_44 : vector<256x1024xi1>, vector<256x1024xf32>
    %reduce_min3A_46 = arith.constant dense<0x7F800000> : vector<256xf32>
    %reduce_min3A_47 = vector.multi_reduction <minimumf>, %select_n3A_45, %reduce_min3A_46 [1] : vector<256x1024xf32> to vector<256xf32>
    %broadcast_in_dim3A_48 = vector.shape_cast %reduce_min3A_47 : vector<256xf32> to vector<256x1xf32>
    %eq3A_49 = vector.broadcast %broadcast_in_dim3A_48 : vector<256x1xf32> to vector<256x1024xf32>
    %eq3A_50 = arith.cmpf oeq, %select_n3A_45, %eq3A_49 : vector<256x1024xf32>
    %jit3A_51 = arith.constant 1073741824 : i32
    %broadcast_in_dim3A_52 = vector.broadcast %jit3A_51 : i32 to vector<256x1024xi32>
    %select_n3A_53 = arith.select %eq3A_50, %iota3A, %broadcast_in_dim3A_52 : vector<256x1024xi1>, vector<256x1024xi32>
    %reduce_min3A_54 = arith.constant dense<2147483647> : vector<256xi32>
    %reduce_min3A_55 = vector.multi_reduction <minsi>, %select_n3A_53, %reduce_min3A_54 [1] : vector<256x1024xi32> to vector<256xi32>
    %broadcast_in_dim3A_56 = vector.shape_cast %reduce_min3A_55 : vector<256xi32> to vector<256x1xi32>
    %gt3A_57 = vector.broadcast %broadcast_in_dim3A_48 : vector<256x1xf32> to vector<256x1024xf32>
    %gt3A_58 = arith.cmpf ogt, %sub3A_9, %gt3A_57 : vector<256x1024xf32>
    %eq3A_59 = vector.broadcast %broadcast_in_dim3A_48 : vector<256x1xf32> to vector<256x1024xf32>
    %eq3A_60 = arith.cmpf oeq, %sub3A_9, %eq3A_59 : vector<256x1024xf32>
    %gt3A_61 = vector.broadcast %broadcast_in_dim3A_56 : vector<256x1xi32> to vector<256x1024xi32>
    %gt3A_62 = arith.cmpi sgt, %iota3A, %gt3A_61 : vector<256x1024xi32>
    %and3A_63 = arith.andi %eq3A_60, %gt3A_62 : vector<256x1024xi1>
    %or3A_64 = arith.ori %gt3A_58, %and3A_63 : vector<256x1024xi1>
    %jit3A_65 = arith.constant 0x7F800000 : f32
    %broadcast_in_dim3A_66 = vector.broadcast %jit3A_65 : f32 to vector<256x1024xf32>
    %select_n3A_67 = arith.select %or3A_64, %sub3A_9, %broadcast_in_dim3A_66 : vector<256x1024xi1>, vector<256x1024xf32>
    %reduce_min3A_68 = arith.constant dense<0x7F800000> : vector<256xf32>
    %reduce_min3A_69 = vector.multi_reduction <minimumf>, %select_n3A_67, %reduce_min3A_68 [1] : vector<256x1024xf32> to vector<256xf32>
    %broadcast_in_dim3A_70 = vector.shape_cast %reduce_min3A_69 : vector<256xf32> to vector<256x1xf32>
    %eq3A_71 = vector.broadcast %broadcast_in_dim3A_70 : vector<256x1xf32> to vector<256x1024xf32>
    %eq3A_72 = arith.cmpf oeq, %select_n3A_67, %eq3A_71 : vector<256x1024xf32>
    %jit3A_73 = arith.constant 1073741824 : i32
    %broadcast_in_dim3A_74 = vector.broadcast %jit3A_73 : i32 to vector<256x1024xi32>
    %select_n3A_75 = arith.select %eq3A_72, %iota3A, %broadcast_in_dim3A_74 : vector<256x1024xi1>, vector<256x1024xi32>
    %reduce_min3A_76 = arith.constant dense<2147483647> : vector<256xi32>
    %reduce_min3A_77 = vector.multi_reduction <minsi>, %select_n3A_75, %reduce_min3A_76 [1] : vector<256x1024xi32> to vector<256xi32>
    %broadcast_in_dim3A_78 = vector.shape_cast %reduce_min3A_77 : vector<256xi32> to vector<256x1xi32>
    %gt3A_79 = vector.broadcast %broadcast_in_dim3A_70 : vector<256x1xf32> to vector<256x1024xf32>
    %gt3A_80 = arith.cmpf ogt, %sub3A_9, %gt3A_79 : vector<256x1024xf32>
    %eq3A_81 = vector.broadcast %broadcast_in_dim3A_70 : vector<256x1xf32> to vector<256x1024xf32>
    %eq3A_82 = arith.cmpf oeq, %sub3A_9, %eq3A_81 : vector<256x1024xf32>
    %gt3A_83 = vector.broadcast %broadcast_in_dim3A_78 : vector<256x1xi32> to vector<256x1024xi32>
    %gt3A_84 = arith.cmpi sgt, %iota3A, %gt3A_83 : vector<256x1024xi32>
    %and3A_85 = arith.andi %eq3A_82, %gt3A_84 : vector<256x1024xi1>
    %or3A_86 = arith.ori %gt3A_80, %and3A_85 : vector<256x1024xi1>
    %jit3A_87 = arith.constant 0x7F800000 : f32
    %broadcast_in_dim3A_88 = vector.broadcast %jit3A_87 : f32 to vector<256x1024xf32>
    %select_n3A_89 = arith.select %or3A_86, %sub3A_9, %broadcast_in_dim3A_88 : vector<256x1024xi1>, vector<256x1024xf32>
    %reduce_min3A_90 = arith.constant dense<0x7F800000> : vector<256xf32>
    %reduce_min3A_91 = vector.multi_reduction <minimumf>, %select_n3A_89, %reduce_min3A_90 [1] : vector<256x1024xf32> to vector<256xf32>
    %broadcast_in_dim3A_92 = vector.shape_cast %reduce_min3A_91 : vector<256xf32> to vector<256x1xf32>
    %eq3A_93 = vector.broadcast %broadcast_in_dim3A_92 : vector<256x1xf32> to vector<256x1024xf32>
    %eq3A_94 = arith.cmpf oeq, %select_n3A_89, %eq3A_93 : vector<256x1024xf32>
    %jit3A_95 = arith.constant 1073741824 : i32
    %broadcast_in_dim3A_96 = vector.broadcast %jit3A_95 : i32 to vector<256x1024xi32>
    %select_n3A_97 = arith.select %eq3A_94, %iota3A, %broadcast_in_dim3A_96 : vector<256x1024xi1>, vector<256x1024xi32>
    %reduce_min3A_98 = arith.constant dense<2147483647> : vector<256xi32>
    %reduce_min3A_99 = vector.multi_reduction <minsi>, %select_n3A_97, %reduce_min3A_98 [1] : vector<256x1024xi32> to vector<256xi32>
    %broadcast_in_dim3A_100 = vector.shape_cast %reduce_min3A_99 : vector<256xi32> to vector<256x1xi32>
    %mul3A = arith.constant 4096 : i32
    %mul3A_101 = arith.muli %arg0, %mul3A : i32
    %add3A = arith.constant 0 : i32
    %add3A_102 = arith.addi %mul3A_101, %add3A : i32
    %add3A_103 = vector.broadcast %add3A_102 : i32 to vector<256x1xi32>
    %add3A_104 = arith.addi %broadcast_in_dim3A_15, %add3A_103 : vector<256x1xi32>
    %mul3A_105 = arith.constant 4096 : i32
    %mul3A_106 = arith.muli %arg0, %mul3A_105 : i32
    %add3A_107 = arith.constant 0 : i32
    %add3A_108 = arith.addi %mul3A_106, %add3A_107 : i32
    %add3A_109 = vector.broadcast %add3A_108 : i32 to vector<256x1xi32>
    %add3A_110 = arith.addi %broadcast_in_dim3A_34, %add3A_109 : vector<256x1xi32>
    %mul3A_111 = arith.constant 4096 : i32
    %mul3A_112 = arith.muli %arg0, %mul3A_111 : i32
    %add3A_113 = arith.constant 0 : i32
    %add3A_114 = arith.addi %mul3A_112, %add3A_113 : i32
    %add3A_115 = vector.broadcast %add3A_114 : i32 to vector<256x1xi32>
    %add3A_116 = arith.addi %broadcast_in_dim3A_56, %add3A_115 : vector<256x1xi32>
    %mul3A_117 = arith.constant 4096 : i32
    %mul3A_118 = arith.muli %arg0, %mul3A_117 : i32
    %add3A_119 = arith.constant 0 : i32
    %add3A_120 = arith.addi %mul3A_118, %add3A_119 : i32
    %add3A_121 = vector.broadcast %add3A_120 : i32 to vector<256x1xi32>
    %add3A_122 = arith.addi %broadcast_in_dim3A_78, %add3A_121 : vector<256x1xi32>
    %mul3A_123 = arith.constant 4096 : i32
    %mul3A_124 = arith.muli %arg0, %mul3A_123 : i32
    %add3A_125 = arith.constant 0 : i32
    %add3A_126 = arith.addi %mul3A_124, %add3A_125 : i32
    %add3A_127 = vector.broadcast %add3A_126 : i32 to vector<256x1xi32>
    %add3A_128 = arith.addi %broadcast_in_dim3A_100, %add3A_127 : vector<256x1xi32>
    %get3A_129 = arith.constant 1024 : index
    %get3A_130 = arith.constant 0 : index
    %get3A_131 = vector.load %arg2[%get3A_129, %get3A_130] : memref<4096x768xbf16, #tpu.memory_space<vmem>>, vector<1024x768xbf16>
    %dot_general3A_132 = arith.constant dense<0.000000e+00> : vector<256x1024xf32>
    %dot_general3A_133 = tpu.matmul %get3A_1, %get3A_131, %dot_general3A_132 {dimension_numbers = #tpu.dot_dimension_numbers<[1], [1], [0], [0], [0, 0, 1, 0], [], []>, transpose_lhs_hint = false} : vector<256x768xbf16>, vector<1024x768xbf16>, vector<256x1024xf32> -> vector<256x1024xf32>
    %swap3A_134 = arith.constant 0 : index
    %swap3A_135 = arith.constant 1024 : index
    %swap3A_136 = vector.load %arg3[%swap3A_134, %swap3A_135] : memref<256x4096xf32, #tpu.memory_space<vmem>>, vector<256x1024xf32>
    tpu.vector_store %arg3[%swap3A_134, %swap3A_135], %dot_general3A_133 {strides = array<i32>} : memref<256x4096xf32, #tpu.memory_space<vmem>>, vector<256x1024xf32>,
    %sub3A_137 = arith.constant 1.000000e+00 : f32
    %sub3A_138 = vector.broadcast %sub3A_137 : f32 to vector<256x1024xf32>
    %sub3A_139 = arith.subf %sub3A_138, %dot_general3A_133 : vector<256x1024xf32>
    %reduce_min3A_140 = arith.constant dense<0x7F800000> : vector<256xf32>
    %reduce_min3A_141 = vector.multi_reduction <minimumf>, %sub3A_139, %reduce_min3A_140 [1] : vector<256x1024xf32> to vector<256xf32>
    %broadcast_in_dim3A_142 = vector.shape_cast %reduce_min3A_141 : vector<256xf32> to vector<256x1xf32>
    %eq3A_143 = vector.broadcast %broadcast_in_dim3A_142 : vector<256x1xf32> to vector<256x1024xf32>
    %eq3A_144 = arith.cmpf oeq, %sub3A_139, %eq3A_143 : vector<256x1024xf32>
    %jit3A_145 = arith.constant 1073741824 : i32
    %broadcast_in_dim3A_146 = vector.broadcast %jit3A_145 : i32 to vector<256x1024xi32>
    %select_n3A_147 = arith.select %eq3A_144, %iota3A, %broadcast_in_dim3A_146 : vector<256x1024xi1>, vector<256x1024xi32>
    %reduce_min3A_148 = arith.constant dense<2147483647> : vector<256xi32>
    %reduce_min3A_149 = vector.multi_reduction <minsi>, %select_n3A_147, %reduce_min3A_148 [1] : vector<256x1024xi32> to vector<256xi32>
    %broadcast_in_dim3A_150 = vector.shape_cast %reduce_min3A_149 : vector<256xi32> to vector<256x1xi32>
    %gt3A_151 = vector.broadcast %broadcast_in_dim3A_142 : vector<256x1xf32> to vector<256x1024xf32>
    %gt3A_152 = arith.cmpf ogt, %sub3A_139, %gt3A_151 : vector<256x1024xf32>
    %eq3A_153 = vector.broadcast %broadcast_in_dim3A_142 : vector<256x1xf32> to vector<256x1024xf32>
    %eq3A_154 = arith.cmpf oeq, %sub3A_139, %eq3A_153 : vector<256x1024xf32>
    %gt3A_155 = vector.broadcast %broadcast_in_dim3A_150 : vector<256x1xi32> to vector<256x1024xi32>
    %gt3A_156 = arith.cmpi sgt, %iota3A, %gt3A_155 : vector<256x1024xi32>
    %and3A_157 = arith.andi %eq3A_154, %gt3A_156 : vector<256x1024xi1>
    %or3A_158 = arith.ori %gt3A_152, %and3A_157 : vector<256x1024xi1>
    %jit3A_159 = arith.constant 0x7F800000 : f32
    %broadcast_in_dim3A_160 = vector.broadcast %jit3A_159 : f32 to vector<256x1024xf32>
    %select_n3A_161 = arith.select %or3A_158, %sub3A_139, %broadcast_in_dim3A_160 : vector<256x1024xi1>, vector<256x1024xf32>
    %reduce_min3A_162 = arith.constant dense<0x7F800000> : vector<256xf32>
    %reduce_min3A_163 = vector.multi_reduction <minimumf>, %select_n3A_161, %reduce_min3A_162 [1] : vector<256x1024xf32> to vector<256xf32>
    %broadcast_in_dim3A_164 = vector.shape_cast %reduce_min3A_163 : vector<256xf32> to vector<256x1xf32>
    %eq3A_165 = vector.broadcast %broadcast_in_dim3A_164 : vector<256x1xf32> to vector<256x1024xf32>
    %eq3A_166 = arith.cmpf oeq, %select_n3A_161, %eq3A_165 : vector<256x1024xf32>
    %jit3A_167 = arith.constant 1073741824 : i32
    %broadcast_in_dim3A_168 = vector.broadcast %jit3A_167 : i32 to vector<256x1024xi32>
    %select_n3A_169 = arith.select %eq3A_166, %iota3A, %broadcast_in_dim3A_168 : vector<256x1024xi1>, vector<256x1024xi32>
    %reduce_min3A_170 = arith.constant dense<2147483647> : vector<256xi32>
    %reduce_min3A_171 = vector.multi_reduction <minsi>, %select_n3A_169, %reduce_min3A_170 [1] : vector<256x1024xi32> to vector<256xi32>
    %broadcast_in_dim3A_172 = vector.shape_cast %reduce_min3A_171 : vector<256xi32> to vector<256x1xi32>
    %gt3A_173 = vector.broadcast %broadcast_in_dim3A_164 : vector<256x1xf32> to vector<256x1024xf32>
    %gt3A_174 = arith.cmpf ogt, %sub3A_139, %gt3A_173 : vector<256x1024xf32>
    %eq3A_175 = vector.broadcast %broadcast_in_dim3A_164 : vector<256x1xf32> to vector<256x1024xf32>
    %eq3A_176 = arith.cmpf oeq, %sub3A_139, %eq3A_175 : vector<256x1024xf32>
    %gt3A_177 = vector.broadcast %broadcast_in_dim3A_172 : vector<256x1xi32> to vector<256x1024xi32>
    %gt3A_178 = arith.cmpi sgt, %iota3A, %gt3A_177 : vector<256x1024xi32>
    %and3A_179 = arith.andi %eq3A_176, %gt3A_178 : vector<256x1024xi1>
    %or3A_180 = arith.ori %gt3A_174, %and3A_179 : vector<256x1024xi1>
    %jit3A_181 = arith.constant 0x7F800000 : f32
    %broadcast_in_dim3A_182 = vector.broadcast %jit3A_181 : f32 to vector<256x1024xf32>
    %select_n3A_183 = arith.select %or3A_180, %sub3A_139, %broadcast_in_dim3A_182 : vector<256x1024xi1>, vector<256x1024xf32>
    %reduce_min3A_184 = arith.constant dense<0x7F800000> : vector<256xf32>
    %reduce_min3A_185 = vector.multi_reduction <minimumf>, %select_n3A_183, %reduce_min3A_184 [1] : vector<256x1024xf32> to vector<256xf32>
    %broadcast_in_dim3A_186 = vector.shape_cast %reduce_min3A_185 : vector<256xf32> to vector<256x1xf32>
    %eq3A_187 = vector.broadcast %broadcast_in_dim3A_186 : vector<256x1xf32> to vector<256x1024xf32>
    %eq3A_188 = arith.cmpf oeq, %select_n3A_183, %eq3A_187 : vector<256x1024xf32>
    %jit3A_189 = arith.constant 1073741824 : i32
    %broadcast_in_dim3A_190 = vector.broadcast %jit3A_189 : i32 to vector<256x1024xi32>
    %select_n3A_191 = arith.select %eq3A_188, %iota3A, %broadcast_in_dim3A_190 : vector<256x1024xi1>, vector<256x1024xi32>
    %reduce_min3A_192 = arith.constant dense<2147483647> : vector<256xi32>
    %reduce_min3A_193 = vector.multi_reduction <minsi>, %select_n3A_191, %reduce_min3A_192 [1] : vector<256x1024xi32> to vector<256xi32>
    %broadcast_in_dim3A_194 = vector.shape_cast %reduce_min3A_193 : vector<256xi32> to vector<256x1xi32>
    %gt3A_195 = vector.broadcast %broadcast_in_dim3A_186 : vector<256x1xf32> to vector<256x1024xf32>
    %gt3A_196 = arith.cmpf ogt, %sub3A_139, %gt3A_195 : vector<256x1024xf32>
    %eq3A_197 = vector.broadcast %broadcast_in_dim3A_186 : vector<256x1xf32> to vector<256x1024xf32>
    %eq3A_198 = arith.cmpf oeq, %sub3A_139, %eq3A_197 : vector<256x1024xf32>
    %gt3A_199 = vector.broadcast %broadcast_in_dim3A_194 : vector<256x1xi32> to vector<256x1024xi32>
    %gt3A_200 = arith.cmpi sgt, %iota3A, %gt3A_199 : vector<256x1024xi32>
    %and3A_201 = arith.andi %eq3A_198, %gt3A_200 : vector<256x1024xi1>
    %or3A_202 = arith.ori %gt3A_196, %and3A_201 : vector<256x1024xi1>
    %jit3A_203 = arith.constant 0x7F800000 : f32
    %broadcast_in_dim3A_204 = vector.broadcast %jit3A_203 : f32 to vector<256x1024xf32>
    %select_n3A_205 = arith.select %or3A_202, %sub3A_139, %broadcast_in_dim3A_204 : vector<256x1024xi1>, vector<256x1024xf32>
    %reduce_min3A_206 = arith.constant dense<0x7F800000> : vector<256xf32>
    %reduce_min3A_207 = vector.multi_reduction <minimumf>, %select_n3A_205, %reduce_min3A_206 [1] : vector<256x1024xf32> to vector<256xf32>
    %broadcast_in_dim3A_208 = vector.shape_cast %reduce_min3A_207 : vector<256xf32> to vector<256x1xf32>
    %eq3A_209 = vector.broadcast %broadcast_in_dim3A_208 : vector<256x1xf32> to vector<256x1024xf32>
    %eq3A_210 = arith.cmpf oeq, %select_n3A_205, %eq3A_209 : vector<256x1024xf32>
    %jit3A_211 = arith.constant 1073741824 : i32
    %broadcast_in_dim3A_212 = vector.broadcast %jit3A_211 : i32 to vector<256x1024xi32>
    %select_n3A_213 = arith.select %eq3A_210, %iota3A, %broadcast_in_dim3A_212 : vector<256x1024xi1>, vector<256x1024xi32>
    %reduce_min3A_214 = arith.constant dense<2147483647> : vector<256xi32>
    %reduce_min3A_215 = vector.multi_reduction <minsi>, %select_n3A_213, %reduce_min3A_214 [1] : vector<256x1024xi32> to vector<256xi32>
    %broadcast_in_dim3A_216 = vector.shape_cast %reduce_min3A_215 : vector<256xi32> to vector<256x1xi32>
    %gt3A_217 = vector.broadcast %broadcast_in_dim3A_208 : vector<256x1xf32> to vector<256x1024xf32>
    %gt3A_218 = arith.cmpf ogt, %sub3A_139, %gt3A_217 : vector<256x1024xf32>
    %eq3A_219 = vector.broadcast %broadcast_in_dim3A_208 : vector<256x1xf32> to vector<256x1024xf32>
    %eq3A_220 = arith.cmpf oeq, %sub3A_139, %eq3A_219 : vector<256x1024xf32>
    %gt3A_221 = vector.broadcast %broadcast_in_dim3A_216 : vector<256x1xi32> to vector<256x1024xi32>
    %gt3A_222 = arith.cmpi sgt, %iota3A, %gt3A_221 : vector<256x1024xi32>
    %and3A_223 = arith.andi %eq3A_220, %gt3A_222 : vector<256x1024xi1>
    %or3A_224 = arith.ori %gt3A_218, %and3A_223 : vector<256x1024xi1>
    %jit3A_225 = arith.constant 0x7F800000 : f32
    %broadcast_in_dim3A_226 = vector.broadcast %jit3A_225 : f32 to vector<256x1024xf32>
    %select_n3A_227 = arith.select %or3A_224, %sub3A_139, %broadcast_in_dim3A_226 : vector<256x1024xi1>, vector<256x1024xf32>
    %reduce_min3A_228 = arith.constant dense<0x7F800000> : vector<256xf32>
    %reduce_min3A_229 = vector.multi_reduction <minimumf>, %select_n3A_227, %reduce_min3A_228 [1] : vector<256x1024xf32> to vector<256xf32>
    %broadcast_in_dim3A_230 = vector.shape_cast %reduce_min3A_229 : vector<256xf32> to vector<256x1xf32>
    %eq3A_231 = vector.broadcast %broadcast_in_dim3A_230 : vector<256x1xf32> to vector<256x1024xf32>
    %eq3A_232 = arith.cmpf oeq, %select_n3A_227, %eq3A_231 : vector<256x1024xf32>
    %jit3A_233 = arith.constant 1073741824 : i32
    %broadcast_in_dim3A_234 = vector.broadcast %jit3A_233 : i32 to vector<256x1024xi32>
    %select_n3A_235 = arith.select %eq3A_232, %iota3A, %broadcast_in_dim3A_234 : vector<256x1024xi1>, vector<256x1024xi32>
    %reduce_min3A_236 = arith.constant dense<2147483647> : vector<256xi32>
    %reduce_min3A_237 = vector.multi_reduction <minsi>, %select_n3A_235, %reduce_min3A_236 [1] : vector<256x1024xi32> to vector<256xi32>
    %broadcast_in_dim3A_238 = vector.shape_cast %reduce_min3A_237 : vector<256xi32> to vector<256x1xi32>
    %mul3A_239 = arith.constant 4096 : i32
    %mul3A_240 = arith.muli %arg0, %mul3A_239 : i32
    %add3A_241 = arith.constant 1024 : i32
    %add3A_242 = arith.addi %mul3A_240, %add3A_241 : i32
    %add3A_243 = vector.broadcast %add3A_242 : i32 to vector<256x1xi32>
    %add3A_244 = arith.addi %broadcast_in_dim3A_150, %add3A_243 : vector<256x1xi32>
    %mul3A_245 = arith.constant 4096 : i32
    %mul3A_246 = arith.muli %arg0, %mul3A_245 : i32
    %add3A_247 = arith.constant 1024 : i32
    %add3A_248 = arith.addi %mul3A_246, %add3A_247 : i32
    %add3A_249 = vector.broadcast %add3A_248 : i32 to vector<256x1xi32>
    %add3A_250 = arith.addi %broadcast_in_dim3A_172, %add3A_249 : vector<256x1xi32>
    %mul3A_251 = arith.constant 4096 : i32
    %mul3A_252 = arith.muli %arg0, %mul3A_251 : i32
    %add3A_253 = arith.constant 1024 : i32
    %add3A_254 = arith.addi %mul3A_252, %add3A_253 : i32
    %add3A_255 = vector.broadcast %add3A_254 : i32 to vector<256x1xi32>
    %add3A_256 = arith.addi %broadcast_in_dim3A_194, %add3A_255 : vector<256x1xi32>
    %mul3A_257 = arith.constant 4096 : i32
    %mul3A_258 = arith.muli %arg0, %mul3A_257 : i32
    %add3A_259 = arith.constant 1024 : i32
    %add3A_260 = arith.addi %mul3A_258, %add3A_259 : i32
    %add3A_261 = vector.broadcast %add3A_260 : i32 to vector<256x1xi32>
    %add3A_262 = arith.addi %broadcast_in_dim3A_216, %add3A_261 : vector<256x1xi32>
    %mul3A_263 = arith.constant 4096 : i32
    %mul3A_264 = arith.muli %arg0, %mul3A_263 : i32
    %add3A_265 = arith.constant 1024 : i32
    %add3A_266 = arith.addi %mul3A_264, %add3A_265 : i32
    %add3A_267 = vector.broadcast %add3A_266 : i32 to vector<256x1xi32>
    %add3A_268 = arith.addi %broadcast_in_dim3A_238, %add3A_267 : vector<256x1xi32>
    %get3A_269 = arith.constant 2048 : index
    %get3A_270 = arith.constant 0 : index
    %get3A_271 = vector.load %arg2[%get3A_269, %get3A_270] : memref<4096x768xbf16, #tpu.memory_space<vmem>>, vector<1024x768xbf16>
    %dot_general3A_272 = arith.constant dense<0.000000e+00> : vector<256x1024xf32>
    %dot_general3A_273 = tpu.matmul %get3A_1, %get3A_271, %dot_general3A_272 {dimension_numbers = #tpu.dot_dimension_numbers<[1], [1], [0], [0], [0, 0, 1, 0], [], []>, transpose_lhs_hint = false} : vector<256x768xbf16>, vector<1024x768xbf16>, vector<256x1024xf32> -> vector<256x1024xf32>
    %swap3A_274 = arith.constant 0 : index
    %swap3A_275 = arith.constant 2048 : index
    %swap3A_276 = vector.load %arg3[%swap3A_274, %swap3A_275] : memref<256x4096xf32, #tpu.memory_space<vmem>>, vector<256x1024xf32>
    tpu.vector_store %arg3[%swap3A_274, %swap3A_275], %dot_general3A_273 {strides = array<i32>} : memref<256x4096xf32, #tpu.memory_space<vmem>>, vector<256x1024xf32>,
    %sub3A_277 = arith.constant 1.000000e+00 : f32
    %sub3A_278 = vector.broadcast %sub3A_277 : f32 to vector<256x1024xf32>
    %sub3A_279 = arith.subf %sub3A_278, %dot_general3A_273 : vector<256x1024xf32>
    %reduce_min3A_280 = arith.constant dense<0x7F800000> : vector<256xf32>
    %reduce_min3A_281 = vector.multi_reduction <minimumf>, %sub3A_279, %reduce_min3A_280 [1] : vector<256x1024xf32> to vector<256xf32>
    %broadcast_in_dim3A_282 = vector.shape_cast %reduce_min3A_281 : vector<256xf32> to vector<256x1xf32>
    %eq3A_283 = vector.broadcast %broadcast_in_dim3A_282 : vector<256x1xf32> to vector<256x1024xf32>
    %eq3A_284 = arith.cmpf oeq, %sub3A_279, %eq3A_283 : vector<256x1024xf32>
    %jit3A_285 = arith.constant 1073741824 : i32
    %broadcast_in_dim3A_286 = vector.broadcast %jit3A_285 : i32 to vector<256x1024xi32>
    %select_n3A_287 = arith.select %eq3A_284, %iota3A, %broadcast_in_dim3A_286 : vector<256x1024xi1>, vector<256x1024xi32>
    %reduce_min3A_288 = arith.constant dense<2147483647> : vector<256xi32>
    %reduce_min3A_289 = vector.multi_reduction <minsi>, %select_n3A_287, %reduce_min3A_288 [1] : vector<256x1024xi32> to vector<256xi32>
    %broadcast_in_dim3A_290 = vector.shape_cast %reduce_min3A_289 : vector<256xi32> to vector<256x1xi32>
    %gt3A_291 = vector.broadcast %broadcast_in_dim3A_282 : vector<256x1xf32> to vector<256x1024xf32>
    %gt3A_292 = arith.cmpf ogt, %sub3A_279, %gt3A_291 : vector<256x1024xf32>
    %eq3A_293 = vector.broadcast %broadcast_in_dim3A_282 : vector<256x1xf32> to vector<256x1024xf32>
    %eq3A_294 = arith.cmpf oeq, %sub3A_279, %eq3A_293 : vector<256x1024xf32>
    %gt3A_295 = vector.broadcast %broadcast_in_dim3A_290 : vector<256x1xi32> to vector<256x1024xi32>
    %gt3A_296 = arith.cmpi sgt, %iota3A, %gt3A_295 : vector<256x1024xi32>
    %and3A_297 = arith.andi %eq3A_294, %gt3A_296 : vector<256x1024xi1>
    %or3A_298 = arith.ori %gt3A_292, %and3A_297 : vector<256x1024xi1>
    %jit3A_299 = arith.constant 0x7F800000 : f32
    %broadcast_in_dim3A_300 = vector.broadcast %jit3A_299 : f32 to vector<256x1024xf32>
    %select_n3A_301 = arith.select %or3A_298, %sub3A_279, %broadcast_in_dim3A_300 : vector<256x1024xi1>, vector<256x1024xf32>
    %reduce_min3A_302 = arith.constant dense<0x7F800000> : vector<256xf32>
    %reduce_min3A_303 = vector.multi_reduction <minimumf>, %select_n3A_301, %reduce_min3A_302 [1] : vector<256x1024xf32> to vector<256xf32>
    %broadcast_in_dim3A_304 = vector.shape_cast %reduce_min3A_303 : vector<256xf32> to vector<256x1xf32>
    %eq3A_305 = vector.broadcast %broadcast_in_dim3A_304 : vector<256x1xf32> to vector<256x1024xf32>
    %eq3A_306 = arith.cmpf oeq, %select_n3A_301, %eq3A_305 : vector<256x1024xf32>
    %jit3A_307 = arith.constant 1073741824 : i32
    %broadcast_in_dim3A_308 = vector.broadcast %jit3A_307 : i32 to vector<256x1024xi32>
    %select_n3A_309 = arith.select %eq3A_306, %iota3A, %broadcast_in_dim3A_308 : vector<256x1024xi1>, vector<256x1024xi32>
    %reduce_min3A_310 = arith.constant dense<2147483647> : vector<256xi32>
    %reduce_min3A_311 = vector.multi_reduction <minsi>, %select_n3A_309, %reduce_min3A_310 [1] : vector<256x1024xi32> to vector<256xi32>
    %broadcast_in_dim3A_312 = vector.shape_cast %reduce_min3A_311 : vector<256xi32> to vector<256x1xi32>
    %gt3A_313 = vector.broadcast %broadcast_in_dim3A_304 : vector<256x1xf32> to vector<256x1024xf32>
    %gt3A_314 = arith.cmpf ogt, %sub3A_279, %gt3A_313 : vector<256x1024xf32>
    %eq3A_315 = vector.broadcast %broadcast_in_dim3A_304 : vector<256x1xf32> to vector<256x1024xf32>
    %eq3A_316 = arith.cmpf oeq, %sub3A_279, %eq3A_315 : vector<256x1024xf32>
    %gt3A_317 = vector.broadcast %broadcast_in_dim3A_312 : vector<256x1xi32> to vector<256x1024xi32>
    %gt3A_318 = arith.cmpi sgt, %iota3A, %gt3A_317 : vector<256x1024xi32>
    %and3A_319 = arith.andi %eq3A_316, %gt3A_318 : vector<256x1024xi1>
    %or3A_320 = arith.ori %gt3A_314, %and3A_319 : vector<256x1024xi1>
    %jit3A_321 = arith.constant 0x7F800000 : f32
    %broadcast_in_dim3A_322 = vector.broadcast %jit3A_321 : f32 to vector<256x1024xf32>
    %select_n3A_323 = arith.select %or3A_320, %sub3A_279, %broadcast_in_dim3A_322 : vector<256x1024xi1>, vector<256x1024xf32>
    %reduce_min3A_324 = arith.constant dense<0x7F800000> : vector<256xf32>
    %reduce_min3A_325 = vector.multi_reduction <minimumf>, %select_n3A_323, %reduce_min3A_324 [1] : vector<256x1024xf32> to vector<256xf32>
    %broadcast_in_dim3A_326 = vector.shape_cast %reduce_min3A_325 : vector<256xf32> to vector<256x1xf32>
    %eq3A_327 = vector.broadcast %broadcast_in_dim3A_326 : vector<256x1xf32> to vector<256x1024xf32>
    %eq3A_328 = arith.cmpf oeq, %select_n3A_323, %eq3A_327 : vector<256x1024xf32>
    %jit3A_329 = arith.constant 1073741824 : i32
    %broadcast_in_dim3A_330 = vector.broadcast %jit3A_329 : i32 to vector<256x1024xi32>
    %select_n3A_331 = arith.select %eq3A_328, %iota3A, %broadcast_in_dim3A_330 : vector<256x1024xi1>, vector<256x1024xi32>
    %reduce_min3A_332 = arith.constant dense<2147483647> : vector<256xi32>
    %reduce_min3A_333 = vector.multi_reduction <minsi>, %select_n3A_331, %reduce_min3A_332 [1] : vector<256x1024xi32> to vector<256xi32>
    %broadcast_in_dim3A_334 = vector.shape_cast %reduce_min3A_333 : vector<256xi32> to vector<256x1xi32>
    %gt3A_335 = vector.broadcast %broadcast_in_dim3A_326 : vector<256x1xf32> to vector<256x1024xf32>
    %gt3A_336 = arith.cmpf ogt, %sub3A_279, %gt3A_335 : vector<256x1024xf32>
    %eq3A_337 = vector.broadcast %broadcast_in_dim3A_326 : vector<256x1xf32> to vector<256x1024xf32>
    %eq3A_338 = arith.cmpf oeq, %sub3A_279, %eq3A_337 : vector<256x1024xf32>
    %gt3A_339 = vector.broadcast %broadcast_in_dim3A_334 : vector<256x1xi32> to vector<256x1024xi32>
    %gt3A_340 = arith.cmpi sgt, %iota3A, %gt3A_339 : vector<256x1024xi32>
    %and3A_341 = arith.andi %eq3A_338, %gt3A_340 : vector<256x1024xi1>
    %or3A_342 = arith.ori %gt3A_336, %and3A_341 : vector<256x1024xi1>
    %jit3A_343 = arith.constant 0x7F800000 : f32
    %broadcast_in_dim3A_344 = vector.broadcast %jit3A_343 : f32 to vector<256x1024xf32>
    %select_n3A_345 = arith.select %or3A_342, %sub3A_279, %broadcast_in_dim3A_344 : vector<256x1024xi1>, vector<256x1024xf32>
    %reduce_min3A_346 = arith.constant dense<0x7F800000> : vector<256xf32>
    %reduce_min3A_347 = vector.multi_reduction <minimumf>, %select_n3A_345, %reduce_min3A_346 [1] : vector<256x1024xf32> to vector<256xf32>
    %broadcast_in_dim3A_348 = vector.shape_cast %reduce_min3A_347 : vector<256xf32> to vector<256x1xf32>
    %eq3A_349 = vector.broadcast %broadcast_in_dim3A_348 : vector<256x1xf32> to vector<256x1024xf32>
    %eq3A_350 = arith.cmpf oeq, %select_n3A_345, %eq3A_349 : vector<256x1024xf32>
    %jit3A_351 = arith.constant 1073741824 : i32
    %broadcast_in_dim3A_352 = vector.broadcast %jit3A_351 : i32 to vector<256x1024xi32>
    %select_n3A_353 = arith.select %eq3A_350, %iota3A, %broadcast_in_dim3A_352 : vector<256x1024xi1>, vector<256x1024xi32>
    %reduce_min3A_354 = arith.constant dense<2147483647> : vector<256xi32>
    %reduce_min3A_355 = vector.multi_reduction <minsi>, %select_n3A_353, %reduce_min3A_354 [1] : vector<256x1024xi32> to vector<256xi32>
    %broadcast_in_dim3A_356 = vector.shape_cast %reduce_min3A_355 : vector<256xi32> to vector<256x1xi32>
    %gt3A_357 = vector.broadcast %broadcast_in_dim3A_348 : vector<256x1xf32> to vector<256x1024xf32>
    %gt3A_358 = arith.cmpf ogt, %sub3A_279, %gt3A_357 : vector<256x1024xf32>
    %eq3A_359 = vector.broadcast %broadcast_in_dim3A_348 : vector<256x1xf32> to vector<256x1024xf32>
    %eq3A_360 = arith.cmpf oeq, %sub3A_279, %eq3A_359 : vector<256x1024xf32>
    %gt3A_361 = vector.broadcast %broadcast_in_dim3A_356 : vector<256x1xi32> to vector<256x1024xi32>
    %gt3A_362 = arith.cmpi sgt, %iota3A, %gt3A_361 : vector<256x1024xi32>
    %and3A_363 = arith.andi %eq3A_360, %gt3A_362 : vector<256x1024xi1>
    %or3A_364 = arith.ori %gt3A_358, %and3A_363 : vector<256x1024xi1>
    %jit3A_365 = arith.constant 0x7F800000 : f32
    %broadcast_in_dim3A_366 = vector.broadcast %jit3A_365 : f32 to vector<256x1024xf32>
    %select_n3A_367 = arith.select %or3A_364, %sub3A_279, %broadcast_in_dim3A_366 : vector<256x1024xi1>, vector<256x1024xf32>
    %reduce_min3A_368 = arith.constant dense<0x7F800000> : vector<256xf32>
    %reduce_min3A_369 = vector.multi_reduction <minimumf>, %select_n3A_367, %reduce_min3A_368 [1] : vector<256x1024xf32> to vector<256xf32>
    %broadcast_in_dim3A_370 = vector.shape_cast %reduce_min3A_369 : vector<256xf32> to vector<256x1xf32>
    %eq3A_371 = vector.broadcast %broadcast_in_dim3A_370 : vector<256x1xf32> to vector<256x1024xf32>
    %eq3A_372 = arith.cmpf oeq, %select_n3A_367, %eq3A_371 : vector<256x1024xf32>
    %jit3A_373 = arith.constant 1073741824 : i32
    %broadcast_in_dim3A_374 = vector.broadcast %jit3A_373 : i32 to vector<256x1024xi32>
    %select_n3A_375 = arith.select %eq3A_372, %iota3A, %broadcast_in_dim3A_374 : vector<256x1024xi1>, vector<256x1024xi32>
    %reduce_min3A_376 = arith.constant dense<2147483647> : vector<256xi32>
    %reduce_min3A_377 = vector.multi_reduction <minsi>, %select_n3A_375, %reduce_min3A_376 [1] : vector<256x1024xi32> to vector<256xi32>
    %broadcast_in_dim3A_378 = vector.shape_cast %reduce_min3A_377 : vector<256xi32> to vector<256x1xi32>
    %mul3A_379 = arith.constant 4096 : i32
    %mul3A_380 = arith.muli %arg0, %mul3A_379 : i32
    %add3A_381 = arith.constant 2048 : i32
    %add3A_382 = arith.addi %mul3A_380, %add3A_381 : i32
    %add3A_383 = vector.broadcast %add3A_382 : i32 to vector<256x1xi32>
    %add3A_384 = arith.addi %broadcast_in_dim3A_290, %add3A_383 : vector<256x1xi32>
    %mul3A_385 = arith.constant 4096 : i32
    %mul3A_386 = arith.muli %arg0, %mul3A_385 : i32
    %add3A_387 = arith.constant 2048 : i32
    %add3A_388 = arith.addi %mul3A_386, %add3A_387 : i32
    %add3A_389 = vector.broadcast %add3A_388 : i32 to vector<256x1xi32>
    %add3A_390 = arith.addi %broadcast_in_dim3A_312, %add3A_389 : vector<256x1xi32>
    %mul3A_391 = arith.constant 4096 : i32
    %mul3A_392 = arith.muli %arg0, %mul3A_391 : i32
    %add3A_393 = arith.constant 2048 : i32
    %add3A_394 = arith.addi %mul3A_392, %add3A_393 : i32
    %add3A_395 = vector.broadcast %add3A_394 : i32 to vector<256x1xi32>
    %add3A_396 = arith.addi %broadcast_in_dim3A_334, %add3A_395 : vector<256x1xi32>
    %mul3A_397 = arith.constant 4096 : i32
    %mul3A_398 = arith.muli %arg0, %mul3A_397 : i32
    %add3A_399 = arith.constant 2048 : i32
    %add3A_400 = arith.addi %mul3A_398, %add3A_399 : i32
    %add3A_401 = vector.broadcast %add3A_400 : i32 to vector<256x1xi32>
    %add3A_402 = arith.addi %broadcast_in_dim3A_356, %add3A_401 : vector<256x1xi32>
    %mul3A_403 = arith.constant 4096 : i32
    %mul3A_404 = arith.muli %arg0, %mul3A_403 : i32
    %add3A_405 = arith.constant 2048 : i32
    %add3A_406 = arith.addi %mul3A_404, %add3A_405 : i32
    %add3A_407 = vector.broadcast %add3A_406 : i32 to vector<256x1xi32>
    %add3A_408 = arith.addi %broadcast_in_dim3A_378, %add3A_407 : vector<256x1xi32>
    %get3A_409 = arith.constant 3072 : index
    %get3A_410 = arith.constant 0 : index
    %get3A_411 = vector.load %arg2[%get3A_409, %get3A_410] : memref<4096x768xbf16, #tpu.memory_space<vmem>>, vector<1024x768xbf16>
    %dot_general3A_412 = arith.constant dense<0.000000e+00> : vector<256x1024xf32>
    %dot_general3A_413 = tpu.matmul %get3A_1, %get3A_411, %dot_general3A_412 {dimension_numbers = #tpu.dot_dimension_numbers<[1], [1], [0], [0], [0, 0, 1, 0], [], []>, transpose_lhs_hint = false} : vector<256x768xbf16>, vector<1024x768xbf16>, vector<256x1024xf32> -> vector<256x1024xf32>
    %swap3A_414 = arith.constant 0 : index
    %swap3A_415 = arith.constant 3072 : index
    %swap3A_416 = vector.load %arg3[%swap3A_414, %swap3A_415] : memref<256x4096xf32, #tpu.memory_space<vmem>>, vector<256x1024xf32>
    tpu.vector_store %arg3[%swap3A_414, %swap3A_415], %dot_general3A_413 {strides = array<i32>} : memref<256x4096xf32, #tpu.memory_space<vmem>>, vector<256x1024xf32>,
    %sub3A_417 = arith.constant 1.000000e+00 : f32
    %sub3A_418 = vector.broadcast %sub3A_417 : f32 to vector<256x1024xf32>
    %sub3A_419 = arith.subf %sub3A_418, %dot_general3A_413 : vector<256x1024xf32>
    %reduce_min3A_420 = arith.constant dense<0x7F800000> : vector<256xf32>
    %reduce_min3A_421 = vector.multi_reduction <minimumf>, %sub3A_419, %reduce_min3A_420 [1] : vector<256x1024xf32> to vector<256xf32>
    %broadcast_in_dim3A_422 = vector.shape_cast %reduce_min3A_421 : vector<256xf32> to vector<256x1xf32>
    %eq3A_423 = vector.broadcast %broadcast_in_dim3A_422 : vector<256x1xf32> to vector<256x1024xf32>
    %eq3A_424 = arith.cmpf oeq, %sub3A_419, %eq3A_423 : vector<256x1024xf32>
    %jit3A_425 = arith.constant 1073741824 : i32
    %broadcast_in_dim3A_426 = vector.broadcast %jit3A_425 : i32 to vector<256x1024xi32>
    %select_n3A_427 = arith.select %eq3A_424, %iota3A, %broadcast_in_dim3A_426 : vector<256x1024xi1>, vector<256x1024xi32>
    %reduce_min3A_428 = arith.constant dense<2147483647> : vector<256xi32>
    %reduce_min3A_429 = vector.multi_reduction <minsi>, %select_n3A_427, %reduce_min3A_428 [1] : vector<256x1024xi32> to vector<256xi32>
    %broadcast_in_dim3A_430 = vector.shape_cast %reduce_min3A_429 : vector<256xi32> to vector<256x1xi32>
    %gt3A_431 = vector.broadcast %broadcast_in_dim3A_422 : vector<256x1xf32> to vector<256x1024xf32>
    %gt3A_432 = arith.cmpf ogt, %sub3A_419, %gt3A_431 : vector<256x1024xf32>
    %eq3A_433 = vector.broadcast %broadcast_in_dim3A_422 : vector<256x1xf32> to vector<256x1024xf32>
    %eq3A_434 = arith.cmpf oeq, %sub3A_419, %eq3A_433 : vector<256x1024xf32>
    %gt3A_435 = vector.broadcast %broadcast_in_dim3A_430 : vector<256x1xi32> to vector<256x1024xi32>
    %gt3A_436 = arith.cmpi sgt, %iota3A, %gt3A_435 : vector<256x1024xi32>
    %and3A_437 = arith.andi %eq3A_434, %gt3A_436 : vector<256x1024xi1>
    %or3A_438 = arith.ori %gt3A_432, %and3A_437 : vector<256x1024xi1>
    %jit3A_439 = arith.constant 0x7F800000 : f32
    %broadcast_in_dim3A_440 = vector.broadcast %jit3A_439 : f32 to vector<256x1024xf32>
    %select_n3A_441 = arith.select %or3A_438, %sub3A_419, %broadcast_in_dim3A_440 : vector<256x1024xi1>, vector<256x1024xf32>
    %reduce_min3A_442 = arith.constant dense<0x7F800000> : vector<256xf32>
    %reduce_min3A_443 = vector.multi_reduction <minimumf>, %select_n3A_441, %reduce_min3A_442 [1] : vector<256x1024xf32> to vector<256xf32>
    %broadcast_in_dim3A_444 = vector.shape_cast %reduce_min3A_443 : vector<256xf32> to vector<256x1xf32>
    %eq3A_445 = vector.broadcast %broadcast_in_dim3A_444 : vector<256x1xf32> to vector<256x1024xf32>
    %eq3A_446 = arith.cmpf oeq, %select_n3A_441, %eq3A_445 : vector<256x1024xf32>
    %jit3A_447 = arith.constant 1073741824 : i32
    %broadcast_in_dim3A_448 = vector.broadcast %jit3A_447 : i32 to vector<256x1024xi32>
    %select_n3A_449 = arith.select %eq3A_446, %iota3A, %broadcast_in_dim3A_448 : vector<256x1024xi1>, vector<256x1024xi32>
    %reduce_min3A_450 = arith.constant dense<2147483647> : vector<256xi32>
    %reduce_min3A_451 = vector.multi_reduction <minsi>, %select_n3A_449, %reduce_min3A_450 [1] : vector<256x1024xi32> to vector<256xi32>
    %broadcast_in_dim3A_452 = vector.shape_cast %reduce_min3A_451 : vector<256xi32> to vector<256x1xi32>
    %gt3A_453 = vector.broadcast %broadcast_in_dim3A_444 : vector<256x1xf32> to vector<256x1024xf32>
    %gt3A_454 = arith.cmpf ogt, %sub3A_419, %gt3A_453 : vector<256x1024xf32>
    %eq3A_455 = vector.broadcast %broadcast_in_dim3A_444 : vector<256x1xf32> to vector<256x1024xf32>
    %eq3A_456 = arith.cmpf oeq, %sub3A_419, %eq3A_455 : vector<256x1024xf32>
    %gt3A_457 = vector.broadcast %broadcast_in_dim3A_452 : vector<256x1xi32> to vector<256x1024xi32>
    %gt3A_458 = arith.cmpi sgt, %iota3A, %gt3A_457 : vector<256x1024xi32>
    %and3A_459 = arith.andi %eq3A_456, %gt3A_458 : vector<256x1024xi1>
    %or3A_460 = arith.ori %gt3A_454, %and3A_459 : vector<256x1024xi1>
    %jit3A_461 = arith.constant 0x7F800000 : f32
    %broadcast_in_dim3A_462 = vector.broadcast %jit3A_461 : f32 to vector<256x1024xf32>
    %select_n3A_463 = arith.select %or3A_460, %sub3A_419, %broadcast_in_dim3A_462 : vector<256x1024xi1>, vector<256x1024xf32>
    %reduce_min3A_464 = arith.constant dense<0x7F800000> : vector<256xf32>
    %reduce_min3A_465 = vector.multi_reduction <minimumf>, %select_n3A_463, %reduce_min3A_464 [1] : vector<256x1024xf32> to vector<256xf32>
    %broadcast_in_dim3A_466 = vector.shape_cast %reduce_min3A_465 : vector<256xf32> to vector<256x1xf32>
    %eq3A_467 = vector.broadcast %broadcast_in_dim3A_466 : vector<256x1xf32> to vector<256x1024xf32>
    %eq3A_468 = arith.cmpf oeq, %select_n3A_463, %eq3A_467 : vector<256x1024xf32>
    %jit3A_469 = arith.constant 1073741824 : i32
    %broadcast_in_dim3A_470 = vector.broadcast %jit3A_469 : i32 to vector<256x1024xi32>
    %select_n3A_471 = arith.select %eq3A_468, %iota3A, %broadcast_in_dim3A_470 : vector<256x1024xi1>, vector<256x1024xi32>
    %reduce_min3A_472 = arith.constant dense<2147483647> : vector<256xi32>
    %reduce_min3A_473 = vector.multi_reduction <minsi>, %select_n3A_471, %reduce_min3A_472 [1] : vector<256x1024xi32> to vector<256xi32>
    %broadcast_in_dim3A_474 = vector.shape_cast %reduce_min3A_473 : vector<256xi32> to vector<256x1xi32>
    %gt3A_475 = vector.broadcast %broadcast_in_dim3A_466 : vector<256x1xf32> to vector<256x1024xf32>
    %gt3A_476 = arith.cmpf ogt, %sub3A_419, %gt3A_475 : vector<256x1024xf32>
    %eq3A_477 = vector.broadcast %broadcast_in_dim3A_466 : vector<256x1xf32> to vector<256x1024xf32>
    %eq3A_478 = arith.cmpf oeq, %sub3A_419, %eq3A_477 : vector<256x1024xf32>
    %gt3A_479 = vector.broadcast %broadcast_in_dim3A_474 : vector<256x1xi32> to vector<256x1024xi32>
    %gt3A_480 = arith.cmpi sgt, %iota3A, %gt3A_479 : vector<256x1024xi32>
    %and3A_481 = arith.andi %eq3A_478, %gt3A_480 : vector<256x1024xi1>
    %or3A_482 = arith.ori %gt3A_476, %and3A_481 : vector<256x1024xi1>
    %jit3A_483 = arith.constant 0x7F800000 : f32
    %broadcast_in_dim3A_484 = vector.broadcast %jit3A_483 : f32 to vector<256x1024xf32>
    %select_n3A_485 = arith.select %or3A_482, %sub3A_419, %broadcast_in_dim3A_484 : vector<256x1024xi1>, vector<256x1024xf32>
    %reduce_min3A_486 = arith.constant dense<0x7F800000> : vector<256xf32>
    %reduce_min3A_487 = vector.multi_reduction <minimumf>, %select_n3A_485, %reduce_min3A_486 [1] : vector<256x1024xf32> to vector<256xf32>
    %broadcast_in_dim3A_488 = vector.shape_cast %reduce_min3A_487 : vector<256xf32> to vector<256x1xf32>
    %eq3A_489 = vector.broadcast %broadcast_in_dim3A_488 : vector<256x1xf32> to vector<256x1024xf32>
    %eq3A_490 = arith.cmpf oeq, %select_n3A_485, %eq3A_489 : vector<256x1024xf32>
    %jit3A_491 = arith.constant 1073741824 : i32
    %broadcast_in_dim3A_492 = vector.broadcast %jit3A_491 : i32 to vector<256x1024xi32>
    %select_n3A_493 = arith.select %eq3A_490, %iota3A, %broadcast_in_dim3A_492 : vector<256x1024xi1>, vector<256x1024xi32>
    %reduce_min3A_494 = arith.constant dense<2147483647> : vector<256xi32>
    %reduce_min3A_495 = vector.multi_reduction <minsi>, %select_n3A_493, %reduce_min3A_494 [1] : vector<256x1024xi32> to vector<256xi32>
    %broadcast_in_dim3A_496 = vector.shape_cast %reduce_min3A_495 : vector<256xi32> to vector<256x1xi32>
    %gt3A_497 = vector.broadcast %broadcast_in_dim3A_488 : vector<256x1xf32> to vector<256x1024xf32>
    %gt3A_498 = arith.cmpf ogt, %sub3A_419, %gt3A_497 : vector<256x1024xf32>
    %eq3A_499 = vector.broadcast %broadcast_in_dim3A_488 : vector<256x1xf32> to vector<256x1024xf32>
    %eq3A_500 = arith.cmpf oeq, %sub3A_419, %eq3A_499 : vector<256x1024xf32>
    %gt3A_501 = vector.broadcast %broadcast_in_dim3A_496 : vector<256x1xi32> to vector<256x1024xi32>
    %gt3A_502 = arith.cmpi sgt, %iota3A, %gt3A_501 : vector<256x1024xi32>
    %and3A_503 = arith.andi %eq3A_500, %gt3A_502 : vector<256x1024xi1>
    %or3A_504 = arith.ori %gt3A_498, %and3A_503 : vector<256x1024xi1>
    %jit3A_505 = arith.constant 0x7F800000 : f32
    %broadcast_in_dim3A_506 = vector.broadcast %jit3A_505 : f32 to vector<256x1024xf32>
    %select_n3A_507 = arith.select %or3A_504, %sub3A_419, %broadcast_in_dim3A_506 : vector<256x1024xi1>, vector<256x1024xf32>
    %reduce_min3A_508 = arith.constant dense<0x7F800000> : vector<256xf32>
    %reduce_min3A_509 = vector.multi_reduction <minimumf>, %select_n3A_507, %reduce_min3A_508 [1] : vector<256x1024xf32> to vector<256xf32>
    %broadcast_in_dim3A_510 = vector.shape_cast %reduce_min3A_509 : vector<256xf32> to vector<256x1xf32>
    %eq3A_511 = vector.broadcast %broadcast_in_dim3A_510 : vector<256x1xf32> to vector<256x1024xf32>
    %eq3A_512 = arith.cmpf oeq, %select_n3A_507, %eq3A_511 : vector<256x1024xf32>
    %jit3A_513 = arith.constant 1073741824 : i32
    %broadcast_in_dim3A_514 = vector.broadcast %jit3A_513 : i32 to vector<256x1024xi32>
    %select_n3A_515 = arith.select %eq3A_512, %iota3A, %broadcast_in_dim3A_514 : vector<256x1024xi1>, vector<256x1024xi32>
    %reduce_min3A_516 = arith.constant dense<2147483647> : vector<256xi32>
    %reduce_min3A_517 = vector.multi_reduction <minsi>, %select_n3A_515, %reduce_min3A_516 [1] : vector<256x1024xi32> to vector<256xi32>
    %broadcast_in_dim3A_518 = vector.shape_cast %reduce_min3A_517 : vector<256xi32> to vector<256x1xi32>
    %mul3A_519 = arith.constant 4096 : i32
    %mul3A_520 = arith.muli %arg0, %mul3A_519 : i32
    %add3A_521 = arith.constant 3072 : i32
    %add3A_522 = arith.addi %mul3A_520, %add3A_521 : i32
    %add3A_523 = vector.broadcast %add3A_522 : i32 to vector<256x1xi32>
    %add3A_524 = arith.addi %broadcast_in_dim3A_430, %add3A_523 : vector<256x1xi32>
    %mul3A_525 = arith.constant 4096 : i32
    %mul3A_526 = arith.muli %arg0, %mul3A_525 : i32
    %add3A_527 = arith.constant 3072 : i32
    %add3A_528 = arith.addi %mul3A_526, %add3A_527 : i32
    %add3A_529 = vector.broadcast %add3A_528 : i32 to vector<256x1xi32>
    %add3A_530 = arith.addi %broadcast_in_dim3A_452, %add3A_529 : vector<256x1xi32>
    %mul3A_531 = arith.constant 4096 : i32
    %mul3A_532 = arith.muli %arg0, %mul3A_531 : i32
    %add3A_533 = arith.constant 3072 : i32
    %add3A_534 = arith.addi %mul3A_532, %add3A_533 : i32
    %add3A_535 = vector.broadcast %add3A_534 : i32 to vector<256x1xi32>
    %add3A_536 = arith.addi %broadcast_in_dim3A_474, %add3A_535 : vector<256x1xi32>
    %mul3A_537 = arith.constant 4096 : i32
    %mul3A_538 = arith.muli %arg0, %mul3A_537 : i32
    %add3A_539 = arith.constant 3072 : i32
    %add3A_540 = arith.addi %mul3A_538, %add3A_539 : i32
    %add3A_541 = vector.broadcast %add3A_540 : i32 to vector<256x1xi32>
    %add3A_542 = arith.addi %broadcast_in_dim3A_496, %add3A_541 : vector<256x1xi32>
    %mul3A_543 = arith.constant 4096 : i32
    %mul3A_544 = arith.muli %arg0, %mul3A_543 : i32
    %add3A_545 = arith.constant 3072 : i32
    %add3A_546 = arith.addi %mul3A_544, %add3A_545 : i32
    %add3A_547 = vector.broadcast %add3A_546 : i32 to vector<256x1xi32>
    %add3A_548 = arith.addi %broadcast_in_dim3A_518, %add3A_547 : vector<256x1xi32>
    %concatenate3A = tpu.concatenate %broadcast_in_dim3A, %broadcast_in_dim3A_26, %broadcast_in_dim3A_48, %broadcast_in_dim3A_70, %broadcast_in_dim3A_92, %broadcast_in_dim3A_142, %broadcast_in_dim3A_164, %broadcast_in_dim3A_186, %broadcast_in_dim3A_208, %broadcast_in_dim3A_230, %broadcast_in_dim3A_282, %broadcast_in_dim3A_304, %broadcast_in_dim3A_326, %broadcast_in_dim3A_348, %broadcast_in_dim3A_370, %broadcast_in_dim3A_422, %broadcast_in_dim3A_444, %broadcast_in_dim3A_466, %broadcast_in_dim3A_488, %broadcast_in_dim3A_510 in 1 : vector<256x1xf32>, vector<256x1xf32>, vector<256x1xf32>, vector<256x1xf32>, vector<256x1xf32>, vector<256x1xf32>, vector<256x1xf32>, vector<256x1xf32>, vector<256x1xf32>, vector<256x1xf32>, vector<256x1xf32>, vector<256x1xf32>, vector<256x1xf32>, vector<256x1xf32>, vector<256x1xf32>, vector<256x1xf32>, vector<256x1xf32>, vector<256x1xf32>, vector<256x1xf32>, vector<256x1xf32> -> vector<256x20xf32>
    %concatenate3A_549 = tpu.concatenate %add3A_104, %add3A_110, %add3A_116, %add3A_122, %add3A_128, %add3A_244, %add3A_250, %add3A_256, %add3A_262, %add3A_268, %add3A_384, %add3A_390, %add3A_396, %add3A_402, %add3A_408, %add3A_524, %add3A_530, %add3A_536, %add3A_542, %add3A_548 in 1 : vector<256x1xi32>, vector<256x1xi32>, vector<256x1xi32>, vector<256x1xi32>, vector<256x1xi32>, vector<256x1xi32>, vector<256x1xi32>, vector<256x1xi32>, vector<256x1xi32>, vector<256x1xi32>, vector<256x1xi32>, vector<256x1xi32>, vector<256x1xi32>, vector<256x1xi32>, vector<256x1xi32>, vector<256x1xi32>, vector<256x1xi32>, vector<256x1xi32>, vector<256x1xi32>, vector<256x1xi32> -> vector<256x20xi32>
    %eq3A_550 = arith.constant 0 : i32
    %eq3A_551 = arith.cmpi eq, %arg0, %eq3A_550 : i32
    %convert_element_type3A = arith.extui %eq3A_551 : i1 to i32
    %cond3A = arith.constant 0 : i32
    %cond3A_552 = arith.cmpi ne, %convert_element_type3A, %cond3A : i32
    scf.if %cond3A_552 {
      %swap3A_558 = arith.constant 0 : index
      %swap3A_559 = arith.constant 0 : index
      %swap3A_560 = vector.load %arg6[%swap3A_558, %swap3A_559] : memref<256x20xf32, #tpu.memory_space<vmem>>, vector<256x20xf32>
      tpu.vector_store %arg6[%swap3A_558, %swap3A_559], %concatenate3A {strides = array<i32>} : memref<256x20xf32, #tpu.memory_space<vmem>>, vector<256x20xf32>,
      %swap3A_561 = arith.constant 0 : index
      %swap3A_562 = arith.constant 0 : index
      %swap3A_563 = vector.load %arg7[%swap3A_561, %swap3A_562] : memref<256x20xi32, #tpu.memory_space<vmem>>, vector<256x20xi32>
      tpu.vector_store %arg7[%swap3A_561, %swap3A_562], %concatenate3A_549 {strides = array<i32>} : memref<256x20xi32, #tpu.memory_space<vmem>>, vector<256x20xi32>,
    } else {
    }
    %eq3A_553 = arith.constant 1 : i32
    %eq3A_554 = arith.cmpi eq, %arg0, %eq3A_553 : i32
    %convert_element_type3A_555 = arith.extui %eq3A_554 : i1 to i32
    %cond3A_556 = arith.constant 0 : i32
    %cond3A_557 = arith.cmpi ne, %convert_element_type3A_555, %cond3A_556 : i32
    scf.if %cond3A_557 {
      %get3A_558 = arith.constant 0 : index
      %get3A_559 = arith.constant 0 : index
      %get3A_560 = vector.load %arg6[%get3A_558, %get3A_559] : memref<256x20xf32, #tpu.memory_space<vmem>>, vector<256x20xf32>
      %concatenate3A_561 = tpu.concatenate %get3A_560, %concatenate3A in 1 : vector<256x20xf32>, vector<256x20xf32> -> vector<256x40xf32>
      %get3A_562 = arith.constant 0 : index
      %get3A_563 = arith.constant 0 : index
      %get3A_564 = vector.load %arg7[%get3A_562, %get3A_563] : memref<256x20xi32, #tpu.memory_space<vmem>>, vector<256x20xi32>
      %concatenate3A_565 = tpu.concatenate %get3A_564, %concatenate3A_549 in 1 : vector<256x20xi32>, vector<256x20xi32> -> vector<256x40xi32>
      %reduce_min3A_566 = arith.constant dense<0x7F800000> : vector<256xf32>
      %reduce_min3A_567 = vector.multi_reduction <minimumf>, %concatenate3A_561, %reduce_min3A_566 [1] : vector<256x40xf32> to vector<256xf32>
      %broadcast_in_dim3A_568 = vector.shape_cast %reduce_min3A_567 : vector<256xf32> to vector<256x1xf32>
      %eq3A_569 = vector.broadcast %broadcast_in_dim3A_568 : vector<256x1xf32> to vector<256x40xf32>
      %eq3A_570 = arith.cmpf oeq, %concatenate3A_561, %eq3A_569 : vector<256x40xf32>
      %jit3A_571 = arith.constant 1073741824 : i32
      %broadcast_in_dim3A_572 = vector.broadcast %jit3A_571 : i32 to vector<256x40xi32>
      %select_n3A_573 = arith.select %eq3A_570, %concatenate3A_565, %broadcast_in_dim3A_572 : vector<256x40xi1>, vector<256x40xi32>
      %reduce_min3A_574 = arith.constant dense<2147483647> : vector<256xi32>
      %reduce_min3A_575 = vector.multi_reduction <minsi>, %select_n3A_573, %reduce_min3A_574 [1] : vector<256x40xi32> to vector<256xi32>
      %broadcast_in_dim3A_576 = vector.shape_cast %reduce_min3A_575 : vector<256xi32> to vector<256x1xi32>
      %gt3A_577 = vector.broadcast %broadcast_in_dim3A_568 : vector<256x1xf32> to vector<256x40xf32>
      %gt3A_578 = arith.cmpf ogt, %concatenate3A_561, %gt3A_577 : vector<256x40xf32>
      %eq3A_579 = vector.broadcast %broadcast_in_dim3A_568 : vector<256x1xf32> to vector<256x40xf32>
      %eq3A_580 = arith.cmpf oeq, %concatenate3A_561, %eq3A_579 : vector<256x40xf32>
      %gt3A_581 = vector.broadcast %broadcast_in_dim3A_576 : vector<256x1xi32> to vector<256x40xi32>
      %gt3A_582 = arith.cmpi sgt, %concatenate3A_565, %gt3A_581 : vector<256x40xi32>
      %and3A_583 = arith.andi %eq3A_580, %gt3A_582 : vector<256x40xi1>
      %or3A_584 = arith.ori %gt3A_578, %and3A_583 : vector<256x40xi1>
      %jit3A_585 = arith.constant 0x7F800000 : f32
      %broadcast_in_dim3A_586 = vector.broadcast %jit3A_585 : f32 to vector<256x40xf32>
      %select_n3A_587 = arith.select %or3A_584, %concatenate3A_561, %broadcast_in_dim3A_586 : vector<256x40xi1>, vector<256x40xf32>
      %reduce_min3A_588 = arith.constant dense<0x7F800000> : vector<256xf32>
      %reduce_min3A_589 = vector.multi_reduction <minimumf>, %select_n3A_587, %reduce_min3A_588 [1] : vector<256x40xf32> to vector<256xf32>
      %broadcast_in_dim3A_590 = vector.shape_cast %reduce_min3A_589 : vector<256xf32> to vector<256x1xf32>
      %eq3A_591 = vector.broadcast %broadcast_in_dim3A_590 : vector<256x1xf32> to vector<256x40xf32>
      %eq3A_592 = arith.cmpf oeq, %select_n3A_587, %eq3A_591 : vector<256x40xf32>
      %jit3A_593 = arith.constant 1073741824 : i32
      %broadcast_in_dim3A_594 = vector.broadcast %jit3A_593 : i32 to vector<256x40xi32>
      %select_n3A_595 = arith.select %eq3A_592, %concatenate3A_565, %broadcast_in_dim3A_594 : vector<256x40xi1>, vector<256x40xi32>
      %reduce_min3A_596 = arith.constant dense<2147483647> : vector<256xi32>
      %reduce_min3A_597 = vector.multi_reduction <minsi>, %select_n3A_595, %reduce_min3A_596 [1] : vector<256x40xi32> to vector<256xi32>
      %broadcast_in_dim3A_598 = vector.shape_cast %reduce_min3A_597 : vector<256xi32> to vector<256x1xi32>
      %gt3A_599 = vector.broadcast %broadcast_in_dim3A_590 : vector<256x1xf32> to vector<256x40xf32>
      %gt3A_600 = arith.cmpf ogt, %concatenate3A_561, %gt3A_599 : vector<256x40xf32>
      %eq3A_601 = vector.broadcast %broadcast_in_dim3A_590 : vector<256x1xf32> to vector<256x40xf32>
      %eq3A_602 = arith.cmpf oeq, %concatenate3A_561, %eq3A_601 : vector<256x40xf32>
      %gt3A_603 = vector.broadcast %broadcast_in_dim3A_598 : vector<256x1xi32> to vector<256x40xi32>
      %gt3A_604 = arith.cmpi sgt, %concatenate3A_565, %gt3A_603 : vector<256x40xi32>
      %and3A_605 = arith.andi %eq3A_602, %gt3A_604 : vector<256x40xi1>
      %or3A_606 = arith.ori %gt3A_600, %and3A_605 : vector<256x40xi1>
      %jit3A_607 = arith.constant 0x7F800000 : f32
      %broadcast_in_dim3A_608 = vector.broadcast %jit3A_607 : f32 to vector<256x40xf32>
      %select_n3A_609 = arith.select %or3A_606, %concatenate3A_561, %broadcast_in_dim3A_608 : vector<256x40xi1>, vector<256x40xf32>
      %reduce_min3A_610 = arith.constant dense<0x7F800000> : vector<256xf32>
      %reduce_min3A_611 = vector.multi_reduction <minimumf>, %select_n3A_609, %reduce_min3A_610 [1] : vector<256x40xf32> to vector<256xf32>
      %broadcast_in_dim3A_612 = vector.shape_cast %reduce_min3A_611 : vector<256xf32> to vector<256x1xf32>
      %eq3A_613 = vector.broadcast %broadcast_in_dim3A_612 : vector<256x1xf32> to vector<256x40xf32>
      %eq3A_614 = arith.cmpf oeq, %select_n3A_609, %eq3A_613 : vector<256x40xf32>
      %jit3A_615 = arith.constant 1073741824 : i32
      %broadcast_in_dim3A_616 = vector.broadcast %jit3A_615 : i32 to vector<256x40xi32>
      %select_n3A_617 = arith.select %eq3A_614, %concatenate3A_565, %broadcast_in_dim3A_616 : vector<256x40xi1>, vector<256x40xi32>
      %reduce_min3A_618 = arith.constant dense<2147483647> : vector<256xi32>
      %reduce_min3A_619 = vector.multi_reduction <minsi>, %select_n3A_617, %reduce_min3A_618 [1] : vector<256x40xi32> to vector<256xi32>
      %broadcast_in_dim3A_620 = vector.shape_cast %reduce_min3A_619 : vector<256xi32> to vector<256x1xi32>
      %gt3A_621 = vector.broadcast %broadcast_in_dim3A_612 : vector<256x1xf32> to vector<256x40xf32>
      %gt3A_622 = arith.cmpf ogt, %concatenate3A_561, %gt3A_621 : vector<256x40xf32>
      %eq3A_623 = vector.broadcast %broadcast_in_dim3A_612 : vector<256x1xf32> to vector<256x40xf32>
      %eq3A_624 = arith.cmpf oeq, %concatenate3A_561, %eq3A_623 : vector<256x40xf32>
      %gt3A_625 = vector.broadcast %broadcast_in_dim3A_620 : vector<256x1xi32> to vector<256x40xi32>
      %gt3A_626 = arith.cmpi sgt, %concatenate3A_565, %gt3A_625 : vector<256x40xi32>
      %and3A_627 = arith.andi %eq3A_624, %gt3A_626 : vector<256x40xi1>
      %or3A_628 = arith.ori %gt3A_622, %and3A_627 : vector<256x40xi1>
      %jit3A_629 = arith.constant 0x7F800000 : f32
      %broadcast_in_dim3A_630 = vector.broadcast %jit3A_629 : f32 to vector<256x40xf32>
      %select_n3A_631 = arith.select %or3A_628, %concatenate3A_561, %broadcast_in_dim3A_630 : vector<256x40xi1>, vector<256x40xf32>
      %reduce_min3A_632 = arith.constant dense<0x7F800000> : vector<256xf32>
      %reduce_min3A_633 = vector.multi_reduction <minimumf>, %select_n3A_631, %reduce_min3A_632 [1] : vector<256x40xf32> to vector<256xf32>
      %broadcast_in_dim3A_634 = vector.shape_cast %reduce_min3A_633 : vector<256xf32> to vector<256x1xf32>
      %eq3A_635 = vector.broadcast %broadcast_in_dim3A_634 : vector<256x1xf32> to vector<256x40xf32>
      %eq3A_636 = arith.cmpf oeq, %select_n3A_631, %eq3A_635 : vector<256x40xf32>
      %jit3A_637 = arith.constant 1073741824 : i32
      %broadcast_in_dim3A_638 = vector.broadcast %jit3A_637 : i32 to vector<256x40xi32>
      %select_n3A_639 = arith.select %eq3A_636, %concatenate3A_565, %broadcast_in_dim3A_638 : vector<256x40xi1>, vector<256x40xi32>
      %reduce_min3A_640 = arith.constant dense<2147483647> : vector<256xi32>
      %reduce_min3A_641 = vector.multi_reduction <minsi>, %select_n3A_639, %reduce_min3A_640 [1] : vector<256x40xi32> to vector<256xi32>
      %broadcast_in_dim3A_642 = vector.shape_cast %reduce_min3A_641 : vector<256xi32> to vector<256x1xi32>
      %gt3A_643 = vector.broadcast %broadcast_in_dim3A_634 : vector<256x1xf32> to vector<256x40xf32>
      %gt3A_644 = arith.cmpf ogt, %concatenate3A_561, %gt3A_643 : vector<256x40xf32>
      %eq3A_645 = vector.broadcast %broadcast_in_dim3A_634 : vector<256x1xf32> to vector<256x40xf32>
      %eq3A_646 = arith.cmpf oeq, %concatenate3A_561, %eq3A_645 : vector<256x40xf32>
      %gt3A_647 = vector.broadcast %broadcast_in_dim3A_642 : vector<256x1xi32> to vector<256x40xi32>
      %gt3A_648 = arith.cmpi sgt, %concatenate3A_565, %gt3A_647 : vector<256x40xi32>
      %and3A_649 = arith.andi %eq3A_646, %gt3A_648 : vector<256x40xi1>
      %or3A_650 = arith.ori %gt3A_644, %and3A_649 : vector<256x40xi1>
      %jit3A_651 = arith.constant 0x7F800000 : f32
      %broadcast_in_dim3A_652 = vector.broadcast %jit3A_651 : f32 to vector<256x40xf32>
      %select_n3A_653 = arith.select %or3A_650, %concatenate3A_561, %broadcast_in_dim3A_652 : vector<256x40xi1>, vector<256x40xf32>
      %reduce_min3A_654 = arith.constant dense<0x7F800000> : vector<256xf32>
      %reduce_min3A_655 = vector.multi_reduction <minimumf>, %select_n3A_653, %reduce_min3A_654 [1] : vector<256x40xf32> to vector<256xf32>
      %broadcast_in_dim3A_656 = vector.shape_cast %reduce_min3A_655 : vector<256xf32> to vector<256x1xf32>
      %eq3A_657 = vector.broadcast %broadcast_in_dim3A_656 : vector<256x1xf32> to vector<256x40xf32>
      %eq3A_658 = arith.cmpf oeq, %select_n3A_653, %eq3A_657 : vector<256x40xf32>
      %jit3A_659 = arith.constant 1073741824 : i32
      %broadcast_in_dim3A_660 = vector.broadcast %jit3A_659 : i32 to vector<256x40xi32>
      %select_n3A_661 = arith.select %eq3A_658, %concatenate3A_565, %broadcast_in_dim3A_660 : vector<256x40xi1>, vector<256x40xi32>
      %reduce_min3A_662 = arith.constant dense<2147483647> : vector<256xi32>
      %reduce_min3A_663 = vector.multi_reduction <minsi>, %select_n3A_661, %reduce_min3A_662 [1] : vector<256x40xi32> to vector<256xi32>
      %broadcast_in_dim3A_664 = vector.shape_cast %reduce_min3A_663 : vector<256xi32> to vector<256x1xi32>
      %sub3A_665 = arith.constant 1.000000e+00 : f32
      %sub3A_666 = vector.broadcast %sub3A_665 : f32 to vector<256x1xf32>
      %sub3A_667 = arith.subf %sub3A_666, %broadcast_in_dim3A_568 : vector<256x1xf32>
      %sub3A_668 = arith.constant 1.000000e+00 : f32
      %sub3A_669 = vector.broadcast %sub3A_668 : f32 to vector<256x1xf32>
      %sub3A_670 = arith.subf %sub3A_669, %broadcast_in_dim3A_590 : vector<256x1xf32>
      %sub3A_671 = arith.constant 1.000000e+00 : f32
      %sub3A_672 = vector.broadcast %sub3A_671 : f32 to vector<256x1xf32>
      %sub3A_673 = arith.subf %sub3A_672, %broadcast_in_dim3A_612 : vector<256x1xf32>
      %sub3A_674 = arith.constant 1.000000e+00 : f32
      %sub3A_675 = vector.broadcast %sub3A_674 : f32 to vector<256x1xf32>
      %sub3A_676 = arith.subf %sub3A_675, %broadcast_in_dim3A_634 : vector<256x1xf32>
      %sub3A_677 = arith.constant 1.000000e+00 : f32
      %sub3A_678 = vector.broadcast %sub3A_677 : f32 to vector<256x1xf32>
      %sub3A_679 = arith.subf %sub3A_678, %broadcast_in_dim3A_656 : vector<256x1xf32>
      %concatenate3A_680 = tpu.concatenate %sub3A_667, %sub3A_670, %sub3A_673, %sub3A_676, %sub3A_679, %sub3A_679, %sub3A_679, %sub3A_679 in 1 : vector<256x1xf32>, vector<256x1xf32>, vector<256x1xf32>, vector<256x1xf32>, vector<256x1xf32>, vector<256x1xf32>, vector<256x1xf32>, vector<256x1xf32> -> vector<256x8xf32>
      %swap3A_681 = arith.constant 0 : index
      %swap3A_682 = arith.constant 0 : index
      %swap3A_683 = vector.load %arg4[%swap3A_681, %swap3A_682] : memref<256x8xf32, #tpu.memory_space<vmem>>, vector<256x8xf32>
      tpu.vector_store %arg4[%swap3A_681, %swap3A_682], %concatenate3A_680 {strides = array<i32>} : memref<256x8xf32, #tpu.memory_space<vmem>>, vector<256x8xf32>,
      %concatenate3A_684 = tpu.concatenate %broadcast_in_dim3A_576, %broadcast_in_dim3A_598, %broadcast_in_dim3A_620, %broadcast_in_dim3A_642, %broadcast_in_dim3A_664, %broadcast_in_dim3A_664, %broadcast_in_dim3A_664, %broadcast_in_dim3A_664 in 1 : vector<256x1xi32>, vector<256x1xi32>, vector<256x1xi32>, vector<256x1xi32>, vector<256x1xi32>, vector<256x1xi32>, vector<256x1xi32>, vector<256x1xi32> -> vector<256x8xi32>
      %swap3A_685 = arith.constant 0 : index
      %swap3A_686 = arith.constant 0 : index
      %swap3A_687 = vector.load %arg5[%swap3A_685, %swap3A_686] : memref<256x8xi32, #tpu.memory_space<vmem>>, vector<256x8xi32>
      tpu.vector_store %arg5[%swap3A_685, %swap3A_686], %concatenate3A_684 {strides = array<i32>} : memref<256x8xi32, #tpu.memory_space<vmem>>, vector<256x8xi32>,
    } else {
    }
    return
  }
  func.func @transform_0(%arg0: i32) -> (i32, i32) {
    %c0_i32 = arith.constant 0 : i32
    %c0_i32_0 = arith.constant 0 : i32
    %c0_i32_1 = arith.constant 0 : i32
    return %c0_i32, %c0_i32_0 : i32, i32
  }
  func.func @transform_1(%arg0: i32) -> (i32, i32) {
    %c0_i32 = arith.constant 0 : i32
    %c0_i32_0 = arith.constant 0 : i32
    return %arg0, %c0_i32 : i32, i32
  }
  func.func @transform_2(%arg0: i32) -> (i32, i32) {
    %c0_i32 = arith.constant 0 : i32
    %c0_i32_0 = arith.constant 0 : i32
    return %c0_i32, %arg0 : i32, i32
  }
  func.func @transform_3(%arg0: i32) -> (i32, i32) {
    %c0_i32 = arith.constant 0 : i32
    %c0_i32_0 = arith.constant 0 : i32
    %c0_i32_1 = arith.constant 0 : i32
    return %c0_i32, %c0_i32_0 : i32, i32
  }
  func.func @transform_4(%arg0: i32) -> (i32, i32) {
    %c0_i32 = arith.constant 0 : i32
    %c0_i32_0 = arith.constant 0 : i32
    %c0_i32_1 = arith.constant 0 : i32
    return %c0_i32, %c0_i32_0 : i32, i32
  }
}

module attributes {stable_mosaic.version = 14 : i64} {
  func.func @_lambda_(%arg0: i32, %arg1: memref<256x768xbf16, #tpu.memory_space<vmem>>, %arg2: memref<4096x768xbf16, #tpu.memory_space<vmem>>, %arg3: memref<1024x8192xf32, #tpu.memory_space<any>>, %arg4: memref<256x4096xf32, #tpu.memory_space<vmem>>, %arg5: memref<256x8xf32, #tpu.memory_space<vmem>>, %arg6: memref<256x8xi32, #tpu.memory_space<vmem>>, %arg7: memref<256x20xf32, #tpu.memory_space<vmem>>, %arg8: memref<256x20xi32, #tpu.memory_space<vmem>>) attributes {dimension_semantics = [#tpu.dimension_semantics<arbitrary>], iteration_bounds = array<i64: 2>, scalar_prefetch = 0 : i64, scratch_operands = 2 : i64, tpu.core_type = #tpu.core_type<tc>, window_params = [{pipeline_mode = #tpu.pipeline_mode<synchronous>, transform_indices = @transform_0, window_bounds = array<i64: 256, 768>}, {transform_indices = @transform_1, window_bounds = array<i64: 4096, 768>}, {}, {transform_indices = @transform_3, window_bounds = array<i64: 256, 4096>}, {pipeline_mode = #tpu.pipeline_mode<synchronous>, transform_indices = @transform_4, window_bounds = array<i64: 256, 8>}, {pipeline_mode = #tpu.pipeline_mode<synchronous>, transform_indices = @transform_5, window_bounds = array<i64: 256, 8>}]} {
    %get3A = arith.constant 0 : index
    %get3A_0 = arith.constant 0 : index
    %get3A_1 = vector.load %arg1[%get3A, %get3A_0] : memref<256x768xbf16, #tpu.memory_space<vmem>>, vector<256x768xbf16>
    %iota3A = tpu.iota {dimensions = array<i32: 1>} : vector<256x1024xi32>
    %get3A_2 = arith.constant 0 : index
    %get3A_3 = arith.constant 0 : index
    %get3A_4 = vector.load %arg2[%get3A_2, %get3A_3] : memref<4096x768xbf16, #tpu.memory_space<vmem>>, vector<1024x768xbf16>
    %dot_general3A = arith.constant dense<0.000000e+00> : vector<256x1024xf32>
    %dot_general3A_5 = tpu.matmul %get3A_1, %get3A_4, %dot_general3A {dimension_numbers = #tpu.dot_dimension_numbers<[1], [1], [0], [0], [0, 0, 1, 0], [], []>, transpose_lhs_hint = false} : vector<256x768xbf16>, vector<1024x768xbf16>, vector<256x1024xf32> -> vector<256x1024xf32>
    %swap3A = arith.constant 0 : index
    %swap3A_6 = arith.constant 0 : index
    %swap3A_7 = vector.load %arg4[%swap3A, %swap3A_6] : memref<256x4096xf32, #tpu.memory_space<vmem>>, vector<256x1024xf32>
    tpu.vector_store %arg4[%swap3A, %swap3A_6], %dot_general3A_5 {strides = array<i32>} : memref<256x4096xf32, #tpu.memory_space<vmem>>, vector<256x1024xf32>,
    %sub3A = arith.constant 1.000000e+00 : f32
    %sub3A_8 = vector.broadcast %sub3A : f32 to vector<256x1024xf32>
    %sub3A_9 = arith.subf %sub3A_8, %dot_general3A_5 : vector<256x1024xf32>
    %reduce_min3A = arith.constant dense<0x7F800000> : vector<256xf32>
    %reduce_min3A_10 = vector.multi_reduction <minimumf>, %sub3A_9, %reduce_min3A [1] : vector<256x1024xf32> to vector<256xf32>
    %broadcast_in_dim3A = vector.shape_cast %reduce_min3A_10 : vector<256xf32> to vector<256x1xf32>
    %eq3A = vector.broadcast %broadcast_in_dim3A : vector<256x1xf32> to vector<256x1024xf32>
    %eq3A_11 = arith.cmpf oeq, %sub3A_9, %eq3A : vector<256x1024xf32>
    %jit3A = arith.constant 1073741824 : i32
    %broadcast_in_dim3A_12 = vector.broadcast %jit3A : i32 to vector<256x1024xi32>
    %select_n3A = arith.select %eq3A_11, %iota3A, %broadcast_in_dim3A_12 : vector<256x1024xi1>, vector<256x1024xi32>
    %reduce_min3A_13 = arith.constant dense<2147483647> : vector<256xi32>
    %reduce_min3A_14 = vector.multi_reduction <minsi>, %select_n3A, %reduce_min3A_13 [1] : vector<256x1024xi32> to vector<256xi32>
    %broadcast_in_dim3A_15 = vector.shape_cast %reduce_min3A_14 : vector<256xi32> to vector<256x1xi32>
    %gt3A = vector.broadcast %broadcast_in_dim3A : vector<256x1xf32> to vector<256x1024xf32>
    %gt3A_16 = arith.cmpf ogt, %sub3A_9, %gt3A : vector<256x1024xf32>
    %eq3A_17 = vector.broadcast %broadcast_in_dim3A : vector<256x1xf32> to vector<256x1024xf32>
    %eq3A_18 = arith.cmpf oeq, %sub3A_9, %eq3A_17 : vector<256x1024xf32>
    %gt3A_19 = vector.broadcast %broadcast_in_dim3A_15 : vector<256x1xi32> to vector<256x1024xi32>
    %gt3A_20 = arith.cmpi sgt, %iota3A, %gt3A_19 : vector<256x1024xi32>
    %and3A = arith.andi %eq3A_18, %gt3A_20 : vector<256x1024xi1>
    %or3A = arith.ori %gt3A_16, %and3A : vector<256x1024xi1>
    %jit3A_21 = arith.constant 0x7F800000 : f32
    %broadcast_in_dim3A_22 = vector.broadcast %jit3A_21 : f32 to vector<256x1024xf32>
    %select_n3A_23 = arith.select %or3A, %sub3A_9, %broadcast_in_dim3A_22 : vector<256x1024xi1>, vector<256x1024xf32>
    %reduce_min3A_24 = arith.constant dense<0x7F800000> : vector<256xf32>
    %reduce_min3A_25 = vector.multi_reduction <minimumf>, %select_n3A_23, %reduce_min3A_24 [1] : vector<256x1024xf32> to vector<256xf32>
    %broadcast_in_dim3A_26 = vector.shape_cast %reduce_min3A_25 : vector<256xf32> to vector<256x1xf32>
    %eq3A_27 = vector.broadcast %broadcast_in_dim3A_26 : vector<256x1xf32> to vector<256x1024xf32>
    %eq3A_28 = arith.cmpf oeq, %select_n3A_23, %eq3A_27 : vector<256x1024xf32>
    %jit3A_29 = arith.constant 1073741824 : i32
    %broadcast_in_dim3A_30 = vector.broadcast %jit3A_29 : i32 to vector<256x1024xi32>
    %select_n3A_31 = arith.select %eq3A_28, %iota3A, %broadcast_in_dim3A_30 : vector<256x1024xi1>, vector<256x1024xi32>
    %reduce_min3A_32 = arith.constant dense<2147483647> : vector<256xi32>
    %reduce_min3A_33 = vector.multi_reduction <minsi>, %select_n3A_31, %reduce_min3A_32 [1] : vector<256x1024xi32> to vector<256xi32>
    %broadcast_in_dim3A_34 = vector.shape_cast %reduce_min3A_33 : vector<256xi32> to vector<256x1xi32>
    %gt3A_35 = vector.broadcast %broadcast_in_dim3A_26 : vector<256x1xf32> to vector<256x1024xf32>
    %gt3A_36 = arith.cmpf ogt, %sub3A_9, %gt3A_35 : vector<256x1024xf32>
    %eq3A_37 = vector.broadcast %broadcast_in_dim3A_26 : vector<256x1xf32> to vector<256x1024xf32>
    %eq3A_38 = arith.cmpf oeq, %sub3A_9, %eq3A_37 : vector<256x1024xf32>
    %gt3A_39 = vector.broadcast %broadcast_in_dim3A_34 : vector<256x1xi32> to vector<256x1024xi32>
    %gt3A_40 = arith.cmpi sgt, %iota3A, %gt3A_39 : vector<256x1024xi32>
    %and3A_41 = arith.andi %eq3A_38, %gt3A_40 : vector<256x1024xi1>
    %or3A_42 = arith.ori %gt3A_36, %and3A_41 : vector<256x1024xi1>
    %jit3A_43 = arith.constant 0x7F800000 : f32
    %broadcast_in_dim3A_44 = vector.broadcast %jit3A_43 : f32 to vector<256x1024xf32>
    %select_n3A_45 = arith.select %or3A_42, %sub3A_9, %broadcast_in_dim3A_44 : vector<256x1024xi1>, vector<256x1024xf32>
    %reduce_min3A_46 = arith.constant dense<0x7F800000> : vector<256xf32>
    %reduce_min3A_47 = vector.multi_reduction <minimumf>, %select_n3A_45, %reduce_min3A_46 [1] : vector<256x1024xf32> to vector<256xf32>
    %broadcast_in_dim3A_48 = vector.shape_cast %reduce_min3A_47 : vector<256xf32> to vector<256x1xf32>
    %eq3A_49 = vector.broadcast %broadcast_in_dim3A_48 : vector<256x1xf32> to vector<256x1024xf32>
    %eq3A_50 = arith.cmpf oeq, %select_n3A_45, %eq3A_49 : vector<256x1024xf32>
    %jit3A_51 = arith.constant 1073741824 : i32
    %broadcast_in_dim3A_52 = vector.broadcast %jit3A_51 : i32 to vector<256x1024xi32>
    %select_n3A_53 = arith.select %eq3A_50, %iota3A, %broadcast_in_dim3A_52 : vector<256x1024xi1>, vector<256x1024xi32>
    %reduce_min3A_54 = arith.constant dense<2147483647> : vector<256xi32>
    %reduce_min3A_55 = vector.multi_reduction <minsi>, %select_n3A_53, %reduce_min3A_54 [1] : vector<256x1024xi32> to vector<256xi32>
    %broadcast_in_dim3A_56 = vector.shape_cast %reduce_min3A_55 : vector<256xi32> to vector<256x1xi32>
    %gt3A_57 = vector.broadcast %broadcast_in_dim3A_48 : vector<256x1xf32> to vector<256x1024xf32>
    %gt3A_58 = arith.cmpf ogt, %sub3A_9, %gt3A_57 : vector<256x1024xf32>
    %eq3A_59 = vector.broadcast %broadcast_in_dim3A_48 : vector<256x1xf32> to vector<256x1024xf32>
    %eq3A_60 = arith.cmpf oeq, %sub3A_9, %eq3A_59 : vector<256x1024xf32>
    %gt3A_61 = vector.broadcast %broadcast_in_dim3A_56 : vector<256x1xi32> to vector<256x1024xi32>
    %gt3A_62 = arith.cmpi sgt, %iota3A, %gt3A_61 : vector<256x1024xi32>
    %and3A_63 = arith.andi %eq3A_60, %gt3A_62 : vector<256x1024xi1>
    %or3A_64 = arith.ori %gt3A_58, %and3A_63 : vector<256x1024xi1>
    %jit3A_65 = arith.constant 0x7F800000 : f32
    %broadcast_in_dim3A_66 = vector.broadcast %jit3A_65 : f32 to vector<256x1024xf32>
    %select_n3A_67 = arith.select %or3A_64, %sub3A_9, %broadcast_in_dim3A_66 : vector<256x1024xi1>, vector<256x1024xf32>
    %reduce_min3A_68 = arith.constant dense<0x7F800000> : vector<256xf32>
    %reduce_min3A_69 = vector.multi_reduction <minimumf>, %select_n3A_67, %reduce_min3A_68 [1] : vector<256x1024xf32> to vector<256xf32>
    %broadcast_in_dim3A_70 = vector.shape_cast %reduce_min3A_69 : vector<256xf32> to vector<256x1xf32>
    %eq3A_71 = vector.broadcast %broadcast_in_dim3A_70 : vector<256x1xf32> to vector<256x1024xf32>
    %eq3A_72 = arith.cmpf oeq, %select_n3A_67, %eq3A_71 : vector<256x1024xf32>
    %jit3A_73 = arith.constant 1073741824 : i32
    %broadcast_in_dim3A_74 = vector.broadcast %jit3A_73 : i32 to vector<256x1024xi32>
    %select_n3A_75 = arith.select %eq3A_72, %iota3A, %broadcast_in_dim3A_74 : vector<256x1024xi1>, vector<256x1024xi32>
    %reduce_min3A_76 = arith.constant dense<2147483647> : vector<256xi32>
    %reduce_min3A_77 = vector.multi_reduction <minsi>, %select_n3A_75, %reduce_min3A_76 [1] : vector<256x1024xi32> to vector<256xi32>
    %broadcast_in_dim3A_78 = vector.shape_cast %reduce_min3A_77 : vector<256xi32> to vector<256x1xi32>
    %gt3A_79 = vector.broadcast %broadcast_in_dim3A_70 : vector<256x1xf32> to vector<256x1024xf32>
    %gt3A_80 = arith.cmpf ogt, %sub3A_9, %gt3A_79 : vector<256x1024xf32>
    %eq3A_81 = vector.broadcast %broadcast_in_dim3A_70 : vector<256x1xf32> to vector<256x1024xf32>
    %eq3A_82 = arith.cmpf oeq, %sub3A_9, %eq3A_81 : vector<256x1024xf32>
    %gt3A_83 = vector.broadcast %broadcast_in_dim3A_78 : vector<256x1xi32> to vector<256x1024xi32>
    %gt3A_84 = arith.cmpi sgt, %iota3A, %gt3A_83 : vector<256x1024xi32>
    %and3A_85 = arith.andi %eq3A_82, %gt3A_84 : vector<256x1024xi1>
    %or3A_86 = arith.ori %gt3A_80, %and3A_85 : vector<256x1024xi1>
    %jit3A_87 = arith.constant 0x7F800000 : f32
    %broadcast_in_dim3A_88 = vector.broadcast %jit3A_87 : f32 to vector<256x1024xf32>
    %select_n3A_89 = arith.select %or3A_86, %sub3A_9, %broadcast_in_dim3A_88 : vector<256x1024xi1>, vector<256x1024xf32>
    %reduce_min3A_90 = arith.constant dense<0x7F800000> : vector<256xf32>
    %reduce_min3A_91 = vector.multi_reduction <minimumf>, %select_n3A_89, %reduce_min3A_90 [1] : vector<256x1024xf32> to vector<256xf32>
    %broadcast_in_dim3A_92 = vector.shape_cast %reduce_min3A_91 : vector<256xf32> to vector<256x1xf32>
    %eq3A_93 = vector.broadcast %broadcast_in_dim3A_92 : vector<256x1xf32> to vector<256x1024xf32>
    %eq3A_94 = arith.cmpf oeq, %select_n3A_89, %eq3A_93 : vector<256x1024xf32>
    %jit3A_95 = arith.constant 1073741824 : i32
    %broadcast_in_dim3A_96 = vector.broadcast %jit3A_95 : i32 to vector<256x1024xi32>
    %select_n3A_97 = arith.select %eq3A_94, %iota3A, %broadcast_in_dim3A_96 : vector<256x1024xi1>, vector<256x1024xi32>
    %reduce_min3A_98 = arith.constant dense<2147483647> : vector<256xi32>
    %reduce_min3A_99 = vector.multi_reduction <minsi>, %select_n3A_97, %reduce_min3A_98 [1] : vector<256x1024xi32> to vector<256xi32>
    %broadcast_in_dim3A_100 = vector.shape_cast %reduce_min3A_99 : vector<256xi32> to vector<256x1xi32>
    %mul3A = arith.constant 4096 : i32
    %mul3A_101 = arith.muli %arg0, %mul3A : i32
    %add3A = arith.constant 0 : i32
    %add3A_102 = arith.addi %mul3A_101, %add3A : i32
    %add3A_103 = vector.broadcast %add3A_102 : i32 to vector<256x1xi32>
    %add3A_104 = arith.addi %broadcast_in_dim3A_15, %add3A_103 : vector<256x1xi32>
    %mul3A_105 = arith.constant 4096 : i32
    %mul3A_106 = arith.muli %arg0, %mul3A_105 : i32
    %add3A_107 = arith.constant 0 : i32
    %add3A_108 = arith.addi %mul3A_106, %add3A_107 : i32
    %add3A_109 = vector.broadcast %add3A_108 : i32 to vector<256x1xi32>
    %add3A_110 = arith.addi %broadcast_in_dim3A_34, %add3A_109 : vector<256x1xi32>
    %mul3A_111 = arith.constant 4096 : i32
    %mul3A_112 = arith.muli %arg0, %mul3A_111 : i32
    %add3A_113 = arith.constant 0 : i32
    %add3A_114 = arith.addi %mul3A_112, %add3A_113 : i32
    %add3A_115 = vector.broadcast %add3A_114 : i32 to vector<256x1xi32>
    %add3A_116 = arith.addi %broadcast_in_dim3A_56, %add3A_115 : vector<256x1xi32>
    %mul3A_117 = arith.constant 4096 : i32
    %mul3A_118 = arith.muli %arg0, %mul3A_117 : i32
    %add3A_119 = arith.constant 0 : i32
    %add3A_120 = arith.addi %mul3A_118, %add3A_119 : i32
    %add3A_121 = vector.broadcast %add3A_120 : i32 to vector<256x1xi32>
    %add3A_122 = arith.addi %broadcast_in_dim3A_78, %add3A_121 : vector<256x1xi32>
    %mul3A_123 = arith.constant 4096 : i32
    %mul3A_124 = arith.muli %arg0, %mul3A_123 : i32
    %add3A_125 = arith.constant 0 : i32
    %add3A_126 = arith.addi %mul3A_124, %add3A_125 : i32
    %add3A_127 = vector.broadcast %add3A_126 : i32 to vector<256x1xi32>
    %add3A_128 = arith.addi %broadcast_in_dim3A_100, %add3A_127 : vector<256x1xi32>
    %get3A_129 = arith.constant 1024 : index
    %get3A_130 = arith.constant 0 : index
    %get3A_131 = vector.load %arg2[%get3A_129, %get3A_130] : memref<4096x768xbf16, #tpu.memory_space<vmem>>, vector<1024x768xbf16>
    %dot_general3A_132 = arith.constant dense<0.000000e+00> : vector<256x1024xf32>
    %dot_general3A_133 = tpu.matmul %get3A_1, %get3A_131, %dot_general3A_132 {dimension_numbers = #tpu.dot_dimension_numbers<[1], [1], [0], [0], [0, 0, 1, 0], [], []>, transpose_lhs_hint = false} : vector<256x768xbf16>, vector<1024x768xbf16>, vector<256x1024xf32> -> vector<256x1024xf32>
    %swap3A_134 = arith.constant 0 : index
    %swap3A_135 = arith.constant 1024 : index
    %swap3A_136 = vector.load %arg4[%swap3A_134, %swap3A_135] : memref<256x4096xf32, #tpu.memory_space<vmem>>, vector<256x1024xf32>
    tpu.vector_store %arg4[%swap3A_134, %swap3A_135], %dot_general3A_133 {strides = array<i32>} : memref<256x4096xf32, #tpu.memory_space<vmem>>, vector<256x1024xf32>,
    %sub3A_137 = arith.constant 1.000000e+00 : f32
    %sub3A_138 = vector.broadcast %sub3A_137 : f32 to vector<256x1024xf32>
    %sub3A_139 = arith.subf %sub3A_138, %dot_general3A_133 : vector<256x1024xf32>
    %reduce_min3A_140 = arith.constant dense<0x7F800000> : vector<256xf32>
    %reduce_min3A_141 = vector.multi_reduction <minimumf>, %sub3A_139, %reduce_min3A_140 [1] : vector<256x1024xf32> to vector<256xf32>
    %broadcast_in_dim3A_142 = vector.shape_cast %reduce_min3A_141 : vector<256xf32> to vector<256x1xf32>
    %eq3A_143 = vector.broadcast %broadcast_in_dim3A_142 : vector<256x1xf32> to vector<256x1024xf32>
    %eq3A_144 = arith.cmpf oeq, %sub3A_139, %eq3A_143 : vector<256x1024xf32>
    %jit3A_145 = arith.constant 1073741824 : i32
    %broadcast_in_dim3A_146 = vector.broadcast %jit3A_145 : i32 to vector<256x1024xi32>
    %select_n3A_147 = arith.select %eq3A_144, %iota3A, %broadcast_in_dim3A_146 : vector<256x1024xi1>, vector<256x1024xi32>
    %reduce_min3A_148 = arith.constant dense<2147483647> : vector<256xi32>
    %reduce_min3A_149 = vector.multi_reduction <minsi>, %select_n3A_147, %reduce_min3A_148 [1] : vector<256x1024xi32> to vector<256xi32>
    %broadcast_in_dim3A_150 = vector.shape_cast %reduce_min3A_149 : vector<256xi32> to vector<256x1xi32>
    %gt3A_151 = vector.broadcast %broadcast_in_dim3A_142 : vector<256x1xf32> to vector<256x1024xf32>
    %gt3A_152 = arith.cmpf ogt, %sub3A_139, %gt3A_151 : vector<256x1024xf32>
    %eq3A_153 = vector.broadcast %broadcast_in_dim3A_142 : vector<256x1xf32> to vector<256x1024xf32>
    %eq3A_154 = arith.cmpf oeq, %sub3A_139, %eq3A_153 : vector<256x1024xf32>
    %gt3A_155 = vector.broadcast %broadcast_in_dim3A_150 : vector<256x1xi32> to vector<256x1024xi32>
    %gt3A_156 = arith.cmpi sgt, %iota3A, %gt3A_155 : vector<256x1024xi32>
    %and3A_157 = arith.andi %eq3A_154, %gt3A_156 : vector<256x1024xi1>
    %or3A_158 = arith.ori %gt3A_152, %and3A_157 : vector<256x1024xi1>
    %jit3A_159 = arith.constant 0x7F800000 : f32
    %broadcast_in_dim3A_160 = vector.broadcast %jit3A_159 : f32 to vector<256x1024xf32>
    %select_n3A_161 = arith.select %or3A_158, %sub3A_139, %broadcast_in_dim3A_160 : vector<256x1024xi1>, vector<256x1024xf32>
    %reduce_min3A_162 = arith.constant dense<0x7F800000> : vector<256xf32>
    %reduce_min3A_163 = vector.multi_reduction <minimumf>, %select_n3A_161, %reduce_min3A_162 [1] : vector<256x1024xf32> to vector<256xf32>
    %broadcast_in_dim3A_164 = vector.shape_cast %reduce_min3A_163 : vector<256xf32> to vector<256x1xf32>
    %eq3A_165 = vector.broadcast %broadcast_in_dim3A_164 : vector<256x1xf32> to vector<256x1024xf32>
    %eq3A_166 = arith.cmpf oeq, %select_n3A_161, %eq3A_165 : vector<256x1024xf32>
    %jit3A_167 = arith.constant 1073741824 : i32
    %broadcast_in_dim3A_168 = vector.broadcast %jit3A_167 : i32 to vector<256x1024xi32>
    %select_n3A_169 = arith.select %eq3A_166, %iota3A, %broadcast_in_dim3A_168 : vector<256x1024xi1>, vector<256x1024xi32>
    %reduce_min3A_170 = arith.constant dense<2147483647> : vector<256xi32>
    %reduce_min3A_171 = vector.multi_reduction <minsi>, %select_n3A_169, %reduce_min3A_170 [1] : vector<256x1024xi32> to vector<256xi32>
    %broadcast_in_dim3A_172 = vector.shape_cast %reduce_min3A_171 : vector<256xi32> to vector<256x1xi32>
    %gt3A_173 = vector.broadcast %broadcast_in_dim3A_164 : vector<256x1xf32> to vector<256x1024xf32>
    %gt3A_174 = arith.cmpf ogt, %sub3A_139, %gt3A_173 : vector<256x1024xf32>
    %eq3A_175 = vector.broadcast %broadcast_in_dim3A_164 : vector<256x1xf32> to vector<256x1024xf32>
    %eq3A_176 = arith.cmpf oeq, %sub3A_139, %eq3A_175 : vector<256x1024xf32>
    %gt3A_177 = vector.broadcast %broadcast_in_dim3A_172 : vector<256x1xi32> to vector<256x1024xi32>
    %gt3A_178 = arith.cmpi sgt, %iota3A, %gt3A_177 : vector<256x1024xi32>
    %and3A_179 = arith.andi %eq3A_176, %gt3A_178 : vector<256x1024xi1>
    %or3A_180 = arith.ori %gt3A_174, %and3A_179 : vector<256x1024xi1>
    %jit3A_181 = arith.constant 0x7F800000 : f32
    %broadcast_in_dim3A_182 = vector.broadcast %jit3A_181 : f32 to vector<256x1024xf32>
    %select_n3A_183 = arith.select %or3A_180, %sub3A_139, %broadcast_in_dim3A_182 : vector<256x1024xi1>, vector<256x1024xf32>
    %reduce_min3A_184 = arith.constant dense<0x7F800000> : vector<256xf32>
    %reduce_min3A_185 = vector.multi_reduction <minimumf>, %select_n3A_183, %reduce_min3A_184 [1] : vector<256x1024xf32> to vector<256xf32>
    %broadcast_in_dim3A_186 = vector.shape_cast %reduce_min3A_185 : vector<256xf32> to vector<256x1xf32>
    %eq3A_187 = vector.broadcast %broadcast_in_dim3A_186 : vector<256x1xf32> to vector<256x1024xf32>
    %eq3A_188 = arith.cmpf oeq, %select_n3A_183, %eq3A_187 : vector<256x1024xf32>
    %jit3A_189 = arith.constant 1073741824 : i32
    %broadcast_in_dim3A_190 = vector.broadcast %jit3A_189 : i32 to vector<256x1024xi32>
    %select_n3A_191 = arith.select %eq3A_188, %iota3A, %broadcast_in_dim3A_190 : vector<256x1024xi1>, vector<256x1024xi32>
    %reduce_min3A_192 = arith.constant dense<2147483647> : vector<256xi32>
    %reduce_min3A_193 = vector.multi_reduction <minsi>, %select_n3A_191, %reduce_min3A_192 [1] : vector<256x1024xi32> to vector<256xi32>
    %broadcast_in_dim3A_194 = vector.shape_cast %reduce_min3A_193 : vector<256xi32> to vector<256x1xi32>
    %gt3A_195 = vector.broadcast %broadcast_in_dim3A_186 : vector<256x1xf32> to vector<256x1024xf32>
    %gt3A_196 = arith.cmpf ogt, %sub3A_139, %gt3A_195 : vector<256x1024xf32>
    %eq3A_197 = vector.broadcast %broadcast_in_dim3A_186 : vector<256x1xf32> to vector<256x1024xf32>
    %eq3A_198 = arith.cmpf oeq, %sub3A_139, %eq3A_197 : vector<256x1024xf32>
    %gt3A_199 = vector.broadcast %broadcast_in_dim3A_194 : vector<256x1xi32> to vector<256x1024xi32>
    %gt3A_200 = arith.cmpi sgt, %iota3A, %gt3A_199 : vector<256x1024xi32>
    %and3A_201 = arith.andi %eq3A_198, %gt3A_200 : vector<256x1024xi1>
    %or3A_202 = arith.ori %gt3A_196, %and3A_201 : vector<256x1024xi1>
    %jit3A_203 = arith.constant 0x7F800000 : f32
    %broadcast_in_dim3A_204 = vector.broadcast %jit3A_203 : f32 to vector<256x1024xf32>
    %select_n3A_205 = arith.select %or3A_202, %sub3A_139, %broadcast_in_dim3A_204 : vector<256x1024xi1>, vector<256x1024xf32>
    %reduce_min3A_206 = arith.constant dense<0x7F800000> : vector<256xf32>
    %reduce_min3A_207 = vector.multi_reduction <minimumf>, %select_n3A_205, %reduce_min3A_206 [1] : vector<256x1024xf32> to vector<256xf32>
    %broadcast_in_dim3A_208 = vector.shape_cast %reduce_min3A_207 : vector<256xf32> to vector<256x1xf32>
    %eq3A_209 = vector.broadcast %broadcast_in_dim3A_208 : vector<256x1xf32> to vector<256x1024xf32>
    %eq3A_210 = arith.cmpf oeq, %select_n3A_205, %eq3A_209 : vector<256x1024xf32>
    %jit3A_211 = arith.constant 1073741824 : i32
    %broadcast_in_dim3A_212 = vector.broadcast %jit3A_211 : i32 to vector<256x1024xi32>
    %select_n3A_213 = arith.select %eq3A_210, %iota3A, %broadcast_in_dim3A_212 : vector<256x1024xi1>, vector<256x1024xi32>
    %reduce_min3A_214 = arith.constant dense<2147483647> : vector<256xi32>
    %reduce_min3A_215 = vector.multi_reduction <minsi>, %select_n3A_213, %reduce_min3A_214 [1] : vector<256x1024xi32> to vector<256xi32>
    %broadcast_in_dim3A_216 = vector.shape_cast %reduce_min3A_215 : vector<256xi32> to vector<256x1xi32>
    %gt3A_217 = vector.broadcast %broadcast_in_dim3A_208 : vector<256x1xf32> to vector<256x1024xf32>
    %gt3A_218 = arith.cmpf ogt, %sub3A_139, %gt3A_217 : vector<256x1024xf32>
    %eq3A_219 = vector.broadcast %broadcast_in_dim3A_208 : vector<256x1xf32> to vector<256x1024xf32>
    %eq3A_220 = arith.cmpf oeq, %sub3A_139, %eq3A_219 : vector<256x1024xf32>
    %gt3A_221 = vector.broadcast %broadcast_in_dim3A_216 : vector<256x1xi32> to vector<256x1024xi32>
    %gt3A_222 = arith.cmpi sgt, %iota3A, %gt3A_221 : vector<256x1024xi32>
    %and3A_223 = arith.andi %eq3A_220, %gt3A_222 : vector<256x1024xi1>
    %or3A_224 = arith.ori %gt3A_218, %and3A_223 : vector<256x1024xi1>
    %jit3A_225 = arith.constant 0x7F800000 : f32
    %broadcast_in_dim3A_226 = vector.broadcast %jit3A_225 : f32 to vector<256x1024xf32>
    %select_n3A_227 = arith.select %or3A_224, %sub3A_139, %broadcast_in_dim3A_226 : vector<256x1024xi1>, vector<256x1024xf32>
    %reduce_min3A_228 = arith.constant dense<0x7F800000> : vector<256xf32>
    %reduce_min3A_229 = vector.multi_reduction <minimumf>, %select_n3A_227, %reduce_min3A_228 [1] : vector<256x1024xf32> to vector<256xf32>
    %broadcast_in_dim3A_230 = vector.shape_cast %reduce_min3A_229 : vector<256xf32> to vector<256x1xf32>
    %eq3A_231 = vector.broadcast %broadcast_in_dim3A_230 : vector<256x1xf32> to vector<256x1024xf32>
    %eq3A_232 = arith.cmpf oeq, %select_n3A_227, %eq3A_231 : vector<256x1024xf32>
    %jit3A_233 = arith.constant 1073741824 : i32
    %broadcast_in_dim3A_234 = vector.broadcast %jit3A_233 : i32 to vector<256x1024xi32>
    %select_n3A_235 = arith.select %eq3A_232, %iota3A, %broadcast_in_dim3A_234 : vector<256x1024xi1>, vector<256x1024xi32>
    %reduce_min3A_236 = arith.constant dense<2147483647> : vector<256xi32>
    %reduce_min3A_237 = vector.multi_reduction <minsi>, %select_n3A_235, %reduce_min3A_236 [1] : vector<256x1024xi32> to vector<256xi32>
    %broadcast_in_dim3A_238 = vector.shape_cast %reduce_min3A_237 : vector<256xi32> to vector<256x1xi32>
    %mul3A_239 = arith.constant 4096 : i32
    %mul3A_240 = arith.muli %arg0, %mul3A_239 : i32
    %add3A_241 = arith.constant 1024 : i32
    %add3A_242 = arith.addi %mul3A_240, %add3A_241 : i32
    %add3A_243 = vector.broadcast %add3A_242 : i32 to vector<256x1xi32>
    %add3A_244 = arith.addi %broadcast_in_dim3A_150, %add3A_243 : vector<256x1xi32>
    %mul3A_245 = arith.constant 4096 : i32
    %mul3A_246 = arith.muli %arg0, %mul3A_245 : i32
    %add3A_247 = arith.constant 1024 : i32
    %add3A_248 = arith.addi %mul3A_246, %add3A_247 : i32
    %add3A_249 = vector.broadcast %add3A_248 : i32 to vector<256x1xi32>
    %add3A_250 = arith.addi %broadcast_in_dim3A_172, %add3A_249 : vector<256x1xi32>
    %mul3A_251 = arith.constant 4096 : i32
    %mul3A_252 = arith.muli %arg0, %mul3A_251 : i32
    %add3A_253 = arith.constant 1024 : i32
    %add3A_254 = arith.addi %mul3A_252, %add3A_253 : i32
    %add3A_255 = vector.broadcast %add3A_254 : i32 to vector<256x1xi32>
    %add3A_256 = arith.addi %broadcast_in_dim3A_194, %add3A_255 : vector<256x1xi32>
    %mul3A_257 = arith.constant 4096 : i32
    %mul3A_258 = arith.muli %arg0, %mul3A_257 : i32
    %add3A_259 = arith.constant 1024 : i32
    %add3A_260 = arith.addi %mul3A_258, %add3A_259 : i32
    %add3A_261 = vector.broadcast %add3A_260 : i32 to vector<256x1xi32>
    %add3A_262 = arith.addi %broadcast_in_dim3A_216, %add3A_261 : vector<256x1xi32>
    %mul3A_263 = arith.constant 4096 : i32
    %mul3A_264 = arith.muli %arg0, %mul3A_263 : i32
    %add3A_265 = arith.constant 1024 : i32
    %add3A_266 = arith.addi %mul3A_264, %add3A_265 : i32
    %add3A_267 = vector.broadcast %add3A_266 : i32 to vector<256x1xi32>
    %add3A_268 = arith.addi %broadcast_in_dim3A_238, %add3A_267 : vector<256x1xi32>
    %get3A_269 = arith.constant 2048 : index
    %get3A_270 = arith.constant 0 : index
    %get3A_271 = vector.load %arg2[%get3A_269, %get3A_270] : memref<4096x768xbf16, #tpu.memory_space<vmem>>, vector<1024x768xbf16>
    %dot_general3A_272 = arith.constant dense<0.000000e+00> : vector<256x1024xf32>
    %dot_general3A_273 = tpu.matmul %get3A_1, %get3A_271, %dot_general3A_272 {dimension_numbers = #tpu.dot_dimension_numbers<[1], [1], [0], [0], [0, 0, 1, 0], [], []>, transpose_lhs_hint = false} : vector<256x768xbf16>, vector<1024x768xbf16>, vector<256x1024xf32> -> vector<256x1024xf32>
    %swap3A_274 = arith.constant 0 : index
    %swap3A_275 = arith.constant 2048 : index
    %swap3A_276 = vector.load %arg4[%swap3A_274, %swap3A_275] : memref<256x4096xf32, #tpu.memory_space<vmem>>, vector<256x1024xf32>
    tpu.vector_store %arg4[%swap3A_274, %swap3A_275], %dot_general3A_273 {strides = array<i32>} : memref<256x4096xf32, #tpu.memory_space<vmem>>, vector<256x1024xf32>,
    %sub3A_277 = arith.constant 1.000000e+00 : f32
    %sub3A_278 = vector.broadcast %sub3A_277 : f32 to vector<256x1024xf32>
    %sub3A_279 = arith.subf %sub3A_278, %dot_general3A_273 : vector<256x1024xf32>
    %reduce_min3A_280 = arith.constant dense<0x7F800000> : vector<256xf32>
    %reduce_min3A_281 = vector.multi_reduction <minimumf>, %sub3A_279, %reduce_min3A_280 [1] : vector<256x1024xf32> to vector<256xf32>
    %broadcast_in_dim3A_282 = vector.shape_cast %reduce_min3A_281 : vector<256xf32> to vector<256x1xf32>
    %eq3A_283 = vector.broadcast %broadcast_in_dim3A_282 : vector<256x1xf32> to vector<256x1024xf32>
    %eq3A_284 = arith.cmpf oeq, %sub3A_279, %eq3A_283 : vector<256x1024xf32>
    %jit3A_285 = arith.constant 1073741824 : i32
    %broadcast_in_dim3A_286 = vector.broadcast %jit3A_285 : i32 to vector<256x1024xi32>
    %select_n3A_287 = arith.select %eq3A_284, %iota3A, %broadcast_in_dim3A_286 : vector<256x1024xi1>, vector<256x1024xi32>
    %reduce_min3A_288 = arith.constant dense<2147483647> : vector<256xi32>
    %reduce_min3A_289 = vector.multi_reduction <minsi>, %select_n3A_287, %reduce_min3A_288 [1] : vector<256x1024xi32> to vector<256xi32>
    %broadcast_in_dim3A_290 = vector.shape_cast %reduce_min3A_289 : vector<256xi32> to vector<256x1xi32>
    %gt3A_291 = vector.broadcast %broadcast_in_dim3A_282 : vector<256x1xf32> to vector<256x1024xf32>
    %gt3A_292 = arith.cmpf ogt, %sub3A_279, %gt3A_291 : vector<256x1024xf32>
    %eq3A_293 = vector.broadcast %broadcast_in_dim3A_282 : vector<256x1xf32> to vector<256x1024xf32>
    %eq3A_294 = arith.cmpf oeq, %sub3A_279, %eq3A_293 : vector<256x1024xf32>
    %gt3A_295 = vector.broadcast %broadcast_in_dim3A_290 : vector<256x1xi32> to vector<256x1024xi32>
    %gt3A_296 = arith.cmpi sgt, %iota3A, %gt3A_295 : vector<256x1024xi32>
    %and3A_297 = arith.andi %eq3A_294, %gt3A_296 : vector<256x1024xi1>
    %or3A_298 = arith.ori %gt3A_292, %and3A_297 : vector<256x1024xi1>
    %jit3A_299 = arith.constant 0x7F800000 : f32
    %broadcast_in_dim3A_300 = vector.broadcast %jit3A_299 : f32 to vector<256x1024xf32>
    %select_n3A_301 = arith.select %or3A_298, %sub3A_279, %broadcast_in_dim3A_300 : vector<256x1024xi1>, vector<256x1024xf32>
    %reduce_min3A_302 = arith.constant dense<0x7F800000> : vector<256xf32>
    %reduce_min3A_303 = vector.multi_reduction <minimumf>, %select_n3A_301, %reduce_min3A_302 [1] : vector<256x1024xf32> to vector<256xf32>
    %broadcast_in_dim3A_304 = vector.shape_cast %reduce_min3A_303 : vector<256xf32> to vector<256x1xf32>
    %eq3A_305 = vector.broadcast %broadcast_in_dim3A_304 : vector<256x1xf32> to vector<256x1024xf32>
    %eq3A_306 = arith.cmpf oeq, %select_n3A_301, %eq3A_305 : vector<256x1024xf32>
    %jit3A_307 = arith.constant 1073741824 : i32
    %broadcast_in_dim3A_308 = vector.broadcast %jit3A_307 : i32 to vector<256x1024xi32>
    %select_n3A_309 = arith.select %eq3A_306, %iota3A, %broadcast_in_dim3A_308 : vector<256x1024xi1>, vector<256x1024xi32>
    %reduce_min3A_310 = arith.constant dense<2147483647> : vector<256xi32>
    %reduce_min3A_311 = vector.multi_reduction <minsi>, %select_n3A_309, %reduce_min3A_310 [1] : vector<256x1024xi32> to vector<256xi32>
    %broadcast_in_dim3A_312 = vector.shape_cast %reduce_min3A_311 : vector<256xi32> to vector<256x1xi32>
    %gt3A_313 = vector.broadcast %broadcast_in_dim3A_304 : vector<256x1xf32> to vector<256x1024xf32>
    %gt3A_314 = arith.cmpf ogt, %sub3A_279, %gt3A_313 : vector<256x1024xf32>
    %eq3A_315 = vector.broadcast %broadcast_in_dim3A_304 : vector<256x1xf32> to vector<256x1024xf32>
    %eq3A_316 = arith.cmpf oeq, %sub3A_279, %eq3A_315 : vector<256x1024xf32>
    %gt3A_317 = vector.broadcast %broadcast_in_dim3A_312 : vector<256x1xi32> to vector<256x1024xi32>
    %gt3A_318 = arith.cmpi sgt, %iota3A, %gt3A_317 : vector<256x1024xi32>
    %and3A_319 = arith.andi %eq3A_316, %gt3A_318 : vector<256x1024xi1>
    %or3A_320 = arith.ori %gt3A_314, %and3A_319 : vector<256x1024xi1>
    %jit3A_321 = arith.constant 0x7F800000 : f32
    %broadcast_in_dim3A_322 = vector.broadcast %jit3A_321 : f32 to vector<256x1024xf32>
    %select_n3A_323 = arith.select %or3A_320, %sub3A_279, %broadcast_in_dim3A_322 : vector<256x1024xi1>, vector<256x1024xf32>
    %reduce_min3A_324 = arith.constant dense<0x7F800000> : vector<256xf32>
    %reduce_min3A_325 = vector.multi_reduction <minimumf>, %select_n3A_323, %reduce_min3A_324 [1] : vector<256x1024xf32> to vector<256xf32>
    %broadcast_in_dim3A_326 = vector.shape_cast %reduce_min3A_325 : vector<256xf32> to vector<256x1xf32>
    %eq3A_327 = vector.broadcast %broadcast_in_dim3A_326 : vector<256x1xf32> to vector<256x1024xf32>
    %eq3A_328 = arith.cmpf oeq, %select_n3A_323, %eq3A_327 : vector<256x1024xf32>
    %jit3A_329 = arith.constant 1073741824 : i32
    %broadcast_in_dim3A_330 = vector.broadcast %jit3A_329 : i32 to vector<256x1024xi32>
    %select_n3A_331 = arith.select %eq3A_328, %iota3A, %broadcast_in_dim3A_330 : vector<256x1024xi1>, vector<256x1024xi32>
    %reduce_min3A_332 = arith.constant dense<2147483647> : vector<256xi32>
    %reduce_min3A_333 = vector.multi_reduction <minsi>, %select_n3A_331, %reduce_min3A_332 [1] : vector<256x1024xi32> to vector<256xi32>
    %broadcast_in_dim3A_334 = vector.shape_cast %reduce_min3A_333 : vector<256xi32> to vector<256x1xi32>
    %gt3A_335 = vector.broadcast %broadcast_in_dim3A_326 : vector<256x1xf32> to vector<256x1024xf32>
    %gt3A_336 = arith.cmpf ogt, %sub3A_279, %gt3A_335 : vector<256x1024xf32>
    %eq3A_337 = vector.broadcast %broadcast_in_dim3A_326 : vector<256x1xf32> to vector<256x1024xf32>
    %eq3A_338 = arith.cmpf oeq, %sub3A_279, %eq3A_337 : vector<256x1024xf32>
    %gt3A_339 = vector.broadcast %broadcast_in_dim3A_334 : vector<256x1xi32> to vector<256x1024xi32>
    %gt3A_340 = arith.cmpi sgt, %iota3A, %gt3A_339 : vector<256x1024xi32>
    %and3A_341 = arith.andi %eq3A_338, %gt3A_340 : vector<256x1024xi1>
    %or3A_342 = arith.ori %gt3A_336, %and3A_341 : vector<256x1024xi1>
    %jit3A_343 = arith.constant 0x7F800000 : f32
    %broadcast_in_dim3A_344 = vector.broadcast %jit3A_343 : f32 to vector<256x1024xf32>
    %select_n3A_345 = arith.select %or3A_342, %sub3A_279, %broadcast_in_dim3A_344 : vector<256x1024xi1>, vector<256x1024xf32>
    %reduce_min3A_346 = arith.constant dense<0x7F800000> : vector<256xf32>
    %reduce_min3A_347 = vector.multi_reduction <minimumf>, %select_n3A_345, %reduce_min3A_346 [1] : vector<256x1024xf32> to vector<256xf32>
    %broadcast_in_dim3A_348 = vector.shape_cast %reduce_min3A_347 : vector<256xf32> to vector<256x1xf32>
    %eq3A_349 = vector.broadcast %broadcast_in_dim3A_348 : vector<256x1xf32> to vector<256x1024xf32>
    %eq3A_350 = arith.cmpf oeq, %select_n3A_345, %eq3A_349 : vector<256x1024xf32>
    %jit3A_351 = arith.constant 1073741824 : i32
    %broadcast_in_dim3A_352 = vector.broadcast %jit3A_351 : i32 to vector<256x1024xi32>
    %select_n3A_353 = arith.select %eq3A_350, %iota3A, %broadcast_in_dim3A_352 : vector<256x1024xi1>, vector<256x1024xi32>
    %reduce_min3A_354 = arith.constant dense<2147483647> : vector<256xi32>
    %reduce_min3A_355 = vector.multi_reduction <minsi>, %select_n3A_353, %reduce_min3A_354 [1] : vector<256x1024xi32> to vector<256xi32>
    %broadcast_in_dim3A_356 = vector.shape_cast %reduce_min3A_355 : vector<256xi32> to vector<256x1xi32>
    %gt3A_357 = vector.broadcast %broadcast_in_dim3A_348 : vector<256x1xf32> to vector<256x1024xf32>
    %gt3A_358 = arith.cmpf ogt, %sub3A_279, %gt3A_357 : vector<256x1024xf32>
    %eq3A_359 = vector.broadcast %broadcast_in_dim3A_348 : vector<256x1xf32> to vector<256x1024xf32>
    %eq3A_360 = arith.cmpf oeq, %sub3A_279, %eq3A_359 : vector<256x1024xf32>
    %gt3A_361 = vector.broadcast %broadcast_in_dim3A_356 : vector<256x1xi32> to vector<256x1024xi32>
    %gt3A_362 = arith.cmpi sgt, %iota3A, %gt3A_361 : vector<256x1024xi32>
    %and3A_363 = arith.andi %eq3A_360, %gt3A_362 : vector<256x1024xi1>
    %or3A_364 = arith.ori %gt3A_358, %and3A_363 : vector<256x1024xi1>
    %jit3A_365 = arith.constant 0x7F800000 : f32
    %broadcast_in_dim3A_366 = vector.broadcast %jit3A_365 : f32 to vector<256x1024xf32>
    %select_n3A_367 = arith.select %or3A_364, %sub3A_279, %broadcast_in_dim3A_366 : vector<256x1024xi1>, vector<256x1024xf32>
    %reduce_min3A_368 = arith.constant dense<0x7F800000> : vector<256xf32>
    %reduce_min3A_369 = vector.multi_reduction <minimumf>, %select_n3A_367, %reduce_min3A_368 [1] : vector<256x1024xf32> to vector<256xf32>
    %broadcast_in_dim3A_370 = vector.shape_cast %reduce_min3A_369 : vector<256xf32> to vector<256x1xf32>
    %eq3A_371 = vector.broadcast %broadcast_in_dim3A_370 : vector<256x1xf32> to vector<256x1024xf32>
    %eq3A_372 = arith.cmpf oeq, %select_n3A_367, %eq3A_371 : vector<256x1024xf32>
    %jit3A_373 = arith.constant 1073741824 : i32
    %broadcast_in_dim3A_374 = vector.broadcast %jit3A_373 : i32 to vector<256x1024xi32>
    %select_n3A_375 = arith.select %eq3A_372, %iota3A, %broadcast_in_dim3A_374 : vector<256x1024xi1>, vector<256x1024xi32>
    %reduce_min3A_376 = arith.constant dense<2147483647> : vector<256xi32>
    %reduce_min3A_377 = vector.multi_reduction <minsi>, %select_n3A_375, %reduce_min3A_376 [1] : vector<256x1024xi32> to vector<256xi32>
    %broadcast_in_dim3A_378 = vector.shape_cast %reduce_min3A_377 : vector<256xi32> to vector<256x1xi32>
    %mul3A_379 = arith.constant 4096 : i32
    %mul3A_380 = arith.muli %arg0, %mul3A_379 : i32
    %add3A_381 = arith.constant 2048 : i32
    %add3A_382 = arith.addi %mul3A_380, %add3A_381 : i32
    %add3A_383 = vector.broadcast %add3A_382 : i32 to vector<256x1xi32>
    %add3A_384 = arith.addi %broadcast_in_dim3A_290, %add3A_383 : vector<256x1xi32>
    %mul3A_385 = arith.constant 4096 : i32
    %mul3A_386 = arith.muli %arg0, %mul3A_385 : i32
    %add3A_387 = arith.constant 2048 : i32
    %add3A_388 = arith.addi %mul3A_386, %add3A_387 : i32
    %add3A_389 = vector.broadcast %add3A_388 : i32 to vector<256x1xi32>
    %add3A_390 = arith.addi %broadcast_in_dim3A_312, %add3A_389 : vector<256x1xi32>
    %mul3A_391 = arith.constant 4096 : i32
    %mul3A_392 = arith.muli %arg0, %mul3A_391 : i32
    %add3A_393 = arith.constant 2048 : i32
    %add3A_394 = arith.addi %mul3A_392, %add3A_393 : i32
    %add3A_395 = vector.broadcast %add3A_394 : i32 to vector<256x1xi32>
    %add3A_396 = arith.addi %broadcast_in_dim3A_334, %add3A_395 : vector<256x1xi32>
    %mul3A_397 = arith.constant 4096 : i32
    %mul3A_398 = arith.muli %arg0, %mul3A_397 : i32
    %add3A_399 = arith.constant 2048 : i32
    %add3A_400 = arith.addi %mul3A_398, %add3A_399 : i32
    %add3A_401 = vector.broadcast %add3A_400 : i32 to vector<256x1xi32>
    %add3A_402 = arith.addi %broadcast_in_dim3A_356, %add3A_401 : vector<256x1xi32>
    %mul3A_403 = arith.constant 4096 : i32
    %mul3A_404 = arith.muli %arg0, %mul3A_403 : i32
    %add3A_405 = arith.constant 2048 : i32
    %add3A_406 = arith.addi %mul3A_404, %add3A_405 : i32
    %add3A_407 = vector.broadcast %add3A_406 : i32 to vector<256x1xi32>
    %add3A_408 = arith.addi %broadcast_in_dim3A_378, %add3A_407 : vector<256x1xi32>
    %get3A_409 = arith.constant 3072 : index
    %get3A_410 = arith.constant 0 : index
    %get3A_411 = vector.load %arg2[%get3A_409, %get3A_410] : memref<4096x768xbf16, #tpu.memory_space<vmem>>, vector<1024x768xbf16>
    %dot_general3A_412 = arith.constant dense<0.000000e+00> : vector<256x1024xf32>
    %dot_general3A_413 = tpu.matmul %get3A_1, %get3A_411, %dot_general3A_412 {dimension_numbers = #tpu.dot_dimension_numbers<[1], [1], [0], [0], [0, 0, 1, 0], [], []>, transpose_lhs_hint = false} : vector<256x768xbf16>, vector<1024x768xbf16>, vector<256x1024xf32> -> vector<256x1024xf32>
    %swap3A_414 = arith.constant 0 : index
    %swap3A_415 = arith.constant 3072 : index
    %swap3A_416 = vector.load %arg4[%swap3A_414, %swap3A_415] : memref<256x4096xf32, #tpu.memory_space<vmem>>, vector<256x1024xf32>
    tpu.vector_store %arg4[%swap3A_414, %swap3A_415], %dot_general3A_413 {strides = array<i32>} : memref<256x4096xf32, #tpu.memory_space<vmem>>, vector<256x1024xf32>,
    %sub3A_417 = arith.constant 1.000000e+00 : f32
    %sub3A_418 = vector.broadcast %sub3A_417 : f32 to vector<256x1024xf32>
    %sub3A_419 = arith.subf %sub3A_418, %dot_general3A_413 : vector<256x1024xf32>
    %reduce_min3A_420 = arith.constant dense<0x7F800000> : vector<256xf32>
    %reduce_min3A_421 = vector.multi_reduction <minimumf>, %sub3A_419, %reduce_min3A_420 [1] : vector<256x1024xf32> to vector<256xf32>
    %broadcast_in_dim3A_422 = vector.shape_cast %reduce_min3A_421 : vector<256xf32> to vector<256x1xf32>
    %eq3A_423 = vector.broadcast %broadcast_in_dim3A_422 : vector<256x1xf32> to vector<256x1024xf32>
    %eq3A_424 = arith.cmpf oeq, %sub3A_419, %eq3A_423 : vector<256x1024xf32>
    %jit3A_425 = arith.constant 1073741824 : i32
    %broadcast_in_dim3A_426 = vector.broadcast %jit3A_425 : i32 to vector<256x1024xi32>
    %select_n3A_427 = arith.select %eq3A_424, %iota3A, %broadcast_in_dim3A_426 : vector<256x1024xi1>, vector<256x1024xi32>
    %reduce_min3A_428 = arith.constant dense<2147483647> : vector<256xi32>
    %reduce_min3A_429 = vector.multi_reduction <minsi>, %select_n3A_427, %reduce_min3A_428 [1] : vector<256x1024xi32> to vector<256xi32>
    %broadcast_in_dim3A_430 = vector.shape_cast %reduce_min3A_429 : vector<256xi32> to vector<256x1xi32>
    %gt3A_431 = vector.broadcast %broadcast_in_dim3A_422 : vector<256x1xf32> to vector<256x1024xf32>
    %gt3A_432 = arith.cmpf ogt, %sub3A_419, %gt3A_431 : vector<256x1024xf32>
    %eq3A_433 = vector.broadcast %broadcast_in_dim3A_422 : vector<256x1xf32> to vector<256x1024xf32>
    %eq3A_434 = arith.cmpf oeq, %sub3A_419, %eq3A_433 : vector<256x1024xf32>
    %gt3A_435 = vector.broadcast %broadcast_in_dim3A_430 : vector<256x1xi32> to vector<256x1024xi32>
    %gt3A_436 = arith.cmpi sgt, %iota3A, %gt3A_435 : vector<256x1024xi32>
    %and3A_437 = arith.andi %eq3A_434, %gt3A_436 : vector<256x1024xi1>
    %or3A_438 = arith.ori %gt3A_432, %and3A_437 : vector<256x1024xi1>
    %jit3A_439 = arith.constant 0x7F800000 : f32
    %broadcast_in_dim3A_440 = vector.broadcast %jit3A_439 : f32 to vector<256x1024xf32>
    %select_n3A_441 = arith.select %or3A_438, %sub3A_419, %broadcast_in_dim3A_440 : vector<256x1024xi1>, vector<256x1024xf32>
    %reduce_min3A_442 = arith.constant dense<0x7F800000> : vector<256xf32>
    %reduce_min3A_443 = vector.multi_reduction <minimumf>, %select_n3A_441, %reduce_min3A_442 [1] : vector<256x1024xf32> to vector<256xf32>
    %broadcast_in_dim3A_444 = vector.shape_cast %reduce_min3A_443 : vector<256xf32> to vector<256x1xf32>
    %eq3A_445 = vector.broadcast %broadcast_in_dim3A_444 : vector<256x1xf32> to vector<256x1024xf32>
    %eq3A_446 = arith.cmpf oeq, %select_n3A_441, %eq3A_445 : vector<256x1024xf32>
    %jit3A_447 = arith.constant 1073741824 : i32
    %broadcast_in_dim3A_448 = vector.broadcast %jit3A_447 : i32 to vector<256x1024xi32>
    %select_n3A_449 = arith.select %eq3A_446, %iota3A, %broadcast_in_dim3A_448 : vector<256x1024xi1>, vector<256x1024xi32>
    %reduce_min3A_450 = arith.constant dense<2147483647> : vector<256xi32>
    %reduce_min3A_451 = vector.multi_reduction <minsi>, %select_n3A_449, %reduce_min3A_450 [1] : vector<256x1024xi32> to vector<256xi32>
    %broadcast_in_dim3A_452 = vector.shape_cast %reduce_min3A_451 : vector<256xi32> to vector<256x1xi32>
    %gt3A_453 = vector.broadcast %broadcast_in_dim3A_444 : vector<256x1xf32> to vector<256x1024xf32>
    %gt3A_454 = arith.cmpf ogt, %sub3A_419, %gt3A_453 : vector<256x1024xf32>
    %eq3A_455 = vector.broadcast %broadcast_in_dim3A_444 : vector<256x1xf32> to vector<256x1024xf32>
    %eq3A_456 = arith.cmpf oeq, %sub3A_419, %eq3A_455 : vector<256x1024xf32>
    %gt3A_457 = vector.broadcast %broadcast_in_dim3A_452 : vector<256x1xi32> to vector<256x1024xi32>
    %gt3A_458 = arith.cmpi sgt, %iota3A, %gt3A_457 : vector<256x1024xi32>
    %and3A_459 = arith.andi %eq3A_456, %gt3A_458 : vector<256x1024xi1>
    %or3A_460 = arith.ori %gt3A_454, %and3A_459 : vector<256x1024xi1>
    %jit3A_461 = arith.constant 0x7F800000 : f32
    %broadcast_in_dim3A_462 = vector.broadcast %jit3A_461 : f32 to vector<256x1024xf32>
    %select_n3A_463 = arith.select %or3A_460, %sub3A_419, %broadcast_in_dim3A_462 : vector<256x1024xi1>, vector<256x1024xf32>
    %reduce_min3A_464 = arith.constant dense<0x7F800000> : vector<256xf32>
    %reduce_min3A_465 = vector.multi_reduction <minimumf>, %select_n3A_463, %reduce_min3A_464 [1] : vector<256x1024xf32> to vector<256xf32>
    %broadcast_in_dim3A_466 = vector.shape_cast %reduce_min3A_465 : vector<256xf32> to vector<256x1xf32>
    %eq3A_467 = vector.broadcast %broadcast_in_dim3A_466 : vector<256x1xf32> to vector<256x1024xf32>
    %eq3A_468 = arith.cmpf oeq, %select_n3A_463, %eq3A_467 : vector<256x1024xf32>
    %jit3A_469 = arith.constant 1073741824 : i32
    %broadcast_in_dim3A_470 = vector.broadcast %jit3A_469 : i32 to vector<256x1024xi32>
    %select_n3A_471 = arith.select %eq3A_468, %iota3A, %broadcast_in_dim3A_470 : vector<256x1024xi1>, vector<256x1024xi32>
    %reduce_min3A_472 = arith.constant dense<2147483647> : vector<256xi32>
    %reduce_min3A_473 = vector.multi_reduction <minsi>, %select_n3A_471, %reduce_min3A_472 [1] : vector<256x1024xi32> to vector<256xi32>
    %broadcast_in_dim3A_474 = vector.shape_cast %reduce_min3A_473 : vector<256xi32> to vector<256x1xi32>
    %gt3A_475 = vector.broadcast %broadcast_in_dim3A_466 : vector<256x1xf32> to vector<256x1024xf32>
    %gt3A_476 = arith.cmpf ogt, %sub3A_419, %gt3A_475 : vector<256x1024xf32>
    %eq3A_477 = vector.broadcast %broadcast_in_dim3A_466 : vector<256x1xf32> to vector<256x1024xf32>
    %eq3A_478 = arith.cmpf oeq, %sub3A_419, %eq3A_477 : vector<256x1024xf32>
    %gt3A_479 = vector.broadcast %broadcast_in_dim3A_474 : vector<256x1xi32> to vector<256x1024xi32>
    %gt3A_480 = arith.cmpi sgt, %iota3A, %gt3A_479 : vector<256x1024xi32>
    %and3A_481 = arith.andi %eq3A_478, %gt3A_480 : vector<256x1024xi1>
    %or3A_482 = arith.ori %gt3A_476, %and3A_481 : vector<256x1024xi1>
    %jit3A_483 = arith.constant 0x7F800000 : f32
    %broadcast_in_dim3A_484 = vector.broadcast %jit3A_483 : f32 to vector<256x1024xf32>
    %select_n3A_485 = arith.select %or3A_482, %sub3A_419, %broadcast_in_dim3A_484 : vector<256x1024xi1>, vector<256x1024xf32>
    %reduce_min3A_486 = arith.constant dense<0x7F800000> : vector<256xf32>
    %reduce_min3A_487 = vector.multi_reduction <minimumf>, %select_n3A_485, %reduce_min3A_486 [1] : vector<256x1024xf32> to vector<256xf32>
    %broadcast_in_dim3A_488 = vector.shape_cast %reduce_min3A_487 : vector<256xf32> to vector<256x1xf32>
    %eq3A_489 = vector.broadcast %broadcast_in_dim3A_488 : vector<256x1xf32> to vector<256x1024xf32>
    %eq3A_490 = arith.cmpf oeq, %select_n3A_485, %eq3A_489 : vector<256x1024xf32>
    %jit3A_491 = arith.constant 1073741824 : i32
    %broadcast_in_dim3A_492 = vector.broadcast %jit3A_491 : i32 to vector<256x1024xi32>
    %select_n3A_493 = arith.select %eq3A_490, %iota3A, %broadcast_in_dim3A_492 : vector<256x1024xi1>, vector<256x1024xi32>
    %reduce_min3A_494 = arith.constant dense<2147483647> : vector<256xi32>
    %reduce_min3A_495 = vector.multi_reduction <minsi>, %select_n3A_493, %reduce_min3A_494 [1] : vector<256x1024xi32> to vector<256xi32>
    %broadcast_in_dim3A_496 = vector.shape_cast %reduce_min3A_495 : vector<256xi32> to vector<256x1xi32>
    %gt3A_497 = vector.broadcast %broadcast_in_dim3A_488 : vector<256x1xf32> to vector<256x1024xf32>
    %gt3A_498 = arith.cmpf ogt, %sub3A_419, %gt3A_497 : vector<256x1024xf32>
    %eq3A_499 = vector.broadcast %broadcast_in_dim3A_488 : vector<256x1xf32> to vector<256x1024xf32>
    %eq3A_500 = arith.cmpf oeq, %sub3A_419, %eq3A_499 : vector<256x1024xf32>
    %gt3A_501 = vector.broadcast %broadcast_in_dim3A_496 : vector<256x1xi32> to vector<256x1024xi32>
    %gt3A_502 = arith.cmpi sgt, %iota3A, %gt3A_501 : vector<256x1024xi32>
    %and3A_503 = arith.andi %eq3A_500, %gt3A_502 : vector<256x1024xi1>
    %or3A_504 = arith.ori %gt3A_498, %and3A_503 : vector<256x1024xi1>
    %jit3A_505 = arith.constant 0x7F800000 : f32
    %broadcast_in_dim3A_506 = vector.broadcast %jit3A_505 : f32 to vector<256x1024xf32>
    %select_n3A_507 = arith.select %or3A_504, %sub3A_419, %broadcast_in_dim3A_506 : vector<256x1024xi1>, vector<256x1024xf32>
    %reduce_min3A_508 = arith.constant dense<0x7F800000> : vector<256xf32>
    %reduce_min3A_509 = vector.multi_reduction <minimumf>, %select_n3A_507, %reduce_min3A_508 [1] : vector<256x1024xf32> to vector<256xf32>
    %broadcast_in_dim3A_510 = vector.shape_cast %reduce_min3A_509 : vector<256xf32> to vector<256x1xf32>
    %eq3A_511 = vector.broadcast %broadcast_in_dim3A_510 : vector<256x1xf32> to vector<256x1024xf32>
    %eq3A_512 = arith.cmpf oeq, %select_n3A_507, %eq3A_511 : vector<256x1024xf32>
    %jit3A_513 = arith.constant 1073741824 : i32
    %broadcast_in_dim3A_514 = vector.broadcast %jit3A_513 : i32 to vector<256x1024xi32>
    %select_n3A_515 = arith.select %eq3A_512, %iota3A, %broadcast_in_dim3A_514 : vector<256x1024xi1>, vector<256x1024xi32>
    %reduce_min3A_516 = arith.constant dense<2147483647> : vector<256xi32>
    %reduce_min3A_517 = vector.multi_reduction <minsi>, %select_n3A_515, %reduce_min3A_516 [1] : vector<256x1024xi32> to vector<256xi32>
    %broadcast_in_dim3A_518 = vector.shape_cast %reduce_min3A_517 : vector<256xi32> to vector<256x1xi32>
    %mul3A_519 = arith.constant 4096 : i32
    %mul3A_520 = arith.muli %arg0, %mul3A_519 : i32
    %add3A_521 = arith.constant 3072 : i32
    %add3A_522 = arith.addi %mul3A_520, %add3A_521 : i32
    %add3A_523 = vector.broadcast %add3A_522 : i32 to vector<256x1xi32>
    %add3A_524 = arith.addi %broadcast_in_dim3A_430, %add3A_523 : vector<256x1xi32>
    %mul3A_525 = arith.constant 4096 : i32
    %mul3A_526 = arith.muli %arg0, %mul3A_525 : i32
    %add3A_527 = arith.constant 3072 : i32
    %add3A_528 = arith.addi %mul3A_526, %add3A_527 : i32
    %add3A_529 = vector.broadcast %add3A_528 : i32 to vector<256x1xi32>
    %add3A_530 = arith.addi %broadcast_in_dim3A_452, %add3A_529 : vector<256x1xi32>
    %mul3A_531 = arith.constant 4096 : i32
    %mul3A_532 = arith.muli %arg0, %mul3A_531 : i32
    %add3A_533 = arith.constant 3072 : i32
    %add3A_534 = arith.addi %mul3A_532, %add3A_533 : i32
    %add3A_535 = vector.broadcast %add3A_534 : i32 to vector<256x1xi32>
    %add3A_536 = arith.addi %broadcast_in_dim3A_474, %add3A_535 : vector<256x1xi32>
    %mul3A_537 = arith.constant 4096 : i32
    %mul3A_538 = arith.muli %arg0, %mul3A_537 : i32
    %add3A_539 = arith.constant 3072 : i32
    %add3A_540 = arith.addi %mul3A_538, %add3A_539 : i32
    %add3A_541 = vector.broadcast %add3A_540 : i32 to vector<256x1xi32>
    %add3A_542 = arith.addi %broadcast_in_dim3A_496, %add3A_541 : vector<256x1xi32>
    %mul3A_543 = arith.constant 4096 : i32
    %mul3A_544 = arith.muli %arg0, %mul3A_543 : i32
    %add3A_545 = arith.constant 3072 : i32
    %add3A_546 = arith.addi %mul3A_544, %add3A_545 : i32
    %add3A_547 = vector.broadcast %add3A_546 : i32 to vector<256x1xi32>
    %add3A_548 = arith.addi %broadcast_in_dim3A_518, %add3A_547 : vector<256x1xi32>
    %concatenate3A = tpu.concatenate %broadcast_in_dim3A, %broadcast_in_dim3A_26, %broadcast_in_dim3A_48, %broadcast_in_dim3A_70, %broadcast_in_dim3A_92, %broadcast_in_dim3A_142, %broadcast_in_dim3A_164, %broadcast_in_dim3A_186, %broadcast_in_dim3A_208, %broadcast_in_dim3A_230, %broadcast_in_dim3A_282, %broadcast_in_dim3A_304, %broadcast_in_dim3A_326, %broadcast_in_dim3A_348, %broadcast_in_dim3A_370, %broadcast_in_dim3A_422, %broadcast_in_dim3A_444, %broadcast_in_dim3A_466, %broadcast_in_dim3A_488, %broadcast_in_dim3A_510 in 1 : vector<256x1xf32>, vector<256x1xf32>, vector<256x1xf32>, vector<256x1xf32>, vector<256x1xf32>, vector<256x1xf32>, vector<256x1xf32>, vector<256x1xf32>, vector<256x1xf32>, vector<256x1xf32>, vector<256x1xf32>, vector<256x1xf32>, vector<256x1xf32>, vector<256x1xf32>, vector<256x1xf32>, vector<256x1xf32>, vector<256x1xf32>, vector<256x1xf32>, vector<256x1xf32>, vector<256x1xf32> -> vector<256x20xf32>
    %concatenate3A_549 = tpu.concatenate %add3A_104, %add3A_110, %add3A_116, %add3A_122, %add3A_128, %add3A_244, %add3A_250, %add3A_256, %add3A_262, %add3A_268, %add3A_384, %add3A_390, %add3A_396, %add3A_402, %add3A_408, %add3A_524, %add3A_530, %add3A_536, %add3A_542, %add3A_548 in 1 : vector<256x1xi32>, vector<256x1xi32>, vector<256x1xi32>, vector<256x1xi32>, vector<256x1xi32>, vector<256x1xi32>, vector<256x1xi32>, vector<256x1xi32>, vector<256x1xi32>, vector<256x1xi32>, vector<256x1xi32>, vector<256x1xi32>, vector<256x1xi32>, vector<256x1xi32>, vector<256x1xi32>, vector<256x1xi32>, vector<256x1xi32>, vector<256x1xi32>, vector<256x1xi32>, vector<256x1xi32> -> vector<256x20xi32>
    %eq3A_550 = arith.constant 0 : i32
    %eq3A_551 = arith.cmpi eq, %arg0, %eq3A_550 : i32
    %convert_element_type3A = arith.extui %eq3A_551 : i1 to i32
    %cond3A = arith.constant 0 : i32
    %cond3A_552 = arith.cmpi ne, %convert_element_type3A, %cond3A : i32
    scf.if %cond3A_552 {
      %swap3A_558 = arith.constant 0 : index
      %swap3A_559 = arith.constant 0 : index
      %swap3A_560 = vector.load %arg7[%swap3A_558, %swap3A_559] : memref<256x20xf32, #tpu.memory_space<vmem>>, vector<256x20xf32>
      tpu.vector_store %arg7[%swap3A_558, %swap3A_559], %concatenate3A {strides = array<i32>} : memref<256x20xf32, #tpu.memory_space<vmem>>, vector<256x20xf32>,
      %swap3A_561 = arith.constant 0 : index
      %swap3A_562 = arith.constant 0 : index
      %swap3A_563 = vector.load %arg8[%swap3A_561, %swap3A_562] : memref<256x20xi32, #tpu.memory_space<vmem>>, vector<256x20xi32>
      tpu.vector_store %arg8[%swap3A_561, %swap3A_562], %concatenate3A_549 {strides = array<i32>} : memref<256x20xi32, #tpu.memory_space<vmem>>, vector<256x20xi32>,
    } else {
    }
    %eq3A_553 = arith.constant 1 : i32
    %eq3A_554 = arith.cmpi eq, %arg0, %eq3A_553 : i32
    %convert_element_type3A_555 = arith.extui %eq3A_554 : i1 to i32
    %cond3A_556 = arith.constant 0 : i32
    %cond3A_557 = arith.cmpi ne, %convert_element_type3A_555, %cond3A_556 : i32
    scf.if %cond3A_557 {
      %get3A_558 = arith.constant 0 : index
      %get3A_559 = arith.constant 0 : index
      %get3A_560 = vector.load %arg7[%get3A_558, %get3A_559] : memref<256x20xf32, #tpu.memory_space<vmem>>, vector<256x20xf32>
      %concatenate3A_561 = tpu.concatenate %get3A_560, %concatenate3A in 1 : vector<256x20xf32>, vector<256x20xf32> -> vector<256x40xf32>
      %get3A_562 = arith.constant 0 : index
      %get3A_563 = arith.constant 0 : index
      %get3A_564 = vector.load %arg8[%get3A_562, %get3A_563] : memref<256x20xi32, #tpu.memory_space<vmem>>, vector<256x20xi32>
      %concatenate3A_565 = tpu.concatenate %get3A_564, %concatenate3A_549 in 1 : vector<256x20xi32>, vector<256x20xi32> -> vector<256x40xi32>
      %reduce_min3A_566 = arith.constant dense<0x7F800000> : vector<256xf32>
      %reduce_min3A_567 = vector.multi_reduction <minimumf>, %concatenate3A_561, %reduce_min3A_566 [1] : vector<256x40xf32> to vector<256xf32>
      %broadcast_in_dim3A_568 = vector.shape_cast %reduce_min3A_567 : vector<256xf32> to vector<256x1xf32>
      %eq3A_569 = vector.broadcast %broadcast_in_dim3A_568 : vector<256x1xf32> to vector<256x40xf32>
      %eq3A_570 = arith.cmpf oeq, %concatenate3A_561, %eq3A_569 : vector<256x40xf32>
      %jit3A_571 = arith.constant 1073741824 : i32
      %broadcast_in_dim3A_572 = vector.broadcast %jit3A_571 : i32 to vector<256x40xi32>
      %select_n3A_573 = arith.select %eq3A_570, %concatenate3A_565, %broadcast_in_dim3A_572 : vector<256x40xi1>, vector<256x40xi32>
      %reduce_min3A_574 = arith.constant dense<2147483647> : vector<256xi32>
      %reduce_min3A_575 = vector.multi_reduction <minsi>, %select_n3A_573, %reduce_min3A_574 [1] : vector<256x40xi32> to vector<256xi32>
      %broadcast_in_dim3A_576 = vector.shape_cast %reduce_min3A_575 : vector<256xi32> to vector<256x1xi32>
      %gt3A_577 = vector.broadcast %broadcast_in_dim3A_568 : vector<256x1xf32> to vector<256x40xf32>
      %gt3A_578 = arith.cmpf ogt, %concatenate3A_561, %gt3A_577 : vector<256x40xf32>
      %eq3A_579 = vector.broadcast %broadcast_in_dim3A_568 : vector<256x1xf32> to vector<256x40xf32>
      %eq3A_580 = arith.cmpf oeq, %concatenate3A_561, %eq3A_579 : vector<256x40xf32>
      %gt3A_581 = vector.broadcast %broadcast_in_dim3A_576 : vector<256x1xi32> to vector<256x40xi32>
      %gt3A_582 = arith.cmpi sgt, %concatenate3A_565, %gt3A_581 : vector<256x40xi32>
      %and3A_583 = arith.andi %eq3A_580, %gt3A_582 : vector<256x40xi1>
      %or3A_584 = arith.ori %gt3A_578, %and3A_583 : vector<256x40xi1>
      %jit3A_585 = arith.constant 0x7F800000 : f32
      %broadcast_in_dim3A_586 = vector.broadcast %jit3A_585 : f32 to vector<256x40xf32>
      %select_n3A_587 = arith.select %or3A_584, %concatenate3A_561, %broadcast_in_dim3A_586 : vector<256x40xi1>, vector<256x40xf32>
      %reduce_min3A_588 = arith.constant dense<0x7F800000> : vector<256xf32>
      %reduce_min3A_589 = vector.multi_reduction <minimumf>, %select_n3A_587, %reduce_min3A_588 [1] : vector<256x40xf32> to vector<256xf32>
      %broadcast_in_dim3A_590 = vector.shape_cast %reduce_min3A_589 : vector<256xf32> to vector<256x1xf32>
      %eq3A_591 = vector.broadcast %broadcast_in_dim3A_590 : vector<256x1xf32> to vector<256x40xf32>
      %eq3A_592 = arith.cmpf oeq, %select_n3A_587, %eq3A_591 : vector<256x40xf32>
      %jit3A_593 = arith.constant 1073741824 : i32
      %broadcast_in_dim3A_594 = vector.broadcast %jit3A_593 : i32 to vector<256x40xi32>
      %select_n3A_595 = arith.select %eq3A_592, %concatenate3A_565, %broadcast_in_dim3A_594 : vector<256x40xi1>, vector<256x40xi32>
      %reduce_min3A_596 = arith.constant dense<2147483647> : vector<256xi32>
      %reduce_min3A_597 = vector.multi_reduction <minsi>, %select_n3A_595, %reduce_min3A_596 [1] : vector<256x40xi32> to vector<256xi32>
      %broadcast_in_dim3A_598 = vector.shape_cast %reduce_min3A_597 : vector<256xi32> to vector<256x1xi32>
      %gt3A_599 = vector.broadcast %broadcast_in_dim3A_590 : vector<256x1xf32> to vector<256x40xf32>
      %gt3A_600 = arith.cmpf ogt, %concatenate3A_561, %gt3A_599 : vector<256x40xf32>
      %eq3A_601 = vector.broadcast %broadcast_in_dim3A_590 : vector<256x1xf32> to vector<256x40xf32>
      %eq3A_602 = arith.cmpf oeq, %concatenate3A_561, %eq3A_601 : vector<256x40xf32>
      %gt3A_603 = vector.broadcast %broadcast_in_dim3A_598 : vector<256x1xi32> to vector<256x40xi32>
      %gt3A_604 = arith.cmpi sgt, %concatenate3A_565, %gt3A_603 : vector<256x40xi32>
      %and3A_605 = arith.andi %eq3A_602, %gt3A_604 : vector<256x40xi1>
      %or3A_606 = arith.ori %gt3A_600, %and3A_605 : vector<256x40xi1>
      %jit3A_607 = arith.constant 0x7F800000 : f32
      %broadcast_in_dim3A_608 = vector.broadcast %jit3A_607 : f32 to vector<256x40xf32>
      %select_n3A_609 = arith.select %or3A_606, %concatenate3A_561, %broadcast_in_dim3A_608 : vector<256x40xi1>, vector<256x40xf32>
      %reduce_min3A_610 = arith.constant dense<0x7F800000> : vector<256xf32>
      %reduce_min3A_611 = vector.multi_reduction <minimumf>, %select_n3A_609, %reduce_min3A_610 [1] : vector<256x40xf32> to vector<256xf32>
      %broadcast_in_dim3A_612 = vector.shape_cast %reduce_min3A_611 : vector<256xf32> to vector<256x1xf32>
      %eq3A_613 = vector.broadcast %broadcast_in_dim3A_612 : vector<256x1xf32> to vector<256x40xf32>
      %eq3A_614 = arith.cmpf oeq, %select_n3A_609, %eq3A_613 : vector<256x40xf32>
      %jit3A_615 = arith.constant 1073741824 : i32
      %broadcast_in_dim3A_616 = vector.broadcast %jit3A_615 : i32 to vector<256x40xi32>
      %select_n3A_617 = arith.select %eq3A_614, %concatenate3A_565, %broadcast_in_dim3A_616 : vector<256x40xi1>, vector<256x40xi32>
      %reduce_min3A_618 = arith.constant dense<2147483647> : vector<256xi32>
      %reduce_min3A_619 = vector.multi_reduction <minsi>, %select_n3A_617, %reduce_min3A_618 [1] : vector<256x40xi32> to vector<256xi32>
      %broadcast_in_dim3A_620 = vector.shape_cast %reduce_min3A_619 : vector<256xi32> to vector<256x1xi32>
      %gt3A_621 = vector.broadcast %broadcast_in_dim3A_612 : vector<256x1xf32> to vector<256x40xf32>
      %gt3A_622 = arith.cmpf ogt, %concatenate3A_561, %gt3A_621 : vector<256x40xf32>
      %eq3A_623 = vector.broadcast %broadcast_in_dim3A_612 : vector<256x1xf32> to vector<256x40xf32>
      %eq3A_624 = arith.cmpf oeq, %concatenate3A_561, %eq3A_623 : vector<256x40xf32>
      %gt3A_625 = vector.broadcast %broadcast_in_dim3A_620 : vector<256x1xi32> to vector<256x40xi32>
      %gt3A_626 = arith.cmpi sgt, %concatenate3A_565, %gt3A_625 : vector<256x40xi32>
      %and3A_627 = arith.andi %eq3A_624, %gt3A_626 : vector<256x40xi1>
      %or3A_628 = arith.ori %gt3A_622, %and3A_627 : vector<256x40xi1>
      %jit3A_629 = arith.constant 0x7F800000 : f32
      %broadcast_in_dim3A_630 = vector.broadcast %jit3A_629 : f32 to vector<256x40xf32>
      %select_n3A_631 = arith.select %or3A_628, %concatenate3A_561, %broadcast_in_dim3A_630 : vector<256x40xi1>, vector<256x40xf32>
      %reduce_min3A_632 = arith.constant dense<0x7F800000> : vector<256xf32>
      %reduce_min3A_633 = vector.multi_reduction <minimumf>, %select_n3A_631, %reduce_min3A_632 [1] : vector<256x40xf32> to vector<256xf32>
      %broadcast_in_dim3A_634 = vector.shape_cast %reduce_min3A_633 : vector<256xf32> to vector<256x1xf32>
      %eq3A_635 = vector.broadcast %broadcast_in_dim3A_634 : vector<256x1xf32> to vector<256x40xf32>
      %eq3A_636 = arith.cmpf oeq, %select_n3A_631, %eq3A_635 : vector<256x40xf32>
      %jit3A_637 = arith.constant 1073741824 : i32
      %broadcast_in_dim3A_638 = vector.broadcast %jit3A_637 : i32 to vector<256x40xi32>
      %select_n3A_639 = arith.select %eq3A_636, %concatenate3A_565, %broadcast_in_dim3A_638 : vector<256x40xi1>, vector<256x40xi32>
      %reduce_min3A_640 = arith.constant dense<2147483647> : vector<256xi32>
      %reduce_min3A_641 = vector.multi_reduction <minsi>, %select_n3A_639, %reduce_min3A_640 [1] : vector<256x40xi32> to vector<256xi32>
      %broadcast_in_dim3A_642 = vector.shape_cast %reduce_min3A_641 : vector<256xi32> to vector<256x1xi32>
      %gt3A_643 = vector.broadcast %broadcast_in_dim3A_634 : vector<256x1xf32> to vector<256x40xf32>
      %gt3A_644 = arith.cmpf ogt, %concatenate3A_561, %gt3A_643 : vector<256x40xf32>
      %eq3A_645 = vector.broadcast %broadcast_in_dim3A_634 : vector<256x1xf32> to vector<256x40xf32>
      %eq3A_646 = arith.cmpf oeq, %concatenate3A_561, %eq3A_645 : vector<256x40xf32>
      %gt3A_647 = vector.broadcast %broadcast_in_dim3A_642 : vector<256x1xi32> to vector<256x40xi32>
      %gt3A_648 = arith.cmpi sgt, %concatenate3A_565, %gt3A_647 : vector<256x40xi32>
      %and3A_649 = arith.andi %eq3A_646, %gt3A_648 : vector<256x40xi1>
      %or3A_650 = arith.ori %gt3A_644, %and3A_649 : vector<256x40xi1>
      %jit3A_651 = arith.constant 0x7F800000 : f32
      %broadcast_in_dim3A_652 = vector.broadcast %jit3A_651 : f32 to vector<256x40xf32>
      %select_n3A_653 = arith.select %or3A_650, %concatenate3A_561, %broadcast_in_dim3A_652 : vector<256x40xi1>, vector<256x40xf32>
      %reduce_min3A_654 = arith.constant dense<0x7F800000> : vector<256xf32>
      %reduce_min3A_655 = vector.multi_reduction <minimumf>, %select_n3A_653, %reduce_min3A_654 [1] : vector<256x40xf32> to vector<256xf32>
      %broadcast_in_dim3A_656 = vector.shape_cast %reduce_min3A_655 : vector<256xf32> to vector<256x1xf32>
      %eq3A_657 = vector.broadcast %broadcast_in_dim3A_656 : vector<256x1xf32> to vector<256x40xf32>
      %eq3A_658 = arith.cmpf oeq, %select_n3A_653, %eq3A_657 : vector<256x40xf32>
      %jit3A_659 = arith.constant 1073741824 : i32
      %broadcast_in_dim3A_660 = vector.broadcast %jit3A_659 : i32 to vector<256x40xi32>
      %select_n3A_661 = arith.select %eq3A_658, %concatenate3A_565, %broadcast_in_dim3A_660 : vector<256x40xi1>, vector<256x40xi32>
      %reduce_min3A_662 = arith.constant dense<2147483647> : vector<256xi32>
      %reduce_min3A_663 = vector.multi_reduction <minsi>, %select_n3A_661, %reduce_min3A_662 [1] : vector<256x40xi32> to vector<256xi32>
      %broadcast_in_dim3A_664 = vector.shape_cast %reduce_min3A_663 : vector<256xi32> to vector<256x1xi32>
      %sub3A_665 = arith.constant 1.000000e+00 : f32
      %sub3A_666 = vector.broadcast %sub3A_665 : f32 to vector<256x1xf32>
      %sub3A_667 = arith.subf %sub3A_666, %broadcast_in_dim3A_568 : vector<256x1xf32>
      %sub3A_668 = arith.constant 1.000000e+00 : f32
      %sub3A_669 = vector.broadcast %sub3A_668 : f32 to vector<256x1xf32>
      %sub3A_670 = arith.subf %sub3A_669, %broadcast_in_dim3A_590 : vector<256x1xf32>
      %sub3A_671 = arith.constant 1.000000e+00 : f32
      %sub3A_672 = vector.broadcast %sub3A_671 : f32 to vector<256x1xf32>
      %sub3A_673 = arith.subf %sub3A_672, %broadcast_in_dim3A_612 : vector<256x1xf32>
      %sub3A_674 = arith.constant 1.000000e+00 : f32
      %sub3A_675 = vector.broadcast %sub3A_674 : f32 to vector<256x1xf32>
      %sub3A_676 = arith.subf %sub3A_675, %broadcast_in_dim3A_634 : vector<256x1xf32>
      %sub3A_677 = arith.constant 1.000000e+00 : f32
      %sub3A_678 = vector.broadcast %sub3A_677 : f32 to vector<256x1xf32>
      %sub3A_679 = arith.subf %sub3A_678, %broadcast_in_dim3A_656 : vector<256x1xf32>
      %concatenate3A_680 = tpu.concatenate %sub3A_667, %sub3A_670, %sub3A_673, %sub3A_676, %sub3A_679, %sub3A_679, %sub3A_679, %sub3A_679 in 1 : vector<256x1xf32>, vector<256x1xf32>, vector<256x1xf32>, vector<256x1xf32>, vector<256x1xf32>, vector<256x1xf32>, vector<256x1xf32>, vector<256x1xf32> -> vector<256x8xf32>
      %swap3A_681 = arith.constant 0 : index
      %swap3A_682 = arith.constant 0 : index
      %swap3A_683 = vector.load %arg5[%swap3A_681, %swap3A_682] : memref<256x8xf32, #tpu.memory_space<vmem>>, vector<256x8xf32>
      tpu.vector_store %arg5[%swap3A_681, %swap3A_682], %concatenate3A_680 {strides = array<i32>} : memref<256x8xf32, #tpu.memory_space<vmem>>, vector<256x8xf32>,
      %concatenate3A_684 = tpu.concatenate %broadcast_in_dim3A_576, %broadcast_in_dim3A_598, %broadcast_in_dim3A_620, %broadcast_in_dim3A_642, %broadcast_in_dim3A_664, %broadcast_in_dim3A_664, %broadcast_in_dim3A_664, %broadcast_in_dim3A_664 in 1 : vector<256x1xi32>, vector<256x1xi32>, vector<256x1xi32>, vector<256x1xi32>, vector<256x1xi32>, vector<256x1xi32>, vector<256x1xi32>, vector<256x1xi32> -> vector<256x8xi32>
      %swap3A_685 = arith.constant 0 : index
      %swap3A_686 = arith.constant 0 : index
      %swap3A_687 = vector.load %arg6[%swap3A_685, %swap3A_686] : memref<256x8xi32, #tpu.memory_space<vmem>>, vector<256x8xi32>
      tpu.vector_store %arg6[%swap3A_685, %swap3A_686], %concatenate3A_684 {strides = array<i32>} : memref<256x8xi32, #tpu.memory_space<vmem>>, vector<256x8xi32>,
    } else {
    }
    return
  }
  func.func @transform_0(%arg0: i32) -> (i32, i32) {
    %c0_i32 = arith.constant 0 : i32
    %c0_i32_0 = arith.constant 0 : i32
    %c0_i32_1 = arith.constant 0 : i32
    return %c0_i32, %c0_i32_0 : i32, i32
  }
  func.func @transform_1(%arg0: i32) -> (i32, i32) {
    %c0_i32 = arith.constant 0 : i32
    %c0_i32_0 = arith.constant 0 : i32
    return %arg0, %c0_i32 : i32, i32
  }
  func.func @transform_3(%arg0: i32) -> (i32, i32) {
    %c1_i32 = arith.constant 1 : i32
    %c0_i32 = arith.constant 0 : i32
    return %c1_i32, %arg0 : i32, i32
  }
  func.func @transform_4(%arg0: i32) -> (i32, i32) {
    %c0_i32 = arith.constant 0 : i32
    %c0_i32_0 = arith.constant 0 : i32
    %c0_i32_1 = arith.constant 0 : i32
    return %c0_i32, %c0_i32_0 : i32, i32
  }
  func.func @transform_5(%arg0: i32) -> (i32, i32) {
    %c0_i32 = arith.constant 0 : i32
    %c0_i32_0 = arith.constant 0 : i32
    %c0_i32_1 = arith.constant 0 : i32
    return %c0_i32, %c0_i32_0 : i32, i32
  }
}

module attributes {stable_mosaic.version = 14 : i64} {
  func.func @_lambda_(%arg0: i32, %arg1: memref<256x768xbf16, #tpu.memory_space<vmem>>, %arg2: memref<4096x768xbf16, #tpu.memory_space<vmem>>, %arg3: memref<1024x8192xf32, #tpu.memory_space<any>>, %arg4: memref<256x4096xf32, #tpu.memory_space<vmem>>, %arg5: memref<256x8xf32, #tpu.memory_space<vmem>>, %arg6: memref<256x8xi32, #tpu.memory_space<vmem>>, %arg7: memref<256x20xf32, #tpu.memory_space<vmem>>, %arg8: memref<256x20xi32, #tpu.memory_space<vmem>>) attributes {dimension_semantics = [#tpu.dimension_semantics<arbitrary>], iteration_bounds = array<i64: 2>, scalar_prefetch = 0 : i64, scratch_operands = 2 : i64, tpu.core_type = #tpu.core_type<tc>, window_params = [{pipeline_mode = #tpu.pipeline_mode<synchronous>, transform_indices = @transform_0, window_bounds = array<i64: 256, 768>}, {transform_indices = @transform_1, window_bounds = array<i64: 4096, 768>}, {}, {transform_indices = @transform_3, window_bounds = array<i64: 256, 4096>}, {pipeline_mode = #tpu.pipeline_mode<synchronous>, transform_indices = @transform_4, window_bounds = array<i64: 256, 8>}, {pipeline_mode = #tpu.pipeline_mode<synchronous>, transform_indices = @transform_5, window_bounds = array<i64: 256, 8>}]} {
    %get3A = arith.constant 0 : index
    %get3A_0 = arith.constant 0 : index
    %get3A_1 = vector.load %arg1[%get3A, %get3A_0] : memref<256x768xbf16, #tpu.memory_space<vmem>>, vector<256x768xbf16>
    %iota3A = tpu.iota {dimensions = array<i32: 1>} : vector<256x1024xi32>
    %get3A_2 = arith.constant 0 : index
    %get3A_3 = arith.constant 0 : index
    %get3A_4 = vector.load %arg2[%get3A_2, %get3A_3] : memref<4096x768xbf16, #tpu.memory_space<vmem>>, vector<1024x768xbf16>
    %dot_general3A = arith.constant dense<0.000000e+00> : vector<256x1024xf32>
    %dot_general3A_5 = tpu.matmul %get3A_1, %get3A_4, %dot_general3A {dimension_numbers = #tpu.dot_dimension_numbers<[1], [1], [0], [0], [0, 0, 1, 0], [], []>, transpose_lhs_hint = false} : vector<256x768xbf16>, vector<1024x768xbf16>, vector<256x1024xf32> -> vector<256x1024xf32>
    %swap3A = arith.constant 0 : index
    %swap3A_6 = arith.constant 0 : index
    %swap3A_7 = vector.load %arg4[%swap3A, %swap3A_6] : memref<256x4096xf32, #tpu.memory_space<vmem>>, vector<256x1024xf32>
    tpu.vector_store %arg4[%swap3A, %swap3A_6], %dot_general3A_5 {strides = array<i32>} : memref<256x4096xf32, #tpu.memory_space<vmem>>, vector<256x1024xf32>,
    %sub3A = arith.constant 1.000000e+00 : f32
    %sub3A_8 = vector.broadcast %sub3A : f32 to vector<256x1024xf32>
    %sub3A_9 = arith.subf %sub3A_8, %dot_general3A_5 : vector<256x1024xf32>
    %reduce_min3A = arith.constant dense<0x7F800000> : vector<256xf32>
    %reduce_min3A_10 = vector.multi_reduction <minimumf>, %sub3A_9, %reduce_min3A [1] : vector<256x1024xf32> to vector<256xf32>
    %broadcast_in_dim3A = vector.shape_cast %reduce_min3A_10 : vector<256xf32> to vector<256x1xf32>
    %eq3A = vector.broadcast %broadcast_in_dim3A : vector<256x1xf32> to vector<256x1024xf32>
    %eq3A_11 = arith.cmpf oeq, %sub3A_9, %eq3A : vector<256x1024xf32>
    %jit3A = arith.constant 1073741824 : i32
    %broadcast_in_dim3A_12 = vector.broadcast %jit3A : i32 to vector<256x1024xi32>
    %select_n3A = arith.select %eq3A_11, %iota3A, %broadcast_in_dim3A_12 : vector<256x1024xi1>, vector<256x1024xi32>
    %reduce_min3A_13 = arith.constant dense<2147483647> : vector<256xi32>
    %reduce_min3A_14 = vector.multi_reduction <minsi>, %select_n3A, %reduce_min3A_13 [1] : vector<256x1024xi32> to vector<256xi32>
    %broadcast_in_dim3A_15 = vector.shape_cast %reduce_min3A_14 : vector<256xi32> to vector<256x1xi32>
    %gt3A = vector.broadcast %broadcast_in_dim3A : vector<256x1xf32> to vector<256x1024xf32>
    %gt3A_16 = arith.cmpf ogt, %sub3A_9, %gt3A : vector<256x1024xf32>
    %eq3A_17 = vector.broadcast %broadcast_in_dim3A : vector<256x1xf32> to vector<256x1024xf32>
    %eq3A_18 = arith.cmpf oeq, %sub3A_9, %eq3A_17 : vector<256x1024xf32>
    %gt3A_19 = vector.broadcast %broadcast_in_dim3A_15 : vector<256x1xi32> to vector<256x1024xi32>
    %gt3A_20 = arith.cmpi sgt, %iota3A, %gt3A_19 : vector<256x1024xi32>
    %and3A = arith.andi %eq3A_18, %gt3A_20 : vector<256x1024xi1>
    %or3A = arith.ori %gt3A_16, %and3A : vector<256x1024xi1>
    %jit3A_21 = arith.constant 0x7F800000 : f32
    %broadcast_in_dim3A_22 = vector.broadcast %jit3A_21 : f32 to vector<256x1024xf32>
    %select_n3A_23 = arith.select %or3A, %sub3A_9, %broadcast_in_dim3A_22 : vector<256x1024xi1>, vector<256x1024xf32>
    %reduce_min3A_24 = arith.constant dense<0x7F800000> : vector<256xf32>
    %reduce_min3A_25 = vector.multi_reduction <minimumf>, %select_n3A_23, %reduce_min3A_24 [1] : vector<256x1024xf32> to vector<256xf32>
    %broadcast_in_dim3A_26 = vector.shape_cast %reduce_min3A_25 : vector<256xf32> to vector<256x1xf32>
    %eq3A_27 = vector.broadcast %broadcast_in_dim3A_26 : vector<256x1xf32> to vector<256x1024xf32>
    %eq3A_28 = arith.cmpf oeq, %select_n3A_23, %eq3A_27 : vector<256x1024xf32>
    %jit3A_29 = arith.constant 1073741824 : i32
    %broadcast_in_dim3A_30 = vector.broadcast %jit3A_29 : i32 to vector<256x1024xi32>
    %select_n3A_31 = arith.select %eq3A_28, %iota3A, %broadcast_in_dim3A_30 : vector<256x1024xi1>, vector<256x1024xi32>
    %reduce_min3A_32 = arith.constant dense<2147483647> : vector<256xi32>
    %reduce_min3A_33 = vector.multi_reduction <minsi>, %select_n3A_31, %reduce_min3A_32 [1] : vector<256x1024xi32> to vector<256xi32>
    %broadcast_in_dim3A_34 = vector.shape_cast %reduce_min3A_33 : vector<256xi32> to vector<256x1xi32>
    %gt3A_35 = vector.broadcast %broadcast_in_dim3A_26 : vector<256x1xf32> to vector<256x1024xf32>
    %gt3A_36 = arith.cmpf ogt, %sub3A_9, %gt3A_35 : vector<256x1024xf32>
    %eq3A_37 = vector.broadcast %broadcast_in_dim3A_26 : vector<256x1xf32> to vector<256x1024xf32>
    %eq3A_38 = arith.cmpf oeq, %sub3A_9, %eq3A_37 : vector<256x1024xf32>
    %gt3A_39 = vector.broadcast %broadcast_in_dim3A_34 : vector<256x1xi32> to vector<256x1024xi32>
    %gt3A_40 = arith.cmpi sgt, %iota3A, %gt3A_39 : vector<256x1024xi32>
    %and3A_41 = arith.andi %eq3A_38, %gt3A_40 : vector<256x1024xi1>
    %or3A_42 = arith.ori %gt3A_36, %and3A_41 : vector<256x1024xi1>
    %jit3A_43 = arith.constant 0x7F800000 : f32
    %broadcast_in_dim3A_44 = vector.broadcast %jit3A_43 : f32 to vector<256x1024xf32>
    %select_n3A_45 = arith.select %or3A_42, %sub3A_9, %broadcast_in_dim3A_44 : vector<256x1024xi1>, vector<256x1024xf32>
    %reduce_min3A_46 = arith.constant dense<0x7F800000> : vector<256xf32>
    %reduce_min3A_47 = vector.multi_reduction <minimumf>, %select_n3A_45, %reduce_min3A_46 [1] : vector<256x1024xf32> to vector<256xf32>
    %broadcast_in_dim3A_48 = vector.shape_cast %reduce_min3A_47 : vector<256xf32> to vector<256x1xf32>
    %eq3A_49 = vector.broadcast %broadcast_in_dim3A_48 : vector<256x1xf32> to vector<256x1024xf32>
    %eq3A_50 = arith.cmpf oeq, %select_n3A_45, %eq3A_49 : vector<256x1024xf32>
    %jit3A_51 = arith.constant 1073741824 : i32
    %broadcast_in_dim3A_52 = vector.broadcast %jit3A_51 : i32 to vector<256x1024xi32>
    %select_n3A_53 = arith.select %eq3A_50, %iota3A, %broadcast_in_dim3A_52 : vector<256x1024xi1>, vector<256x1024xi32>
    %reduce_min3A_54 = arith.constant dense<2147483647> : vector<256xi32>
    %reduce_min3A_55 = vector.multi_reduction <minsi>, %select_n3A_53, %reduce_min3A_54 [1] : vector<256x1024xi32> to vector<256xi32>
    %broadcast_in_dim3A_56 = vector.shape_cast %reduce_min3A_55 : vector<256xi32> to vector<256x1xi32>
    %gt3A_57 = vector.broadcast %broadcast_in_dim3A_48 : vector<256x1xf32> to vector<256x1024xf32>
    %gt3A_58 = arith.cmpf ogt, %sub3A_9, %gt3A_57 : vector<256x1024xf32>
    %eq3A_59 = vector.broadcast %broadcast_in_dim3A_48 : vector<256x1xf32> to vector<256x1024xf32>
    %eq3A_60 = arith.cmpf oeq, %sub3A_9, %eq3A_59 : vector<256x1024xf32>
    %gt3A_61 = vector.broadcast %broadcast_in_dim3A_56 : vector<256x1xi32> to vector<256x1024xi32>
    %gt3A_62 = arith.cmpi sgt, %iota3A, %gt3A_61 : vector<256x1024xi32>
    %and3A_63 = arith.andi %eq3A_60, %gt3A_62 : vector<256x1024xi1>
    %or3A_64 = arith.ori %gt3A_58, %and3A_63 : vector<256x1024xi1>
    %jit3A_65 = arith.constant 0x7F800000 : f32
    %broadcast_in_dim3A_66 = vector.broadcast %jit3A_65 : f32 to vector<256x1024xf32>
    %select_n3A_67 = arith.select %or3A_64, %sub3A_9, %broadcast_in_dim3A_66 : vector<256x1024xi1>, vector<256x1024xf32>
    %reduce_min3A_68 = arith.constant dense<0x7F800000> : vector<256xf32>
    %reduce_min3A_69 = vector.multi_reduction <minimumf>, %select_n3A_67, %reduce_min3A_68 [1] : vector<256x1024xf32> to vector<256xf32>
    %broadcast_in_dim3A_70 = vector.shape_cast %reduce_min3A_69 : vector<256xf32> to vector<256x1xf32>
    %eq3A_71 = vector.broadcast %broadcast_in_dim3A_70 : vector<256x1xf32> to vector<256x1024xf32>
    %eq3A_72 = arith.cmpf oeq, %select_n3A_67, %eq3A_71 : vector<256x1024xf32>
    %jit3A_73 = arith.constant 1073741824 : i32
    %broadcast_in_dim3A_74 = vector.broadcast %jit3A_73 : i32 to vector<256x1024xi32>
    %select_n3A_75 = arith.select %eq3A_72, %iota3A, %broadcast_in_dim3A_74 : vector<256x1024xi1>, vector<256x1024xi32>
    %reduce_min3A_76 = arith.constant dense<2147483647> : vector<256xi32>
    %reduce_min3A_77 = vector.multi_reduction <minsi>, %select_n3A_75, %reduce_min3A_76 [1] : vector<256x1024xi32> to vector<256xi32>
    %broadcast_in_dim3A_78 = vector.shape_cast %reduce_min3A_77 : vector<256xi32> to vector<256x1xi32>
    %gt3A_79 = vector.broadcast %broadcast_in_dim3A_70 : vector<256x1xf32> to vector<256x1024xf32>
    %gt3A_80 = arith.cmpf ogt, %sub3A_9, %gt3A_79 : vector<256x1024xf32>
    %eq3A_81 = vector.broadcast %broadcast_in_dim3A_70 : vector<256x1xf32> to vector<256x1024xf32>
    %eq3A_82 = arith.cmpf oeq, %sub3A_9, %eq3A_81 : vector<256x1024xf32>
    %gt3A_83 = vector.broadcast %broadcast_in_dim3A_78 : vector<256x1xi32> to vector<256x1024xi32>
    %gt3A_84 = arith.cmpi sgt, %iota3A, %gt3A_83 : vector<256x1024xi32>
    %and3A_85 = arith.andi %eq3A_82, %gt3A_84 : vector<256x1024xi1>
    %or3A_86 = arith.ori %gt3A_80, %and3A_85 : vector<256x1024xi1>
    %jit3A_87 = arith.constant 0x7F800000 : f32
    %broadcast_in_dim3A_88 = vector.broadcast %jit3A_87 : f32 to vector<256x1024xf32>
    %select_n3A_89 = arith.select %or3A_86, %sub3A_9, %broadcast_in_dim3A_88 : vector<256x1024xi1>, vector<256x1024xf32>
    %reduce_min3A_90 = arith.constant dense<0x7F800000> : vector<256xf32>
    %reduce_min3A_91 = vector.multi_reduction <minimumf>, %select_n3A_89, %reduce_min3A_90 [1] : vector<256x1024xf32> to vector<256xf32>
    %broadcast_in_dim3A_92 = vector.shape_cast %reduce_min3A_91 : vector<256xf32> to vector<256x1xf32>
    %eq3A_93 = vector.broadcast %broadcast_in_dim3A_92 : vector<256x1xf32> to vector<256x1024xf32>
    %eq3A_94 = arith.cmpf oeq, %select_n3A_89, %eq3A_93 : vector<256x1024xf32>
    %jit3A_95 = arith.constant 1073741824 : i32
    %broadcast_in_dim3A_96 = vector.broadcast %jit3A_95 : i32 to vector<256x1024xi32>
    %select_n3A_97 = arith.select %eq3A_94, %iota3A, %broadcast_in_dim3A_96 : vector<256x1024xi1>, vector<256x1024xi32>
    %reduce_min3A_98 = arith.constant dense<2147483647> : vector<256xi32>
    %reduce_min3A_99 = vector.multi_reduction <minsi>, %select_n3A_97, %reduce_min3A_98 [1] : vector<256x1024xi32> to vector<256xi32>
    %broadcast_in_dim3A_100 = vector.shape_cast %reduce_min3A_99 : vector<256xi32> to vector<256x1xi32>
    %mul3A = arith.constant 4096 : i32
    %mul3A_101 = arith.muli %arg0, %mul3A : i32
    %add3A = arith.constant 0 : i32
    %add3A_102 = arith.addi %mul3A_101, %add3A : i32
    %add3A_103 = vector.broadcast %add3A_102 : i32 to vector<256x1xi32>
    %add3A_104 = arith.addi %broadcast_in_dim3A_15, %add3A_103 : vector<256x1xi32>
    %mul3A_105 = arith.constant 4096 : i32
    %mul3A_106 = arith.muli %arg0, %mul3A_105 : i32
    %add3A_107 = arith.constant 0 : i32
    %add3A_108 = arith.addi %mul3A_106, %add3A_107 : i32
    %add3A_109 = vector.broadcast %add3A_108 : i32 to vector<256x1xi32>
    %add3A_110 = arith.addi %broadcast_in_dim3A_34, %add3A_109 : vector<256x1xi32>
    %mul3A_111 = arith.constant 4096 : i32
    %mul3A_112 = arith.muli %arg0, %mul3A_111 : i32
    %add3A_113 = arith.constant 0 : i32
    %add3A_114 = arith.addi %mul3A_112, %add3A_113 : i32
    %add3A_115 = vector.broadcast %add3A_114 : i32 to vector<256x1xi32>
    %add3A_116 = arith.addi %broadcast_in_dim3A_56, %add3A_115 : vector<256x1xi32>
    %mul3A_117 = arith.constant 4096 : i32
    %mul3A_118 = arith.muli %arg0, %mul3A_117 : i32
    %add3A_119 = arith.constant 0 : i32
    %add3A_120 = arith.addi %mul3A_118, %add3A_119 : i32
    %add3A_121 = vector.broadcast %add3A_120 : i32 to vector<256x1xi32>
    %add3A_122 = arith.addi %broadcast_in_dim3A_78, %add3A_121 : vector<256x1xi32>
    %mul3A_123 = arith.constant 4096 : i32
    %mul3A_124 = arith.muli %arg0, %mul3A_123 : i32
    %add3A_125 = arith.constant 0 : i32
    %add3A_126 = arith.addi %mul3A_124, %add3A_125 : i32
    %add3A_127 = vector.broadcast %add3A_126 : i32 to vector<256x1xi32>
    %add3A_128 = arith.addi %broadcast_in_dim3A_100, %add3A_127 : vector<256x1xi32>
    %get3A_129 = arith.constant 1024 : index
    %get3A_130 = arith.constant 0 : index
    %get3A_131 = vector.load %arg2[%get3A_129, %get3A_130] : memref<4096x768xbf16, #tpu.memory_space<vmem>>, vector<1024x768xbf16>
    %dot_general3A_132 = arith.constant dense<0.000000e+00> : vector<256x1024xf32>
    %dot_general3A_133 = tpu.matmul %get3A_1, %get3A_131, %dot_general3A_132 {dimension_numbers = #tpu.dot_dimension_numbers<[1], [1], [0], [0], [0, 0, 1, 0], [], []>, transpose_lhs_hint = false} : vector<256x768xbf16>, vector<1024x768xbf16>, vector<256x1024xf32> -> vector<256x1024xf32>
    %swap3A_134 = arith.constant 0 : index
    %swap3A_135 = arith.constant 1024 : index
    %swap3A_136 = vector.load %arg4[%swap3A_134, %swap3A_135] : memref<256x4096xf32, #tpu.memory_space<vmem>>, vector<256x1024xf32>
    tpu.vector_store %arg4[%swap3A_134, %swap3A_135], %dot_general3A_133 {strides = array<i32>} : memref<256x4096xf32, #tpu.memory_space<vmem>>, vector<256x1024xf32>,
    %sub3A_137 = arith.constant 1.000000e+00 : f32
    %sub3A_138 = vector.broadcast %sub3A_137 : f32 to vector<256x1024xf32>
    %sub3A_139 = arith.subf %sub3A_138, %dot_general3A_133 : vector<256x1024xf32>
    %reduce_min3A_140 = arith.constant dense<0x7F800000> : vector<256xf32>
    %reduce_min3A_141 = vector.multi_reduction <minimumf>, %sub3A_139, %reduce_min3A_140 [1] : vector<256x1024xf32> to vector<256xf32>
    %broadcast_in_dim3A_142 = vector.shape_cast %reduce_min3A_141 : vector<256xf32> to vector<256x1xf32>
    %eq3A_143 = vector.broadcast %broadcast_in_dim3A_142 : vector<256x1xf32> to vector<256x1024xf32>
    %eq3A_144 = arith.cmpf oeq, %sub3A_139, %eq3A_143 : vector<256x1024xf32>
    %jit3A_145 = arith.constant 1073741824 : i32
    %broadcast_in_dim3A_146 = vector.broadcast %jit3A_145 : i32 to vector<256x1024xi32>
    %select_n3A_147 = arith.select %eq3A_144, %iota3A, %broadcast_in_dim3A_146 : vector<256x1024xi1>, vector<256x1024xi32>
    %reduce_min3A_148 = arith.constant dense<2147483647> : vector<256xi32>
    %reduce_min3A_149 = vector.multi_reduction <minsi>, %select_n3A_147, %reduce_min3A_148 [1] : vector<256x1024xi32> to vector<256xi32>
    %broadcast_in_dim3A_150 = vector.shape_cast %reduce_min3A_149 : vector<256xi32> to vector<256x1xi32>
    %gt3A_151 = vector.broadcast %broadcast_in_dim3A_142 : vector<256x1xf32> to vector<256x1024xf32>
    %gt3A_152 = arith.cmpf ogt, %sub3A_139, %gt3A_151 : vector<256x1024xf32>
    %eq3A_153 = vector.broadcast %broadcast_in_dim3A_142 : vector<256x1xf32> to vector<256x1024xf32>
    %eq3A_154 = arith.cmpf oeq, %sub3A_139, %eq3A_153 : vector<256x1024xf32>
    %gt3A_155 = vector.broadcast %broadcast_in_dim3A_150 : vector<256x1xi32> to vector<256x1024xi32>
    %gt3A_156 = arith.cmpi sgt, %iota3A, %gt3A_155 : vector<256x1024xi32>
    %and3A_157 = arith.andi %eq3A_154, %gt3A_156 : vector<256x1024xi1>
    %or3A_158 = arith.ori %gt3A_152, %and3A_157 : vector<256x1024xi1>
    %jit3A_159 = arith.constant 0x7F800000 : f32
    %broadcast_in_dim3A_160 = vector.broadcast %jit3A_159 : f32 to vector<256x1024xf32>
    %select_n3A_161 = arith.select %or3A_158, %sub3A_139, %broadcast_in_dim3A_160 : vector<256x1024xi1>, vector<256x1024xf32>
    %reduce_min3A_162 = arith.constant dense<0x7F800000> : vector<256xf32>
    %reduce_min3A_163 = vector.multi_reduction <minimumf>, %select_n3A_161, %reduce_min3A_162 [1] : vector<256x1024xf32> to vector<256xf32>
    %broadcast_in_dim3A_164 = vector.shape_cast %reduce_min3A_163 : vector<256xf32> to vector<256x1xf32>
    %eq3A_165 = vector.broadcast %broadcast_in_dim3A_164 : vector<256x1xf32> to vector<256x1024xf32>
    %eq3A_166 = arith.cmpf oeq, %select_n3A_161, %eq3A_165 : vector<256x1024xf32>
    %jit3A_167 = arith.constant 1073741824 : i32
    %broadcast_in_dim3A_168 = vector.broadcast %jit3A_167 : i32 to vector<256x1024xi32>
    %select_n3A_169 = arith.select %eq3A_166, %iota3A, %broadcast_in_dim3A_168 : vector<256x1024xi1>, vector<256x1024xi32>
    %reduce_min3A_170 = arith.constant dense<2147483647> : vector<256xi32>
    %reduce_min3A_171 = vector.multi_reduction <minsi>, %select_n3A_169, %reduce_min3A_170 [1] : vector<256x1024xi32> to vector<256xi32>
    %broadcast_in_dim3A_172 = vector.shape_cast %reduce_min3A_171 : vector<256xi32> to vector<256x1xi32>
    %gt3A_173 = vector.broadcast %broadcast_in_dim3A_164 : vector<256x1xf32> to vector<256x1024xf32>
    %gt3A_174 = arith.cmpf ogt, %sub3A_139, %gt3A_173 : vector<256x1024xf32>
    %eq3A_175 = vector.broadcast %broadcast_in_dim3A_164 : vector<256x1xf32> to vector<256x1024xf32>
    %eq3A_176 = arith.cmpf oeq, %sub3A_139, %eq3A_175 : vector<256x1024xf32>
    %gt3A_177 = vector.broadcast %broadcast_in_dim3A_172 : vector<256x1xi32> to vector<256x1024xi32>
    %gt3A_178 = arith.cmpi sgt, %iota3A, %gt3A_177 : vector<256x1024xi32>
    %and3A_179 = arith.andi %eq3A_176, %gt3A_178 : vector<256x1024xi1>
    %or3A_180 = arith.ori %gt3A_174, %and3A_179 : vector<256x1024xi1>
    %jit3A_181 = arith.constant 0x7F800000 : f32
    %broadcast_in_dim3A_182 = vector.broadcast %jit3A_181 : f32 to vector<256x1024xf32>
    %select_n3A_183 = arith.select %or3A_180, %sub3A_139, %broadcast_in_dim3A_182 : vector<256x1024xi1>, vector<256x1024xf32>
    %reduce_min3A_184 = arith.constant dense<0x7F800000> : vector<256xf32>
    %reduce_min3A_185 = vector.multi_reduction <minimumf>, %select_n3A_183, %reduce_min3A_184 [1] : vector<256x1024xf32> to vector<256xf32>
    %broadcast_in_dim3A_186 = vector.shape_cast %reduce_min3A_185 : vector<256xf32> to vector<256x1xf32>
    %eq3A_187 = vector.broadcast %broadcast_in_dim3A_186 : vector<256x1xf32> to vector<256x1024xf32>
    %eq3A_188 = arith.cmpf oeq, %select_n3A_183, %eq3A_187 : vector<256x1024xf32>
    %jit3A_189 = arith.constant 1073741824 : i32
    %broadcast_in_dim3A_190 = vector.broadcast %jit3A_189 : i32 to vector<256x1024xi32>
    %select_n3A_191 = arith.select %eq3A_188, %iota3A, %broadcast_in_dim3A_190 : vector<256x1024xi1>, vector<256x1024xi32>
    %reduce_min3A_192 = arith.constant dense<2147483647> : vector<256xi32>
    %reduce_min3A_193 = vector.multi_reduction <minsi>, %select_n3A_191, %reduce_min3A_192 [1] : vector<256x1024xi32> to vector<256xi32>
    %broadcast_in_dim3A_194 = vector.shape_cast %reduce_min3A_193 : vector<256xi32> to vector<256x1xi32>
    %gt3A_195 = vector.broadcast %broadcast_in_dim3A_186 : vector<256x1xf32> to vector<256x1024xf32>
    %gt3A_196 = arith.cmpf ogt, %sub3A_139, %gt3A_195 : vector<256x1024xf32>
    %eq3A_197 = vector.broadcast %broadcast_in_dim3A_186 : vector<256x1xf32> to vector<256x1024xf32>
    %eq3A_198 = arith.cmpf oeq, %sub3A_139, %eq3A_197 : vector<256x1024xf32>
    %gt3A_199 = vector.broadcast %broadcast_in_dim3A_194 : vector<256x1xi32> to vector<256x1024xi32>
    %gt3A_200 = arith.cmpi sgt, %iota3A, %gt3A_199 : vector<256x1024xi32>
    %and3A_201 = arith.andi %eq3A_198, %gt3A_200 : vector<256x1024xi1>
    %or3A_202 = arith.ori %gt3A_196, %and3A_201 : vector<256x1024xi1>
    %jit3A_203 = arith.constant 0x7F800000 : f32
    %broadcast_in_dim3A_204 = vector.broadcast %jit3A_203 : f32 to vector<256x1024xf32>
    %select_n3A_205 = arith.select %or3A_202, %sub3A_139, %broadcast_in_dim3A_204 : vector<256x1024xi1>, vector<256x1024xf32>
    %reduce_min3A_206 = arith.constant dense<0x7F800000> : vector<256xf32>
    %reduce_min3A_207 = vector.multi_reduction <minimumf>, %select_n3A_205, %reduce_min3A_206 [1] : vector<256x1024xf32> to vector<256xf32>
    %broadcast_in_dim3A_208 = vector.shape_cast %reduce_min3A_207 : vector<256xf32> to vector<256x1xf32>
    %eq3A_209 = vector.broadcast %broadcast_in_dim3A_208 : vector<256x1xf32> to vector<256x1024xf32>
    %eq3A_210 = arith.cmpf oeq, %select_n3A_205, %eq3A_209 : vector<256x1024xf32>
    %jit3A_211 = arith.constant 1073741824 : i32
    %broadcast_in_dim3A_212 = vector.broadcast %jit3A_211 : i32 to vector<256x1024xi32>
    %select_n3A_213 = arith.select %eq3A_210, %iota3A, %broadcast_in_dim3A_212 : vector<256x1024xi1>, vector<256x1024xi32>
    %reduce_min3A_214 = arith.constant dense<2147483647> : vector<256xi32>
    %reduce_min3A_215 = vector.multi_reduction <minsi>, %select_n3A_213, %reduce_min3A_214 [1] : vector<256x1024xi32> to vector<256xi32>
    %broadcast_in_dim3A_216 = vector.shape_cast %reduce_min3A_215 : vector<256xi32> to vector<256x1xi32>
    %gt3A_217 = vector.broadcast %broadcast_in_dim3A_208 : vector<256x1xf32> to vector<256x1024xf32>
    %gt3A_218 = arith.cmpf ogt, %sub3A_139, %gt3A_217 : vector<256x1024xf32>
    %eq3A_219 = vector.broadcast %broadcast_in_dim3A_208 : vector<256x1xf32> to vector<256x1024xf32>
    %eq3A_220 = arith.cmpf oeq, %sub3A_139, %eq3A_219 : vector<256x1024xf32>
    %gt3A_221 = vector.broadcast %broadcast_in_dim3A_216 : vector<256x1xi32> to vector<256x1024xi32>
    %gt3A_222 = arith.cmpi sgt, %iota3A, %gt3A_221 : vector<256x1024xi32>
    %and3A_223 = arith.andi %eq3A_220, %gt3A_222 : vector<256x1024xi1>
    %or3A_224 = arith.ori %gt3A_218, %and3A_223 : vector<256x1024xi1>
    %jit3A_225 = arith.constant 0x7F800000 : f32
    %broadcast_in_dim3A_226 = vector.broadcast %jit3A_225 : f32 to vector<256x1024xf32>
    %select_n3A_227 = arith.select %or3A_224, %sub3A_139, %broadcast_in_dim3A_226 : vector<256x1024xi1>, vector<256x1024xf32>
    %reduce_min3A_228 = arith.constant dense<0x7F800000> : vector<256xf32>
    %reduce_min3A_229 = vector.multi_reduction <minimumf>, %select_n3A_227, %reduce_min3A_228 [1] : vector<256x1024xf32> to vector<256xf32>
    %broadcast_in_dim3A_230 = vector.shape_cast %reduce_min3A_229 : vector<256xf32> to vector<256x1xf32>
    %eq3A_231 = vector.broadcast %broadcast_in_dim3A_230 : vector<256x1xf32> to vector<256x1024xf32>
    %eq3A_232 = arith.cmpf oeq, %select_n3A_227, %eq3A_231 : vector<256x1024xf32>
    %jit3A_233 = arith.constant 1073741824 : i32
    %broadcast_in_dim3A_234 = vector.broadcast %jit3A_233 : i32 to vector<256x1024xi32>
    %select_n3A_235 = arith.select %eq3A_232, %iota3A, %broadcast_in_dim3A_234 : vector<256x1024xi1>, vector<256x1024xi32>
    %reduce_min3A_236 = arith.constant dense<2147483647> : vector<256xi32>
    %reduce_min3A_237 = vector.multi_reduction <minsi>, %select_n3A_235, %reduce_min3A_236 [1] : vector<256x1024xi32> to vector<256xi32>
    %broadcast_in_dim3A_238 = vector.shape_cast %reduce_min3A_237 : vector<256xi32> to vector<256x1xi32>
    %mul3A_239 = arith.constant 4096 : i32
    %mul3A_240 = arith.muli %arg0, %mul3A_239 : i32
    %add3A_241 = arith.constant 1024 : i32
    %add3A_242 = arith.addi %mul3A_240, %add3A_241 : i32
    %add3A_243 = vector.broadcast %add3A_242 : i32 to vector<256x1xi32>
    %add3A_244 = arith.addi %broadcast_in_dim3A_150, %add3A_243 : vector<256x1xi32>
    %mul3A_245 = arith.constant 4096 : i32
    %mul3A_246 = arith.muli %arg0, %mul3A_245 : i32
    %add3A_247 = arith.constant 1024 : i32
    %add3A_248 = arith.addi %mul3A_246, %add3A_247 : i32
    %add3A_249 = vector.broadcast %add3A_248 : i32 to vector<256x1xi32>
    %add3A_250 = arith.addi %broadcast_in_dim3A_172, %add3A_249 : vector<256x1xi32>
    %mul3A_251 = arith.constant 4096 : i32
    %mul3A_252 = arith.muli %arg0, %mul3A_251 : i32
    %add3A_253 = arith.constant 1024 : i32
    %add3A_254 = arith.addi %mul3A_252, %add3A_253 : i32
    %add3A_255 = vector.broadcast %add3A_254 : i32 to vector<256x1xi32>
    %add3A_256 = arith.addi %broadcast_in_dim3A_194, %add3A_255 : vector<256x1xi32>
    %mul3A_257 = arith.constant 4096 : i32
    %mul3A_258 = arith.muli %arg0, %mul3A_257 : i32
    %add3A_259 = arith.constant 1024 : i32
    %add3A_260 = arith.addi %mul3A_258, %add3A_259 : i32
    %add3A_261 = vector.broadcast %add3A_260 : i32 to vector<256x1xi32>
    %add3A_262 = arith.addi %broadcast_in_dim3A_216, %add3A_261 : vector<256x1xi32>
    %mul3A_263 = arith.constant 4096 : i32
    %mul3A_264 = arith.muli %arg0, %mul3A_263 : i32
    %add3A_265 = arith.constant 1024 : i32
    %add3A_266 = arith.addi %mul3A_264, %add3A_265 : i32
    %add3A_267 = vector.broadcast %add3A_266 : i32 to vector<256x1xi32>
    %add3A_268 = arith.addi %broadcast_in_dim3A_238, %add3A_267 : vector<256x1xi32>
    %get3A_269 = arith.constant 2048 : index
    %get3A_270 = arith.constant 0 : index
    %get3A_271 = vector.load %arg2[%get3A_269, %get3A_270] : memref<4096x768xbf16, #tpu.memory_space<vmem>>, vector<1024x768xbf16>
    %dot_general3A_272 = arith.constant dense<0.000000e+00> : vector<256x1024xf32>
    %dot_general3A_273 = tpu.matmul %get3A_1, %get3A_271, %dot_general3A_272 {dimension_numbers = #tpu.dot_dimension_numbers<[1], [1], [0], [0], [0, 0, 1, 0], [], []>, transpose_lhs_hint = false} : vector<256x768xbf16>, vector<1024x768xbf16>, vector<256x1024xf32> -> vector<256x1024xf32>
    %swap3A_274 = arith.constant 0 : index
    %swap3A_275 = arith.constant 2048 : index
    %swap3A_276 = vector.load %arg4[%swap3A_274, %swap3A_275] : memref<256x4096xf32, #tpu.memory_space<vmem>>, vector<256x1024xf32>
    tpu.vector_store %arg4[%swap3A_274, %swap3A_275], %dot_general3A_273 {strides = array<i32>} : memref<256x4096xf32, #tpu.memory_space<vmem>>, vector<256x1024xf32>,
    %sub3A_277 = arith.constant 1.000000e+00 : f32
    %sub3A_278 = vector.broadcast %sub3A_277 : f32 to vector<256x1024xf32>
    %sub3A_279 = arith.subf %sub3A_278, %dot_general3A_273 : vector<256x1024xf32>
    %reduce_min3A_280 = arith.constant dense<0x7F800000> : vector<256xf32>
    %reduce_min3A_281 = vector.multi_reduction <minimumf>, %sub3A_279, %reduce_min3A_280 [1] : vector<256x1024xf32> to vector<256xf32>
    %broadcast_in_dim3A_282 = vector.shape_cast %reduce_min3A_281 : vector<256xf32> to vector<256x1xf32>
    %eq3A_283 = vector.broadcast %broadcast_in_dim3A_282 : vector<256x1xf32> to vector<256x1024xf32>
    %eq3A_284 = arith.cmpf oeq, %sub3A_279, %eq3A_283 : vector<256x1024xf32>
    %jit3A_285 = arith.constant 1073741824 : i32
    %broadcast_in_dim3A_286 = vector.broadcast %jit3A_285 : i32 to vector<256x1024xi32>
    %select_n3A_287 = arith.select %eq3A_284, %iota3A, %broadcast_in_dim3A_286 : vector<256x1024xi1>, vector<256x1024xi32>
    %reduce_min3A_288 = arith.constant dense<2147483647> : vector<256xi32>
    %reduce_min3A_289 = vector.multi_reduction <minsi>, %select_n3A_287, %reduce_min3A_288 [1] : vector<256x1024xi32> to vector<256xi32>
    %broadcast_in_dim3A_290 = vector.shape_cast %reduce_min3A_289 : vector<256xi32> to vector<256x1xi32>
    %gt3A_291 = vector.broadcast %broadcast_in_dim3A_282 : vector<256x1xf32> to vector<256x1024xf32>
    %gt3A_292 = arith.cmpf ogt, %sub3A_279, %gt3A_291 : vector<256x1024xf32>
    %eq3A_293 = vector.broadcast %broadcast_in_dim3A_282 : vector<256x1xf32> to vector<256x1024xf32>
    %eq3A_294 = arith.cmpf oeq, %sub3A_279, %eq3A_293 : vector<256x1024xf32>
    %gt3A_295 = vector.broadcast %broadcast_in_dim3A_290 : vector<256x1xi32> to vector<256x1024xi32>
    %gt3A_296 = arith.cmpi sgt, %iota3A, %gt3A_295 : vector<256x1024xi32>
    %and3A_297 = arith.andi %eq3A_294, %gt3A_296 : vector<256x1024xi1>
    %or3A_298 = arith.ori %gt3A_292, %and3A_297 : vector<256x1024xi1>
    %jit3A_299 = arith.constant 0x7F800000 : f32
    %broadcast_in_dim3A_300 = vector.broadcast %jit3A_299 : f32 to vector<256x1024xf32>
    %select_n3A_301 = arith.select %or3A_298, %sub3A_279, %broadcast_in_dim3A_300 : vector<256x1024xi1>, vector<256x1024xf32>
    %reduce_min3A_302 = arith.constant dense<0x7F800000> : vector<256xf32>
    %reduce_min3A_303 = vector.multi_reduction <minimumf>, %select_n3A_301, %reduce_min3A_302 [1] : vector<256x1024xf32> to vector<256xf32>
    %broadcast_in_dim3A_304 = vector.shape_cast %reduce_min3A_303 : vector<256xf32> to vector<256x1xf32>
    %eq3A_305 = vector.broadcast %broadcast_in_dim3A_304 : vector<256x1xf32> to vector<256x1024xf32>
    %eq3A_306 = arith.cmpf oeq, %select_n3A_301, %eq3A_305 : vector<256x1024xf32>
    %jit3A_307 = arith.constant 1073741824 : i32
    %broadcast_in_dim3A_308 = vector.broadcast %jit3A_307 : i32 to vector<256x1024xi32>
    %select_n3A_309 = arith.select %eq3A_306, %iota3A, %broadcast_in_dim3A_308 : vector<256x1024xi1>, vector<256x1024xi32>
    %reduce_min3A_310 = arith.constant dense<2147483647> : vector<256xi32>
    %reduce_min3A_311 = vector.multi_reduction <minsi>, %select_n3A_309, %reduce_min3A_310 [1] : vector<256x1024xi32> to vector<256xi32>
    %broadcast_in_dim3A_312 = vector.shape_cast %reduce_min3A_311 : vector<256xi32> to vector<256x1xi32>
    %gt3A_313 = vector.broadcast %broadcast_in_dim3A_304 : vector<256x1xf32> to vector<256x1024xf32>
    %gt3A_314 = arith.cmpf ogt, %sub3A_279, %gt3A_313 : vector<256x1024xf32>
    %eq3A_315 = vector.broadcast %broadcast_in_dim3A_304 : vector<256x1xf32> to vector<256x1024xf32>
    %eq3A_316 = arith.cmpf oeq, %sub3A_279, %eq3A_315 : vector<256x1024xf32>
    %gt3A_317 = vector.broadcast %broadcast_in_dim3A_312 : vector<256x1xi32> to vector<256x1024xi32>
    %gt3A_318 = arith.cmpi sgt, %iota3A, %gt3A_317 : vector<256x1024xi32>
    %and3A_319 = arith.andi %eq3A_316, %gt3A_318 : vector<256x1024xi1>
    %or3A_320 = arith.ori %gt3A_314, %and3A_319 : vector<256x1024xi1>
    %jit3A_321 = arith.constant 0x7F800000 : f32
    %broadcast_in_dim3A_322 = vector.broadcast %jit3A_321 : f32 to vector<256x1024xf32>
    %select_n3A_323 = arith.select %or3A_320, %sub3A_279, %broadcast_in_dim3A_322 : vector<256x1024xi1>, vector<256x1024xf32>
    %reduce_min3A_324 = arith.constant dense<0x7F800000> : vector<256xf32>
    %reduce_min3A_325 = vector.multi_reduction <minimumf>, %select_n3A_323, %reduce_min3A_324 [1] : vector<256x1024xf32> to vector<256xf32>
    %broadcast_in_dim3A_326 = vector.shape_cast %reduce_min3A_325 : vector<256xf32> to vector<256x1xf32>
    %eq3A_327 = vector.broadcast %broadcast_in_dim3A_326 : vector<256x1xf32> to vector<256x1024xf32>
    %eq3A_328 = arith.cmpf oeq, %select_n3A_323, %eq3A_327 : vector<256x1024xf32>
    %jit3A_329 = arith.constant 1073741824 : i32
    %broadcast_in_dim3A_330 = vector.broadcast %jit3A_329 : i32 to vector<256x1024xi32>
    %select_n3A_331 = arith.select %eq3A_328, %iota3A, %broadcast_in_dim3A_330 : vector<256x1024xi1>, vector<256x1024xi32>
    %reduce_min3A_332 = arith.constant dense<2147483647> : vector<256xi32>
    %reduce_min3A_333 = vector.multi_reduction <minsi>, %select_n3A_331, %reduce_min3A_332 [1] : vector<256x1024xi32> to vector<256xi32>
    %broadcast_in_dim3A_334 = vector.shape_cast %reduce_min3A_333 : vector<256xi32> to vector<256x1xi32>
    %gt3A_335 = vector.broadcast %broadcast_in_dim3A_326 : vector<256x1xf32> to vector<256x1024xf32>
    %gt3A_336 = arith.cmpf ogt, %sub3A_279, %gt3A_335 : vector<256x1024xf32>
    %eq3A_337 = vector.broadcast %broadcast_in_dim3A_326 : vector<256x1xf32> to vector<256x1024xf32>
    %eq3A_338 = arith.cmpf oeq, %sub3A_279, %eq3A_337 : vector<256x1024xf32>
    %gt3A_339 = vector.broadcast %broadcast_in_dim3A_334 : vector<256x1xi32> to vector<256x1024xi32>
    %gt3A_340 = arith.cmpi sgt, %iota3A, %gt3A_339 : vector<256x1024xi32>
    %and3A_341 = arith.andi %eq3A_338, %gt3A_340 : vector<256x1024xi1>
    %or3A_342 = arith.ori %gt3A_336, %and3A_341 : vector<256x1024xi1>
    %jit3A_343 = arith.constant 0x7F800000 : f32
    %broadcast_in_dim3A_344 = vector.broadcast %jit3A_343 : f32 to vector<256x1024xf32>
    %select_n3A_345 = arith.select %or3A_342, %sub3A_279, %broadcast_in_dim3A_344 : vector<256x1024xi1>, vector<256x1024xf32>
    %reduce_min3A_346 = arith.constant dense<0x7F800000> : vector<256xf32>
    %reduce_min3A_347 = vector.multi_reduction <minimumf>, %select_n3A_345, %reduce_min3A_346 [1] : vector<256x1024xf32> to vector<256xf32>
    %broadcast_in_dim3A_348 = vector.shape_cast %reduce_min3A_347 : vector<256xf32> to vector<256x1xf32>
    %eq3A_349 = vector.broadcast %broadcast_in_dim3A_348 : vector<256x1xf32> to vector<256x1024xf32>
    %eq3A_350 = arith.cmpf oeq, %select_n3A_345, %eq3A_349 : vector<256x1024xf32>
    %jit3A_351 = arith.constant 1073741824 : i32
    %broadcast_in_dim3A_352 = vector.broadcast %jit3A_351 : i32 to vector<256x1024xi32>
    %select_n3A_353 = arith.select %eq3A_350, %iota3A, %broadcast_in_dim3A_352 : vector<256x1024xi1>, vector<256x1024xi32>
    %reduce_min3A_354 = arith.constant dense<2147483647> : vector<256xi32>
    %reduce_min3A_355 = vector.multi_reduction <minsi>, %select_n3A_353, %reduce_min3A_354 [1] : vector<256x1024xi32> to vector<256xi32>
    %broadcast_in_dim3A_356 = vector.shape_cast %reduce_min3A_355 : vector<256xi32> to vector<256x1xi32>
    %gt3A_357 = vector.broadcast %broadcast_in_dim3A_348 : vector<256x1xf32> to vector<256x1024xf32>
    %gt3A_358 = arith.cmpf ogt, %sub3A_279, %gt3A_357 : vector<256x1024xf32>
    %eq3A_359 = vector.broadcast %broadcast_in_dim3A_348 : vector<256x1xf32> to vector<256x1024xf32>
    %eq3A_360 = arith.cmpf oeq, %sub3A_279, %eq3A_359 : vector<256x1024xf32>
    %gt3A_361 = vector.broadcast %broadcast_in_dim3A_356 : vector<256x1xi32> to vector<256x1024xi32>
    %gt3A_362 = arith.cmpi sgt, %iota3A, %gt3A_361 : vector<256x1024xi32>
    %and3A_363 = arith.andi %eq3A_360, %gt3A_362 : vector<256x1024xi1>
    %or3A_364 = arith.ori %gt3A_358, %and3A_363 : vector<256x1024xi1>
    %jit3A_365 = arith.constant 0x7F800000 : f32
    %broadcast_in_dim3A_366 = vector.broadcast %jit3A_365 : f32 to vector<256x1024xf32>
    %select_n3A_367 = arith.select %or3A_364, %sub3A_279, %broadcast_in_dim3A_366 : vector<256x1024xi1>, vector<256x1024xf32>
    %reduce_min3A_368 = arith.constant dense<0x7F800000> : vector<256xf32>
    %reduce_min3A_369 = vector.multi_reduction <minimumf>, %select_n3A_367, %reduce_min3A_368 [1] : vector<256x1024xf32> to vector<256xf32>
    %broadcast_in_dim3A_370 = vector.shape_cast %reduce_min3A_369 : vector<256xf32> to vector<256x1xf32>
    %eq3A_371 = vector.broadcast %broadcast_in_dim3A_370 : vector<256x1xf32> to vector<256x1024xf32>
    %eq3A_372 = arith.cmpf oeq, %select_n3A_367, %eq3A_371 : vector<256x1024xf32>
    %jit3A_373 = arith.constant 1073741824 : i32
    %broadcast_in_dim3A_374 = vector.broadcast %jit3A_373 : i32 to vector<256x1024xi32>
    %select_n3A_375 = arith.select %eq3A_372, %iota3A, %broadcast_in_dim3A_374 : vector<256x1024xi1>, vector<256x1024xi32>
    %reduce_min3A_376 = arith.constant dense<2147483647> : vector<256xi32>
    %reduce_min3A_377 = vector.multi_reduction <minsi>, %select_n3A_375, %reduce_min3A_376 [1] : vector<256x1024xi32> to vector<256xi32>
    %broadcast_in_dim3A_378 = vector.shape_cast %reduce_min3A_377 : vector<256xi32> to vector<256x1xi32>
    %mul3A_379 = arith.constant 4096 : i32
    %mul3A_380 = arith.muli %arg0, %mul3A_379 : i32
    %add3A_381 = arith.constant 2048 : i32
    %add3A_382 = arith.addi %mul3A_380, %add3A_381 : i32
    %add3A_383 = vector.broadcast %add3A_382 : i32 to vector<256x1xi32>
    %add3A_384 = arith.addi %broadcast_in_dim3A_290, %add3A_383 : vector<256x1xi32>
    %mul3A_385 = arith.constant 4096 : i32
    %mul3A_386 = arith.muli %arg0, %mul3A_385 : i32
    %add3A_387 = arith.constant 2048 : i32
    %add3A_388 = arith.addi %mul3A_386, %add3A_387 : i32
    %add3A_389 = vector.broadcast %add3A_388 : i32 to vector<256x1xi32>
    %add3A_390 = arith.addi %broadcast_in_dim3A_312, %add3A_389 : vector<256x1xi32>
    %mul3A_391 = arith.constant 4096 : i32
    %mul3A_392 = arith.muli %arg0, %mul3A_391 : i32
    %add3A_393 = arith.constant 2048 : i32
    %add3A_394 = arith.addi %mul3A_392, %add3A_393 : i32
    %add3A_395 = vector.broadcast %add3A_394 : i32 to vector<256x1xi32>
    %add3A_396 = arith.addi %broadcast_in_dim3A_334, %add3A_395 : vector<256x1xi32>
    %mul3A_397 = arith.constant 4096 : i32
    %mul3A_398 = arith.muli %arg0, %mul3A_397 : i32
    %add3A_399 = arith.constant 2048 : i32
    %add3A_400 = arith.addi %mul3A_398, %add3A_399 : i32
    %add3A_401 = vector.broadcast %add3A_400 : i32 to vector<256x1xi32>
    %add3A_402 = arith.addi %broadcast_in_dim3A_356, %add3A_401 : vector<256x1xi32>
    %mul3A_403 = arith.constant 4096 : i32
    %mul3A_404 = arith.muli %arg0, %mul3A_403 : i32
    %add3A_405 = arith.constant 2048 : i32
    %add3A_406 = arith.addi %mul3A_404, %add3A_405 : i32
    %add3A_407 = vector.broadcast %add3A_406 : i32 to vector<256x1xi32>
    %add3A_408 = arith.addi %broadcast_in_dim3A_378, %add3A_407 : vector<256x1xi32>
    %get3A_409 = arith.constant 3072 : index
    %get3A_410 = arith.constant 0 : index
    %get3A_411 = vector.load %arg2[%get3A_409, %get3A_410] : memref<4096x768xbf16, #tpu.memory_space<vmem>>, vector<1024x768xbf16>
    %dot_general3A_412 = arith.constant dense<0.000000e+00> : vector<256x1024xf32>
    %dot_general3A_413 = tpu.matmul %get3A_1, %get3A_411, %dot_general3A_412 {dimension_numbers = #tpu.dot_dimension_numbers<[1], [1], [0], [0], [0, 0, 1, 0], [], []>, transpose_lhs_hint = false} : vector<256x768xbf16>, vector<1024x768xbf16>, vector<256x1024xf32> -> vector<256x1024xf32>
    %swap3A_414 = arith.constant 0 : index
    %swap3A_415 = arith.constant 3072 : index
    %swap3A_416 = vector.load %arg4[%swap3A_414, %swap3A_415] : memref<256x4096xf32, #tpu.memory_space<vmem>>, vector<256x1024xf32>
    tpu.vector_store %arg4[%swap3A_414, %swap3A_415], %dot_general3A_413 {strides = array<i32>} : memref<256x4096xf32, #tpu.memory_space<vmem>>, vector<256x1024xf32>,
    %sub3A_417 = arith.constant 1.000000e+00 : f32
    %sub3A_418 = vector.broadcast %sub3A_417 : f32 to vector<256x1024xf32>
    %sub3A_419 = arith.subf %sub3A_418, %dot_general3A_413 : vector<256x1024xf32>
    %reduce_min3A_420 = arith.constant dense<0x7F800000> : vector<256xf32>
    %reduce_min3A_421 = vector.multi_reduction <minimumf>, %sub3A_419, %reduce_min3A_420 [1] : vector<256x1024xf32> to vector<256xf32>
    %broadcast_in_dim3A_422 = vector.shape_cast %reduce_min3A_421 : vector<256xf32> to vector<256x1xf32>
    %eq3A_423 = vector.broadcast %broadcast_in_dim3A_422 : vector<256x1xf32> to vector<256x1024xf32>
    %eq3A_424 = arith.cmpf oeq, %sub3A_419, %eq3A_423 : vector<256x1024xf32>
    %jit3A_425 = arith.constant 1073741824 : i32
    %broadcast_in_dim3A_426 = vector.broadcast %jit3A_425 : i32 to vector<256x1024xi32>
    %select_n3A_427 = arith.select %eq3A_424, %iota3A, %broadcast_in_dim3A_426 : vector<256x1024xi1>, vector<256x1024xi32>
    %reduce_min3A_428 = arith.constant dense<2147483647> : vector<256xi32>
    %reduce_min3A_429 = vector.multi_reduction <minsi>, %select_n3A_427, %reduce_min3A_428 [1] : vector<256x1024xi32> to vector<256xi32>
    %broadcast_in_dim3A_430 = vector.shape_cast %reduce_min3A_429 : vector<256xi32> to vector<256x1xi32>
    %gt3A_431 = vector.broadcast %broadcast_in_dim3A_422 : vector<256x1xf32> to vector<256x1024xf32>
    %gt3A_432 = arith.cmpf ogt, %sub3A_419, %gt3A_431 : vector<256x1024xf32>
    %eq3A_433 = vector.broadcast %broadcast_in_dim3A_422 : vector<256x1xf32> to vector<256x1024xf32>
    %eq3A_434 = arith.cmpf oeq, %sub3A_419, %eq3A_433 : vector<256x1024xf32>
    %gt3A_435 = vector.broadcast %broadcast_in_dim3A_430 : vector<256x1xi32> to vector<256x1024xi32>
    %gt3A_436 = arith.cmpi sgt, %iota3A, %gt3A_435 : vector<256x1024xi32>
    %and3A_437 = arith.andi %eq3A_434, %gt3A_436 : vector<256x1024xi1>
    %or3A_438 = arith.ori %gt3A_432, %and3A_437 : vector<256x1024xi1>
    %jit3A_439 = arith.constant 0x7F800000 : f32
    %broadcast_in_dim3A_440 = vector.broadcast %jit3A_439 : f32 to vector<256x1024xf32>
    %select_n3A_441 = arith.select %or3A_438, %sub3A_419, %broadcast_in_dim3A_440 : vector<256x1024xi1>, vector<256x1024xf32>
    %reduce_min3A_442 = arith.constant dense<0x7F800000> : vector<256xf32>
    %reduce_min3A_443 = vector.multi_reduction <minimumf>, %select_n3A_441, %reduce_min3A_442 [1] : vector<256x1024xf32> to vector<256xf32>
    %broadcast_in_dim3A_444 = vector.shape_cast %reduce_min3A_443 : vector<256xf32> to vector<256x1xf32>
    %eq3A_445 = vector.broadcast %broadcast_in_dim3A_444 : vector<256x1xf32> to vector<256x1024xf32>
    %eq3A_446 = arith.cmpf oeq, %select_n3A_441, %eq3A_445 : vector<256x1024xf32>
    %jit3A_447 = arith.constant 1073741824 : i32
    %broadcast_in_dim3A_448 = vector.broadcast %jit3A_447 : i32 to vector<256x1024xi32>
    %select_n3A_449 = arith.select %eq3A_446, %iota3A, %broadcast_in_dim3A_448 : vector<256x1024xi1>, vector<256x1024xi32>
    %reduce_min3A_450 = arith.constant dense<2147483647> : vector<256xi32>
    %reduce_min3A_451 = vector.multi_reduction <minsi>, %select_n3A_449, %reduce_min3A_450 [1] : vector<256x1024xi32> to vector<256xi32>
    %broadcast_in_dim3A_452 = vector.shape_cast %reduce_min3A_451 : vector<256xi32> to vector<256x1xi32>
    %gt3A_453 = vector.broadcast %broadcast_in_dim3A_444 : vector<256x1xf32> to vector<256x1024xf32>
    %gt3A_454 = arith.cmpf ogt, %sub3A_419, %gt3A_453 : vector<256x1024xf32>
    %eq3A_455 = vector.broadcast %broadcast_in_dim3A_444 : vector<256x1xf32> to vector<256x1024xf32>
    %eq3A_456 = arith.cmpf oeq, %sub3A_419, %eq3A_455 : vector<256x1024xf32>
    %gt3A_457 = vector.broadcast %broadcast_in_dim3A_452 : vector<256x1xi32> to vector<256x1024xi32>
    %gt3A_458 = arith.cmpi sgt, %iota3A, %gt3A_457 : vector<256x1024xi32>
    %and3A_459 = arith.andi %eq3A_456, %gt3A_458 : vector<256x1024xi1>
    %or3A_460 = arith.ori %gt3A_454, %and3A_459 : vector<256x1024xi1>
    %jit3A_461 = arith.constant 0x7F800000 : f32
    %broadcast_in_dim3A_462 = vector.broadcast %jit3A_461 : f32 to vector<256x1024xf32>
    %select_n3A_463 = arith.select %or3A_460, %sub3A_419, %broadcast_in_dim3A_462 : vector<256x1024xi1>, vector<256x1024xf32>
    %reduce_min3A_464 = arith.constant dense<0x7F800000> : vector<256xf32>
    %reduce_min3A_465 = vector.multi_reduction <minimumf>, %select_n3A_463, %reduce_min3A_464 [1] : vector<256x1024xf32> to vector<256xf32>
    %broadcast_in_dim3A_466 = vector.shape_cast %reduce_min3A_465 : vector<256xf32> to vector<256x1xf32>
    %eq3A_467 = vector.broadcast %broadcast_in_dim3A_466 : vector<256x1xf32> to vector<256x1024xf32>
    %eq3A_468 = arith.cmpf oeq, %select_n3A_463, %eq3A_467 : vector<256x1024xf32>
    %jit3A_469 = arith.constant 1073741824 : i32
    %broadcast_in_dim3A_470 = vector.broadcast %jit3A_469 : i32 to vector<256x1024xi32>
    %select_n3A_471 = arith.select %eq3A_468, %iota3A, %broadcast_in_dim3A_470 : vector<256x1024xi1>, vector<256x1024xi32>
    %reduce_min3A_472 = arith.constant dense<2147483647> : vector<256xi32>
    %reduce_min3A_473 = vector.multi_reduction <minsi>, %select_n3A_471, %reduce_min3A_472 [1] : vector<256x1024xi32> to vector<256xi32>
    %broadcast_in_dim3A_474 = vector.shape_cast %reduce_min3A_473 : vector<256xi32> to vector<256x1xi32>
    %gt3A_475 = vector.broadcast %broadcast_in_dim3A_466 : vector<256x1xf32> to vector<256x1024xf32>
    %gt3A_476 = arith.cmpf ogt, %sub3A_419, %gt3A_475 : vector<256x1024xf32>
    %eq3A_477 = vector.broadcast %broadcast_in_dim3A_466 : vector<256x1xf32> to vector<256x1024xf32>
    %eq3A_478 = arith.cmpf oeq, %sub3A_419, %eq3A_477 : vector<256x1024xf32>
    %gt3A_479 = vector.broadcast %broadcast_in_dim3A_474 : vector<256x1xi32> to vector<256x1024xi32>
    %gt3A_480 = arith.cmpi sgt, %iota3A, %gt3A_479 : vector<256x1024xi32>
    %and3A_481 = arith.andi %eq3A_478, %gt3A_480 : vector<256x1024xi1>
    %or3A_482 = arith.ori %gt3A_476, %and3A_481 : vector<256x1024xi1>
    %jit3A_483 = arith.constant 0x7F800000 : f32
    %broadcast_in_dim3A_484 = vector.broadcast %jit3A_483 : f32 to vector<256x1024xf32>
    %select_n3A_485 = arith.select %or3A_482, %sub3A_419, %broadcast_in_dim3A_484 : vector<256x1024xi1>, vector<256x1024xf32>
    %reduce_min3A_486 = arith.constant dense<0x7F800000> : vector<256xf32>
    %reduce_min3A_487 = vector.multi_reduction <minimumf>, %select_n3A_485, %reduce_min3A_486 [1] : vector<256x1024xf32> to vector<256xf32>
    %broadcast_in_dim3A_488 = vector.shape_cast %reduce_min3A_487 : vector<256xf32> to vector<256x1xf32>
    %eq3A_489 = vector.broadcast %broadcast_in_dim3A_488 : vector<256x1xf32> to vector<256x1024xf32>
    %eq3A_490 = arith.cmpf oeq, %select_n3A_485, %eq3A_489 : vector<256x1024xf32>
    %jit3A_491 = arith.constant 1073741824 : i32
    %broadcast_in_dim3A_492 = vector.broadcast %jit3A_491 : i32 to vector<256x1024xi32>
    %select_n3A_493 = arith.select %eq3A_490, %iota3A, %broadcast_in_dim3A_492 : vector<256x1024xi1>, vector<256x1024xi32>
    %reduce_min3A_494 = arith.constant dense<2147483647> : vector<256xi32>
    %reduce_min3A_495 = vector.multi_reduction <minsi>, %select_n3A_493, %reduce_min3A_494 [1] : vector<256x1024xi32> to vector<256xi32>
    %broadcast_in_dim3A_496 = vector.shape_cast %reduce_min3A_495 : vector<256xi32> to vector<256x1xi32>
    %gt3A_497 = vector.broadcast %broadcast_in_dim3A_488 : vector<256x1xf32> to vector<256x1024xf32>
    %gt3A_498 = arith.cmpf ogt, %sub3A_419, %gt3A_497 : vector<256x1024xf32>
    %eq3A_499 = vector.broadcast %broadcast_in_dim3A_488 : vector<256x1xf32> to vector<256x1024xf32>
    %eq3A_500 = arith.cmpf oeq, %sub3A_419, %eq3A_499 : vector<256x1024xf32>
    %gt3A_501 = vector.broadcast %broadcast_in_dim3A_496 : vector<256x1xi32> to vector<256x1024xi32>
    %gt3A_502 = arith.cmpi sgt, %iota3A, %gt3A_501 : vector<256x1024xi32>
    %and3A_503 = arith.andi %eq3A_500, %gt3A_502 : vector<256x1024xi1>
    %or3A_504 = arith.ori %gt3A_498, %and3A_503 : vector<256x1024xi1>
    %jit3A_505 = arith.constant 0x7F800000 : f32
    %broadcast_in_dim3A_506 = vector.broadcast %jit3A_505 : f32 to vector<256x1024xf32>
    %select_n3A_507 = arith.select %or3A_504, %sub3A_419, %broadcast_in_dim3A_506 : vector<256x1024xi1>, vector<256x1024xf32>
    %reduce_min3A_508 = arith.constant dense<0x7F800000> : vector<256xf32>
    %reduce_min3A_509 = vector.multi_reduction <minimumf>, %select_n3A_507, %reduce_min3A_508 [1] : vector<256x1024xf32> to vector<256xf32>
    %broadcast_in_dim3A_510 = vector.shape_cast %reduce_min3A_509 : vector<256xf32> to vector<256x1xf32>
    %eq3A_511 = vector.broadcast %broadcast_in_dim3A_510 : vector<256x1xf32> to vector<256x1024xf32>
    %eq3A_512 = arith.cmpf oeq, %select_n3A_507, %eq3A_511 : vector<256x1024xf32>
    %jit3A_513 = arith.constant 1073741824 : i32
    %broadcast_in_dim3A_514 = vector.broadcast %jit3A_513 : i32 to vector<256x1024xi32>
    %select_n3A_515 = arith.select %eq3A_512, %iota3A, %broadcast_in_dim3A_514 : vector<256x1024xi1>, vector<256x1024xi32>
    %reduce_min3A_516 = arith.constant dense<2147483647> : vector<256xi32>
    %reduce_min3A_517 = vector.multi_reduction <minsi>, %select_n3A_515, %reduce_min3A_516 [1] : vector<256x1024xi32> to vector<256xi32>
    %broadcast_in_dim3A_518 = vector.shape_cast %reduce_min3A_517 : vector<256xi32> to vector<256x1xi32>
    %mul3A_519 = arith.constant 4096 : i32
    %mul3A_520 = arith.muli %arg0, %mul3A_519 : i32
    %add3A_521 = arith.constant 3072 : i32
    %add3A_522 = arith.addi %mul3A_520, %add3A_521 : i32
    %add3A_523 = vector.broadcast %add3A_522 : i32 to vector<256x1xi32>
    %add3A_524 = arith.addi %broadcast_in_dim3A_430, %add3A_523 : vector<256x1xi32>
    %mul3A_525 = arith.constant 4096 : i32
    %mul3A_526 = arith.muli %arg0, %mul3A_525 : i32
    %add3A_527 = arith.constant 3072 : i32
    %add3A_528 = arith.addi %mul3A_526, %add3A_527 : i32
    %add3A_529 = vector.broadcast %add3A_528 : i32 to vector<256x1xi32>
    %add3A_530 = arith.addi %broadcast_in_dim3A_452, %add3A_529 : vector<256x1xi32>
    %mul3A_531 = arith.constant 4096 : i32
    %mul3A_532 = arith.muli %arg0, %mul3A_531 : i32
    %add3A_533 = arith.constant 3072 : i32
    %add3A_534 = arith.addi %mul3A_532, %add3A_533 : i32
    %add3A_535 = vector.broadcast %add3A_534 : i32 to vector<256x1xi32>
    %add3A_536 = arith.addi %broadcast_in_dim3A_474, %add3A_535 : vector<256x1xi32>
    %mul3A_537 = arith.constant 4096 : i32
    %mul3A_538 = arith.muli %arg0, %mul3A_537 : i32
    %add3A_539 = arith.constant 3072 : i32
    %add3A_540 = arith.addi %mul3A_538, %add3A_539 : i32
    %add3A_541 = vector.broadcast %add3A_540 : i32 to vector<256x1xi32>
    %add3A_542 = arith.addi %broadcast_in_dim3A_496, %add3A_541 : vector<256x1xi32>
    %mul3A_543 = arith.constant 4096 : i32
    %mul3A_544 = arith.muli %arg0, %mul3A_543 : i32
    %add3A_545 = arith.constant 3072 : i32
    %add3A_546 = arith.addi %mul3A_544, %add3A_545 : i32
    %add3A_547 = vector.broadcast %add3A_546 : i32 to vector<256x1xi32>
    %add3A_548 = arith.addi %broadcast_in_dim3A_518, %add3A_547 : vector<256x1xi32>
    %concatenate3A = tpu.concatenate %broadcast_in_dim3A, %broadcast_in_dim3A_26, %broadcast_in_dim3A_48, %broadcast_in_dim3A_70, %broadcast_in_dim3A_92, %broadcast_in_dim3A_142, %broadcast_in_dim3A_164, %broadcast_in_dim3A_186, %broadcast_in_dim3A_208, %broadcast_in_dim3A_230, %broadcast_in_dim3A_282, %broadcast_in_dim3A_304, %broadcast_in_dim3A_326, %broadcast_in_dim3A_348, %broadcast_in_dim3A_370, %broadcast_in_dim3A_422, %broadcast_in_dim3A_444, %broadcast_in_dim3A_466, %broadcast_in_dim3A_488, %broadcast_in_dim3A_510 in 1 : vector<256x1xf32>, vector<256x1xf32>, vector<256x1xf32>, vector<256x1xf32>, vector<256x1xf32>, vector<256x1xf32>, vector<256x1xf32>, vector<256x1xf32>, vector<256x1xf32>, vector<256x1xf32>, vector<256x1xf32>, vector<256x1xf32>, vector<256x1xf32>, vector<256x1xf32>, vector<256x1xf32>, vector<256x1xf32>, vector<256x1xf32>, vector<256x1xf32>, vector<256x1xf32>, vector<256x1xf32> -> vector<256x20xf32>
    %concatenate3A_549 = tpu.concatenate %add3A_104, %add3A_110, %add3A_116, %add3A_122, %add3A_128, %add3A_244, %add3A_250, %add3A_256, %add3A_262, %add3A_268, %add3A_384, %add3A_390, %add3A_396, %add3A_402, %add3A_408, %add3A_524, %add3A_530, %add3A_536, %add3A_542, %add3A_548 in 1 : vector<256x1xi32>, vector<256x1xi32>, vector<256x1xi32>, vector<256x1xi32>, vector<256x1xi32>, vector<256x1xi32>, vector<256x1xi32>, vector<256x1xi32>, vector<256x1xi32>, vector<256x1xi32>, vector<256x1xi32>, vector<256x1xi32>, vector<256x1xi32>, vector<256x1xi32>, vector<256x1xi32>, vector<256x1xi32>, vector<256x1xi32>, vector<256x1xi32>, vector<256x1xi32>, vector<256x1xi32> -> vector<256x20xi32>
    %eq3A_550 = arith.constant 0 : i32
    %eq3A_551 = arith.cmpi eq, %arg0, %eq3A_550 : i32
    %convert_element_type3A = arith.extui %eq3A_551 : i1 to i32
    %cond3A = arith.constant 0 : i32
    %cond3A_552 = arith.cmpi ne, %convert_element_type3A, %cond3A : i32
    scf.if %cond3A_552 {
      %swap3A_558 = arith.constant 0 : index
      %swap3A_559 = arith.constant 0 : index
      %swap3A_560 = vector.load %arg7[%swap3A_558, %swap3A_559] : memref<256x20xf32, #tpu.memory_space<vmem>>, vector<256x20xf32>
      tpu.vector_store %arg7[%swap3A_558, %swap3A_559], %concatenate3A {strides = array<i32>} : memref<256x20xf32, #tpu.memory_space<vmem>>, vector<256x20xf32>,
      %swap3A_561 = arith.constant 0 : index
      %swap3A_562 = arith.constant 0 : index
      %swap3A_563 = vector.load %arg8[%swap3A_561, %swap3A_562] : memref<256x20xi32, #tpu.memory_space<vmem>>, vector<256x20xi32>
      tpu.vector_store %arg8[%swap3A_561, %swap3A_562], %concatenate3A_549 {strides = array<i32>} : memref<256x20xi32, #tpu.memory_space<vmem>>, vector<256x20xi32>,
    } else {
    }
    %eq3A_553 = arith.constant 1 : i32
    %eq3A_554 = arith.cmpi eq, %arg0, %eq3A_553 : i32
    %convert_element_type3A_555 = arith.extui %eq3A_554 : i1 to i32
    %cond3A_556 = arith.constant 0 : i32
    %cond3A_557 = arith.cmpi ne, %convert_element_type3A_555, %cond3A_556 : i32
    scf.if %cond3A_557 {
      %get3A_558 = arith.constant 0 : index
      %get3A_559 = arith.constant 0 : index
      %get3A_560 = vector.load %arg7[%get3A_558, %get3A_559] : memref<256x20xf32, #tpu.memory_space<vmem>>, vector<256x20xf32>
      %concatenate3A_561 = tpu.concatenate %get3A_560, %concatenate3A in 1 : vector<256x20xf32>, vector<256x20xf32> -> vector<256x40xf32>
      %get3A_562 = arith.constant 0 : index
      %get3A_563 = arith.constant 0 : index
      %get3A_564 = vector.load %arg8[%get3A_562, %get3A_563] : memref<256x20xi32, #tpu.memory_space<vmem>>, vector<256x20xi32>
      %concatenate3A_565 = tpu.concatenate %get3A_564, %concatenate3A_549 in 1 : vector<256x20xi32>, vector<256x20xi32> -> vector<256x40xi32>
      %reduce_min3A_566 = arith.constant dense<0x7F800000> : vector<256xf32>
      %reduce_min3A_567 = vector.multi_reduction <minimumf>, %concatenate3A_561, %reduce_min3A_566 [1] : vector<256x40xf32> to vector<256xf32>
      %broadcast_in_dim3A_568 = vector.shape_cast %reduce_min3A_567 : vector<256xf32> to vector<256x1xf32>
      %eq3A_569 = vector.broadcast %broadcast_in_dim3A_568 : vector<256x1xf32> to vector<256x40xf32>
      %eq3A_570 = arith.cmpf oeq, %concatenate3A_561, %eq3A_569 : vector<256x40xf32>
      %jit3A_571 = arith.constant 1073741824 : i32
      %broadcast_in_dim3A_572 = vector.broadcast %jit3A_571 : i32 to vector<256x40xi32>
      %select_n3A_573 = arith.select %eq3A_570, %concatenate3A_565, %broadcast_in_dim3A_572 : vector<256x40xi1>, vector<256x40xi32>
      %reduce_min3A_574 = arith.constant dense<2147483647> : vector<256xi32>
      %reduce_min3A_575 = vector.multi_reduction <minsi>, %select_n3A_573, %reduce_min3A_574 [1] : vector<256x40xi32> to vector<256xi32>
      %broadcast_in_dim3A_576 = vector.shape_cast %reduce_min3A_575 : vector<256xi32> to vector<256x1xi32>
      %gt3A_577 = vector.broadcast %broadcast_in_dim3A_568 : vector<256x1xf32> to vector<256x40xf32>
      %gt3A_578 = arith.cmpf ogt, %concatenate3A_561, %gt3A_577 : vector<256x40xf32>
      %eq3A_579 = vector.broadcast %broadcast_in_dim3A_568 : vector<256x1xf32> to vector<256x40xf32>
      %eq3A_580 = arith.cmpf oeq, %concatenate3A_561, %eq3A_579 : vector<256x40xf32>
      %gt3A_581 = vector.broadcast %broadcast_in_dim3A_576 : vector<256x1xi32> to vector<256x40xi32>
      %gt3A_582 = arith.cmpi sgt, %concatenate3A_565, %gt3A_581 : vector<256x40xi32>
      %and3A_583 = arith.andi %eq3A_580, %gt3A_582 : vector<256x40xi1>
      %or3A_584 = arith.ori %gt3A_578, %and3A_583 : vector<256x40xi1>
      %jit3A_585 = arith.constant 0x7F800000 : f32
      %broadcast_in_dim3A_586 = vector.broadcast %jit3A_585 : f32 to vector<256x40xf32>
      %select_n3A_587 = arith.select %or3A_584, %concatenate3A_561, %broadcast_in_dim3A_586 : vector<256x40xi1>, vector<256x40xf32>
      %reduce_min3A_588 = arith.constant dense<0x7F800000> : vector<256xf32>
      %reduce_min3A_589 = vector.multi_reduction <minimumf>, %select_n3A_587, %reduce_min3A_588 [1] : vector<256x40xf32> to vector<256xf32>
      %broadcast_in_dim3A_590 = vector.shape_cast %reduce_min3A_589 : vector<256xf32> to vector<256x1xf32>
      %eq3A_591 = vector.broadcast %broadcast_in_dim3A_590 : vector<256x1xf32> to vector<256x40xf32>
      %eq3A_592 = arith.cmpf oeq, %select_n3A_587, %eq3A_591 : vector<256x40xf32>
      %jit3A_593 = arith.constant 1073741824 : i32
      %broadcast_in_dim3A_594 = vector.broadcast %jit3A_593 : i32 to vector<256x40xi32>
      %select_n3A_595 = arith.select %eq3A_592, %concatenate3A_565, %broadcast_in_dim3A_594 : vector<256x40xi1>, vector<256x40xi32>
      %reduce_min3A_596 = arith.constant dense<2147483647> : vector<256xi32>
      %reduce_min3A_597 = vector.multi_reduction <minsi>, %select_n3A_595, %reduce_min3A_596 [1] : vector<256x40xi32> to vector<256xi32>
      %broadcast_in_dim3A_598 = vector.shape_cast %reduce_min3A_597 : vector<256xi32> to vector<256x1xi32>
      %gt3A_599 = vector.broadcast %broadcast_in_dim3A_590 : vector<256x1xf32> to vector<256x40xf32>
      %gt3A_600 = arith.cmpf ogt, %concatenate3A_561, %gt3A_599 : vector<256x40xf32>
      %eq3A_601 = vector.broadcast %broadcast_in_dim3A_590 : vector<256x1xf32> to vector<256x40xf32>
      %eq3A_602 = arith.cmpf oeq, %concatenate3A_561, %eq3A_601 : vector<256x40xf32>
      %gt3A_603 = vector.broadcast %broadcast_in_dim3A_598 : vector<256x1xi32> to vector<256x40xi32>
      %gt3A_604 = arith.cmpi sgt, %concatenate3A_565, %gt3A_603 : vector<256x40xi32>
      %and3A_605 = arith.andi %eq3A_602, %gt3A_604 : vector<256x40xi1>
      %or3A_606 = arith.ori %gt3A_600, %and3A_605 : vector<256x40xi1>
      %jit3A_607 = arith.constant 0x7F800000 : f32
      %broadcast_in_dim3A_608 = vector.broadcast %jit3A_607 : f32 to vector<256x40xf32>
      %select_n3A_609 = arith.select %or3A_606, %concatenate3A_561, %broadcast_in_dim3A_608 : vector<256x40xi1>, vector<256x40xf32>
      %reduce_min3A_610 = arith.constant dense<0x7F800000> : vector<256xf32>
      %reduce_min3A_611 = vector.multi_reduction <minimumf>, %select_n3A_609, %reduce_min3A_610 [1] : vector<256x40xf32> to vector<256xf32>
      %broadcast_in_dim3A_612 = vector.shape_cast %reduce_min3A_611 : vector<256xf32> to vector<256x1xf32>
      %eq3A_613 = vector.broadcast %broadcast_in_dim3A_612 : vector<256x1xf32> to vector<256x40xf32>
      %eq3A_614 = arith.cmpf oeq, %select_n3A_609, %eq3A_613 : vector<256x40xf32>
      %jit3A_615 = arith.constant 1073741824 : i32
      %broadcast_in_dim3A_616 = vector.broadcast %jit3A_615 : i32 to vector<256x40xi32>
      %select_n3A_617 = arith.select %eq3A_614, %concatenate3A_565, %broadcast_in_dim3A_616 : vector<256x40xi1>, vector<256x40xi32>
      %reduce_min3A_618 = arith.constant dense<2147483647> : vector<256xi32>
      %reduce_min3A_619 = vector.multi_reduction <minsi>, %select_n3A_617, %reduce_min3A_618 [1] : vector<256x40xi32> to vector<256xi32>
      %broadcast_in_dim3A_620 = vector.shape_cast %reduce_min3A_619 : vector<256xi32> to vector<256x1xi32>
      %gt3A_621 = vector.broadcast %broadcast_in_dim3A_612 : vector<256x1xf32> to vector<256x40xf32>
      %gt3A_622 = arith.cmpf ogt, %concatenate3A_561, %gt3A_621 : vector<256x40xf32>
      %eq3A_623 = vector.broadcast %broadcast_in_dim3A_612 : vector<256x1xf32> to vector<256x40xf32>
      %eq3A_624 = arith.cmpf oeq, %concatenate3A_561, %eq3A_623 : vector<256x40xf32>
      %gt3A_625 = vector.broadcast %broadcast_in_dim3A_620 : vector<256x1xi32> to vector<256x40xi32>
      %gt3A_626 = arith.cmpi sgt, %concatenate3A_565, %gt3A_625 : vector<256x40xi32>
      %and3A_627 = arith.andi %eq3A_624, %gt3A_626 : vector<256x40xi1>
      %or3A_628 = arith.ori %gt3A_622, %and3A_627 : vector<256x40xi1>
      %jit3A_629 = arith.constant 0x7F800000 : f32
      %broadcast_in_dim3A_630 = vector.broadcast %jit3A_629 : f32 to vector<256x40xf32>
      %select_n3A_631 = arith.select %or3A_628, %concatenate3A_561, %broadcast_in_dim3A_630 : vector<256x40xi1>, vector<256x40xf32>
      %reduce_min3A_632 = arith.constant dense<0x7F800000> : vector<256xf32>
      %reduce_min3A_633 = vector.multi_reduction <minimumf>, %select_n3A_631, %reduce_min3A_632 [1] : vector<256x40xf32> to vector<256xf32>
      %broadcast_in_dim3A_634 = vector.shape_cast %reduce_min3A_633 : vector<256xf32> to vector<256x1xf32>
      %eq3A_635 = vector.broadcast %broadcast_in_dim3A_634 : vector<256x1xf32> to vector<256x40xf32>
      %eq3A_636 = arith.cmpf oeq, %select_n3A_631, %eq3A_635 : vector<256x40xf32>
      %jit3A_637 = arith.constant 1073741824 : i32
      %broadcast_in_dim3A_638 = vector.broadcast %jit3A_637 : i32 to vector<256x40xi32>
      %select_n3A_639 = arith.select %eq3A_636, %concatenate3A_565, %broadcast_in_dim3A_638 : vector<256x40xi1>, vector<256x40xi32>
      %reduce_min3A_640 = arith.constant dense<2147483647> : vector<256xi32>
      %reduce_min3A_641 = vector.multi_reduction <minsi>, %select_n3A_639, %reduce_min3A_640 [1] : vector<256x40xi32> to vector<256xi32>
      %broadcast_in_dim3A_642 = vector.shape_cast %reduce_min3A_641 : vector<256xi32> to vector<256x1xi32>
      %gt3A_643 = vector.broadcast %broadcast_in_dim3A_634 : vector<256x1xf32> to vector<256x40xf32>
      %gt3A_644 = arith.cmpf ogt, %concatenate3A_561, %gt3A_643 : vector<256x40xf32>
      %eq3A_645 = vector.broadcast %broadcast_in_dim3A_634 : vector<256x1xf32> to vector<256x40xf32>
      %eq3A_646 = arith.cmpf oeq, %concatenate3A_561, %eq3A_645 : vector<256x40xf32>
      %gt3A_647 = vector.broadcast %broadcast_in_dim3A_642 : vector<256x1xi32> to vector<256x40xi32>
      %gt3A_648 = arith.cmpi sgt, %concatenate3A_565, %gt3A_647 : vector<256x40xi32>
      %and3A_649 = arith.andi %eq3A_646, %gt3A_648 : vector<256x40xi1>
      %or3A_650 = arith.ori %gt3A_644, %and3A_649 : vector<256x40xi1>
      %jit3A_651 = arith.constant 0x7F800000 : f32
      %broadcast_in_dim3A_652 = vector.broadcast %jit3A_651 : f32 to vector<256x40xf32>
      %select_n3A_653 = arith.select %or3A_650, %concatenate3A_561, %broadcast_in_dim3A_652 : vector<256x40xi1>, vector<256x40xf32>
      %reduce_min3A_654 = arith.constant dense<0x7F800000> : vector<256xf32>
      %reduce_min3A_655 = vector.multi_reduction <minimumf>, %select_n3A_653, %reduce_min3A_654 [1] : vector<256x40xf32> to vector<256xf32>
      %broadcast_in_dim3A_656 = vector.shape_cast %reduce_min3A_655 : vector<256xf32> to vector<256x1xf32>
      %eq3A_657 = vector.broadcast %broadcast_in_dim3A_656 : vector<256x1xf32> to vector<256x40xf32>
      %eq3A_658 = arith.cmpf oeq, %select_n3A_653, %eq3A_657 : vector<256x40xf32>
      %jit3A_659 = arith.constant 1073741824 : i32
      %broadcast_in_dim3A_660 = vector.broadcast %jit3A_659 : i32 to vector<256x40xi32>
      %select_n3A_661 = arith.select %eq3A_658, %concatenate3A_565, %broadcast_in_dim3A_660 : vector<256x40xi1>, vector<256x40xi32>
      %reduce_min3A_662 = arith.constant dense<2147483647> : vector<256xi32>
      %reduce_min3A_663 = vector.multi_reduction <minsi>, %select_n3A_661, %reduce_min3A_662 [1] : vector<256x40xi32> to vector<256xi32>
      %broadcast_in_dim3A_664 = vector.shape_cast %reduce_min3A_663 : vector<256xi32> to vector<256x1xi32>
      %sub3A_665 = arith.constant 1.000000e+00 : f32
      %sub3A_666 = vector.broadcast %sub3A_665 : f32 to vector<256x1xf32>
      %sub3A_667 = arith.subf %sub3A_666, %broadcast_in_dim3A_568 : vector<256x1xf32>
      %sub3A_668 = arith.constant 1.000000e+00 : f32
      %sub3A_669 = vector.broadcast %sub3A_668 : f32 to vector<256x1xf32>
      %sub3A_670 = arith.subf %sub3A_669, %broadcast_in_dim3A_590 : vector<256x1xf32>
      %sub3A_671 = arith.constant 1.000000e+00 : f32
      %sub3A_672 = vector.broadcast %sub3A_671 : f32 to vector<256x1xf32>
      %sub3A_673 = arith.subf %sub3A_672, %broadcast_in_dim3A_612 : vector<256x1xf32>
      %sub3A_674 = arith.constant 1.000000e+00 : f32
      %sub3A_675 = vector.broadcast %sub3A_674 : f32 to vector<256x1xf32>
      %sub3A_676 = arith.subf %sub3A_675, %broadcast_in_dim3A_634 : vector<256x1xf32>
      %sub3A_677 = arith.constant 1.000000e+00 : f32
      %sub3A_678 = vector.broadcast %sub3A_677 : f32 to vector<256x1xf32>
      %sub3A_679 = arith.subf %sub3A_678, %broadcast_in_dim3A_656 : vector<256x1xf32>
      %concatenate3A_680 = tpu.concatenate %sub3A_667, %sub3A_670, %sub3A_673, %sub3A_676, %sub3A_679, %sub3A_679, %sub3A_679, %sub3A_679 in 1 : vector<256x1xf32>, vector<256x1xf32>, vector<256x1xf32>, vector<256x1xf32>, vector<256x1xf32>, vector<256x1xf32>, vector<256x1xf32>, vector<256x1xf32> -> vector<256x8xf32>
      %swap3A_681 = arith.constant 0 : index
      %swap3A_682 = arith.constant 0 : index
      %swap3A_683 = vector.load %arg5[%swap3A_681, %swap3A_682] : memref<256x8xf32, #tpu.memory_space<vmem>>, vector<256x8xf32>
      tpu.vector_store %arg5[%swap3A_681, %swap3A_682], %concatenate3A_680 {strides = array<i32>} : memref<256x8xf32, #tpu.memory_space<vmem>>, vector<256x8xf32>,
      %concatenate3A_684 = tpu.concatenate %broadcast_in_dim3A_576, %broadcast_in_dim3A_598, %broadcast_in_dim3A_620, %broadcast_in_dim3A_642, %broadcast_in_dim3A_664, %broadcast_in_dim3A_664, %broadcast_in_dim3A_664, %broadcast_in_dim3A_664 in 1 : vector<256x1xi32>, vector<256x1xi32>, vector<256x1xi32>, vector<256x1xi32>, vector<256x1xi32>, vector<256x1xi32>, vector<256x1xi32>, vector<256x1xi32> -> vector<256x8xi32>
      %swap3A_685 = arith.constant 0 : index
      %swap3A_686 = arith.constant 0 : index
      %swap3A_687 = vector.load %arg6[%swap3A_685, %swap3A_686] : memref<256x8xi32, #tpu.memory_space<vmem>>, vector<256x8xi32>
      tpu.vector_store %arg6[%swap3A_685, %swap3A_686], %concatenate3A_684 {strides = array<i32>} : memref<256x8xi32, #tpu.memory_space<vmem>>, vector<256x8xi32>,
    } else {
    }
    return
  }
  func.func @transform_0(%arg0: i32) -> (i32, i32) {
    %c0_i32 = arith.constant 0 : i32
    %c0_i32_0 = arith.constant 0 : i32
    %c0_i32_1 = arith.constant 0 : i32
    return %c0_i32, %c0_i32_0 : i32, i32
  }
  func.func @transform_1(%arg0: i32) -> (i32, i32) {
    %c0_i32 = arith.constant 0 : i32
    %c0_i32_0 = arith.constant 0 : i32
    return %arg0, %c0_i32 : i32, i32
  }
  func.func @transform_3(%arg0: i32) -> (i32, i32) {
    %c2_i32 = arith.constant 2 : i32
    %c0_i32 = arith.constant 0 : i32
    return %c2_i32, %arg0 : i32, i32
  }
  func.func @transform_4(%arg0: i32) -> (i32, i32) {
    %c0_i32 = arith.constant 0 : i32
    %c0_i32_0 = arith.constant 0 : i32
    %c0_i32_1 = arith.constant 0 : i32
    return %c0_i32, %c0_i32_0 : i32, i32
  }
  func.func @transform_5(%arg0: i32) -> (i32, i32) {
    %c0_i32 = arith.constant 0 : i32
    %c0_i32_0 = arith.constant 0 : i32
    %c0_i32_1 = arith.constant 0 : i32
    return %c0_i32, %c0_i32_0 : i32, i32
  }
}

module attributes {stable_mosaic.version = 14 : i64} {
  func.func @_lambda_(%arg0: i32, %arg1: memref<256x768xbf16, #tpu.memory_space<vmem>>, %arg2: memref<4096x768xbf16, #tpu.memory_space<vmem>>, %arg3: memref<1024x8192xf32, #tpu.memory_space<any>>, %arg4: memref<256x4096xf32, #tpu.memory_space<vmem>>, %arg5: memref<256x8xf32, #tpu.memory_space<vmem>>, %arg6: memref<256x8xi32, #tpu.memory_space<vmem>>, %arg7: memref<256x20xf32, #tpu.memory_space<vmem>>, %arg8: memref<256x20xi32, #tpu.memory_space<vmem>>) attributes {dimension_semantics = [#tpu.dimension_semantics<arbitrary>], iteration_bounds = array<i64: 2>, scalar_prefetch = 0 : i64, scratch_operands = 2 : i64, tpu.core_type = #tpu.core_type<tc>, window_params = [{pipeline_mode = #tpu.pipeline_mode<synchronous>, transform_indices = @transform_0, window_bounds = array<i64: 256, 768>}, {transform_indices = @transform_1, window_bounds = array<i64: 4096, 768>}, {}, {transform_indices = @transform_3, window_bounds = array<i64: 256, 4096>}, {pipeline_mode = #tpu.pipeline_mode<synchronous>, transform_indices = @transform_4, window_bounds = array<i64: 256, 8>}, {pipeline_mode = #tpu.pipeline_mode<synchronous>, transform_indices = @transform_5, window_bounds = array<i64: 256, 8>}]} {
    %get3A = arith.constant 0 : index
    %get3A_0 = arith.constant 0 : index
    %get3A_1 = vector.load %arg1[%get3A, %get3A_0] : memref<256x768xbf16, #tpu.memory_space<vmem>>, vector<256x768xbf16>
    %iota3A = tpu.iota {dimensions = array<i32: 1>} : vector<256x1024xi32>
    %get3A_2 = arith.constant 0 : index
    %get3A_3 = arith.constant 0 : index
    %get3A_4 = vector.load %arg2[%get3A_2, %get3A_3] : memref<4096x768xbf16, #tpu.memory_space<vmem>>, vector<1024x768xbf16>
    %dot_general3A = arith.constant dense<0.000000e+00> : vector<256x1024xf32>
    %dot_general3A_5 = tpu.matmul %get3A_1, %get3A_4, %dot_general3A {dimension_numbers = #tpu.dot_dimension_numbers<[1], [1], [0], [0], [0, 0, 1, 0], [], []>, transpose_lhs_hint = false} : vector<256x768xbf16>, vector<1024x768xbf16>, vector<256x1024xf32> -> vector<256x1024xf32>
    %swap3A = arith.constant 0 : index
    %swap3A_6 = arith.constant 0 : index
    %swap3A_7 = vector.load %arg4[%swap3A, %swap3A_6] : memref<256x4096xf32, #tpu.memory_space<vmem>>, vector<256x1024xf32>
    tpu.vector_store %arg4[%swap3A, %swap3A_6], %dot_general3A_5 {strides = array<i32>} : memref<256x4096xf32, #tpu.memory_space<vmem>>, vector<256x1024xf32>,
    %sub3A = arith.constant 1.000000e+00 : f32
    %sub3A_8 = vector.broadcast %sub3A : f32 to vector<256x1024xf32>
    %sub3A_9 = arith.subf %sub3A_8, %dot_general3A_5 : vector<256x1024xf32>
    %reduce_min3A = arith.constant dense<0x7F800000> : vector<256xf32>
    %reduce_min3A_10 = vector.multi_reduction <minimumf>, %sub3A_9, %reduce_min3A [1] : vector<256x1024xf32> to vector<256xf32>
    %broadcast_in_dim3A = vector.shape_cast %reduce_min3A_10 : vector<256xf32> to vector<256x1xf32>
    %eq3A = vector.broadcast %broadcast_in_dim3A : vector<256x1xf32> to vector<256x1024xf32>
    %eq3A_11 = arith.cmpf oeq, %sub3A_9, %eq3A : vector<256x1024xf32>
    %jit3A = arith.constant 1073741824 : i32
    %broadcast_in_dim3A_12 = vector.broadcast %jit3A : i32 to vector<256x1024xi32>
    %select_n3A = arith.select %eq3A_11, %iota3A, %broadcast_in_dim3A_12 : vector<256x1024xi1>, vector<256x1024xi32>
    %reduce_min3A_13 = arith.constant dense<2147483647> : vector<256xi32>
    %reduce_min3A_14 = vector.multi_reduction <minsi>, %select_n3A, %reduce_min3A_13 [1] : vector<256x1024xi32> to vector<256xi32>
    %broadcast_in_dim3A_15 = vector.shape_cast %reduce_min3A_14 : vector<256xi32> to vector<256x1xi32>
    %gt3A = vector.broadcast %broadcast_in_dim3A : vector<256x1xf32> to vector<256x1024xf32>
    %gt3A_16 = arith.cmpf ogt, %sub3A_9, %gt3A : vector<256x1024xf32>
    %eq3A_17 = vector.broadcast %broadcast_in_dim3A : vector<256x1xf32> to vector<256x1024xf32>
    %eq3A_18 = arith.cmpf oeq, %sub3A_9, %eq3A_17 : vector<256x1024xf32>
    %gt3A_19 = vector.broadcast %broadcast_in_dim3A_15 : vector<256x1xi32> to vector<256x1024xi32>
    %gt3A_20 = arith.cmpi sgt, %iota3A, %gt3A_19 : vector<256x1024xi32>
    %and3A = arith.andi %eq3A_18, %gt3A_20 : vector<256x1024xi1>
    %or3A = arith.ori %gt3A_16, %and3A : vector<256x1024xi1>
    %jit3A_21 = arith.constant 0x7F800000 : f32
    %broadcast_in_dim3A_22 = vector.broadcast %jit3A_21 : f32 to vector<256x1024xf32>
    %select_n3A_23 = arith.select %or3A, %sub3A_9, %broadcast_in_dim3A_22 : vector<256x1024xi1>, vector<256x1024xf32>
    %reduce_min3A_24 = arith.constant dense<0x7F800000> : vector<256xf32>
    %reduce_min3A_25 = vector.multi_reduction <minimumf>, %select_n3A_23, %reduce_min3A_24 [1] : vector<256x1024xf32> to vector<256xf32>
    %broadcast_in_dim3A_26 = vector.shape_cast %reduce_min3A_25 : vector<256xf32> to vector<256x1xf32>
    %eq3A_27 = vector.broadcast %broadcast_in_dim3A_26 : vector<256x1xf32> to vector<256x1024xf32>
    %eq3A_28 = arith.cmpf oeq, %select_n3A_23, %eq3A_27 : vector<256x1024xf32>
    %jit3A_29 = arith.constant 1073741824 : i32
    %broadcast_in_dim3A_30 = vector.broadcast %jit3A_29 : i32 to vector<256x1024xi32>
    %select_n3A_31 = arith.select %eq3A_28, %iota3A, %broadcast_in_dim3A_30 : vector<256x1024xi1>, vector<256x1024xi32>
    %reduce_min3A_32 = arith.constant dense<2147483647> : vector<256xi32>
    %reduce_min3A_33 = vector.multi_reduction <minsi>, %select_n3A_31, %reduce_min3A_32 [1] : vector<256x1024xi32> to vector<256xi32>
    %broadcast_in_dim3A_34 = vector.shape_cast %reduce_min3A_33 : vector<256xi32> to vector<256x1xi32>
    %gt3A_35 = vector.broadcast %broadcast_in_dim3A_26 : vector<256x1xf32> to vector<256x1024xf32>
    %gt3A_36 = arith.cmpf ogt, %sub3A_9, %gt3A_35 : vector<256x1024xf32>
    %eq3A_37 = vector.broadcast %broadcast_in_dim3A_26 : vector<256x1xf32> to vector<256x1024xf32>
    %eq3A_38 = arith.cmpf oeq, %sub3A_9, %eq3A_37 : vector<256x1024xf32>
    %gt3A_39 = vector.broadcast %broadcast_in_dim3A_34 : vector<256x1xi32> to vector<256x1024xi32>
    %gt3A_40 = arith.cmpi sgt, %iota3A, %gt3A_39 : vector<256x1024xi32>
    %and3A_41 = arith.andi %eq3A_38, %gt3A_40 : vector<256x1024xi1>
    %or3A_42 = arith.ori %gt3A_36, %and3A_41 : vector<256x1024xi1>
    %jit3A_43 = arith.constant 0x7F800000 : f32
    %broadcast_in_dim3A_44 = vector.broadcast %jit3A_43 : f32 to vector<256x1024xf32>
    %select_n3A_45 = arith.select %or3A_42, %sub3A_9, %broadcast_in_dim3A_44 : vector<256x1024xi1>, vector<256x1024xf32>
    %reduce_min3A_46 = arith.constant dense<0x7F800000> : vector<256xf32>
    %reduce_min3A_47 = vector.multi_reduction <minimumf>, %select_n3A_45, %reduce_min3A_46 [1] : vector<256x1024xf32> to vector<256xf32>
    %broadcast_in_dim3A_48 = vector.shape_cast %reduce_min3A_47 : vector<256xf32> to vector<256x1xf32>
    %eq3A_49 = vector.broadcast %broadcast_in_dim3A_48 : vector<256x1xf32> to vector<256x1024xf32>
    %eq3A_50 = arith.cmpf oeq, %select_n3A_45, %eq3A_49 : vector<256x1024xf32>
    %jit3A_51 = arith.constant 1073741824 : i32
    %broadcast_in_dim3A_52 = vector.broadcast %jit3A_51 : i32 to vector<256x1024xi32>
    %select_n3A_53 = arith.select %eq3A_50, %iota3A, %broadcast_in_dim3A_52 : vector<256x1024xi1>, vector<256x1024xi32>
    %reduce_min3A_54 = arith.constant dense<2147483647> : vector<256xi32>
    %reduce_min3A_55 = vector.multi_reduction <minsi>, %select_n3A_53, %reduce_min3A_54 [1] : vector<256x1024xi32> to vector<256xi32>
    %broadcast_in_dim3A_56 = vector.shape_cast %reduce_min3A_55 : vector<256xi32> to vector<256x1xi32>
    %gt3A_57 = vector.broadcast %broadcast_in_dim3A_48 : vector<256x1xf32> to vector<256x1024xf32>
    %gt3A_58 = arith.cmpf ogt, %sub3A_9, %gt3A_57 : vector<256x1024xf32>
    %eq3A_59 = vector.broadcast %broadcast_in_dim3A_48 : vector<256x1xf32> to vector<256x1024xf32>
    %eq3A_60 = arith.cmpf oeq, %sub3A_9, %eq3A_59 : vector<256x1024xf32>
    %gt3A_61 = vector.broadcast %broadcast_in_dim3A_56 : vector<256x1xi32> to vector<256x1024xi32>
    %gt3A_62 = arith.cmpi sgt, %iota3A, %gt3A_61 : vector<256x1024xi32>
    %and3A_63 = arith.andi %eq3A_60, %gt3A_62 : vector<256x1024xi1>
    %or3A_64 = arith.ori %gt3A_58, %and3A_63 : vector<256x1024xi1>
    %jit3A_65 = arith.constant 0x7F800000 : f32
    %broadcast_in_dim3A_66 = vector.broadcast %jit3A_65 : f32 to vector<256x1024xf32>
    %select_n3A_67 = arith.select %or3A_64, %sub3A_9, %broadcast_in_dim3A_66 : vector<256x1024xi1>, vector<256x1024xf32>
    %reduce_min3A_68 = arith.constant dense<0x7F800000> : vector<256xf32>
    %reduce_min3A_69 = vector.multi_reduction <minimumf>, %select_n3A_67, %reduce_min3A_68 [1] : vector<256x1024xf32> to vector<256xf32>
    %broadcast_in_dim3A_70 = vector.shape_cast %reduce_min3A_69 : vector<256xf32> to vector<256x1xf32>
    %eq3A_71 = vector.broadcast %broadcast_in_dim3A_70 : vector<256x1xf32> to vector<256x1024xf32>
    %eq3A_72 = arith.cmpf oeq, %select_n3A_67, %eq3A_71 : vector<256x1024xf32>
    %jit3A_73 = arith.constant 1073741824 : i32
    %broadcast_in_dim3A_74 = vector.broadcast %jit3A_73 : i32 to vector<256x1024xi32>
    %select_n3A_75 = arith.select %eq3A_72, %iota3A, %broadcast_in_dim3A_74 : vector<256x1024xi1>, vector<256x1024xi32>
    %reduce_min3A_76 = arith.constant dense<2147483647> : vector<256xi32>
    %reduce_min3A_77 = vector.multi_reduction <minsi>, %select_n3A_75, %reduce_min3A_76 [1] : vector<256x1024xi32> to vector<256xi32>
    %broadcast_in_dim3A_78 = vector.shape_cast %reduce_min3A_77 : vector<256xi32> to vector<256x1xi32>
    %gt3A_79 = vector.broadcast %broadcast_in_dim3A_70 : vector<256x1xf32> to vector<256x1024xf32>
    %gt3A_80 = arith.cmpf ogt, %sub3A_9, %gt3A_79 : vector<256x1024xf32>
    %eq3A_81 = vector.broadcast %broadcast_in_dim3A_70 : vector<256x1xf32> to vector<256x1024xf32>
    %eq3A_82 = arith.cmpf oeq, %sub3A_9, %eq3A_81 : vector<256x1024xf32>
    %gt3A_83 = vector.broadcast %broadcast_in_dim3A_78 : vector<256x1xi32> to vector<256x1024xi32>
    %gt3A_84 = arith.cmpi sgt, %iota3A, %gt3A_83 : vector<256x1024xi32>
    %and3A_85 = arith.andi %eq3A_82, %gt3A_84 : vector<256x1024xi1>
    %or3A_86 = arith.ori %gt3A_80, %and3A_85 : vector<256x1024xi1>
    %jit3A_87 = arith.constant 0x7F800000 : f32
    %broadcast_in_dim3A_88 = vector.broadcast %jit3A_87 : f32 to vector<256x1024xf32>
    %select_n3A_89 = arith.select %or3A_86, %sub3A_9, %broadcast_in_dim3A_88 : vector<256x1024xi1>, vector<256x1024xf32>
    %reduce_min3A_90 = arith.constant dense<0x7F800000> : vector<256xf32>
    %reduce_min3A_91 = vector.multi_reduction <minimumf>, %select_n3A_89, %reduce_min3A_90 [1] : vector<256x1024xf32> to vector<256xf32>
    %broadcast_in_dim3A_92 = vector.shape_cast %reduce_min3A_91 : vector<256xf32> to vector<256x1xf32>
    %eq3A_93 = vector.broadcast %broadcast_in_dim3A_92 : vector<256x1xf32> to vector<256x1024xf32>
    %eq3A_94 = arith.cmpf oeq, %select_n3A_89, %eq3A_93 : vector<256x1024xf32>
    %jit3A_95 = arith.constant 1073741824 : i32
    %broadcast_in_dim3A_96 = vector.broadcast %jit3A_95 : i32 to vector<256x1024xi32>
    %select_n3A_97 = arith.select %eq3A_94, %iota3A, %broadcast_in_dim3A_96 : vector<256x1024xi1>, vector<256x1024xi32>
    %reduce_min3A_98 = arith.constant dense<2147483647> : vector<256xi32>
    %reduce_min3A_99 = vector.multi_reduction <minsi>, %select_n3A_97, %reduce_min3A_98 [1] : vector<256x1024xi32> to vector<256xi32>
    %broadcast_in_dim3A_100 = vector.shape_cast %reduce_min3A_99 : vector<256xi32> to vector<256x1xi32>
    %mul3A = arith.constant 4096 : i32
    %mul3A_101 = arith.muli %arg0, %mul3A : i32
    %add3A = arith.constant 0 : i32
    %add3A_102 = arith.addi %mul3A_101, %add3A : i32
    %add3A_103 = vector.broadcast %add3A_102 : i32 to vector<256x1xi32>
    %add3A_104 = arith.addi %broadcast_in_dim3A_15, %add3A_103 : vector<256x1xi32>
    %mul3A_105 = arith.constant 4096 : i32
    %mul3A_106 = arith.muli %arg0, %mul3A_105 : i32
    %add3A_107 = arith.constant 0 : i32
    %add3A_108 = arith.addi %mul3A_106, %add3A_107 : i32
    %add3A_109 = vector.broadcast %add3A_108 : i32 to vector<256x1xi32>
    %add3A_110 = arith.addi %broadcast_in_dim3A_34, %add3A_109 : vector<256x1xi32>
    %mul3A_111 = arith.constant 4096 : i32
    %mul3A_112 = arith.muli %arg0, %mul3A_111 : i32
    %add3A_113 = arith.constant 0 : i32
    %add3A_114 = arith.addi %mul3A_112, %add3A_113 : i32
    %add3A_115 = vector.broadcast %add3A_114 : i32 to vector<256x1xi32>
    %add3A_116 = arith.addi %broadcast_in_dim3A_56, %add3A_115 : vector<256x1xi32>
    %mul3A_117 = arith.constant 4096 : i32
    %mul3A_118 = arith.muli %arg0, %mul3A_117 : i32
    %add3A_119 = arith.constant 0 : i32
    %add3A_120 = arith.addi %mul3A_118, %add3A_119 : i32
    %add3A_121 = vector.broadcast %add3A_120 : i32 to vector<256x1xi32>
    %add3A_122 = arith.addi %broadcast_in_dim3A_78, %add3A_121 : vector<256x1xi32>
    %mul3A_123 = arith.constant 4096 : i32
    %mul3A_124 = arith.muli %arg0, %mul3A_123 : i32
    %add3A_125 = arith.constant 0 : i32
    %add3A_126 = arith.addi %mul3A_124, %add3A_125 : i32
    %add3A_127 = vector.broadcast %add3A_126 : i32 to vector<256x1xi32>
    %add3A_128 = arith.addi %broadcast_in_dim3A_100, %add3A_127 : vector<256x1xi32>
    %get3A_129 = arith.constant 1024 : index
    %get3A_130 = arith.constant 0 : index
    %get3A_131 = vector.load %arg2[%get3A_129, %get3A_130] : memref<4096x768xbf16, #tpu.memory_space<vmem>>, vector<1024x768xbf16>
    %dot_general3A_132 = arith.constant dense<0.000000e+00> : vector<256x1024xf32>
    %dot_general3A_133 = tpu.matmul %get3A_1, %get3A_131, %dot_general3A_132 {dimension_numbers = #tpu.dot_dimension_numbers<[1], [1], [0], [0], [0, 0, 1, 0], [], []>, transpose_lhs_hint = false} : vector<256x768xbf16>, vector<1024x768xbf16>, vector<256x1024xf32> -> vector<256x1024xf32>
    %swap3A_134 = arith.constant 0 : index
    %swap3A_135 = arith.constant 1024 : index
    %swap3A_136 = vector.load %arg4[%swap3A_134, %swap3A_135] : memref<256x4096xf32, #tpu.memory_space<vmem>>, vector<256x1024xf32>
    tpu.vector_store %arg4[%swap3A_134, %swap3A_135], %dot_general3A_133 {strides = array<i32>} : memref<256x4096xf32, #tpu.memory_space<vmem>>, vector<256x1024xf32>,
    %sub3A_137 = arith.constant 1.000000e+00 : f32
    %sub3A_138 = vector.broadcast %sub3A_137 : f32 to vector<256x1024xf32>
    %sub3A_139 = arith.subf %sub3A_138, %dot_general3A_133 : vector<256x1024xf32>
    %reduce_min3A_140 = arith.constant dense<0x7F800000> : vector<256xf32>
    %reduce_min3A_141 = vector.multi_reduction <minimumf>, %sub3A_139, %reduce_min3A_140 [1] : vector<256x1024xf32> to vector<256xf32>
    %broadcast_in_dim3A_142 = vector.shape_cast %reduce_min3A_141 : vector<256xf32> to vector<256x1xf32>
    %eq3A_143 = vector.broadcast %broadcast_in_dim3A_142 : vector<256x1xf32> to vector<256x1024xf32>
    %eq3A_144 = arith.cmpf oeq, %sub3A_139, %eq3A_143 : vector<256x1024xf32>
    %jit3A_145 = arith.constant 1073741824 : i32
    %broadcast_in_dim3A_146 = vector.broadcast %jit3A_145 : i32 to vector<256x1024xi32>
    %select_n3A_147 = arith.select %eq3A_144, %iota3A, %broadcast_in_dim3A_146 : vector<256x1024xi1>, vector<256x1024xi32>
    %reduce_min3A_148 = arith.constant dense<2147483647> : vector<256xi32>
    %reduce_min3A_149 = vector.multi_reduction <minsi>, %select_n3A_147, %reduce_min3A_148 [1] : vector<256x1024xi32> to vector<256xi32>
    %broadcast_in_dim3A_150 = vector.shape_cast %reduce_min3A_149 : vector<256xi32> to vector<256x1xi32>
    %gt3A_151 = vector.broadcast %broadcast_in_dim3A_142 : vector<256x1xf32> to vector<256x1024xf32>
    %gt3A_152 = arith.cmpf ogt, %sub3A_139, %gt3A_151 : vector<256x1024xf32>
    %eq3A_153 = vector.broadcast %broadcast_in_dim3A_142 : vector<256x1xf32> to vector<256x1024xf32>
    %eq3A_154 = arith.cmpf oeq, %sub3A_139, %eq3A_153 : vector<256x1024xf32>
    %gt3A_155 = vector.broadcast %broadcast_in_dim3A_150 : vector<256x1xi32> to vector<256x1024xi32>
    %gt3A_156 = arith.cmpi sgt, %iota3A, %gt3A_155 : vector<256x1024xi32>
    %and3A_157 = arith.andi %eq3A_154, %gt3A_156 : vector<256x1024xi1>
    %or3A_158 = arith.ori %gt3A_152, %and3A_157 : vector<256x1024xi1>
    %jit3A_159 = arith.constant 0x7F800000 : f32
    %broadcast_in_dim3A_160 = vector.broadcast %jit3A_159 : f32 to vector<256x1024xf32>
    %select_n3A_161 = arith.select %or3A_158, %sub3A_139, %broadcast_in_dim3A_160 : vector<256x1024xi1>, vector<256x1024xf32>
    %reduce_min3A_162 = arith.constant dense<0x7F800000> : vector<256xf32>
    %reduce_min3A_163 = vector.multi_reduction <minimumf>, %select_n3A_161, %reduce_min3A_162 [1] : vector<256x1024xf32> to vector<256xf32>
    %broadcast_in_dim3A_164 = vector.shape_cast %reduce_min3A_163 : vector<256xf32> to vector<256x1xf32>
    %eq3A_165 = vector.broadcast %broadcast_in_dim3A_164 : vector<256x1xf32> to vector<256x1024xf32>
    %eq3A_166 = arith.cmpf oeq, %select_n3A_161, %eq3A_165 : vector<256x1024xf32>
    %jit3A_167 = arith.constant 1073741824 : i32
    %broadcast_in_dim3A_168 = vector.broadcast %jit3A_167 : i32 to vector<256x1024xi32>
    %select_n3A_169 = arith.select %eq3A_166, %iota3A, %broadcast_in_dim3A_168 : vector<256x1024xi1>, vector<256x1024xi32>
    %reduce_min3A_170 = arith.constant dense<2147483647> : vector<256xi32>
    %reduce_min3A_171 = vector.multi_reduction <minsi>, %select_n3A_169, %reduce_min3A_170 [1] : vector<256x1024xi32> to vector<256xi32>
    %broadcast_in_dim3A_172 = vector.shape_cast %reduce_min3A_171 : vector<256xi32> to vector<256x1xi32>
    %gt3A_173 = vector.broadcast %broadcast_in_dim3A_164 : vector<256x1xf32> to vector<256x1024xf32>
    %gt3A_174 = arith.cmpf ogt, %sub3A_139, %gt3A_173 : vector<256x1024xf32>
    %eq3A_175 = vector.broadcast %broadcast_in_dim3A_164 : vector<256x1xf32> to vector<256x1024xf32>
    %eq3A_176 = arith.cmpf oeq, %sub3A_139, %eq3A_175 : vector<256x1024xf32>
    %gt3A_177 = vector.broadcast %broadcast_in_dim3A_172 : vector<256x1xi32> to vector<256x1024xi32>
    %gt3A_178 = arith.cmpi sgt, %iota3A, %gt3A_177 : vector<256x1024xi32>
    %and3A_179 = arith.andi %eq3A_176, %gt3A_178 : vector<256x1024xi1>
    %or3A_180 = arith.ori %gt3A_174, %and3A_179 : vector<256x1024xi1>
    %jit3A_181 = arith.constant 0x7F800000 : f32
    %broadcast_in_dim3A_182 = vector.broadcast %jit3A_181 : f32 to vector<256x1024xf32>
    %select_n3A_183 = arith.select %or3A_180, %sub3A_139, %broadcast_in_dim3A_182 : vector<256x1024xi1>, vector<256x1024xf32>
    %reduce_min3A_184 = arith.constant dense<0x7F800000> : vector<256xf32>
    %reduce_min3A_185 = vector.multi_reduction <minimumf>, %select_n3A_183, %reduce_min3A_184 [1] : vector<256x1024xf32> to vector<256xf32>
    %broadcast_in_dim3A_186 = vector.shape_cast %reduce_min3A_185 : vector<256xf32> to vector<256x1xf32>
    %eq3A_187 = vector.broadcast %broadcast_in_dim3A_186 : vector<256x1xf32> to vector<256x1024xf32>
    %eq3A_188 = arith.cmpf oeq, %select_n3A_183, %eq3A_187 : vector<256x1024xf32>
    %jit3A_189 = arith.constant 1073741824 : i32
    %broadcast_in_dim3A_190 = vector.broadcast %jit3A_189 : i32 to vector<256x1024xi32>
    %select_n3A_191 = arith.select %eq3A_188, %iota3A, %broadcast_in_dim3A_190 : vector<256x1024xi1>, vector<256x1024xi32>
    %reduce_min3A_192 = arith.constant dense<2147483647> : vector<256xi32>
    %reduce_min3A_193 = vector.multi_reduction <minsi>, %select_n3A_191, %reduce_min3A_192 [1] : vector<256x1024xi32> to vector<256xi32>
    %broadcast_in_dim3A_194 = vector.shape_cast %reduce_min3A_193 : vector<256xi32> to vector<256x1xi32>
    %gt3A_195 = vector.broadcast %broadcast_in_dim3A_186 : vector<256x1xf32> to vector<256x1024xf32>
    %gt3A_196 = arith.cmpf ogt, %sub3A_139, %gt3A_195 : vector<256x1024xf32>
    %eq3A_197 = vector.broadcast %broadcast_in_dim3A_186 : vector<256x1xf32> to vector<256x1024xf32>
    %eq3A_198 = arith.cmpf oeq, %sub3A_139, %eq3A_197 : vector<256x1024xf32>
    %gt3A_199 = vector.broadcast %broadcast_in_dim3A_194 : vector<256x1xi32> to vector<256x1024xi32>
    %gt3A_200 = arith.cmpi sgt, %iota3A, %gt3A_199 : vector<256x1024xi32>
    %and3A_201 = arith.andi %eq3A_198, %gt3A_200 : vector<256x1024xi1>
    %or3A_202 = arith.ori %gt3A_196, %and3A_201 : vector<256x1024xi1>
    %jit3A_203 = arith.constant 0x7F800000 : f32
    %broadcast_in_dim3A_204 = vector.broadcast %jit3A_203 : f32 to vector<256x1024xf32>
    %select_n3A_205 = arith.select %or3A_202, %sub3A_139, %broadcast_in_dim3A_204 : vector<256x1024xi1>, vector<256x1024xf32>
    %reduce_min3A_206 = arith.constant dense<0x7F800000> : vector<256xf32>
    %reduce_min3A_207 = vector.multi_reduction <minimumf>, %select_n3A_205, %reduce_min3A_206 [1] : vector<256x1024xf32> to vector<256xf32>
    %broadcast_in_dim3A_208 = vector.shape_cast %reduce_min3A_207 : vector<256xf32> to vector<256x1xf32>
    %eq3A_209 = vector.broadcast %broadcast_in_dim3A_208 : vector<256x1xf32> to vector<256x1024xf32>
    %eq3A_210 = arith.cmpf oeq, %select_n3A_205, %eq3A_209 : vector<256x1024xf32>
    %jit3A_211 = arith.constant 1073741824 : i32
    %broadcast_in_dim3A_212 = vector.broadcast %jit3A_211 : i32 to vector<256x1024xi32>
    %select_n3A_213 = arith.select %eq3A_210, %iota3A, %broadcast_in_dim3A_212 : vector<256x1024xi1>, vector<256x1024xi32>
    %reduce_min3A_214 = arith.constant dense<2147483647> : vector<256xi32>
    %reduce_min3A_215 = vector.multi_reduction <minsi>, %select_n3A_213, %reduce_min3A_214 [1] : vector<256x1024xi32> to vector<256xi32>
    %broadcast_in_dim3A_216 = vector.shape_cast %reduce_min3A_215 : vector<256xi32> to vector<256x1xi32>
    %gt3A_217 = vector.broadcast %broadcast_in_dim3A_208 : vector<256x1xf32> to vector<256x1024xf32>
    %gt3A_218 = arith.cmpf ogt, %sub3A_139, %gt3A_217 : vector<256x1024xf32>
    %eq3A_219 = vector.broadcast %broadcast_in_dim3A_208 : vector<256x1xf32> to vector<256x1024xf32>
    %eq3A_220 = arith.cmpf oeq, %sub3A_139, %eq3A_219 : vector<256x1024xf32>
    %gt3A_221 = vector.broadcast %broadcast_in_dim3A_216 : vector<256x1xi32> to vector<256x1024xi32>
    %gt3A_222 = arith.cmpi sgt, %iota3A, %gt3A_221 : vector<256x1024xi32>
    %and3A_223 = arith.andi %eq3A_220, %gt3A_222 : vector<256x1024xi1>
    %or3A_224 = arith.ori %gt3A_218, %and3A_223 : vector<256x1024xi1>
    %jit3A_225 = arith.constant 0x7F800000 : f32
    %broadcast_in_dim3A_226 = vector.broadcast %jit3A_225 : f32 to vector<256x1024xf32>
    %select_n3A_227 = arith.select %or3A_224, %sub3A_139, %broadcast_in_dim3A_226 : vector<256x1024xi1>, vector<256x1024xf32>
    %reduce_min3A_228 = arith.constant dense<0x7F800000> : vector<256xf32>
    %reduce_min3A_229 = vector.multi_reduction <minimumf>, %select_n3A_227, %reduce_min3A_228 [1] : vector<256x1024xf32> to vector<256xf32>
    %broadcast_in_dim3A_230 = vector.shape_cast %reduce_min3A_229 : vector<256xf32> to vector<256x1xf32>
    %eq3A_231 = vector.broadcast %broadcast_in_dim3A_230 : vector<256x1xf32> to vector<256x1024xf32>
    %eq3A_232 = arith.cmpf oeq, %select_n3A_227, %eq3A_231 : vector<256x1024xf32>
    %jit3A_233 = arith.constant 1073741824 : i32
    %broadcast_in_dim3A_234 = vector.broadcast %jit3A_233 : i32 to vector<256x1024xi32>
    %select_n3A_235 = arith.select %eq3A_232, %iota3A, %broadcast_in_dim3A_234 : vector<256x1024xi1>, vector<256x1024xi32>
    %reduce_min3A_236 = arith.constant dense<2147483647> : vector<256xi32>
    %reduce_min3A_237 = vector.multi_reduction <minsi>, %select_n3A_235, %reduce_min3A_236 [1] : vector<256x1024xi32> to vector<256xi32>
    %broadcast_in_dim3A_238 = vector.shape_cast %reduce_min3A_237 : vector<256xi32> to vector<256x1xi32>
    %mul3A_239 = arith.constant 4096 : i32
    %mul3A_240 = arith.muli %arg0, %mul3A_239 : i32
    %add3A_241 = arith.constant 1024 : i32
    %add3A_242 = arith.addi %mul3A_240, %add3A_241 : i32
    %add3A_243 = vector.broadcast %add3A_242 : i32 to vector<256x1xi32>
    %add3A_244 = arith.addi %broadcast_in_dim3A_150, %add3A_243 : vector<256x1xi32>
    %mul3A_245 = arith.constant 4096 : i32
    %mul3A_246 = arith.muli %arg0, %mul3A_245 : i32
    %add3A_247 = arith.constant 1024 : i32
    %add3A_248 = arith.addi %mul3A_246, %add3A_247 : i32
    %add3A_249 = vector.broadcast %add3A_248 : i32 to vector<256x1xi32>
    %add3A_250 = arith.addi %broadcast_in_dim3A_172, %add3A_249 : vector<256x1xi32>
    %mul3A_251 = arith.constant 4096 : i32
    %mul3A_252 = arith.muli %arg0, %mul3A_251 : i32
    %add3A_253 = arith.constant 1024 : i32
    %add3A_254 = arith.addi %mul3A_252, %add3A_253 : i32
    %add3A_255 = vector.broadcast %add3A_254 : i32 to vector<256x1xi32>
    %add3A_256 = arith.addi %broadcast_in_dim3A_194, %add3A_255 : vector<256x1xi32>
    %mul3A_257 = arith.constant 4096 : i32
    %mul3A_258 = arith.muli %arg0, %mul3A_257 : i32
    %add3A_259 = arith.constant 1024 : i32
    %add3A_260 = arith.addi %mul3A_258, %add3A_259 : i32
    %add3A_261 = vector.broadcast %add3A_260 : i32 to vector<256x1xi32>
    %add3A_262 = arith.addi %broadcast_in_dim3A_216, %add3A_261 : vector<256x1xi32>
    %mul3A_263 = arith.constant 4096 : i32
    %mul3A_264 = arith.muli %arg0, %mul3A_263 : i32
    %add3A_265 = arith.constant 1024 : i32
    %add3A_266 = arith.addi %mul3A_264, %add3A_265 : i32
    %add3A_267 = vector.broadcast %add3A_266 : i32 to vector<256x1xi32>
    %add3A_268 = arith.addi %broadcast_in_dim3A_238, %add3A_267 : vector<256x1xi32>
    %get3A_269 = arith.constant 2048 : index
    %get3A_270 = arith.constant 0 : index
    %get3A_271 = vector.load %arg2[%get3A_269, %get3A_270] : memref<4096x768xbf16, #tpu.memory_space<vmem>>, vector<1024x768xbf16>
    %dot_general3A_272 = arith.constant dense<0.000000e+00> : vector<256x1024xf32>
    %dot_general3A_273 = tpu.matmul %get3A_1, %get3A_271, %dot_general3A_272 {dimension_numbers = #tpu.dot_dimension_numbers<[1], [1], [0], [0], [0, 0, 1, 0], [], []>, transpose_lhs_hint = false} : vector<256x768xbf16>, vector<1024x768xbf16>, vector<256x1024xf32> -> vector<256x1024xf32>
    %swap3A_274 = arith.constant 0 : index
    %swap3A_275 = arith.constant 2048 : index
    %swap3A_276 = vector.load %arg4[%swap3A_274, %swap3A_275] : memref<256x4096xf32, #tpu.memory_space<vmem>>, vector<256x1024xf32>
    tpu.vector_store %arg4[%swap3A_274, %swap3A_275], %dot_general3A_273 {strides = array<i32>} : memref<256x4096xf32, #tpu.memory_space<vmem>>, vector<256x1024xf32>,
    %sub3A_277 = arith.constant 1.000000e+00 : f32
    %sub3A_278 = vector.broadcast %sub3A_277 : f32 to vector<256x1024xf32>
    %sub3A_279 = arith.subf %sub3A_278, %dot_general3A_273 : vector<256x1024xf32>
    %reduce_min3A_280 = arith.constant dense<0x7F800000> : vector<256xf32>
    %reduce_min3A_281 = vector.multi_reduction <minimumf>, %sub3A_279, %reduce_min3A_280 [1] : vector<256x1024xf32> to vector<256xf32>
    %broadcast_in_dim3A_282 = vector.shape_cast %reduce_min3A_281 : vector<256xf32> to vector<256x1xf32>
    %eq3A_283 = vector.broadcast %broadcast_in_dim3A_282 : vector<256x1xf32> to vector<256x1024xf32>
    %eq3A_284 = arith.cmpf oeq, %sub3A_279, %eq3A_283 : vector<256x1024xf32>
    %jit3A_285 = arith.constant 1073741824 : i32
    %broadcast_in_dim3A_286 = vector.broadcast %jit3A_285 : i32 to vector<256x1024xi32>
    %select_n3A_287 = arith.select %eq3A_284, %iota3A, %broadcast_in_dim3A_286 : vector<256x1024xi1>, vector<256x1024xi32>
    %reduce_min3A_288 = arith.constant dense<2147483647> : vector<256xi32>
    %reduce_min3A_289 = vector.multi_reduction <minsi>, %select_n3A_287, %reduce_min3A_288 [1] : vector<256x1024xi32> to vector<256xi32>
    %broadcast_in_dim3A_290 = vector.shape_cast %reduce_min3A_289 : vector<256xi32> to vector<256x1xi32>
    %gt3A_291 = vector.broadcast %broadcast_in_dim3A_282 : vector<256x1xf32> to vector<256x1024xf32>
    %gt3A_292 = arith.cmpf ogt, %sub3A_279, %gt3A_291 : vector<256x1024xf32>
    %eq3A_293 = vector.broadcast %broadcast_in_dim3A_282 : vector<256x1xf32> to vector<256x1024xf32>
    %eq3A_294 = arith.cmpf oeq, %sub3A_279, %eq3A_293 : vector<256x1024xf32>
    %gt3A_295 = vector.broadcast %broadcast_in_dim3A_290 : vector<256x1xi32> to vector<256x1024xi32>
    %gt3A_296 = arith.cmpi sgt, %iota3A, %gt3A_295 : vector<256x1024xi32>
    %and3A_297 = arith.andi %eq3A_294, %gt3A_296 : vector<256x1024xi1>
    %or3A_298 = arith.ori %gt3A_292, %and3A_297 : vector<256x1024xi1>
    %jit3A_299 = arith.constant 0x7F800000 : f32
    %broadcast_in_dim3A_300 = vector.broadcast %jit3A_299 : f32 to vector<256x1024xf32>
    %select_n3A_301 = arith.select %or3A_298, %sub3A_279, %broadcast_in_dim3A_300 : vector<256x1024xi1>, vector<256x1024xf32>
    %reduce_min3A_302 = arith.constant dense<0x7F800000> : vector<256xf32>
    %reduce_min3A_303 = vector.multi_reduction <minimumf>, %select_n3A_301, %reduce_min3A_302 [1] : vector<256x1024xf32> to vector<256xf32>
    %broadcast_in_dim3A_304 = vector.shape_cast %reduce_min3A_303 : vector<256xf32> to vector<256x1xf32>
    %eq3A_305 = vector.broadcast %broadcast_in_dim3A_304 : vector<256x1xf32> to vector<256x1024xf32>
    %eq3A_306 = arith.cmpf oeq, %select_n3A_301, %eq3A_305 : vector<256x1024xf32>
    %jit3A_307 = arith.constant 1073741824 : i32
    %broadcast_in_dim3A_308 = vector.broadcast %jit3A_307 : i32 to vector<256x1024xi32>
    %select_n3A_309 = arith.select %eq3A_306, %iota3A, %broadcast_in_dim3A_308 : vector<256x1024xi1>, vector<256x1024xi32>
    %reduce_min3A_310 = arith.constant dense<2147483647> : vector<256xi32>
    %reduce_min3A_311 = vector.multi_reduction <minsi>, %select_n3A_309, %reduce_min3A_310 [1] : vector<256x1024xi32> to vector<256xi32>
    %broadcast_in_dim3A_312 = vector.shape_cast %reduce_min3A_311 : vector<256xi32> to vector<256x1xi32>
    %gt3A_313 = vector.broadcast %broadcast_in_dim3A_304 : vector<256x1xf32> to vector<256x1024xf32>
    %gt3A_314 = arith.cmpf ogt, %sub3A_279, %gt3A_313 : vector<256x1024xf32>
    %eq3A_315 = vector.broadcast %broadcast_in_dim3A_304 : vector<256x1xf32> to vector<256x1024xf32>
    %eq3A_316 = arith.cmpf oeq, %sub3A_279, %eq3A_315 : vector<256x1024xf32>
    %gt3A_317 = vector.broadcast %broadcast_in_dim3A_312 : vector<256x1xi32> to vector<256x1024xi32>
    %gt3A_318 = arith.cmpi sgt, %iota3A, %gt3A_317 : vector<256x1024xi32>
    %and3A_319 = arith.andi %eq3A_316, %gt3A_318 : vector<256x1024xi1>
    %or3A_320 = arith.ori %gt3A_314, %and3A_319 : vector<256x1024xi1>
    %jit3A_321 = arith.constant 0x7F800000 : f32
    %broadcast_in_dim3A_322 = vector.broadcast %jit3A_321 : f32 to vector<256x1024xf32>
    %select_n3A_323 = arith.select %or3A_320, %sub3A_279, %broadcast_in_dim3A_322 : vector<256x1024xi1>, vector<256x1024xf32>
    %reduce_min3A_324 = arith.constant dense<0x7F800000> : vector<256xf32>
    %reduce_min3A_325 = vector.multi_reduction <minimumf>, %select_n3A_323, %reduce_min3A_324 [1] : vector<256x1024xf32> to vector<256xf32>
    %broadcast_in_dim3A_326 = vector.shape_cast %reduce_min3A_325 : vector<256xf32> to vector<256x1xf32>
    %eq3A_327 = vector.broadcast %broadcast_in_dim3A_326 : vector<256x1xf32> to vector<256x1024xf32>
    %eq3A_328 = arith.cmpf oeq, %select_n3A_323, %eq3A_327 : vector<256x1024xf32>
    %jit3A_329 = arith.constant 1073741824 : i32
    %broadcast_in_dim3A_330 = vector.broadcast %jit3A_329 : i32 to vector<256x1024xi32>
    %select_n3A_331 = arith.select %eq3A_328, %iota3A, %broadcast_in_dim3A_330 : vector<256x1024xi1>, vector<256x1024xi32>
    %reduce_min3A_332 = arith.constant dense<2147483647> : vector<256xi32>
    %reduce_min3A_333 = vector.multi_reduction <minsi>, %select_n3A_331, %reduce_min3A_332 [1] : vector<256x1024xi32> to vector<256xi32>
    %broadcast_in_dim3A_334 = vector.shape_cast %reduce_min3A_333 : vector<256xi32> to vector<256x1xi32>
    %gt3A_335 = vector.broadcast %broadcast_in_dim3A_326 : vector<256x1xf32> to vector<256x1024xf32>
    %gt3A_336 = arith.cmpf ogt, %sub3A_279, %gt3A_335 : vector<256x1024xf32>
    %eq3A_337 = vector.broadcast %broadcast_in_dim3A_326 : vector<256x1xf32> to vector<256x1024xf32>
    %eq3A_338 = arith.cmpf oeq, %sub3A_279, %eq3A_337 : vector<256x1024xf32>
    %gt3A_339 = vector.broadcast %broadcast_in_dim3A_334 : vector<256x1xi32> to vector<256x1024xi32>
    %gt3A_340 = arith.cmpi sgt, %iota3A, %gt3A_339 : vector<256x1024xi32>
    %and3A_341 = arith.andi %eq3A_338, %gt3A_340 : vector<256x1024xi1>
    %or3A_342 = arith.ori %gt3A_336, %and3A_341 : vector<256x1024xi1>
    %jit3A_343 = arith.constant 0x7F800000 : f32
    %broadcast_in_dim3A_344 = vector.broadcast %jit3A_343 : f32 to vector<256x1024xf32>
    %select_n3A_345 = arith.select %or3A_342, %sub3A_279, %broadcast_in_dim3A_344 : vector<256x1024xi1>, vector<256x1024xf32>
    %reduce_min3A_346 = arith.constant dense<0x7F800000> : vector<256xf32>
    %reduce_min3A_347 = vector.multi_reduction <minimumf>, %select_n3A_345, %reduce_min3A_346 [1] : vector<256x1024xf32> to vector<256xf32>
    %broadcast_in_dim3A_348 = vector.shape_cast %reduce_min3A_347 : vector<256xf32> to vector<256x1xf32>
    %eq3A_349 = vector.broadcast %broadcast_in_dim3A_348 : vector<256x1xf32> to vector<256x1024xf32>
    %eq3A_350 = arith.cmpf oeq, %select_n3A_345, %eq3A_349 : vector<256x1024xf32>
    %jit3A_351 = arith.constant 1073741824 : i32
    %broadcast_in_dim3A_352 = vector.broadcast %jit3A_351 : i32 to vector<256x1024xi32>
    %select_n3A_353 = arith.select %eq3A_350, %iota3A, %broadcast_in_dim3A_352 : vector<256x1024xi1>, vector<256x1024xi32>
    %reduce_min3A_354 = arith.constant dense<2147483647> : vector<256xi32>
    %reduce_min3A_355 = vector.multi_reduction <minsi>, %select_n3A_353, %reduce_min3A_354 [1] : vector<256x1024xi32> to vector<256xi32>
    %broadcast_in_dim3A_356 = vector.shape_cast %reduce_min3A_355 : vector<256xi32> to vector<256x1xi32>
    %gt3A_357 = vector.broadcast %broadcast_in_dim3A_348 : vector<256x1xf32> to vector<256x1024xf32>
    %gt3A_358 = arith.cmpf ogt, %sub3A_279, %gt3A_357 : vector<256x1024xf32>
    %eq3A_359 = vector.broadcast %broadcast_in_dim3A_348 : vector<256x1xf32> to vector<256x1024xf32>
    %eq3A_360 = arith.cmpf oeq, %sub3A_279, %eq3A_359 : vector<256x1024xf32>
    %gt3A_361 = vector.broadcast %broadcast_in_dim3A_356 : vector<256x1xi32> to vector<256x1024xi32>
    %gt3A_362 = arith.cmpi sgt, %iota3A, %gt3A_361 : vector<256x1024xi32>
    %and3A_363 = arith.andi %eq3A_360, %gt3A_362 : vector<256x1024xi1>
    %or3A_364 = arith.ori %gt3A_358, %and3A_363 : vector<256x1024xi1>
    %jit3A_365 = arith.constant 0x7F800000 : f32
    %broadcast_in_dim3A_366 = vector.broadcast %jit3A_365 : f32 to vector<256x1024xf32>
    %select_n3A_367 = arith.select %or3A_364, %sub3A_279, %broadcast_in_dim3A_366 : vector<256x1024xi1>, vector<256x1024xf32>
    %reduce_min3A_368 = arith.constant dense<0x7F800000> : vector<256xf32>
    %reduce_min3A_369 = vector.multi_reduction <minimumf>, %select_n3A_367, %reduce_min3A_368 [1] : vector<256x1024xf32> to vector<256xf32>
    %broadcast_in_dim3A_370 = vector.shape_cast %reduce_min3A_369 : vector<256xf32> to vector<256x1xf32>
    %eq3A_371 = vector.broadcast %broadcast_in_dim3A_370 : vector<256x1xf32> to vector<256x1024xf32>
    %eq3A_372 = arith.cmpf oeq, %select_n3A_367, %eq3A_371 : vector<256x1024xf32>
    %jit3A_373 = arith.constant 1073741824 : i32
    %broadcast_in_dim3A_374 = vector.broadcast %jit3A_373 : i32 to vector<256x1024xi32>
    %select_n3A_375 = arith.select %eq3A_372, %iota3A, %broadcast_in_dim3A_374 : vector<256x1024xi1>, vector<256x1024xi32>
    %reduce_min3A_376 = arith.constant dense<2147483647> : vector<256xi32>
    %reduce_min3A_377 = vector.multi_reduction <minsi>, %select_n3A_375, %reduce_min3A_376 [1] : vector<256x1024xi32> to vector<256xi32>
    %broadcast_in_dim3A_378 = vector.shape_cast %reduce_min3A_377 : vector<256xi32> to vector<256x1xi32>
    %mul3A_379 = arith.constant 4096 : i32
    %mul3A_380 = arith.muli %arg0, %mul3A_379 : i32
    %add3A_381 = arith.constant 2048 : i32
    %add3A_382 = arith.addi %mul3A_380, %add3A_381 : i32
    %add3A_383 = vector.broadcast %add3A_382 : i32 to vector<256x1xi32>
    %add3A_384 = arith.addi %broadcast_in_dim3A_290, %add3A_383 : vector<256x1xi32>
    %mul3A_385 = arith.constant 4096 : i32
    %mul3A_386 = arith.muli %arg0, %mul3A_385 : i32
    %add3A_387 = arith.constant 2048 : i32
    %add3A_388 = arith.addi %mul3A_386, %add3A_387 : i32
    %add3A_389 = vector.broadcast %add3A_388 : i32 to vector<256x1xi32>
    %add3A_390 = arith.addi %broadcast_in_dim3A_312, %add3A_389 : vector<256x1xi32>
    %mul3A_391 = arith.constant 4096 : i32
    %mul3A_392 = arith.muli %arg0, %mul3A_391 : i32
    %add3A_393 = arith.constant 2048 : i32
    %add3A_394 = arith.addi %mul3A_392, %add3A_393 : i32
    %add3A_395 = vector.broadcast %add3A_394 : i32 to vector<256x1xi32>
    %add3A_396 = arith.addi %broadcast_in_dim3A_334, %add3A_395 : vector<256x1xi32>
    %mul3A_397 = arith.constant 4096 : i32
    %mul3A_398 = arith.muli %arg0, %mul3A_397 : i32
    %add3A_399 = arith.constant 2048 : i32
    %add3A_400 = arith.addi %mul3A_398, %add3A_399 : i32
    %add3A_401 = vector.broadcast %add3A_400 : i32 to vector<256x1xi32>
    %add3A_402 = arith.addi %broadcast_in_dim3A_356, %add3A_401 : vector<256x1xi32>
    %mul3A_403 = arith.constant 4096 : i32
    %mul3A_404 = arith.muli %arg0, %mul3A_403 : i32
    %add3A_405 = arith.constant 2048 : i32
    %add3A_406 = arith.addi %mul3A_404, %add3A_405 : i32
    %add3A_407 = vector.broadcast %add3A_406 : i32 to vector<256x1xi32>
    %add3A_408 = arith.addi %broadcast_in_dim3A_378, %add3A_407 : vector<256x1xi32>
    %get3A_409 = arith.constant 3072 : index
    %get3A_410 = arith.constant 0 : index
    %get3A_411 = vector.load %arg2[%get3A_409, %get3A_410] : memref<4096x768xbf16, #tpu.memory_space<vmem>>, vector<1024x768xbf16>
    %dot_general3A_412 = arith.constant dense<0.000000e+00> : vector<256x1024xf32>
    %dot_general3A_413 = tpu.matmul %get3A_1, %get3A_411, %dot_general3A_412 {dimension_numbers = #tpu.dot_dimension_numbers<[1], [1], [0], [0], [0, 0, 1, 0], [], []>, transpose_lhs_hint = false} : vector<256x768xbf16>, vector<1024x768xbf16>, vector<256x1024xf32> -> vector<256x1024xf32>
    %swap3A_414 = arith.constant 0 : index
    %swap3A_415 = arith.constant 3072 : index
    %swap3A_416 = vector.load %arg4[%swap3A_414, %swap3A_415] : memref<256x4096xf32, #tpu.memory_space<vmem>>, vector<256x1024xf32>
    tpu.vector_store %arg4[%swap3A_414, %swap3A_415], %dot_general3A_413 {strides = array<i32>} : memref<256x4096xf32, #tpu.memory_space<vmem>>, vector<256x1024xf32>,
    %sub3A_417 = arith.constant 1.000000e+00 : f32
    %sub3A_418 = vector.broadcast %sub3A_417 : f32 to vector<256x1024xf32>
    %sub3A_419 = arith.subf %sub3A_418, %dot_general3A_413 : vector<256x1024xf32>
    %reduce_min3A_420 = arith.constant dense<0x7F800000> : vector<256xf32>
    %reduce_min3A_421 = vector.multi_reduction <minimumf>, %sub3A_419, %reduce_min3A_420 [1] : vector<256x1024xf32> to vector<256xf32>
    %broadcast_in_dim3A_422 = vector.shape_cast %reduce_min3A_421 : vector<256xf32> to vector<256x1xf32>
    %eq3A_423 = vector.broadcast %broadcast_in_dim3A_422 : vector<256x1xf32> to vector<256x1024xf32>
    %eq3A_424 = arith.cmpf oeq, %sub3A_419, %eq3A_423 : vector<256x1024xf32>
    %jit3A_425 = arith.constant 1073741824 : i32
    %broadcast_in_dim3A_426 = vector.broadcast %jit3A_425 : i32 to vector<256x1024xi32>
    %select_n3A_427 = arith.select %eq3A_424, %iota3A, %broadcast_in_dim3A_426 : vector<256x1024xi1>, vector<256x1024xi32>
    %reduce_min3A_428 = arith.constant dense<2147483647> : vector<256xi32>
    %reduce_min3A_429 = vector.multi_reduction <minsi>, %select_n3A_427, %reduce_min3A_428 [1] : vector<256x1024xi32> to vector<256xi32>
    %broadcast_in_dim3A_430 = vector.shape_cast %reduce_min3A_429 : vector<256xi32> to vector<256x1xi32>
    %gt3A_431 = vector.broadcast %broadcast_in_dim3A_422 : vector<256x1xf32> to vector<256x1024xf32>
    %gt3A_432 = arith.cmpf ogt, %sub3A_419, %gt3A_431 : vector<256x1024xf32>
    %eq3A_433 = vector.broadcast %broadcast_in_dim3A_422 : vector<256x1xf32> to vector<256x1024xf32>
    %eq3A_434 = arith.cmpf oeq, %sub3A_419, %eq3A_433 : vector<256x1024xf32>
    %gt3A_435 = vector.broadcast %broadcast_in_dim3A_430 : vector<256x1xi32> to vector<256x1024xi32>
    %gt3A_436 = arith.cmpi sgt, %iota3A, %gt3A_435 : vector<256x1024xi32>
    %and3A_437 = arith.andi %eq3A_434, %gt3A_436 : vector<256x1024xi1>
    %or3A_438 = arith.ori %gt3A_432, %and3A_437 : vector<256x1024xi1>
    %jit3A_439 = arith.constant 0x7F800000 : f32
    %broadcast_in_dim3A_440 = vector.broadcast %jit3A_439 : f32 to vector<256x1024xf32>
    %select_n3A_441 = arith.select %or3A_438, %sub3A_419, %broadcast_in_dim3A_440 : vector<256x1024xi1>, vector<256x1024xf32>
    %reduce_min3A_442 = arith.constant dense<0x7F800000> : vector<256xf32>
    %reduce_min3A_443 = vector.multi_reduction <minimumf>, %select_n3A_441, %reduce_min3A_442 [1] : vector<256x1024xf32> to vector<256xf32>
    %broadcast_in_dim3A_444 = vector.shape_cast %reduce_min3A_443 : vector<256xf32> to vector<256x1xf32>
    %eq3A_445 = vector.broadcast %broadcast_in_dim3A_444 : vector<256x1xf32> to vector<256x1024xf32>
    %eq3A_446 = arith.cmpf oeq, %select_n3A_441, %eq3A_445 : vector<256x1024xf32>
    %jit3A_447 = arith.constant 1073741824 : i32
    %broadcast_in_dim3A_448 = vector.broadcast %jit3A_447 : i32 to vector<256x1024xi32>
    %select_n3A_449 = arith.select %eq3A_446, %iota3A, %broadcast_in_dim3A_448 : vector<256x1024xi1>, vector<256x1024xi32>
    %reduce_min3A_450 = arith.constant dense<2147483647> : vector<256xi32>
    %reduce_min3A_451 = vector.multi_reduction <minsi>, %select_n3A_449, %reduce_min3A_450 [1] : vector<256x1024xi32> to vector<256xi32>
    %broadcast_in_dim3A_452 = vector.shape_cast %reduce_min3A_451 : vector<256xi32> to vector<256x1xi32>
    %gt3A_453 = vector.broadcast %broadcast_in_dim3A_444 : vector<256x1xf32> to vector<256x1024xf32>
    %gt3A_454 = arith.cmpf ogt, %sub3A_419, %gt3A_453 : vector<256x1024xf32>
    %eq3A_455 = vector.broadcast %broadcast_in_dim3A_444 : vector<256x1xf32> to vector<256x1024xf32>
    %eq3A_456 = arith.cmpf oeq, %sub3A_419, %eq3A_455 : vector<256x1024xf32>
    %gt3A_457 = vector.broadcast %broadcast_in_dim3A_452 : vector<256x1xi32> to vector<256x1024xi32>
    %gt3A_458 = arith.cmpi sgt, %iota3A, %gt3A_457 : vector<256x1024xi32>
    %and3A_459 = arith.andi %eq3A_456, %gt3A_458 : vector<256x1024xi1>
    %or3A_460 = arith.ori %gt3A_454, %and3A_459 : vector<256x1024xi1>
    %jit3A_461 = arith.constant 0x7F800000 : f32
    %broadcast_in_dim3A_462 = vector.broadcast %jit3A_461 : f32 to vector<256x1024xf32>
    %select_n3A_463 = arith.select %or3A_460, %sub3A_419, %broadcast_in_dim3A_462 : vector<256x1024xi1>, vector<256x1024xf32>
    %reduce_min3A_464 = arith.constant dense<0x7F800000> : vector<256xf32>
    %reduce_min3A_465 = vector.multi_reduction <minimumf>, %select_n3A_463, %reduce_min3A_464 [1] : vector<256x1024xf32> to vector<256xf32>
    %broadcast_in_dim3A_466 = vector.shape_cast %reduce_min3A_465 : vector<256xf32> to vector<256x1xf32>
    %eq3A_467 = vector.broadcast %broadcast_in_dim3A_466 : vector<256x1xf32> to vector<256x1024xf32>
    %eq3A_468 = arith.cmpf oeq, %select_n3A_463, %eq3A_467 : vector<256x1024xf32>
    %jit3A_469 = arith.constant 1073741824 : i32
    %broadcast_in_dim3A_470 = vector.broadcast %jit3A_469 : i32 to vector<256x1024xi32>
    %select_n3A_471 = arith.select %eq3A_468, %iota3A, %broadcast_in_dim3A_470 : vector<256x1024xi1>, vector<256x1024xi32>
    %reduce_min3A_472 = arith.constant dense<2147483647> : vector<256xi32>
    %reduce_min3A_473 = vector.multi_reduction <minsi>, %select_n3A_471, %reduce_min3A_472 [1] : vector<256x1024xi32> to vector<256xi32>
    %broadcast_in_dim3A_474 = vector.shape_cast %reduce_min3A_473 : vector<256xi32> to vector<256x1xi32>
    %gt3A_475 = vector.broadcast %broadcast_in_dim3A_466 : vector<256x1xf32> to vector<256x1024xf32>
    %gt3A_476 = arith.cmpf ogt, %sub3A_419, %gt3A_475 : vector<256x1024xf32>
    %eq3A_477 = vector.broadcast %broadcast_in_dim3A_466 : vector<256x1xf32> to vector<256x1024xf32>
    %eq3A_478 = arith.cmpf oeq, %sub3A_419, %eq3A_477 : vector<256x1024xf32>
    %gt3A_479 = vector.broadcast %broadcast_in_dim3A_474 : vector<256x1xi32> to vector<256x1024xi32>
    %gt3A_480 = arith.cmpi sgt, %iota3A, %gt3A_479 : vector<256x1024xi32>
    %and3A_481 = arith.andi %eq3A_478, %gt3A_480 : vector<256x1024xi1>
    %or3A_482 = arith.ori %gt3A_476, %and3A_481 : vector<256x1024xi1>
    %jit3A_483 = arith.constant 0x7F800000 : f32
    %broadcast_in_dim3A_484 = vector.broadcast %jit3A_483 : f32 to vector<256x1024xf32>
    %select_n3A_485 = arith.select %or3A_482, %sub3A_419, %broadcast_in_dim3A_484 : vector<256x1024xi1>, vector<256x1024xf32>
    %reduce_min3A_486 = arith.constant dense<0x7F800000> : vector<256xf32>
    %reduce_min3A_487 = vector.multi_reduction <minimumf>, %select_n3A_485, %reduce_min3A_486 [1] : vector<256x1024xf32> to vector<256xf32>
    %broadcast_in_dim3A_488 = vector.shape_cast %reduce_min3A_487 : vector<256xf32> to vector<256x1xf32>
    %eq3A_489 = vector.broadcast %broadcast_in_dim3A_488 : vector<256x1xf32> to vector<256x1024xf32>
    %eq3A_490 = arith.cmpf oeq, %select_n3A_485, %eq3A_489 : vector<256x1024xf32>
    %jit3A_491 = arith.constant 1073741824 : i32
    %broadcast_in_dim3A_492 = vector.broadcast %jit3A_491 : i32 to vector<256x1024xi32>
    %select_n3A_493 = arith.select %eq3A_490, %iota3A, %broadcast_in_dim3A_492 : vector<256x1024xi1>, vector<256x1024xi32>
    %reduce_min3A_494 = arith.constant dense<2147483647> : vector<256xi32>
    %reduce_min3A_495 = vector.multi_reduction <minsi>, %select_n3A_493, %reduce_min3A_494 [1] : vector<256x1024xi32> to vector<256xi32>
    %broadcast_in_dim3A_496 = vector.shape_cast %reduce_min3A_495 : vector<256xi32> to vector<256x1xi32>
    %gt3A_497 = vector.broadcast %broadcast_in_dim3A_488 : vector<256x1xf32> to vector<256x1024xf32>
    %gt3A_498 = arith.cmpf ogt, %sub3A_419, %gt3A_497 : vector<256x1024xf32>
    %eq3A_499 = vector.broadcast %broadcast_in_dim3A_488 : vector<256x1xf32> to vector<256x1024xf32>
    %eq3A_500 = arith.cmpf oeq, %sub3A_419, %eq3A_499 : vector<256x1024xf32>
    %gt3A_501 = vector.broadcast %broadcast_in_dim3A_496 : vector<256x1xi32> to vector<256x1024xi32>
    %gt3A_502 = arith.cmpi sgt, %iota3A, %gt3A_501 : vector<256x1024xi32>
    %and3A_503 = arith.andi %eq3A_500, %gt3A_502 : vector<256x1024xi1>
    %or3A_504 = arith.ori %gt3A_498, %and3A_503 : vector<256x1024xi1>
    %jit3A_505 = arith.constant 0x7F800000 : f32
    %broadcast_in_dim3A_506 = vector.broadcast %jit3A_505 : f32 to vector<256x1024xf32>
    %select_n3A_507 = arith.select %or3A_504, %sub3A_419, %broadcast_in_dim3A_506 : vector<256x1024xi1>, vector<256x1024xf32>
    %reduce_min3A_508 = arith.constant dense<0x7F800000> : vector<256xf32>
    %reduce_min3A_509 = vector.multi_reduction <minimumf>, %select_n3A_507, %reduce_min3A_508 [1] : vector<256x1024xf32> to vector<256xf32>
    %broadcast_in_dim3A_510 = vector.shape_cast %reduce_min3A_509 : vector<256xf32> to vector<256x1xf32>
    %eq3A_511 = vector.broadcast %broadcast_in_dim3A_510 : vector<256x1xf32> to vector<256x1024xf32>
    %eq3A_512 = arith.cmpf oeq, %select_n3A_507, %eq3A_511 : vector<256x1024xf32>
    %jit3A_513 = arith.constant 1073741824 : i32
    %broadcast_in_dim3A_514 = vector.broadcast %jit3A_513 : i32 to vector<256x1024xi32>
    %select_n3A_515 = arith.select %eq3A_512, %iota3A, %broadcast_in_dim3A_514 : vector<256x1024xi1>, vector<256x1024xi32>
    %reduce_min3A_516 = arith.constant dense<2147483647> : vector<256xi32>
    %reduce_min3A_517 = vector.multi_reduction <minsi>, %select_n3A_515, %reduce_min3A_516 [1] : vector<256x1024xi32> to vector<256xi32>
    %broadcast_in_dim3A_518 = vector.shape_cast %reduce_min3A_517 : vector<256xi32> to vector<256x1xi32>
    %mul3A_519 = arith.constant 4096 : i32
    %mul3A_520 = arith.muli %arg0, %mul3A_519 : i32
    %add3A_521 = arith.constant 3072 : i32
    %add3A_522 = arith.addi %mul3A_520, %add3A_521 : i32
    %add3A_523 = vector.broadcast %add3A_522 : i32 to vector<256x1xi32>
    %add3A_524 = arith.addi %broadcast_in_dim3A_430, %add3A_523 : vector<256x1xi32>
    %mul3A_525 = arith.constant 4096 : i32
    %mul3A_526 = arith.muli %arg0, %mul3A_525 : i32
    %add3A_527 = arith.constant 3072 : i32
    %add3A_528 = arith.addi %mul3A_526, %add3A_527 : i32
    %add3A_529 = vector.broadcast %add3A_528 : i32 to vector<256x1xi32>
    %add3A_530 = arith.addi %broadcast_in_dim3A_452, %add3A_529 : vector<256x1xi32>
    %mul3A_531 = arith.constant 4096 : i32
    %mul3A_532 = arith.muli %arg0, %mul3A_531 : i32
    %add3A_533 = arith.constant 3072 : i32
    %add3A_534 = arith.addi %mul3A_532, %add3A_533 : i32
    %add3A_535 = vector.broadcast %add3A_534 : i32 to vector<256x1xi32>
    %add3A_536 = arith.addi %broadcast_in_dim3A_474, %add3A_535 : vector<256x1xi32>
    %mul3A_537 = arith.constant 4096 : i32
    %mul3A_538 = arith.muli %arg0, %mul3A_537 : i32
    %add3A_539 = arith.constant 3072 : i32
    %add3A_540 = arith.addi %mul3A_538, %add3A_539 : i32
    %add3A_541 = vector.broadcast %add3A_540 : i32 to vector<256x1xi32>
    %add3A_542 = arith.addi %broadcast_in_dim3A_496, %add3A_541 : vector<256x1xi32>
    %mul3A_543 = arith.constant 4096 : i32
    %mul3A_544 = arith.muli %arg0, %mul3A_543 : i32
    %add3A_545 = arith.constant 3072 : i32
    %add3A_546 = arith.addi %mul3A_544, %add3A_545 : i32
    %add3A_547 = vector.broadcast %add3A_546 : i32 to vector<256x1xi32>
    %add3A_548 = arith.addi %broadcast_in_dim3A_518, %add3A_547 : vector<256x1xi32>
    %concatenate3A = tpu.concatenate %broadcast_in_dim3A, %broadcast_in_dim3A_26, %broadcast_in_dim3A_48, %broadcast_in_dim3A_70, %broadcast_in_dim3A_92, %broadcast_in_dim3A_142, %broadcast_in_dim3A_164, %broadcast_in_dim3A_186, %broadcast_in_dim3A_208, %broadcast_in_dim3A_230, %broadcast_in_dim3A_282, %broadcast_in_dim3A_304, %broadcast_in_dim3A_326, %broadcast_in_dim3A_348, %broadcast_in_dim3A_370, %broadcast_in_dim3A_422, %broadcast_in_dim3A_444, %broadcast_in_dim3A_466, %broadcast_in_dim3A_488, %broadcast_in_dim3A_510 in 1 : vector<256x1xf32>, vector<256x1xf32>, vector<256x1xf32>, vector<256x1xf32>, vector<256x1xf32>, vector<256x1xf32>, vector<256x1xf32>, vector<256x1xf32>, vector<256x1xf32>, vector<256x1xf32>, vector<256x1xf32>, vector<256x1xf32>, vector<256x1xf32>, vector<256x1xf32>, vector<256x1xf32>, vector<256x1xf32>, vector<256x1xf32>, vector<256x1xf32>, vector<256x1xf32>, vector<256x1xf32> -> vector<256x20xf32>
    %concatenate3A_549 = tpu.concatenate %add3A_104, %add3A_110, %add3A_116, %add3A_122, %add3A_128, %add3A_244, %add3A_250, %add3A_256, %add3A_262, %add3A_268, %add3A_384, %add3A_390, %add3A_396, %add3A_402, %add3A_408, %add3A_524, %add3A_530, %add3A_536, %add3A_542, %add3A_548 in 1 : vector<256x1xi32>, vector<256x1xi32>, vector<256x1xi32>, vector<256x1xi32>, vector<256x1xi32>, vector<256x1xi32>, vector<256x1xi32>, vector<256x1xi32>, vector<256x1xi32>, vector<256x1xi32>, vector<256x1xi32>, vector<256x1xi32>, vector<256x1xi32>, vector<256x1xi32>, vector<256x1xi32>, vector<256x1xi32>, vector<256x1xi32>, vector<256x1xi32>, vector<256x1xi32>, vector<256x1xi32> -> vector<256x20xi32>
    %eq3A_550 = arith.constant 0 : i32
    %eq3A_551 = arith.cmpi eq, %arg0, %eq3A_550 : i32
    %convert_element_type3A = arith.extui %eq3A_551 : i1 to i32
    %cond3A = arith.constant 0 : i32
    %cond3A_552 = arith.cmpi ne, %convert_element_type3A, %cond3A : i32
    scf.if %cond3A_552 {
      %swap3A_558 = arith.constant 0 : index
      %swap3A_559 = arith.constant 0 : index
      %swap3A_560 = vector.load %arg7[%swap3A_558, %swap3A_559] : memref<256x20xf32, #tpu.memory_space<vmem>>, vector<256x20xf32>
      tpu.vector_store %arg7[%swap3A_558, %swap3A_559], %concatenate3A {strides = array<i32>} : memref<256x20xf32, #tpu.memory_space<vmem>>, vector<256x20xf32>,
      %swap3A_561 = arith.constant 0 : index
      %swap3A_562 = arith.constant 0 : index
      %swap3A_563 = vector.load %arg8[%swap3A_561, %swap3A_562] : memref<256x20xi32, #tpu.memory_space<vmem>>, vector<256x20xi32>
      tpu.vector_store %arg8[%swap3A_561, %swap3A_562], %concatenate3A_549 {strides = array<i32>} : memref<256x20xi32, #tpu.memory_space<vmem>>, vector<256x20xi32>,
    } else {
    }
    %eq3A_553 = arith.constant 1 : i32
    %eq3A_554 = arith.cmpi eq, %arg0, %eq3A_553 : i32
    %convert_element_type3A_555 = arith.extui %eq3A_554 : i1 to i32
    %cond3A_556 = arith.constant 0 : i32
    %cond3A_557 = arith.cmpi ne, %convert_element_type3A_555, %cond3A_556 : i32
    scf.if %cond3A_557 {
      %get3A_558 = arith.constant 0 : index
      %get3A_559 = arith.constant 0 : index
      %get3A_560 = vector.load %arg7[%get3A_558, %get3A_559] : memref<256x20xf32, #tpu.memory_space<vmem>>, vector<256x20xf32>
      %concatenate3A_561 = tpu.concatenate %get3A_560, %concatenate3A in 1 : vector<256x20xf32>, vector<256x20xf32> -> vector<256x40xf32>
      %get3A_562 = arith.constant 0 : index
      %get3A_563 = arith.constant 0 : index
      %get3A_564 = vector.load %arg8[%get3A_562, %get3A_563] : memref<256x20xi32, #tpu.memory_space<vmem>>, vector<256x20xi32>
      %concatenate3A_565 = tpu.concatenate %get3A_564, %concatenate3A_549 in 1 : vector<256x20xi32>, vector<256x20xi32> -> vector<256x40xi32>
      %reduce_min3A_566 = arith.constant dense<0x7F800000> : vector<256xf32>
      %reduce_min3A_567 = vector.multi_reduction <minimumf>, %concatenate3A_561, %reduce_min3A_566 [1] : vector<256x40xf32> to vector<256xf32>
      %broadcast_in_dim3A_568 = vector.shape_cast %reduce_min3A_567 : vector<256xf32> to vector<256x1xf32>
      %eq3A_569 = vector.broadcast %broadcast_in_dim3A_568 : vector<256x1xf32> to vector<256x40xf32>
      %eq3A_570 = arith.cmpf oeq, %concatenate3A_561, %eq3A_569 : vector<256x40xf32>
      %jit3A_571 = arith.constant 1073741824 : i32
      %broadcast_in_dim3A_572 = vector.broadcast %jit3A_571 : i32 to vector<256x40xi32>
      %select_n3A_573 = arith.select %eq3A_570, %concatenate3A_565, %broadcast_in_dim3A_572 : vector<256x40xi1>, vector<256x40xi32>
      %reduce_min3A_574 = arith.constant dense<2147483647> : vector<256xi32>
      %reduce_min3A_575 = vector.multi_reduction <minsi>, %select_n3A_573, %reduce_min3A_574 [1] : vector<256x40xi32> to vector<256xi32>
      %broadcast_in_dim3A_576 = vector.shape_cast %reduce_min3A_575 : vector<256xi32> to vector<256x1xi32>
      %gt3A_577 = vector.broadcast %broadcast_in_dim3A_568 : vector<256x1xf32> to vector<256x40xf32>
      %gt3A_578 = arith.cmpf ogt, %concatenate3A_561, %gt3A_577 : vector<256x40xf32>
      %eq3A_579 = vector.broadcast %broadcast_in_dim3A_568 : vector<256x1xf32> to vector<256x40xf32>
      %eq3A_580 = arith.cmpf oeq, %concatenate3A_561, %eq3A_579 : vector<256x40xf32>
      %gt3A_581 = vector.broadcast %broadcast_in_dim3A_576 : vector<256x1xi32> to vector<256x40xi32>
      %gt3A_582 = arith.cmpi sgt, %concatenate3A_565, %gt3A_581 : vector<256x40xi32>
      %and3A_583 = arith.andi %eq3A_580, %gt3A_582 : vector<256x40xi1>
      %or3A_584 = arith.ori %gt3A_578, %and3A_583 : vector<256x40xi1>
      %jit3A_585 = arith.constant 0x7F800000 : f32
      %broadcast_in_dim3A_586 = vector.broadcast %jit3A_585 : f32 to vector<256x40xf32>
      %select_n3A_587 = arith.select %or3A_584, %concatenate3A_561, %broadcast_in_dim3A_586 : vector<256x40xi1>, vector<256x40xf32>
      %reduce_min3A_588 = arith.constant dense<0x7F800000> : vector<256xf32>
      %reduce_min3A_589 = vector.multi_reduction <minimumf>, %select_n3A_587, %reduce_min3A_588 [1] : vector<256x40xf32> to vector<256xf32>
      %broadcast_in_dim3A_590 = vector.shape_cast %reduce_min3A_589 : vector<256xf32> to vector<256x1xf32>
      %eq3A_591 = vector.broadcast %broadcast_in_dim3A_590 : vector<256x1xf32> to vector<256x40xf32>
      %eq3A_592 = arith.cmpf oeq, %select_n3A_587, %eq3A_591 : vector<256x40xf32>
      %jit3A_593 = arith.constant 1073741824 : i32
      %broadcast_in_dim3A_594 = vector.broadcast %jit3A_593 : i32 to vector<256x40xi32>
      %select_n3A_595 = arith.select %eq3A_592, %concatenate3A_565, %broadcast_in_dim3A_594 : vector<256x40xi1>, vector<256x40xi32>
      %reduce_min3A_596 = arith.constant dense<2147483647> : vector<256xi32>
      %reduce_min3A_597 = vector.multi_reduction <minsi>, %select_n3A_595, %reduce_min3A_596 [1] : vector<256x40xi32> to vector<256xi32>
      %broadcast_in_dim3A_598 = vector.shape_cast %reduce_min3A_597 : vector<256xi32> to vector<256x1xi32>
      %gt3A_599 = vector.broadcast %broadcast_in_dim3A_590 : vector<256x1xf32> to vector<256x40xf32>
      %gt3A_600 = arith.cmpf ogt, %concatenate3A_561, %gt3A_599 : vector<256x40xf32>
      %eq3A_601 = vector.broadcast %broadcast_in_dim3A_590 : vector<256x1xf32> to vector<256x40xf32>
      %eq3A_602 = arith.cmpf oeq, %concatenate3A_561, %eq3A_601 : vector<256x40xf32>
      %gt3A_603 = vector.broadcast %broadcast_in_dim3A_598 : vector<256x1xi32> to vector<256x40xi32>
      %gt3A_604 = arith.cmpi sgt, %concatenate3A_565, %gt3A_603 : vector<256x40xi32>
      %and3A_605 = arith.andi %eq3A_602, %gt3A_604 : vector<256x40xi1>
      %or3A_606 = arith.ori %gt3A_600, %and3A_605 : vector<256x40xi1>
      %jit3A_607 = arith.constant 0x7F800000 : f32
      %broadcast_in_dim3A_608 = vector.broadcast %jit3A_607 : f32 to vector<256x40xf32>
      %select_n3A_609 = arith.select %or3A_606, %concatenate3A_561, %broadcast_in_dim3A_608 : vector<256x40xi1>, vector<256x40xf32>
      %reduce_min3A_610 = arith.constant dense<0x7F800000> : vector<256xf32>
      %reduce_min3A_611 = vector.multi_reduction <minimumf>, %select_n3A_609, %reduce_min3A_610 [1] : vector<256x40xf32> to vector<256xf32>
      %broadcast_in_dim3A_612 = vector.shape_cast %reduce_min3A_611 : vector<256xf32> to vector<256x1xf32>
      %eq3A_613 = vector.broadcast %broadcast_in_dim3A_612 : vector<256x1xf32> to vector<256x40xf32>
      %eq3A_614 = arith.cmpf oeq, %select_n3A_609, %eq3A_613 : vector<256x40xf32>
      %jit3A_615 = arith.constant 1073741824 : i32
      %broadcast_in_dim3A_616 = vector.broadcast %jit3A_615 : i32 to vector<256x40xi32>
      %select_n3A_617 = arith.select %eq3A_614, %concatenate3A_565, %broadcast_in_dim3A_616 : vector<256x40xi1>, vector<256x40xi32>
      %reduce_min3A_618 = arith.constant dense<2147483647> : vector<256xi32>
      %reduce_min3A_619 = vector.multi_reduction <minsi>, %select_n3A_617, %reduce_min3A_618 [1] : vector<256x40xi32> to vector<256xi32>
      %broadcast_in_dim3A_620 = vector.shape_cast %reduce_min3A_619 : vector<256xi32> to vector<256x1xi32>
      %gt3A_621 = vector.broadcast %broadcast_in_dim3A_612 : vector<256x1xf32> to vector<256x40xf32>
      %gt3A_622 = arith.cmpf ogt, %concatenate3A_561, %gt3A_621 : vector<256x40xf32>
      %eq3A_623 = vector.broadcast %broadcast_in_dim3A_612 : vector<256x1xf32> to vector<256x40xf32>
      %eq3A_624 = arith.cmpf oeq, %concatenate3A_561, %eq3A_623 : vector<256x40xf32>
      %gt3A_625 = vector.broadcast %broadcast_in_dim3A_620 : vector<256x1xi32> to vector<256x40xi32>
      %gt3A_626 = arith.cmpi sgt, %concatenate3A_565, %gt3A_625 : vector<256x40xi32>
      %and3A_627 = arith.andi %eq3A_624, %gt3A_626 : vector<256x40xi1>
      %or3A_628 = arith.ori %gt3A_622, %and3A_627 : vector<256x40xi1>
      %jit3A_629 = arith.constant 0x7F800000 : f32
      %broadcast_in_dim3A_630 = vector.broadcast %jit3A_629 : f32 to vector<256x40xf32>
      %select_n3A_631 = arith.select %or3A_628, %concatenate3A_561, %broadcast_in_dim3A_630 : vector<256x40xi1>, vector<256x40xf32>
      %reduce_min3A_632 = arith.constant dense<0x7F800000> : vector<256xf32>
      %reduce_min3A_633 = vector.multi_reduction <minimumf>, %select_n3A_631, %reduce_min3A_632 [1] : vector<256x40xf32> to vector<256xf32>
      %broadcast_in_dim3A_634 = vector.shape_cast %reduce_min3A_633 : vector<256xf32> to vector<256x1xf32>
      %eq3A_635 = vector.broadcast %broadcast_in_dim3A_634 : vector<256x1xf32> to vector<256x40xf32>
      %eq3A_636 = arith.cmpf oeq, %select_n3A_631, %eq3A_635 : vector<256x40xf32>
      %jit3A_637 = arith.constant 1073741824 : i32
      %broadcast_in_dim3A_638 = vector.broadcast %jit3A_637 : i32 to vector<256x40xi32>
      %select_n3A_639 = arith.select %eq3A_636, %concatenate3A_565, %broadcast_in_dim3A_638 : vector<256x40xi1>, vector<256x40xi32>
      %reduce_min3A_640 = arith.constant dense<2147483647> : vector<256xi32>
      %reduce_min3A_641 = vector.multi_reduction <minsi>, %select_n3A_639, %reduce_min3A_640 [1] : vector<256x40xi32> to vector<256xi32>
      %broadcast_in_dim3A_642 = vector.shape_cast %reduce_min3A_641 : vector<256xi32> to vector<256x1xi32>
      %gt3A_643 = vector.broadcast %broadcast_in_dim3A_634 : vector<256x1xf32> to vector<256x40xf32>
      %gt3A_644 = arith.cmpf ogt, %concatenate3A_561, %gt3A_643 : vector<256x40xf32>
      %eq3A_645 = vector.broadcast %broadcast_in_dim3A_634 : vector<256x1xf32> to vector<256x40xf32>
      %eq3A_646 = arith.cmpf oeq, %concatenate3A_561, %eq3A_645 : vector<256x40xf32>
      %gt3A_647 = vector.broadcast %broadcast_in_dim3A_642 : vector<256x1xi32> to vector<256x40xi32>
      %gt3A_648 = arith.cmpi sgt, %concatenate3A_565, %gt3A_647 : vector<256x40xi32>
      %and3A_649 = arith.andi %eq3A_646, %gt3A_648 : vector<256x40xi1>
      %or3A_650 = arith.ori %gt3A_644, %and3A_649 : vector<256x40xi1>
      %jit3A_651 = arith.constant 0x7F800000 : f32
      %broadcast_in_dim3A_652 = vector.broadcast %jit3A_651 : f32 to vector<256x40xf32>
      %select_n3A_653 = arith.select %or3A_650, %concatenate3A_561, %broadcast_in_dim3A_652 : vector<256x40xi1>, vector<256x40xf32>
      %reduce_min3A_654 = arith.constant dense<0x7F800000> : vector<256xf32>
      %reduce_min3A_655 = vector.multi_reduction <minimumf>, %select_n3A_653, %reduce_min3A_654 [1] : vector<256x40xf32> to vector<256xf32>
      %broadcast_in_dim3A_656 = vector.shape_cast %reduce_min3A_655 : vector<256xf32> to vector<256x1xf32>
      %eq3A_657 = vector.broadcast %broadcast_in_dim3A_656 : vector<256x1xf32> to vector<256x40xf32>
      %eq3A_658 = arith.cmpf oeq, %select_n3A_653, %eq3A_657 : vector<256x40xf32>
      %jit3A_659 = arith.constant 1073741824 : i32
      %broadcast_in_dim3A_660 = vector.broadcast %jit3A_659 : i32 to vector<256x40xi32>
      %select_n3A_661 = arith.select %eq3A_658, %concatenate3A_565, %broadcast_in_dim3A_660 : vector<256x40xi1>, vector<256x40xi32>
      %reduce_min3A_662 = arith.constant dense<2147483647> : vector<256xi32>
      %reduce_min3A_663 = vector.multi_reduction <minsi>, %select_n3A_661, %reduce_min3A_662 [1] : vector<256x40xi32> to vector<256xi32>
      %broadcast_in_dim3A_664 = vector.shape_cast %reduce_min3A_663 : vector<256xi32> to vector<256x1xi32>
      %sub3A_665 = arith.constant 1.000000e+00 : f32
      %sub3A_666 = vector.broadcast %sub3A_665 : f32 to vector<256x1xf32>
      %sub3A_667 = arith.subf %sub3A_666, %broadcast_in_dim3A_568 : vector<256x1xf32>
      %sub3A_668 = arith.constant 1.000000e+00 : f32
      %sub3A_669 = vector.broadcast %sub3A_668 : f32 to vector<256x1xf32>
      %sub3A_670 = arith.subf %sub3A_669, %broadcast_in_dim3A_590 : vector<256x1xf32>
      %sub3A_671 = arith.constant 1.000000e+00 : f32
      %sub3A_672 = vector.broadcast %sub3A_671 : f32 to vector<256x1xf32>
      %sub3A_673 = arith.subf %sub3A_672, %broadcast_in_dim3A_612 : vector<256x1xf32>
      %sub3A_674 = arith.constant 1.000000e+00 : f32
      %sub3A_675 = vector.broadcast %sub3A_674 : f32 to vector<256x1xf32>
      %sub3A_676 = arith.subf %sub3A_675, %broadcast_in_dim3A_634 : vector<256x1xf32>
      %sub3A_677 = arith.constant 1.000000e+00 : f32
      %sub3A_678 = vector.broadcast %sub3A_677 : f32 to vector<256x1xf32>
      %sub3A_679 = arith.subf %sub3A_678, %broadcast_in_dim3A_656 : vector<256x1xf32>
      %concatenate3A_680 = tpu.concatenate %sub3A_667, %sub3A_670, %sub3A_673, %sub3A_676, %sub3A_679, %sub3A_679, %sub3A_679, %sub3A_679 in 1 : vector<256x1xf32>, vector<256x1xf32>, vector<256x1xf32>, vector<256x1xf32>, vector<256x1xf32>, vector<256x1xf32>, vector<256x1xf32>, vector<256x1xf32> -> vector<256x8xf32>
      %swap3A_681 = arith.constant 0 : index
      %swap3A_682 = arith.constant 0 : index
      %swap3A_683 = vector.load %arg5[%swap3A_681, %swap3A_682] : memref<256x8xf32, #tpu.memory_space<vmem>>, vector<256x8xf32>
      tpu.vector_store %arg5[%swap3A_681, %swap3A_682], %concatenate3A_680 {strides = array<i32>} : memref<256x8xf32, #tpu.memory_space<vmem>>, vector<256x8xf32>,
      %concatenate3A_684 = tpu.concatenate %broadcast_in_dim3A_576, %broadcast_in_dim3A_598, %broadcast_in_dim3A_620, %broadcast_in_dim3A_642, %broadcast_in_dim3A_664, %broadcast_in_dim3A_664, %broadcast_in_dim3A_664, %broadcast_in_dim3A_664 in 1 : vector<256x1xi32>, vector<256x1xi32>, vector<256x1xi32>, vector<256x1xi32>, vector<256x1xi32>, vector<256x1xi32>, vector<256x1xi32>, vector<256x1xi32> -> vector<256x8xi32>
      %swap3A_685 = arith.constant 0 : index
      %swap3A_686 = arith.constant 0 : index
      %swap3A_687 = vector.load %arg6[%swap3A_685, %swap3A_686] : memref<256x8xi32, #tpu.memory_space<vmem>>, vector<256x8xi32>
      tpu.vector_store %arg6[%swap3A_685, %swap3A_686], %concatenate3A_684 {strides = array<i32>} : memref<256x8xi32, #tpu.memory_space<vmem>>, vector<256x8xi32>,
    } else {
    }
    return
  }
  func.func @transform_0(%arg0: i32) -> (i32, i32) {
    %c0_i32 = arith.constant 0 : i32
    %c0_i32_0 = arith.constant 0 : i32
    %c0_i32_1 = arith.constant 0 : i32
    return %c0_i32, %c0_i32_0 : i32, i32
  }
  func.func @transform_1(%arg0: i32) -> (i32, i32) {
    %c0_i32 = arith.constant 0 : i32
    %c0_i32_0 = arith.constant 0 : i32
    return %arg0, %c0_i32 : i32, i32
  }
  func.func @transform_3(%arg0: i32) -> (i32, i32) {
    %c3_i32 = arith.constant 3 : i32
    %c0_i32 = arith.constant 0 : i32
    return %c3_i32, %arg0 : i32, i32
  }
  func.func @transform_4(%arg0: i32) -> (i32, i32) {
    %c0_i32 = arith.constant 0 : i32
    %c0_i32_0 = arith.constant 0 : i32
    %c0_i32_1 = arith.constant 0 : i32
    return %c0_i32, %c0_i32_0 : i32, i32
  }
  func.func @transform_5(%arg0: i32) -> (i32, i32) {
    %c0_i32 = arith.constant 0 : i32
    %c0_i32_0 = arith.constant 0 : i32
    %c0_i32_1 = arith.constant 0 : i32
    return %c0_i32, %c0_i32_0 : i32, i32
  }
}

</mosaic_0001>

<sc_bundles>
// kernel: kernel.10.cloned.1.call-start
scs
__scs_entry_jumppad:
0x0: {  	(pc) =	sbr.rel $0x88, $3  }
0x1: {  	(tag) =	ssettag $0x0;
	lr =	simm.s32 $0x1  }
0x2: {  	[smem:$0x3F9E] =	sst lr;
	_ =	strace $0xD0000000  }
0x3: {  	_ = 	snop  }
0x4: {  	_ = 	snop  }
0x5: {  	_ = 	snop  }
0x6: {  	_ = 	snop  }
0x7: {  	_ = 	snop  }
__scs_overlays_trampoline_lowered:
0x8: {  	[smem:$0x3FAD] =	sst s0  }
0x9: {  	[smem:$0x3FAE] =	sst s1  }
0xa: {  	[smem:$0x3FAF] =	sst s2  }
0xb: {  	[smem:$0x3FB0] =	sst s3  }
0xc: {  	[smem:$0x3FB1] =	sst s4  }
0xd: {  	[smem:$0x3FB2] =	sst s5  }
0xe: {  	[smem:$0x3FB3] =	sst s6  }
0xf: {  	[smem:$0x3FB4] =	sst s7  }
0x10: {  	[smem:$0x3FB5] =	sst s8  }
0x11: {  	[smem:$0x3FB6] =	sst s9;
	s0 =	simm.s32 @!p0 $0x0  }
0x12: {  	s1 =	sld [smem:$0x3F9C];
	s0 =	simm.s32 @p0 $0x1  }
0x13: {  	[smem:$0x3FB7] =	sst s0;
	s0 =	simm.s32 @!p1 $0x0  }
0x14: {  	s2 =	sld [smem:$0x3F9B];
	s0 =	simm.s32 @p1 $0x1  }
0x15: {  	[smem:$0x3FB8] =	sst s0;
	s0 =	simm.s32 @!p2 $0x0  }
0x16: {  	s3 =	sld [smem:$0x3FDB];
	s0 =	simm.s32 @p2 $0x1  }
0x17: {  	s4 =	simm.s32 $0x1BF5;
	[smem:$0x3FBA] =	sst s0  }
0x18: {  	s0 =	sld [smem:$0x3F9D];
	_ =	swait.ge [sflag:s4], $0x0  }
0x19: {  	s7 =	sld [smem:$0x3F9E]  }
0x1a: {  	s8 =	sadd.s32 $0xFFFFE003, lr  }
0x1b: {  	s9 =	sadd.s32 $0xFFFFFEF7, lr;
	s5 =	simm.s32 $0xFFFFFFFF;
	p2 =	slt.u32 s8, $0xFFFFF086  }
0x1c: {  	p1 =	slt.u32 s9, $0xF7A;
	s5 =	simm.s32 @!p2 $0x0  }
0x1d: {  	s5 =	simm.s32 @p1 $0x1;
	p0 =	seq.s32 s7, s2  }
0x1e: {  	s7 =	smul.u32 @!p0 $0xF7A, s2;
	p2 =	seq.s32 @!p0 s5, $0x0  }
0x1f: {  	s9 =	smul.u32 $0xF7A, s1;
	s8 =	simm.s32 @!p0 $0x1BF5;
	p2 =	por !p2, p0  }
0x20: {  	[sflag:s8] =	ssyncset.s32 @!p0 $0xFFFFF086;
	s6 =	sadd.s32 @!p0 s3, s7;
	s7 =	simm.s32 @!p0 $0x108  }
0x21: {  	s3 =	sadd.s32 s3, s9;
	s6 =	sadd.s32 @!p0 $0x88, s6;
	s7 =	simm.s32 @p2 $0x1082  }
0x22: {  	[simem:s7], [sflag:s8] =	dma.local @!p0 [hbm:s6], $0xF7A  }
0x23: {  	s9 =	sor.u32 $0xD0000000, s2;
	s6 =	simm.s32 $0x108;
	_ =	swait.ge @!p0 [sflag:s8], $0x0  }
0x24: {  	s3 =	sadd.s32 $0x88, s3;
	s6 =	simm.s32 @!p1 $0x1082;
	[sflag:s4] =	ssyncset.s32 $0xFFFFF086  }
0x25: {  	[simem:s6], [sflag:s4] =	dma.local [hbm:s3], $0xF7A  }
0x26: {  	[smem:$0x3F9E] =	sst s1;
	(tag) =	ssettag s2;
	_ =	strace s9  }
0x27: {  	s1 =	sld [smem:$0x3FAE]  }
0x28: {  	s2 =	sld [smem:$0x3FAF]  }
0x29: {  	s4 =	sld [smem:$0x3FB1]  }
0x2a: {  	p0 =	seq.s32 s5, $0x0;
	s5 =	sld [smem:$0x3FB2]  }
0x2b: {  	s6 =	sld [smem:$0x3FB3]  }
0x2c: {  	s7 =	sld [smem:$0x3FB4]  }
0x2d: {  	s3 =	simm.s32 $0x108;
	s8 =	sld [smem:$0x3FB5]  }
0x2e: {  	s3 =	simm.s32 @!p0 $0x1082;
	s9 =	sld [smem:$0x3FB6]  }
0x2f: {  	lr =	sadd.s32 s0, s3;
	s0 =	sld [smem:$0x3FAD]  }
0x30: {  	s3 =	sld [smem:$0x3FB0]  }
0x31: {  	[smem:$0x3FB9] =	sst s10  }
0x32: {  	s10 =	sld [smem:$0x3FB7];
	_ =	sdelay $0x3  }
0x33: {  	p0 =	seq.s32 s10, $0x1;
	s10 =	sld [smem:$0x3FB9];
	_ =	sdelay $0x3  }
0x34: {  	[smem:$0x3FB9] =	sst s10  }
0x35: {  	s10 =	sld [smem:$0x3FB8];
	_ =	sdelay $0x3  }
0x36: {  	p1 =	seq.s32 s10, $0x1;
	s10 =	sld [smem:$0x3FB9];
	_ =	sdelay $0x3  }
0x37: {  	[smem:$0x3FB9] =	sst s10  }
0x38: {  	s10 =	sld [smem:$0x3FBA]  }
0x39: {  	_ = 	snop;
	(pc) =	sbr.ind lr, $3  }
0x3a: {  	_ = 	snop  }
0x3b: {  	_ = 	snop  }
0x3c: {  	p2 =	seq.s32 s10, $0x1;
	s10 =	sld [smem:$0x3FB9]  }
0x3d: {  	_ =	shalt  }
0x3e: {  	_ =	shalt  }
0x3f: {  	_ =	shalt  }
0x40: {  	_ =	shalt  }
0x41: {  	_ =	shalt  }
0x42: {  	_ =	shalt  }
0x43: {  	_ =	shalt  }
0x44: {  	_ =	shalt  }
0x45: {  	_ =	shalt  }
0x46: {  	_ =	shalt  }
0x47: {  	_ =	shalt  }
0x48: {  	_ =	shalt  }
0x49: {  	_ =	shalt  }
0x4a: {  	_ =	shalt  }
0x4b: {  	_ =	shalt  }
0x4c: {  	_ =	shalt  }
0x4d: {  	_ =	shalt  }
0x4e: {  	_ =	shalt  }
0x4f: {  	_ =	shalt  }
0x50: {  	_ =	shalt  }
0x51: {  	_ =	shalt  }
0x52: {  	_ =	shalt  }
0x53: {  	_ =	shalt  }
0x54: {  	_ =	shalt  }
0x55: {  	_ =	shalt  }
0x56: {  	_ =	shalt  }
0x57: {  	_ =	shalt  }
0x58: {  	_ =	shalt  }
0x59: {  	_ =	shalt  }
0x5a: {  	_ =	shalt  }
0x5b: {  	_ =	shalt  }
0x5c: {  	_ =	shalt  }
0x5d: {  	_ =	shalt  }
0x5e: {  	_ =	shalt  }
0x5f: {  	_ =	shalt  }
0x60: {  	_ =	shalt  }
0x61: {  	_ =	shalt  }
0x62: {  	_ =	shalt  }
0x63: {  	_ =	shalt  }
0x64: {  	_ =	shalt  }
0x65: {  	_ =	shalt  }
0x66: {  	_ =	shalt  }
0x67: {  	_ =	shalt  }
0x68: {  	_ =	shalt  }
0x69: {  	_ =	shalt  }
0x6a: {  	_ =	shalt  }
0x6b: {  	_ =	shalt  }
0x6c: {  	_ =	shalt  }
0x6d: {  	_ =	shalt  }
0x6e: {  	_ =	shalt  }
0x6f: {  	_ =	shalt  }
0x70: {  	_ =	shalt  }
0x71: {  	_ =	shalt  }
0x72: {  	_ =	shalt  }
0x73: {  	_ =	shalt  }
0x74: {  	_ =	shalt  }
0x75: {  	_ =	shalt  }
0x76: {  	_ =	shalt  }
0x77: {  	_ =	shalt  }
0x78: {  	_ =	shalt  }
0x79: {  	_ =	shalt  }
0x7a: {  	_ =	shalt  }
0x7b: {  	_ =	shalt  }
0x7c: {  	_ =	shalt  }
0x7d: {  	_ =	shalt  }
0x7e: {  	_ =	shalt  }
0x7f: {  	_ =	shalt  }
0x80: {  	_ =	shalt  }
0x81: {  	_ =	shalt  }
0x82: {  	_ =	shalt  }
0x83: {  	_ =	shalt  }
0x84: {  	_ =	shalt  }
0x85: {  	_ =	shalt  }
0x86: {  	_ =	shalt  }
0x87: {  	_ =	shalt  }
.Lfunc_end0:
.L_simem_size_0:
called_computation_lowered:
.L_overlay_start_0:
0x88: {  	s2 =	sld [smem:$0x3FD9]  }
0x89: {  	s3 =	sld [smem:$0x3FFE];
	_ =	sdelay $0x1  }
0x8a: {  	s1 =	srdreg.scid  }
0x8b: {  	s0 =	sand.u32 $0x1, s1  }
0x8c: {  	s15 =	sshll.u32 s0, $0xA;
	s2 =	sadd.s32 s3, s2  }
0x8d: {  	s2 =	sadd.s32 s2, s15  }
0x8e: {  	[smem:$0x3FC5] =	sst s2  }
0x8f: {  	_ = 	snop  }
0x90: {  	s2 =	sld [smem:$0x3FD0];
	_ =	sdelay $0x2  }
0x91: {  	s4 =	simm.s32 $0xA;
	s5 =	simm.s32 $0x10;
	s16 =	sld [smem:$0x3FC8]  }
0x92: {  	[smem:s5], [sflag:s4] =	dma.local [hbm:s2], $0x1  }
0x93: {  	_ =	swait.eq [sflag:s4], $0x1  }
0x94: {  	[sflag:s4] =	ssyncset.done $0x0  }
0x95: {  	s17 =	sld [smem:$0x10];
	[sflag:s4] =	ssyncadd.s32 $0xFFFFFFFF  }
0x96: {  	s18 =	sld [smem:$0x12];
	(tm) =	ssettm $0x1  }
0x97: {  	s19 =	sld [smem:$0x3FFB];
	_ =	sdelay $0x3  }
0x98: {  	_ =	strace s19  }
0x99: {  	s5 =	sld [smem:$0x3FFC];
	_ =	sdelay $0x3  }
0x9a: {  	_ =	strace s5  }
0x9b: {  	s5 =	sld [smem:$0x3FFD];
	_ =	sdelay $0x3  }
0x9c: {  	_ =	strace s5  }
0x9d: {  	_ =	strace $0x8FFFFFFF  }
0x9e: {  	s20 =	sld [smem:$0x3FDB];
	_ =	sdelay $0x1  }
0x9f: {  	s6 =	simm.s32 $_scs_section_size  }
0xa0: {  	s7 =	simm.s32 $_size__tile_overlayer_lowered;
	s8 =	simm.s32 $_tile_overlayer_lowered  }
0xa1: {  	s23 =	simm.s32 $0x1BFF;
	s22 =	sshll.u32 s8, $0x1;
	s5 =	sadd.s32 s6, s20  }
0xa2: {  	s9 =	simm.s32 $0x0;
	s21 =	sshll.u32 s7, $0x1;
	s7 =	sadd.s32 s22, s5  }
0xa3: {  	[timem:s9], [sflag:s23] =	dma.local [hbm:s7], s21  }
0xa4: {  	_ =	swait.ge [sflag:s23], s21  }
0xa5: {  	s6 =	ssub.s32 $0x0, s21;
	[sflag:s23] =	ssyncset.done $0x0  }
0xa6: {  	[sflag:s23] =	ssyncadd.s32 s6;
	_ =	sdelay $0x1  }
0xa7: {  	s24 =	simm.s32 $0x1B8B  }
0xa8: {  	_ =	swait.ge [sflag:s24], $0x1  }
0xa9: {  	[sflag:s24] =	ssyncset.done $0x0  }
0xaa: {  	s25 =	simm.s32 $0x1B8E;
	[sflag:s24] =	ssyncadd.s32 $0xFFFFFFFF  }
0xab: {  	s26 =	simm.s32 $execute0_lowered;
	[smem:$0x3FD2] =	sst s25  }
0xac: {  	s6 =	sshll.u32 s26, $0x1;
	_ =	strace $0x80000046;
	[dreg:$0x1] =	wrdreg $0xFFFFFFFF  }
0xad: {  	s28 =	simm.s32 $_size_execute0_lowered;
	s5 =	sadd.s32 s5, s6;
	[dreg:$0x0] =	wrdreg $0x0  }
0xae: {  	s6 =	sshll.u32 s28, $0x1;
	[dreg:$0x2] =	wrdreg s5  }
0xaf: {  	[dreg:$0x3] =	wrdreg s6  }
0xb0: {  	[dreg:$0x4] =	wrdreg $0xC0  }
0xb1: {  	_ =	task [dreg:s9], $0x5FFFF  }
0xb2: {  	[dreg:$0x1] =	wrdreg $0xFFFFFFFF  }
0xb3: {  	[dreg:$0x0] =	wrdreg $0x60  }
0xb4: {  	[dreg:$0x2] =	wrdreg s18  }
0xb5: {  	[dreg:$0x3] =	wrdreg s16  }
0xb6: {  	[dreg:$0x4] =	wrdreg s17  }
0xb7: {  	[dreg:$0x5] =	wrdreg $0x9  }
0xb8: {  	_ =	task.clear_ibuf [dreg:s9], $0x6FFFF;
	_ =	strace $0x90000046  }
0xb9: {  	s29 =	simm.s32 $0x9;
	_ =	strace $0x80000048  }
0xba: {  	_ =	swait.ge [sflag:s29], $0x1  }
0xbb: {  	[sflag:s29] =	ssyncadd.s32 $0xFFFFFFFF  }
0xbc: {  	_ =	strace $0x90000048  }
0xbd: {  	_ =	sfence  }
0xbe: {  	s30 =	sld [smem:$0x0];
	_ =	sdelay $0x2  }
0xbf: {  	s31 =	sshll.u32 s1, $0xD;
	s1 =	sshrl.u32 s1, $0x2  }
0xc0: {  	s3 =	sand.u32 $0x4000, s31;
	s1 =	sadd.s32 s1, s30  }
0xc1: {  	s0 =	sor.u32 s3, s0;
	s1 =	sshll.u32 s1, $0x11  }
0xc2: {  	s0 =	sor.u32 s1, s0  }
0xc3: {  	s0 =	sadd.s32 $0x8F2B, s0  }
0xc4: {  	[sflag:s0] =	ssyncadd.remote.s32 $0x1  }
0xc5: {  	_ =	sfence.sel $0xFFFF  }
0xc6: {  	[dreg:$0x0] =	wrdreg $0xFFFFFFFF;
	(pc) =	sbr.abs _section_cstart, $3  }
0xc7: {  	[dreg:$0x1] =	wrdreg $0xFFFFFFFF  }
0xc8: {  	_ =	task.clear_ibuf [dreg:s9], $0x2FFFF;
	_ =	strace $0x9FFFFFFF  }
0xc9: {  	(tm) =	ssettm $0x7FFFFFFF  }
tec
execute0_lowered:
.L_overlay_start_1:
0x0: {  	(tag) =	ssettag $0x1  }
0x1: {  	s4 =	rddreg [dreg:$0x0]  }
0x2: {  	s1 =	srdreg.scid;
	s2 =	rddreg [dreg:$0x1]  }
0x3: {  	s0 =	stileid.u32;
	s6 =	rddreg [dreg:$0x2]  }
0x4: {  	s3 =	simm.s32 $0x0;
	s5 =	sand.u32 $0x1, s1;
	s31 =	sshll.u32 s0, $0x1  }
0x5: {  	s12 =	simm.s32 $0x80;
	s13 =	simm.s32 $0x1;
	s7 =	sor.u32 s5, s31  }
0x6: {  	s14 =	simm.s32 $0xC080;
	s15 =	simm.s32 $0x2;
	s8 =	smul.u32 $0x3C000, s7  }
0x7: {  	s1 =	rddreg [dreg:$0x3];
	s5 =	ssub.s32 $0x2, s5;
	s9 =	smul.u32 $0x5, s7  }
0x8: {  	[smem:$0x7FF] =	sst s3;
	s10 =	sshrl.u32 s5, $0x1;
	s7 =	smul.u32 $0x7800, s7  }
0x9: {  	_ =	strace $0x80000047;
	s10 =	ssub.s32 s5, s10;
	s8 =	sshrl.u32 s8, $0x3  }
0xa: {  	s4 =	sadd.s32 s4, s9;
	s5 =	sadd.s32 s6, s7;
	s11 =	sadd.s32 s6, s8  }
0xb: {  	s10 =	smax.u32 s10, $0x1;
	s6 =	sadd.s32 $0x1800, s11;
	s7 =	sadd.s32 $0x3000, s11  }
0xc: {  	vm0 =	vmmov $0xff;
	v0 =	vlaneseq.u32;
	s8 =	sadd.s32 $0x4800, s11;
	s9 =	sadd.s32 $0x6000, s11;
	s11 =	simm.s32 $0x3  }
.LBB2_1:
0xd: {  	[tilespmem:s3], [sflag:$0x3] =	stream.linear.gather [hbm4b:s4+s3], $0x28, $0x38;
	[tilespmem:$0x18080] =	vst v63  }
0xe: {  	_ =	swait.ge [sflag:s11], $0x28  }
0xf: {  	[sflag:s11] =	ssyncset.done $0x0  }
0x10: {  	[sflag:s11] =	ssyncadd.s32 $0xFFFFFFD8  }
0x11: {  	v1 =	vld.msk [tilespmem:$0x0], $0xff;
	_ =	sdelay $0x4  }
0x12: {  	v1 =	vmul.u32 $0x1800, v1;
	_ =	sdelay $0x1  }
0x13: {  	v1 =	vperm.xlane v1, v0;
	_ =	sdelay $0x5  }
0x14: {  	[tilespmem:s12], [sflag:$0x1] =	stream.indirect_vreg.gather [hbm4b:s2+s3], $0x1800, v1, vm0, $0x38;
	[tilespmem:$0x18080] =	vst v63  }
0x15: {  	_ =	swait.ge [sflag:s13], $0xC000  }
0x16: {  	[sflag:s13] =	ssyncset.done $0x0  }
0x17: {  	[sflag:s13] =	ssyncadd.s32 $0xFFFF4000  }
0x18: {  	v1 =	vld.msk [tilespmem:$0x8], $0xff;
	_ =	sdelay $0x4  }
0x19: {  	v1 =	vmul.u32 $0x1800, v1;
	_ =	sdelay $0x1  }
0x1a: {  	v1 =	vperm.xlane v1, v0;
	_ =	sdelay $0x5  }
0x1b: {  	[tilespmem:s14], [sflag:$0x2] =	stream.indirect_vreg.gather [hbm4b:s2+s3], $0x1800, v1, vm0, $0x38;
	[tilespmem:$0x18080] =	vst v63  }
0x1c: {  	_ = 	snop  }
0x1d: {  	[hbm4b:s5+s3] =	stream.linear.scatter [tilespmem:s12], [sflag:$0x3], $0xC000, $0x38;
	[tilespmem:$0x18080] =	vst v63  }
0x1e: {  	_ =	swait.ge [sflag:s11], $0xC000  }
0x1f: {  	[sflag:s11] =	ssyncset.done $0x0  }
0x20: {  	[sflag:s11] =	ssyncadd.s32 $0xFFFF4000  }
0x21: {  	_ =	swait.ge [sflag:s15], $0xC000  }
0x22: {  	[sflag:s15] =	ssyncset.done $0x0  }
0x23: {  	[sflag:s15] =	ssyncadd.s32 $0xFFFF4000  }
0x24: {  	v1 =	vld.msk [tilespmem:$0x10], $0xff;
	_ =	sdelay $0x4  }
0x25: {  	v1 =	vmul.u32 $0x1800, v1;
	_ =	sdelay $0x1  }
0x26: {  	v1 =	vperm.xlane v1, v0;
	_ =	sdelay $0x5  }
0x27: {  	[tilespmem:s12], [sflag:$0x1] =	stream.indirect_vreg.gather [hbm4b:s2+s3], $0x1800, v1, vm0, $0x38;
	[tilespmem:$0x18080] =	vst v63  }
0x28: {  	_ = 	snop  }
0x29: {  	[hbm4b:s6+s3] =	stream.linear.scatter [tilespmem:s14], [sflag:$0x3], $0xC000, $0x38;
	[tilespmem:$0x18080] =	vst v63  }
0x2a: {  	_ =	swait.ge [sflag:s11], $0xC000  }
0x2b: {  	[sflag:s11] =	ssyncset.done $0x0  }
0x2c: {  	[sflag:s11] =	ssyncadd.s32 $0xFFFF4000  }
0x2d: {  	_ =	swait.ge [sflag:s13], $0xC000  }
0x2e: {  	[sflag:s13] =	ssyncset.done $0x0  }
0x2f: {  	[sflag:s13] =	ssyncadd.s32 $0xFFFF4000  }
0x30: {  	v1 =	vld.msk [tilespmem:$0x18], $0xff;
	_ =	sdelay $0x4  }
0x31: {  	v1 =	vmul.u32 $0x1800, v1;
	_ =	sdelay $0x1  }
0x32: {  	v1 =	vperm.xlane v1, v0;
	_ =	sdelay $0x5  }
0x33: {  	[tilespmem:s14], [sflag:$0x2] =	stream.indirect_vreg.gather [hbm4b:s2+s3], $0x1800, v1, vm0, $0x38;
	[tilespmem:$0x18080] =	vst v63  }
0x34: {  	_ = 	snop  }
0x35: {  	[hbm4b:s7+s3] =	stream.linear.scatter [tilespmem:s12], [sflag:$0x3], $0xC000, $0x38;
	[tilespmem:$0x18080] =	vst v63  }
0x36: {  	_ =	swait.ge [sflag:s11], $0xC000  }
0x37: {  	[sflag:s11] =	ssyncset.done $0x0  }
0x38: {  	[sflag:s11] =	ssyncadd.s32 $0xFFFF4000  }
0x39: {  	_ =	swait.ge [sflag:s15], $0xC000  }
0x3a: {  	[sflag:s15] =	ssyncset.done $0x0  }
0x3b: {  	[sflag:s15] =	ssyncadd.s32 $0xFFFF4000  }
0x3c: {  	v1 =	vld.msk [tilespmem:$0x20], $0xff;
	_ =	sdelay $0x4  }
0x3d: {  	v1 =	vmul.u32 $0x1800, v1;
	_ =	sdelay $0x1  }
0x3e: {  	v1 =	vperm.xlane v1, v0;
	_ =	sdelay $0x5  }
0x3f: {  	[tilespmem:s12], [sflag:$0x1] =	stream.indirect_vreg.gather [hbm4b:s2+s3], $0x1800, v1, vm0, $0x38;
	[tilespmem:$0x18080] =	vst v63  }
0x40: {  	_ = 	snop  }
0x41: {  	[hbm4b:s8+s3] =	stream.linear.scatter [tilespmem:s14], [sflag:$0x3], $0xC000, $0x38;
	[tilespmem:$0x18080] =	vst v63  }
0x42: {  	_ =	swait.ge [sflag:s11], $0xC000  }
0x43: {  	[sflag:s11] =	ssyncset.done $0x0  }
0x44: {  	[sflag:s11] =	ssyncadd.s32 $0xFFFF4000  }
0x45: {  	_ =	swait.ge [sflag:s13], $0xC000  }
0x46: {  	p0 =	sne.s32 s10, $0x1;
	[sflag:s13] =	ssyncset.done $0x0  }
.Ltmp0:
0x47: {  	[sflag:s13] =	ssyncadd.s32 $0xFFFF4000;
	(pc) =	sbr.rel @p0 .LBB2_1-.Ltmp0, $4  }
0x48: {  	[hbm4b:s9+s3] =	stream.linear.scatter [tilespmem:s12], [sflag:$0x3], $0xC000, $0x38;
	[tilespmem:$0x18080] =	vst v63  }
0x49: {  	_ =	swait.ge [sflag:s11], $0xC000  }
0x4a: {  	[sflag:s11] =	ssyncset.done $0x0  }
0x4b: {  	s10 =	sadd.s32 $0xFFFFFFFF, s10;
	[sflag:s11] =	ssyncadd.s32 $0xFFFF4000  }
0x4c: {  	_ =	sfence.sel $0x180000  }
0x4d: {  	[bflag:$0x0] =	sbarrier.arrive $0xFFFF  }
0x4e: {  	p0 =	sne.s32 s0, $0x0;
	_ =	strace $0x90000047  }
0x4f: {  	s0 =	sadd.s32 @!p0 $0x100000, s1;
	[bflag:$0x2] =	sbarrier.arrive $0xFFFF  }
0x50: {  	[sflag:s0] =	ssyncadd.tile.s32 @!p0 $0x1;
	_ =	shalt  }
.Lfunc_end2:
_tile_overlayer_lowered:
.L_overlay_start_2:
0x51: {  	(tag) =	ssettag $0x2  }
0x52: {  	s0 =	rddreg [dreg:$0x0];
	s2 =	stileid.u32  }
0x53: {  	s1 =	rddreg [dreg:$0x1];
	p0 =	sne.s32 s2, $0x0  }
0x54: {  	s3 =	rddreg [dreg:$0x2];
	[bflag:$0x3] =	sbarrier.arrive $0xFFFF;
	s2 =	simm.s32 @!p0 $0x1C03  }
0x55: {  	[timem:s3], [sflag:s2] =	dma.local @!p0 [hbm:s0], s1  }
0x56: {  	s0 =	simm.s32 @!p0 $0x3  }
0x57: {  	_ =	swait.ge @!p0 [sflag:s0], s1  }
0x58: {  	s1 =	ssub.s32 @!p0 $0x0, s1;
	[sflag:s0] =	ssyncset.done @!p0 $0x0  }
0x59: {  	[sflag:s0] =	ssyncadd.s32 @!p0 s1  }
0x5a: {  	[bflag:$0x3] =	sbarrier.arrive $0xFFFF  }
0x5b: {  	_ =	shalt  }

// kernel: kernel.13.cloned.1.call-start
scs
__scs_entry_jumppad:
0x0: {  	(pc) =	sbr.rel $0x88, $3  }
0x1: {  	(tag) =	ssettag $0x0;
	lr =	simm.s32 $0x1  }
0x2: {  	[smem:$0x3F9E] =	sst lr;
	_ =	strace $0xD0000000  }
0x3: {  	_ = 	snop  }
0x4: {  	_ = 	snop  }
0x5: {  	_ = 	snop  }
0x6: {  	_ = 	snop  }
0x7: {  	_ = 	snop  }
__scs_overlays_trampoline_lowered:
0x8: {  	[smem:$0x3FAD] =	sst s0  }
0x9: {  	[smem:$0x3FAE] =	sst s1  }
0xa: {  	[smem:$0x3FAF] =	sst s2  }
0xb: {  	[smem:$0x3FB0] =	sst s3  }
0xc: {  	[smem:$0x3FB1] =	sst s4  }
0xd: {  	[smem:$0x3FB2] =	sst s5  }
0xe: {  	[smem:$0x3FB3] =	sst s6  }
0xf: {  	[smem:$0x3FB4] =	sst s7  }
0x10: {  	[smem:$0x3FB5] =	sst s8  }
0x11: {  	[smem:$0x3FB6] =	sst s9;
	s0 =	simm.s32 @!p0 $0x0  }
0x12: {  	s1 =	sld [smem:$0x3F9C];
	s0 =	simm.s32 @p0 $0x1  }
0x13: {  	[smem:$0x3FB7] =	sst s0;
	s0 =	simm.s32 @!p1 $0x0  }
0x14: {  	s2 =	sld [smem:$0x3F9B];
	s0 =	simm.s32 @p1 $0x1  }
0x15: {  	[smem:$0x3FB8] =	sst s0;
	s0 =	simm.s32 @!p2 $0x0  }
0x16: {  	s3 =	sld [smem:$0x3FDB];
	s0 =	simm.s32 @p2 $0x1  }
0x17: {  	s4 =	simm.s32 $0x1BF5;
	[smem:$0x3FBA] =	sst s0  }
0x18: {  	s0 =	sld [smem:$0x3F9D];
	_ =	swait.ge [sflag:s4], $0x0  }
0x19: {  	s7 =	sld [smem:$0x3F9E]  }
0x1a: {  	s8 =	sadd.s32 $0xFFFFE003, lr  }
0x1b: {  	s9 =	sadd.s32 $0xFFFFFEF7, lr;
	s5 =	simm.s32 $0xFFFFFFFF;
	p2 =	slt.u32 s8, $0xFFFFF086  }
0x1c: {  	p1 =	slt.u32 s9, $0xF7A;
	s5 =	simm.s32 @!p2 $0x0  }
0x1d: {  	s5 =	simm.s32 @p1 $0x1;
	p0 =	seq.s32 s7, s2  }
0x1e: {  	s7 =	smul.u32 @!p0 $0xF7A, s2;
	p2 =	seq.s32 @!p0 s5, $0x0  }
0x1f: {  	s9 =	smul.u32 $0xF7A, s1;
	s8 =	simm.s32 @!p0 $0x1BF5;
	p2 =	por !p2, p0  }
0x20: {  	[sflag:s8] =	ssyncset.s32 @!p0 $0xFFFFF086;
	s6 =	sadd.s32 @!p0 s3, s7;
	s7 =	simm.s32 @!p0 $0x108  }
0x21: {  	s3 =	sadd.s32 s3, s9;
	s6 =	sadd.s32 @!p0 $0x88, s6;
	s7 =	simm.s32 @p2 $0x1082  }
0x22: {  	[simem:s7], [sflag:s8] =	dma.local @!p0 [hbm:s6], $0xF7A  }
0x23: {  	s9 =	sor.u32 $0xD0000000, s2;
	s6 =	simm.s32 $0x108;
	_ =	swait.ge @!p0 [sflag:s8], $0x0  }
0x24: {  	s3 =	sadd.s32 $0x88, s3;
	s6 =	simm.s32 @!p1 $0x1082;
	[sflag:s4] =	ssyncset.s32 $0xFFFFF086  }
0x25: {  	[simem:s6], [sflag:s4] =	dma.local [hbm:s3], $0xF7A  }
0x26: {  	[smem:$0x3F9E] =	sst s1;
	(tag) =	ssettag s2;
	_ =	strace s9  }
0x27: {  	s1 =	sld [smem:$0x3FAE]  }
0x28: {  	s2 =	sld [smem:$0x3FAF]  }
0x29: {  	s4 =	sld [smem:$0x3FB1]  }
0x2a: {  	p0 =	seq.s32 s5, $0x0;
	s5 =	sld [smem:$0x3FB2]  }
0x2b: {  	s6 =	sld [smem:$0x3FB3]  }
0x2c: {  	s7 =	sld [smem:$0x3FB4]  }
0x2d: {  	s3 =	simm.s32 $0x108;
	s8 =	sld [smem:$0x3FB5]  }
0x2e: {  	s3 =	simm.s32 @!p0 $0x1082;
	s9 =	sld [smem:$0x3FB6]  }
0x2f: {  	lr =	sadd.s32 s0, s3;
	s0 =	sld [smem:$0x3FAD]  }
0x30: {  	s3 =	sld [smem:$0x3FB0]  }
0x31: {  	[smem:$0x3FB9] =	sst s10  }
0x32: {  	s10 =	sld [smem:$0x3FB7];
	_ =	sdelay $0x3  }
0x33: {  	p0 =	seq.s32 s10, $0x1;
	s10 =	sld [smem:$0x3FB9];
	_ =	sdelay $0x3  }
0x34: {  	[smem:$0x3FB9] =	sst s10  }
0x35: {  	s10 =	sld [smem:$0x3FB8];
	_ =	sdelay $0x3  }
0x36: {  	p1 =	seq.s32 s10, $0x1;
	s10 =	sld [smem:$0x3FB9];
	_ =	sdelay $0x3  }
0x37: {  	[smem:$0x3FB9] =	sst s10  }
0x38: {  	s10 =	sld [smem:$0x3FBA]  }
0x39: {  	_ = 	snop;
	(pc) =	sbr.ind lr, $3  }
0x3a: {  	_ = 	snop  }
0x3b: {  	_ = 	snop  }
0x3c: {  	p2 =	seq.s32 s10, $0x1;
	s10 =	sld [smem:$0x3FB9]  }
0x3d: {  	_ =	shalt  }
0x3e: {  	_ =	shalt  }
0x3f: {  	_ =	shalt  }
0x40: {  	_ =	shalt  }
0x41: {  	_ =	shalt  }
0x42: {  	_ =	shalt  }
0x43: {  	_ =	shalt  }
0x44: {  	_ =	shalt  }
0x45: {  	_ =	shalt  }
0x46: {  	_ =	shalt  }
0x47: {  	_ =	shalt  }
0x48: {  	_ =	shalt  }
0x49: {  	_ =	shalt  }
0x4a: {  	_ =	shalt  }
0x4b: {  	_ =	shalt  }
0x4c: {  	_ =	shalt  }
0x4d: {  	_ =	shalt  }
0x4e: {  	_ =	shalt  }
0x4f: {  	_ =	shalt  }
0x50: {  	_ =	shalt  }
0x51: {  	_ =	shalt  }
0x52: {  	_ =	shalt  }
0x53: {  	_ =	shalt  }
0x54: {  	_ =	shalt  }
0x55: {  	_ =	shalt  }
0x56: {  	_ =	shalt  }
0x57: {  	_ =	shalt  }
0x58: {  	_ =	shalt  }
0x59: {  	_ =	shalt  }
0x5a: {  	_ =	shalt  }
0x5b: {  	_ =	shalt  }
0x5c: {  	_ =	shalt  }
0x5d: {  	_ =	shalt  }
0x5e: {  	_ =	shalt  }
0x5f: {  	_ =	shalt  }
0x60: {  	_ =	shalt  }
0x61: {  	_ =	shalt  }
0x62: {  	_ =	shalt  }
0x63: {  	_ =	shalt  }
0x64: {  	_ =	shalt  }
0x65: {  	_ =	shalt  }
0x66: {  	_ =	shalt  }
0x67: {  	_ =	shalt  }
0x68: {  	_ =	shalt  }
0x69: {  	_ =	shalt  }
0x6a: {  	_ =	shalt  }
0x6b: {  	_ =	shalt  }
0x6c: {  	_ =	shalt  }
0x6d: {  	_ =	shalt  }
0x6e: {  	_ =	shalt  }
0x6f: {  	_ =	shalt  }
0x70: {  	_ =	shalt  }
0x71: {  	_ =	shalt  }
0x72: {  	_ =	shalt  }
0x73: {  	_ =	shalt  }
0x74: {  	_ =	shalt  }
0x75: {  	_ =	shalt  }
0x76: {  	_ =	shalt  }
0x77: {  	_ =	shalt  }
0x78: {  	_ =	shalt  }
0x79: {  	_ =	shalt  }
0x7a: {  	_ =	shalt  }
0x7b: {  	_ =	shalt  }
0x7c: {  	_ =	shalt  }
0x7d: {  	_ =	shalt  }
0x7e: {  	_ =	shalt  }
0x7f: {  	_ =	shalt  }
0x80: {  	_ =	shalt  }
0x81: {  	_ =	shalt  }
0x82: {  	_ =	shalt  }
0x83: {  	_ =	shalt  }
0x84: {  	_ =	shalt  }
0x85: {  	_ =	shalt  }
0x86: {  	_ =	shalt  }
0x87: {  	_ =	shalt  }
.Lfunc_end0:
.L_simem_size_0:
called_computation.1_lowered:
.L_overlay_start_0:
0x88: {  	s2 =	sld [smem:$0x3FD9]  }
0x89: {  	s3 =	sld [smem:$0x3FFE];
	_ =	sdelay $0x1  }
0x8a: {  	s1 =	srdreg.scid  }
0x8b: {  	s0 =	sand.u32 $0x1, s1  }
0x8c: {  	s14 =	sshll.u32 s0, $0xA;
	s2 =	sadd.s32 s3, s2  }
0x8d: {  	s2 =	sadd.s32 s2, s14  }
0x8e: {  	[smem:$0x3FC5] =	sst s2  }
0x8f: {  	_ = 	snop  }
0x90: {  	s2 =	sld [smem:$0x3FD0];
	_ =	sdelay $0x2  }
0x91: {  	s4 =	simm.s32 $0xA;
	s5 =	simm.s32 $0x10;
	s15 =	sld [smem:$0x3FC8]  }
0x92: {  	[smem:s5], [sflag:s4] =	dma.local [hbm:s2], $0x1  }
0x93: {  	_ =	swait.eq [sflag:s4], $0x1  }
0x94: {  	[sflag:s4] =	ssyncset.done $0x0  }
0x95: {  	[sflag:s4] =	ssyncadd.s32 $0xFFFFFFFF  }
0x96: {  	s16 =	sld [smem:$0x10];
	(tm) =	ssettm $0x1  }
0x97: {  	s17 =	sld [smem:$0x3FFB];
	_ =	sdelay $0x3  }
0x98: {  	_ =	strace s17  }
0x99: {  	s4 =	sld [smem:$0x3FFC];
	_ =	sdelay $0x3  }
0x9a: {  	_ =	strace s4  }
0x9b: {  	s4 =	sld [smem:$0x3FFD];
	_ =	sdelay $0x3  }
0x9c: {  	_ =	strace s4  }
0x9d: {  	_ =	strace $0x8FFFFFFF  }
0x9e: {  	s18 =	sld [smem:$0x3FDB];
	_ =	sdelay $0x1  }
0x9f: {  	s19 =	simm.s32 $_scs_section_size  }
0xa0: {  	s6 =	simm.s32 $_size__tile_overlayer_lowered;
	s7 =	simm.s32 $_tile_overlayer_lowered  }
0xa1: {  	s22 =	simm.s32 $0x1BFF;
	s21 =	sshll.u32 s7, $0x1;
	s4 =	sadd.s32 s19, s18  }
0xa2: {  	s8 =	simm.s32 $0x0;
	s20 =	sshll.u32 s6, $0x1;
	s6 =	sadd.s32 s21, s4  }
0xa3: {  	[timem:s8], [sflag:s22] =	dma.local [hbm:s6], s20  }
0xa4: {  	_ =	swait.ge [sflag:s22], s20  }
0xa5: {  	s5 =	ssub.s32 $0x0, s20;
	[sflag:s22] =	ssyncset.done $0x0  }
0xa6: {  	[sflag:s22] =	ssyncadd.s32 s5;
	_ =	sdelay $0x1  }
0xa7: {  	s23 =	simm.s32 $0x1B8B  }
0xa8: {  	_ =	swait.ge [sflag:s23], $0x1  }
0xa9: {  	[sflag:s23] =	ssyncset.done $0x0  }
0xaa: {  	s25 =	simm.s32 $0x1B8E;
	s24 =	sld [smem:$0x3FFE];
	[sflag:s23] =	ssyncadd.s32 $0xFFFFFFFF  }
0xab: {  	s26 =	simm.s32 $execute0_lowered;
	[smem:$0x3FD2] =	sst s25  }
0xac: {  	s6 =	sshll.u32 s26, $0x1;
	_ =	strace $0x80000049;
	[dreg:$0x1] =	wrdreg $0xFFFFFFFF  }
0xad: {  	s28 =	simm.s32 $_size_execute0_lowered;
	s4 =	sadd.s32 s4, s6;
	[dreg:$0x0] =	wrdreg $0x0  }
0xae: {  	s6 =	sshll.u32 s28, $0x1;
	[dreg:$0x2] =	wrdreg s4  }
0xaf: {  	[dreg:$0x3] =	wrdreg s6  }
0xb0: {  	[dreg:$0x4] =	wrdreg $0xC0  }
0xb1: {  	_ =	task [dreg:s8], $0x5FFFF  }
0xb2: {  	[dreg:$0x1] =	wrdreg $0xFFFFFFFF  }
0xb3: {  	[dreg:$0x0] =	wrdreg $0x60  }
0xb4: {  	[dreg:$0x2] =	wrdreg s24  }
0xb5: {  	[dreg:$0x3] =	wrdreg s15  }
0xb6: {  	[dreg:$0x4] =	wrdreg s16  }
0xb7: {  	[dreg:$0x5] =	wrdreg $0x9  }
0xb8: {  	_ =	task.clear_ibuf [dreg:s8], $0x6FFFF;
	_ =	strace $0x90000049  }
0xb9: {  	s29 =	simm.s32 $0x9;
	_ =	strace $0x8000004B  }
0xba: {  	_ =	swait.ge [sflag:s29], $0x1  }
0xbb: {  	[sflag:s29] =	ssyncadd.s32 $0xFFFFFFFF  }
0xbc: {  	_ =	strace $0x9000004B  }
0xbd: {  	_ =	sfence  }
0xbe: {  	s30 =	sld [smem:$0x0];
	_ =	sdelay $0x2  }
0xbf: {  	s31 =	sshll.u32 s1, $0xD;
	s1 =	sshrl.u32 s1, $0x2  }
0xc0: {  	s3 =	sand.u32 $0x4000, s31;
	s1 =	sadd.s32 s1, s30  }
0xc1: {  	s0 =	sor.u32 s3, s0;
	s1 =	sshll.u32 s1, $0x11  }
0xc2: {  	s0 =	sor.u32 s1, s0  }
0xc3: {  	s0 =	sadd.s32 $0x8F2B, s0  }
0xc4: {  	[sflag:s0] =	ssyncadd.remote.s32 $0x1  }
0xc5: {  	_ =	sfence.sel $0xFFFF  }
0xc6: {  	[dreg:$0x0] =	wrdreg $0xFFFFFFFF;
	(pc) =	sbr.abs _section_cstart, $3  }
0xc7: {  	[dreg:$0x1] =	wrdreg $0xFFFFFFFF  }
0xc8: {  	_ =	task.clear_ibuf [dreg:s8], $0x2FFFF;
	_ =	strace $0x9FFFFFFF  }
0xc9: {  	(tm) =	ssettm $0x7FFFFFFF  }
tec
execute0_lowered:
.L_overlay_start_1:
0x0: {  	(tag) =	ssettag $0x1  }
0x1: {  	s4 =	rddreg [dreg:$0x0]  }
0x2: {  	s1 =	srdreg.scid;
	s2 =	rddreg [dreg:$0x1]  }
0x3: {  	s0 =	stileid.u32;
	s6 =	rddreg [dreg:$0x2]  }
0x4: {  	s3 =	simm.s32 $0x0;
	s11 =	simm.s32 $0x3;
	s12 =	simm.s32 $0x80  }
0x5: {  	s13 =	simm.s32 $0x1;
	s5 =	sand.u32 $0x1, s1;
	s30 =	sshll.u32 s0, $0x1  }
0x6: {  	s14 =	simm.s32 $0xC080;
	s15 =	simm.s32 $0x2;
	s7 =	sor.u32 s5, s30  }
0x7: {  	s1 =	rddreg [dreg:$0x3];
	s5 =	ssub.s32 $0x2, s5;
	s8 =	smul.u32 $0x3C000, s7  }
0x8: {  	[smem:$0x7FF] =	sst s3;
	s7 =	smul.u32 $0x5, s7;
	s9 =	sshrl.u32 s5, $0x1  }
0x9: {  	_ =	strace $0x8000004A;
	s10 =	ssub.s32 s5, s9;
	s8 =	sshrl.u32 s8, $0x3  }
0xa: {  	s4 =	sadd.s32 s7, s4;
	s10 =	smax.u32 s10, $0x1;
	s31 =	sadd.s32 s6, s8  }
0xb: {  	s4 =	sadd.s32 $0x3E00, s4;
	s5 =	sadd.s32 $0xF0000, s31;
	s6 =	sadd.s32 $0xF1800, s31  }
0xc: {  	vm0 =	vmmov $0xff;
	v0 =	vlaneseq.u32;
	s7 =	sadd.s32 $0xF3000, s31;
	s8 =	sadd.s32 $0xF4800, s31;
	s9 =	sadd.s32 $0xF6000, s31  }
.LBB2_1:
0xd: {  	[tilespmem:s3], [sflag:$0x3] =	stream.linear.gather [hbm4b:s4+s3], $0x28, $0x38;
	[tilespmem:$0x18080] =	vst v63  }
0xe: {  	_ =	swait.ge [sflag:s11], $0x28  }
0xf: {  	[sflag:s11] =	ssyncset.done $0x0  }
0x10: {  	[sflag:s11] =	ssyncadd.s32 $0xFFFFFFD8  }
0x11: {  	v1 =	vld.msk [tilespmem:$0x0], $0xff;
	_ =	sdelay $0x4  }
0x12: {  	v1 =	vmul.u32 $0x1800, v1;
	_ =	sdelay $0x1  }
0x13: {  	v1 =	vperm.xlane v1, v0;
	_ =	sdelay $0x5  }
0x14: {  	[tilespmem:s12], [sflag:$0x1] =	stream.indirect_vreg.gather [hbm4b:s2+s3], $0x1800, v1, vm0, $0x38;
	[tilespmem:$0x18080] =	vst v63  }
0x15: {  	_ =	swait.ge [sflag:s13], $0xC000  }
0x16: {  	[sflag:s13] =	ssyncset.done $0x0  }
0x17: {  	[sflag:s13] =	ssyncadd.s32 $0xFFFF4000  }
0x18: {  	v1 =	vld.msk [tilespmem:$0x8], $0xff;
	_ =	sdelay $0x4  }
0x19: {  	v1 =	vmul.u32 $0x1800, v1;
	_ =	sdelay $0x1  }
0x1a: {  	v1 =	vperm.xlane v1, v0;
	_ =	sdelay $0x5  }
0x1b: {  	[tilespmem:s14], [sflag:$0x2] =	stream.indirect_vreg.gather [hbm4b:s2+s3], $0x1800, v1, vm0, $0x38;
	[tilespmem:$0x18080] =	vst v63  }
0x1c: {  	_ = 	snop  }
0x1d: {  	[hbm4b:s5+s3] =	stream.linear.scatter [tilespmem:s12], [sflag:$0x3], $0xC000, $0x38;
	[tilespmem:$0x18080] =	vst v63  }
0x1e: {  	_ =	swait.ge [sflag:s11], $0xC000  }
0x1f: {  	[sflag:s11] =	ssyncset.done $0x0  }
0x20: {  	[sflag:s11] =	ssyncadd.s32 $0xFFFF4000  }
0x21: {  	_ =	swait.ge [sflag:s15], $0xC000  }
0x22: {  	[sflag:s15] =	ssyncset.done $0x0  }
0x23: {  	[sflag:s15] =	ssyncadd.s32 $0xFFFF4000  }
0x24: {  	v1 =	vld.msk [tilespmem:$0x10], $0xff;
	_ =	sdelay $0x4  }
0x25: {  	v1 =	vmul.u32 $0x1800, v1;
	_ =	sdelay $0x1  }
0x26: {  	v1 =	vperm.xlane v1, v0;
	_ =	sdelay $0x5  }
0x27: {  	[tilespmem:s12], [sflag:$0x1] =	stream.indirect_vreg.gather [hbm4b:s2+s3], $0x1800, v1, vm0, $0x38;
	[tilespmem:$0x18080] =	vst v63  }
0x28: {  	_ = 	snop  }
0x29: {  	[hbm4b:s6+s3] =	stream.linear.scatter [tilespmem:s14], [sflag:$0x3], $0xC000, $0x38;
	[tilespmem:$0x18080] =	vst v63  }
0x2a: {  	_ =	swait.ge [sflag:s11], $0xC000  }
0x2b: {  	[sflag:s11] =	ssyncset.done $0x0  }
0x2c: {  	[sflag:s11] =	ssyncadd.s32 $0xFFFF4000  }
0x2d: {  	_ =	swait.ge [sflag:s13], $0xC000  }
0x2e: {  	[sflag:s13] =	ssyncset.done $0x0  }
0x2f: {  	[sflag:s13] =	ssyncadd.s32 $0xFFFF4000  }
0x30: {  	v1 =	vld.msk [tilespmem:$0x18], $0xff;
	_ =	sdelay $0x4  }
0x31: {  	v1 =	vmul.u32 $0x1800, v1;
	_ =	sdelay $0x1  }
0x32: {  	v1 =	vperm.xlane v1, v0;
	_ =	sdelay $0x5  }
0x33: {  	[tilespmem:s14], [sflag:$0x2] =	stream.indirect_vreg.gather [hbm4b:s2+s3], $0x1800, v1, vm0, $0x38;
	[tilespmem:$0x18080] =	vst v63  }
0x34: {  	_ = 	snop  }
0x35: {  	[hbm4b:s7+s3] =	stream.linear.scatter [tilespmem:s12], [sflag:$0x3], $0xC000, $0x38;
	[tilespmem:$0x18080] =	vst v63  }
0x36: {  	_ =	swait.ge [sflag:s11], $0xC000  }
0x37: {  	[sflag:s11] =	ssyncset.done $0x0  }
0x38: {  	[sflag:s11] =	ssyncadd.s32 $0xFFFF4000  }
0x39: {  	_ =	swait.ge [sflag:s15], $0xC000  }
0x3a: {  	[sflag:s15] =	ssyncset.done $0x0  }
0x3b: {  	[sflag:s15] =	ssyncadd.s32 $0xFFFF4000  }
0x3c: {  	v1 =	vld.msk [tilespmem:$0x20], $0xff;
	_ =	sdelay $0x4  }
0x3d: {  	v1 =	vmul.u32 $0x1800, v1;
	_ =	sdelay $0x1  }
0x3e: {  	v1 =	vperm.xlane v1, v0;
	_ =	sdelay $0x5  }
0x3f: {  	[tilespmem:s12], [sflag:$0x1] =	stream.indirect_vreg.gather [hbm4b:s2+s3], $0x1800, v1, vm0, $0x38;
	[tilespmem:$0x18080] =	vst v63  }
0x40: {  	_ = 	snop  }
0x41: {  	[hbm4b:s8+s3] =	stream.linear.scatter [tilespmem:s14], [sflag:$0x3], $0xC000, $0x38;
	[tilespmem:$0x18080] =	vst v63  }
0x42: {  	_ =	swait.ge [sflag:s11], $0xC000  }
0x43: {  	[sflag:s11] =	ssyncset.done $0x0  }
0x44: {  	[sflag:s11] =	ssyncadd.s32 $0xFFFF4000  }
0x45: {  	_ =	swait.ge [sflag:s13], $0xC000  }
0x46: {  	p0 =	sne.s32 s10, $0x1;
	[sflag:s13] =	ssyncset.done $0x0  }
.Ltmp0:
0x47: {  	[sflag:s13] =	ssyncadd.s32 $0xFFFF4000;
	(pc) =	sbr.rel @p0 .LBB2_1-.Ltmp0, $4  }
0x48: {  	[hbm4b:s9+s3] =	stream.linear.scatter [tilespmem:s12], [sflag:$0x3], $0xC000, $0x38;
	[tilespmem:$0x18080] =	vst v63  }
0x49: {  	_ =	swait.ge [sflag:s11], $0xC000  }
0x4a: {  	[sflag:s11] =	ssyncset.done $0x0  }
0x4b: {  	s10 =	sadd.s32 $0xFFFFFFFF, s10;
	[sflag:s11] =	ssyncadd.s32 $0xFFFF4000  }
0x4c: {  	_ =	sfence.sel $0x180000  }
0x4d: {  	[bflag:$0x0] =	sbarrier.arrive $0xFFFF  }
0x4e: {  	p0 =	sne.s32 s0, $0x0;
	_ =	strace $0x9000004A  }
0x4f: {  	s0 =	sadd.s32 @!p0 $0x100000, s1;
	[bflag:$0x2] =	sbarrier.arrive $0xFFFF  }
0x50: {  	[sflag:s0] =	ssyncadd.tile.s32 @!p0 $0x1;
	_ =	shalt  }
.Lfunc_end2:
_tile_overlayer_lowered:
.L_overlay_start_2:
0x51: {  	(tag) =	ssettag $0x2  }
0x52: {  	s0 =	rddreg [dreg:$0x0];
	s2 =	stileid.u32  }
0x53: {  	s1 =	rddreg [dreg:$0x1];
	p0 =	sne.s32 s2, $0x0  }
0x54: {  	s3 =	rddreg [dreg:$0x2];
	[bflag:$0x3] =	sbarrier.arrive $0xFFFF;
	s2 =	simm.s32 @!p0 $0x1C03  }
0x55: {  	[timem:s3], [sflag:s2] =	dma.local @!p0 [hbm:s0], s1  }
0x56: {  	s0 =	simm.s32 @!p0 $0x3  }
0x57: {  	_ =	swait.ge @!p0 [sflag:s0], s1  }
0x58: {  	s1 =	ssub.s32 @!p0 $0x0, s1;
	[sflag:s0] =	ssyncset.done @!p0 $0x0  }
0x59: {  	[sflag:s0] =	ssyncadd.s32 @!p0 s1  }
0x5a: {  	[bflag:$0x3] =	sbarrier.arrive $0xFFFF  }
0x5b: {  	_ =	shalt  }

// kernel: kernel.16.cloned.1.call-start
scs
__scs_entry_jumppad:
0x0: {  	(pc) =	sbr.rel $0x88, $3  }
0x1: {  	(tag) =	ssettag $0x0;
	lr =	simm.s32 $0x1  }
0x2: {  	[smem:$0x3F9E] =	sst lr;
	_ =	strace $0xD0000000  }
0x3: {  	_ = 	snop  }
0x4: {  	_ = 	snop  }
0x5: {  	_ = 	snop  }
0x6: {  	_ = 	snop  }
0x7: {  	_ = 	snop  }
__scs_overlays_trampoline_lowered:
0x8: {  	[smem:$0x3FAD] =	sst s0  }
0x9: {  	[smem:$0x3FAE] =	sst s1  }
0xa: {  	[smem:$0x3FAF] =	sst s2  }
0xb: {  	[smem:$0x3FB0] =	sst s3  }
0xc: {  	[smem:$0x3FB1] =	sst s4  }
0xd: {  	[smem:$0x3FB2] =	sst s5  }
0xe: {  	[smem:$0x3FB3] =	sst s6  }
0xf: {  	[smem:$0x3FB4] =	sst s7  }
0x10: {  	[smem:$0x3FB5] =	sst s8  }
0x11: {  	[smem:$0x3FB6] =	sst s9;
	s0 =	simm.s32 @!p0 $0x0  }
0x12: {  	s1 =	sld [smem:$0x3F9C];
	s0 =	simm.s32 @p0 $0x1  }
0x13: {  	[smem:$0x3FB7] =	sst s0;
	s0 =	simm.s32 @!p1 $0x0  }
0x14: {  	s2 =	sld [smem:$0x3F9B];
	s0 =	simm.s32 @p1 $0x1  }
0x15: {  	[smem:$0x3FB8] =	sst s0;
	s0 =	simm.s32 @!p2 $0x0  }
0x16: {  	s3 =	sld [smem:$0x3FDB];
	s0 =	simm.s32 @p2 $0x1  }
0x17: {  	s4 =	simm.s32 $0x1BF5;
	[smem:$0x3FBA] =	sst s0  }
0x18: {  	s0 =	sld [smem:$0x3F9D];
	_ =	swait.ge [sflag:s4], $0x0  }
0x19: {  	s7 =	sld [smem:$0x3F9E]  }
0x1a: {  	s8 =	sadd.s32 $0xFFFFE003, lr  }
0x1b: {  	s9 =	sadd.s32 $0xFFFFFEF7, lr;
	s5 =	simm.s32 $0xFFFFFFFF;
	p2 =	slt.u32 s8, $0xFFFFF086  }
0x1c: {  	p1 =	slt.u32 s9, $0xF7A;
	s5 =	simm.s32 @!p2 $0x0  }
0x1d: {  	s5 =	simm.s32 @p1 $0x1;
	p0 =	seq.s32 s7, s2  }
0x1e: {  	s7 =	smul.u32 @!p0 $0xF7A, s2;
	p2 =	seq.s32 @!p0 s5, $0x0  }
0x1f: {  	s9 =	smul.u32 $0xF7A, s1;
	s8 =	simm.s32 @!p0 $0x1BF5;
	p2 =	por !p2, p0  }
0x20: {  	[sflag:s8] =	ssyncset.s32 @!p0 $0xFFFFF086;
	s6 =	sadd.s32 @!p0 s3, s7;
	s7 =	simm.s32 @!p0 $0x108  }
0x21: {  	s3 =	sadd.s32 s3, s9;
	s6 =	sadd.s32 @!p0 $0x88, s6;
	s7 =	simm.s32 @p2 $0x1082  }
0x22: {  	[simem:s7], [sflag:s8] =	dma.local @!p0 [hbm:s6], $0xF7A  }
0x23: {  	s9 =	sor.u32 $0xD0000000, s2;
	s6 =	simm.s32 $0x108;
	_ =	swait.ge @!p0 [sflag:s8], $0x0  }
0x24: {  	s3 =	sadd.s32 $0x88, s3;
	s6 =	simm.s32 @!p1 $0x1082;
	[sflag:s4] =	ssyncset.s32 $0xFFFFF086  }
0x25: {  	[simem:s6], [sflag:s4] =	dma.local [hbm:s3], $0xF7A  }
0x26: {  	[smem:$0x3F9E] =	sst s1;
	(tag) =	ssettag s2;
	_ =	strace s9  }
0x27: {  	s1 =	sld [smem:$0x3FAE]  }
0x28: {  	s2 =	sld [smem:$0x3FAF]  }
0x29: {  	s4 =	sld [smem:$0x3FB1]  }
0x2a: {  	p0 =	seq.s32 s5, $0x0;
	s5 =	sld [smem:$0x3FB2]  }
0x2b: {  	s6 =	sld [smem:$0x3FB3]  }
0x2c: {  	s7 =	sld [smem:$0x3FB4]  }
0x2d: {  	s3 =	simm.s32 $0x108;
	s8 =	sld [smem:$0x3FB5]  }
0x2e: {  	s3 =	simm.s32 @!p0 $0x1082;
	s9 =	sld [smem:$0x3FB6]  }
0x2f: {  	lr =	sadd.s32 s0, s3;
	s0 =	sld [smem:$0x3FAD]  }
0x30: {  	s3 =	sld [smem:$0x3FB0]  }
0x31: {  	[smem:$0x3FB9] =	sst s10  }
0x32: {  	s10 =	sld [smem:$0x3FB7];
	_ =	sdelay $0x3  }
0x33: {  	p0 =	seq.s32 s10, $0x1;
	s10 =	sld [smem:$0x3FB9];
	_ =	sdelay $0x3  }
0x34: {  	[smem:$0x3FB9] =	sst s10  }
0x35: {  	s10 =	sld [smem:$0x3FB8];
	_ =	sdelay $0x3  }
0x36: {  	p1 =	seq.s32 s10, $0x1;
	s10 =	sld [smem:$0x3FB9];
	_ =	sdelay $0x3  }
0x37: {  	[smem:$0x3FB9] =	sst s10  }
0x38: {  	s10 =	sld [smem:$0x3FBA]  }
0x39: {  	_ = 	snop;
	(pc) =	sbr.ind lr, $3  }
0x3a: {  	_ = 	snop  }
0x3b: {  	_ = 	snop  }
0x3c: {  	p2 =	seq.s32 s10, $0x1;
	s10 =	sld [smem:$0x3FB9]  }
0x3d: {  	_ =	shalt  }
0x3e: {  	_ =	shalt  }
0x3f: {  	_ =	shalt  }
0x40: {  	_ =	shalt  }
0x41: {  	_ =	shalt  }
0x42: {  	_ =	shalt  }
0x43: {  	_ =	shalt  }
0x44: {  	_ =	shalt  }
0x45: {  	_ =	shalt  }
0x46: {  	_ =	shalt  }
0x47: {  	_ =	shalt  }
0x48: {  	_ =	shalt  }
0x49: {  	_ =	shalt  }
0x4a: {  	_ =	shalt  }
0x4b: {  	_ =	shalt  }
0x4c: {  	_ =	shalt  }
0x4d: {  	_ =	shalt  }
0x4e: {  	_ =	shalt  }
0x4f: {  	_ =	shalt  }
0x50: {  	_ =	shalt  }
0x51: {  	_ =	shalt  }
0x52: {  	_ =	shalt  }
0x53: {  	_ =	shalt  }
0x54: {  	_ =	shalt  }
0x55: {  	_ =	shalt  }
0x56: {  	_ =	shalt  }
0x57: {  	_ =	shalt  }
0x58: {  	_ =	shalt  }
0x59: {  	_ =	shalt  }
0x5a: {  	_ =	shalt  }
0x5b: {  	_ =	shalt  }
0x5c: {  	_ =	shalt  }
0x5d: {  	_ =	shalt  }
0x5e: {  	_ =	shalt  }
0x5f: {  	_ =	shalt  }
0x60: {  	_ =	shalt  }
0x61: {  	_ =	shalt  }
0x62: {  	_ =	shalt  }
0x63: {  	_ =	shalt  }
0x64: {  	_ =	shalt  }
0x65: {  	_ =	shalt  }
0x66: {  	_ =	shalt  }
0x67: {  	_ =	shalt  }
0x68: {  	_ =	shalt  }
0x69: {  	_ =	shalt  }
0x6a: {  	_ =	shalt  }
0x6b: {  	_ =	shalt  }
0x6c: {  	_ =	shalt  }
0x6d: {  	_ =	shalt  }
0x6e: {  	_ =	shalt  }
0x6f: {  	_ =	shalt  }
0x70: {  	_ =	shalt  }
0x71: {  	_ =	shalt  }
0x72: {  	_ =	shalt  }
0x73: {  	_ =	shalt  }
0x74: {  	_ =	shalt  }
0x75: {  	_ =	shalt  }
0x76: {  	_ =	shalt  }
0x77: {  	_ =	shalt  }
0x78: {  	_ =	shalt  }
0x79: {  	_ =	shalt  }
0x7a: {  	_ =	shalt  }
0x7b: {  	_ =	shalt  }
0x7c: {  	_ =	shalt  }
0x7d: {  	_ =	shalt  }
0x7e: {  	_ =	shalt  }
0x7f: {  	_ =	shalt  }
0x80: {  	_ =	shalt  }
0x81: {  	_ =	shalt  }
0x82: {  	_ =	shalt  }
0x83: {  	_ =	shalt  }
0x84: {  	_ =	shalt  }
0x85: {  	_ =	shalt  }
0x86: {  	_ =	shalt  }
0x87: {  	_ =	shalt  }
.Lfunc_end0:
.L_simem_size_0:
called_computation.2_lowered:
.L_overlay_start_0:
0x88: {  	s2 =	sld [smem:$0x3FD9]  }
0x89: {  	s3 =	sld [smem:$0x3FFE];
	_ =	sdelay $0x1  }
0x8a: {  	s1 =	srdreg.scid  }
0x8b: {  	s0 =	sand.u32 $0x1, s1  }
0x8c: {  	s15 =	sshll.u32 s0, $0xA;
	s2 =	sadd.s32 s3, s2  }
0x8d: {  	s2 =	sadd.s32 s2, s15  }
0x8e: {  	[smem:$0x3FC5] =	sst s2  }
0x8f: {  	_ = 	snop  }
0x90: {  	s2 =	sld [smem:$0x3FD0];
	_ =	sdelay $0x2  }
0x91: {  	s4 =	simm.s32 $0xA;
	s5 =	simm.s32 $0x10;
	s16 =	sld [smem:$0x3FC8]  }
0x92: {  	[smem:s5], [sflag:s4] =	dma.local [hbm:s2], $0x1  }
0x93: {  	_ =	swait.eq [sflag:s4], $0x1  }
0x94: {  	[sflag:s4] =	ssyncset.done $0x0  }
0x95: {  	s17 =	sld [smem:$0x10];
	[sflag:s4] =	ssyncadd.s32 $0xFFFFFFFF  }
0x96: {  	s18 =	sld [smem:$0x12];
	(tm) =	ssettm $0x1  }
0x97: {  	s19 =	sld [smem:$0x3FFB];
	_ =	sdelay $0x3  }
0x98: {  	_ =	strace s19  }
0x99: {  	s5 =	sld [smem:$0x3FFC];
	_ =	sdelay $0x3  }
0x9a: {  	_ =	strace s5  }
0x9b: {  	s5 =	sld [smem:$0x3FFD];
	_ =	sdelay $0x3  }
0x9c: {  	_ =	strace s5  }
0x9d: {  	_ =	strace $0x8FFFFFFF  }
0x9e: {  	s20 =	sld [smem:$0x3FDB];
	_ =	sdelay $0x1  }
0x9f: {  	s6 =	simm.s32 $_scs_section_size  }
0xa0: {  	s7 =	simm.s32 $_size__tile_overlayer_lowered;
	s8 =	simm.s32 $_tile_overlayer_lowered  }
0xa1: {  	s23 =	simm.s32 $0x1BFF;
	s22 =	sshll.u32 s8, $0x1;
	s5 =	sadd.s32 s6, s20  }
0xa2: {  	s9 =	simm.s32 $0x0;
	s21 =	sshll.u32 s7, $0x1;
	s7 =	sadd.s32 s22, s5  }
0xa3: {  	[timem:s9], [sflag:s23] =	dma.local [hbm:s7], s21  }
0xa4: {  	_ =	swait.ge [sflag:s23], s21  }
0xa5: {  	s6 =	ssub.s32 $0x0, s21;
	[sflag:s23] =	ssyncset.done $0x0  }
0xa6: {  	[sflag:s23] =	ssyncadd.s32 s6;
	_ =	sdelay $0x1  }
0xa7: {  	s24 =	simm.s32 $0x1B8B  }
0xa8: {  	_ =	swait.ge [sflag:s24], $0x1  }
0xa9: {  	[sflag:s24] =	ssyncset.done $0x0  }
0xaa: {  	s25 =	simm.s32 $0x1B8E;
	[sflag:s24] =	ssyncadd.s32 $0xFFFFFFFF  }
0xab: {  	s26 =	simm.s32 $execute0_lowered;
	[smem:$0x3FD2] =	sst s25  }
0xac: {  	s6 =	sshll.u32 s26, $0x1;
	_ =	strace $0x8000004C;
	[dreg:$0x1] =	wrdreg $0xFFFFFFFF  }
0xad: {  	s28 =	simm.s32 $_size_execute0_lowered;
	s5 =	sadd.s32 s5, s6;
	[dreg:$0x0] =	wrdreg $0x0  }
0xae: {  	s6 =	sshll.u32 s28, $0x1;
	[dreg:$0x2] =	wrdreg s5  }
0xaf: {  	[dreg:$0x3] =	wrdreg s6  }
0xb0: {  	[dreg:$0x4] =	wrdreg $0xC0  }
0xb1: {  	_ =	task [dreg:s9], $0x5FFFF  }
0xb2: {  	[dreg:$0x1] =	wrdreg $0xFFFFFFFF  }
0xb3: {  	[dreg:$0x0] =	wrdreg $0x60  }
0xb4: {  	[dreg:$0x2] =	wrdreg s18  }
0xb5: {  	[dreg:$0x3] =	wrdreg s16  }
0xb6: {  	[dreg:$0x4] =	wrdreg s17  }
0xb7: {  	[dreg:$0x5] =	wrdreg $0x9  }
0xb8: {  	_ =	task.clear_ibuf [dreg:s9], $0x6FFFF;
	_ =	strace $0x9000004C  }
0xb9: {  	s29 =	simm.s32 $0x9;
	_ =	strace $0x8000004E  }
0xba: {  	_ =	swait.ge [sflag:s29], $0x1  }
0xbb: {  	[sflag:s29] =	ssyncadd.s32 $0xFFFFFFFF  }
0xbc: {  	_ =	strace $0x9000004E  }
0xbd: {  	_ =	sfence  }
0xbe: {  	s30 =	sld [smem:$0x0];
	_ =	sdelay $0x2  }
0xbf: {  	s31 =	sshll.u32 s1, $0xD;
	s1 =	sshrl.u32 s1, $0x2  }
0xc0: {  	s3 =	sand.u32 $0x4000, s31;
	s1 =	sadd.s32 s1, s30  }
0xc1: {  	s0 =	sor.u32 s3, s0;
	s1 =	sshll.u32 s1, $0x11  }
0xc2: {  	s0 =	sor.u32 s1, s0  }
0xc3: {  	s0 =	sadd.s32 $0x8F2B, s0  }
0xc4: {  	[sflag:s0] =	ssyncadd.remote.s32 $0x1  }
0xc5: {  	_ =	sfence.sel $0xFFFF  }
0xc6: {  	[dreg:$0x0] =	wrdreg $0xFFFFFFFF;
	(pc) =	sbr.abs _section_cstart, $3  }
0xc7: {  	[dreg:$0x1] =	wrdreg $0xFFFFFFFF  }
0xc8: {  	_ =	task.clear_ibuf [dreg:s9], $0x2FFFF;
	_ =	strace $0x9FFFFFFF  }
0xc9: {  	(tm) =	ssettm $0x7FFFFFFF  }
tec
execute0_lowered:
.L_overlay_start_1:
0x0: {  	(tag) =	ssettag $0x1  }
0x1: {  	s4 =	rddreg [dreg:$0x0];
	s1 =	srdreg.scid  }
0x2: {  	s0 =	stileid.u32;
	s2 =	rddreg [dreg:$0x1]  }
0x3: {  	s6 =	rddreg [dreg:$0x2];
	s3 =	simm.s32 $0x0;
	s11 =	simm.s32 $0x3  }
0x4: {  	s12 =	simm.s32 $0x80;
	s5 =	sand.u32 $0x1, s1;
	s30 =	sshll.u32 s0, $0x1  }
0x5: {  	s13 =	simm.s32 $0x1;
	s14 =	simm.s32 $0xC080;
	s7 =	sor.u32 s5, s30  }
0x6: {  	s15 =	simm.s32 $0x2;
	s1 =	rddreg [dreg:$0x3];
	s8 =	smul.u32 $0x3C000, s7  }
0x7: {  	[smem:$0x7FF] =	sst s3;
	s5 =	ssub.s32 $0x2, s5;
	s7 =	smul.u32 $0x5, s7  }
0x8: {  	_ =	strace $0x8000004D;
	s9 =	sshrl.u32 s5, $0x1;
	s8 =	sshrl.u32 s8, $0x3  }
0x9: {  	s10 =	ssub.s32 s5, s9;
	s4 =	sadd.s32 s4, s7;
	s31 =	sadd.s32 s6, s8  }
0xa: {  	s10 =	smax.u32 s10, $0x1;
	s5 =	sadd.s32 $0x1E0000, s31;
	s6 =	sadd.s32 $0x1E1800, s31  }
0xb: {  	vm0 =	vmmov $0xff;
	v0 =	vlaneseq.u32;
	s7 =	sadd.s32 $0x1E3000, s31;
	s8 =	sadd.s32 $0x1E4800, s31;
	s9 =	sadd.s32 $0x1E6000, s31  }
.LBB2_1:
0xc: {  	[tilespmem:s3], [sflag:$0x3] =	stream.linear.gather [hbm4b:s4+s3], $0x28, $0x38;
	[tilespmem:$0x18080] =	vst v63  }
0xd: {  	_ =	swait.ge [sflag:s11], $0x28  }
0xe: {  	[sflag:s11] =	ssyncset.done $0x0  }
0xf: {  	[sflag:s11] =	ssyncadd.s32 $0xFFFFFFD8  }
0x10: {  	v1 =	vld.msk [tilespmem:$0x0], $0xff;
	_ =	sdelay $0x4  }
0x11: {  	v1 =	vmul.u32 $0x1800, v1;
	_ =	sdelay $0x1  }
0x12: {  	v1 =	vperm.xlane v1, v0;
	_ =	sdelay $0x5  }
0x13: {  	[tilespmem:s12], [sflag:$0x1] =	stream.indirect_vreg.gather [hbm4b:s2+s3], $0x1800, v1, vm0, $0x38;
	[tilespmem:$0x18080] =	vst v63  }
0x14: {  	_ =	swait.ge [sflag:s13], $0xC000  }
0x15: {  	[sflag:s13] =	ssyncset.done $0x0  }
0x16: {  	[sflag:s13] =	ssyncadd.s32 $0xFFFF4000  }
0x17: {  	v1 =	vld.msk [tilespmem:$0x8], $0xff;
	_ =	sdelay $0x4  }
0x18: {  	v1 =	vmul.u32 $0x1800, v1;
	_ =	sdelay $0x1  }
0x19: {  	v1 =	vperm.xlane v1, v0;
	_ =	sdelay $0x5  }
0x1a: {  	[tilespmem:s14], [sflag:$0x2] =	stream.indirect_vreg.gather [hbm4b:s2+s3], $0x1800, v1, vm0, $0x38;
	[tilespmem:$0x18080] =	vst v63  }
0x1b: {  	_ = 	snop  }
0x1c: {  	[hbm4b:s5+s3] =	stream.linear.scatter [tilespmem:s12], [sflag:$0x3], $0xC000, $0x38;
	[tilespmem:$0x18080] =	vst v63  }
0x1d: {  	_ =	swait.ge [sflag:s11], $0xC000  }
0x1e: {  	[sflag:s11] =	ssyncset.done $0x0  }
0x1f: {  	[sflag:s11] =	ssyncadd.s32 $0xFFFF4000  }
0x20: {  	_ =	swait.ge [sflag:s15], $0xC000  }
0x21: {  	[sflag:s15] =	ssyncset.done $0x0  }
0x22: {  	[sflag:s15] =	ssyncadd.s32 $0xFFFF4000  }
0x23: {  	v1 =	vld.msk [tilespmem:$0x10], $0xff;
	_ =	sdelay $0x4  }
0x24: {  	v1 =	vmul.u32 $0x1800, v1;
	_ =	sdelay $0x1  }
0x25: {  	v1 =	vperm.xlane v1, v0;
	_ =	sdelay $0x5  }
0x26: {  	[tilespmem:s12], [sflag:$0x1] =	stream.indirect_vreg.gather [hbm4b:s2+s3], $0x1800, v1, vm0, $0x38;
	[tilespmem:$0x18080] =	vst v63  }
0x27: {  	_ = 	snop  }
0x28: {  	[hbm4b:s6+s3] =	stream.linear.scatter [tilespmem:s14], [sflag:$0x3], $0xC000, $0x38;
	[tilespmem:$0x18080] =	vst v63  }
0x29: {  	_ =	swait.ge [sflag:s11], $0xC000  }
0x2a: {  	[sflag:s11] =	ssyncset.done $0x0  }
0x2b: {  	[sflag:s11] =	ssyncadd.s32 $0xFFFF4000  }
0x2c: {  	_ =	swait.ge [sflag:s13], $0xC000  }
0x2d: {  	[sflag:s13] =	ssyncset.done $0x0  }
0x2e: {  	[sflag:s13] =	ssyncadd.s32 $0xFFFF4000  }
0x2f: {  	v1 =	vld.msk [tilespmem:$0x18], $0xff;
	_ =	sdelay $0x4  }
0x30: {  	v1 =	vmul.u32 $0x1800, v1;
	_ =	sdelay $0x1  }
0x31: {  	v1 =	vperm.xlane v1, v0;
	_ =	sdelay $0x5  }
0x32: {  	[tilespmem:s14], [sflag:$0x2] =	stream.indirect_vreg.gather [hbm4b:s2+s3], $0x1800, v1, vm0, $0x38;
	[tilespmem:$0x18080] =	vst v63  }
0x33: {  	_ = 	snop  }
0x34: {  	[hbm4b:s7+s3] =	stream.linear.scatter [tilespmem:s12], [sflag:$0x3], $0xC000, $0x38;
	[tilespmem:$0x18080] =	vst v63  }
0x35: {  	_ =	swait.ge [sflag:s11], $0xC000  }
0x36: {  	[sflag:s11] =	ssyncset.done $0x0  }
0x37: {  	[sflag:s11] =	ssyncadd.s32 $0xFFFF4000  }
0x38: {  	_ =	swait.ge [sflag:s15], $0xC000  }
0x39: {  	[sflag:s15] =	ssyncset.done $0x0  }
0x3a: {  	[sflag:s15] =	ssyncadd.s32 $0xFFFF4000  }
0x3b: {  	v1 =	vld.msk [tilespmem:$0x20], $0xff;
	_ =	sdelay $0x4  }
0x3c: {  	v1 =	vmul.u32 $0x1800, v1;
	_ =	sdelay $0x1  }
0x3d: {  	v1 =	vperm.xlane v1, v0;
	_ =	sdelay $0x5  }
0x3e: {  	[tilespmem:s12], [sflag:$0x1] =	stream.indirect_vreg.gather [hbm4b:s2+s3], $0x1800, v1, vm0, $0x38;
	[tilespmem:$0x18080] =	vst v63  }
0x3f: {  	_ = 	snop  }
0x40: {  	[hbm4b:s8+s3] =	stream.linear.scatter [tilespmem:s14], [sflag:$0x3], $0xC000, $0x38;
	[tilespmem:$0x18080] =	vst v63  }
0x41: {  	_ =	swait.ge [sflag:s11], $0xC000  }
0x42: {  	[sflag:s11] =	ssyncset.done $0x0  }
0x43: {  	[sflag:s11] =	ssyncadd.s32 $0xFFFF4000  }
0x44: {  	_ =	swait.ge [sflag:s13], $0xC000  }
0x45: {  	p0 =	sne.s32 s10, $0x1;
	[sflag:s13] =	ssyncset.done $0x0  }
.Ltmp0:
0x46: {  	[sflag:s13] =	ssyncadd.s32 $0xFFFF4000;
	(pc) =	sbr.rel @p0 .LBB2_1-.Ltmp0, $4  }
0x47: {  	[hbm4b:s9+s3] =	stream.linear.scatter [tilespmem:s12], [sflag:$0x3], $0xC000, $0x38;
	[tilespmem:$0x18080] =	vst v63  }
0x48: {  	_ =	swait.ge [sflag:s11], $0xC000  }
0x49: {  	[sflag:s11] =	ssyncset.done $0x0  }
0x4a: {  	s10 =	sadd.s32 $0xFFFFFFFF, s10;
	[sflag:s11] =	ssyncadd.s32 $0xFFFF4000  }
0x4b: {  	_ =	sfence.sel $0x180000  }
0x4c: {  	[bflag:$0x0] =	sbarrier.arrive $0xFFFF  }
0x4d: {  	p0 =	sne.s32 s0, $0x0;
	_ =	strace $0x9000004D  }
0x4e: {  	s0 =	sadd.s32 @!p0 $0x100000, s1;
	[bflag:$0x2] =	sbarrier.arrive $0xFFFF  }
0x4f: {  	[sflag:s0] =	ssyncadd.tile.s32 @!p0 $0x1;
	_ =	shalt  }
.Lfunc_end2:
_tile_overlayer_lowered:
.L_overlay_start_2:
0x50: {  	(tag) =	ssettag $0x2  }
0x51: {  	s0 =	rddreg [dreg:$0x0];
	s2 =	stileid.u32  }
0x52: {  	s1 =	rddreg [dreg:$0x1];
	p0 =	sne.s32 s2, $0x0  }
0x53: {  	s3 =	rddreg [dreg:$0x2];
	[bflag:$0x3] =	sbarrier.arrive $0xFFFF;
	s2 =	simm.s32 @!p0 $0x1C03  }
0x54: {  	[timem:s3], [sflag:s2] =	dma.local @!p0 [hbm:s0], s1  }
0x55: {  	s0 =	simm.s32 @!p0 $0x3  }
0x56: {  	_ =	swait.ge @!p0 [sflag:s0], s1  }
0x57: {  	s1 =	ssub.s32 @!p0 $0x0, s1;
	[sflag:s0] =	ssyncset.done @!p0 $0x0  }
0x58: {  	[sflag:s0] =	ssyncadd.s32 @!p0 s1  }
0x59: {  	[bflag:$0x3] =	sbarrier.arrive $0xFFFF  }
0x5a: {  	_ =	shalt  }

// kernel: kernel.19.cloned.1.call-start
scs
__scs_entry_jumppad:
0x0: {  	(pc) =	sbr.rel $0x88, $3  }
0x1: {  	(tag) =	ssettag $0x0;
	lr =	simm.s32 $0x1  }
0x2: {  	[smem:$0x3F9E] =	sst lr;
	_ =	strace $0xD0000000  }
0x3: {  	_ = 	snop  }
0x4: {  	_ = 	snop  }
0x5: {  	_ = 	snop  }
0x6: {  	_ = 	snop  }
0x7: {  	_ = 	snop  }
__scs_overlays_trampoline_lowered:
0x8: {  	[smem:$0x3FAD] =	sst s0  }
0x9: {  	[smem:$0x3FAE] =	sst s1  }
0xa: {  	[smem:$0x3FAF] =	sst s2  }
0xb: {  	[smem:$0x3FB0] =	sst s3  }
0xc: {  	[smem:$0x3FB1] =	sst s4  }
0xd: {  	[smem:$0x3FB2] =	sst s5  }
0xe: {  	[smem:$0x3FB3] =	sst s6  }
0xf: {  	[smem:$0x3FB4] =	sst s7  }
0x10: {  	[smem:$0x3FB5] =	sst s8  }
0x11: {  	[smem:$0x3FB6] =	sst s9;
	s0 =	simm.s32 @!p0 $0x0  }
0x12: {  	s1 =	sld [smem:$0x3F9C];
	s0 =	simm.s32 @p0 $0x1  }
0x13: {  	[smem:$0x3FB7] =	sst s0;
	s0 =	simm.s32 @!p1 $0x0  }
0x14: {  	s2 =	sld [smem:$0x3F9B];
	s0 =	simm.s32 @p1 $0x1  }
0x15: {  	[smem:$0x3FB8] =	sst s0;
	s0 =	simm.s32 @!p2 $0x0  }
0x16: {  	s3 =	sld [smem:$0x3FDB];
	s0 =	simm.s32 @p2 $0x1  }
0x17: {  	s4 =	simm.s32 $0x1BF5;
	[smem:$0x3FBA] =	sst s0  }
0x18: {  	s0 =	sld [smem:$0x3F9D];
	_ =	swait.ge [sflag:s4], $0x0  }
0x19: {  	s7 =	sld [smem:$0x3F9E]  }
0x1a: {  	s8 =	sadd.s32 $0xFFFFE003, lr  }
0x1b: {  	s9 =	sadd.s32 $0xFFFFFEF7, lr;
	s5 =	simm.s32 $0xFFFFFFFF;
	p2 =	slt.u32 s8, $0xFFFFF086  }
0x1c: {  	p1 =	slt.u32 s9, $0xF7A;
	s5 =	simm.s32 @!p2 $0x0  }
0x1d: {  	s5 =	simm.s32 @p1 $0x1;
	p0 =	seq.s32 s7, s2  }
0x1e: {  	s7 =	smul.u32 @!p0 $0xF7A, s2;
	p2 =	seq.s32 @!p0 s5, $0x0  }
0x1f: {  	s9 =	smul.u32 $0xF7A, s1;
	s8 =	simm.s32 @!p0 $0x1BF5;
	p2 =	por !p2, p0  }
0x20: {  	[sflag:s8] =	ssyncset.s32 @!p0 $0xFFFFF086;
	s6 =	sadd.s32 @!p0 s3, s7;
	s7 =	simm.s32 @!p0 $0x108  }
0x21: {  	s3 =	sadd.s32 s3, s9;
	s6 =	sadd.s32 @!p0 $0x88, s6;
	s7 =	simm.s32 @p2 $0x1082  }
0x22: {  	[simem:s7], [sflag:s8] =	dma.local @!p0 [hbm:s6], $0xF7A  }
0x23: {  	s9 =	sor.u32 $0xD0000000, s2;
	s6 =	simm.s32 $0x108;
	_ =	swait.ge @!p0 [sflag:s8], $0x0  }
0x24: {  	s3 =	sadd.s32 $0x88, s3;
	s6 =	simm.s32 @!p1 $0x1082;
	[sflag:s4] =	ssyncset.s32 $0xFFFFF086  }
0x25: {  	[simem:s6], [sflag:s4] =	dma.local [hbm:s3], $0xF7A  }
0x26: {  	[smem:$0x3F9E] =	sst s1;
	(tag) =	ssettag s2;
	_ =	strace s9  }
0x27: {  	s1 =	sld [smem:$0x3FAE]  }
0x28: {  	s2 =	sld [smem:$0x3FAF]  }
0x29: {  	s4 =	sld [smem:$0x3FB1]  }
0x2a: {  	p0 =	seq.s32 s5, $0x0;
	s5 =	sld [smem:$0x3FB2]  }
0x2b: {  	s6 =	sld [smem:$0x3FB3]  }
0x2c: {  	s7 =	sld [smem:$0x3FB4]  }
0x2d: {  	s3 =	simm.s32 $0x108;
	s8 =	sld [smem:$0x3FB5]  }
0x2e: {  	s3 =	simm.s32 @!p0 $0x1082;
	s9 =	sld [smem:$0x3FB6]  }
0x2f: {  	lr =	sadd.s32 s0, s3;
	s0 =	sld [smem:$0x3FAD]  }
0x30: {  	s3 =	sld [smem:$0x3FB0]  }
0x31: {  	[smem:$0x3FB9] =	sst s10  }
0x32: {  	s10 =	sld [smem:$0x3FB7];
	_ =	sdelay $0x3  }
0x33: {  	p0 =	seq.s32 s10, $0x1;
	s10 =	sld [smem:$0x3FB9];
	_ =	sdelay $0x3  }
0x34: {  	[smem:$0x3FB9] =	sst s10  }
0x35: {  	s10 =	sld [smem:$0x3FB8];
	_ =	sdelay $0x3  }
0x36: {  	p1 =	seq.s32 s10, $0x1;
	s10 =	sld [smem:$0x3FB9];
	_ =	sdelay $0x3  }
0x37: {  	[smem:$0x3FB9] =	sst s10  }
0x38: {  	s10 =	sld [smem:$0x3FBA]  }
0x39: {  	_ = 	snop;
	(pc) =	sbr.ind lr, $3  }
0x3a: {  	_ = 	snop  }
0x3b: {  	_ = 	snop  }
0x3c: {  	p2 =	seq.s32 s10, $0x1;
	s10 =	sld [smem:$0x3FB9]  }
0x3d: {  	_ =	shalt  }
0x3e: {  	_ =	shalt  }
0x3f: {  	_ =	shalt  }
0x40: {  	_ =	shalt  }
0x41: {  	_ =	shalt  }
0x42: {  	_ =	shalt  }
0x43: {  	_ =	shalt  }
0x44: {  	_ =	shalt  }
0x45: {  	_ =	shalt  }
0x46: {  	_ =	shalt  }
0x47: {  	_ =	shalt  }
0x48: {  	_ =	shalt  }
0x49: {  	_ =	shalt  }
0x4a: {  	_ =	shalt  }
0x4b: {  	_ =	shalt  }
0x4c: {  	_ =	shalt  }
0x4d: {  	_ =	shalt  }
0x4e: {  	_ =	shalt  }
0x4f: {  	_ =	shalt  }
0x50: {  	_ =	shalt  }
0x51: {  	_ =	shalt  }
0x52: {  	_ =	shalt  }
0x53: {  	_ =	shalt  }
0x54: {  	_ =	shalt  }
0x55: {  	_ =	shalt  }
0x56: {  	_ =	shalt  }
0x57: {  	_ =	shalt  }
0x58: {  	_ =	shalt  }
0x59: {  	_ =	shalt  }
0x5a: {  	_ =	shalt  }
0x5b: {  	_ =	shalt  }
0x5c: {  	_ =	shalt  }
0x5d: {  	_ =	shalt  }
0x5e: {  	_ =	shalt  }
0x5f: {  	_ =	shalt  }
0x60: {  	_ =	shalt  }
0x61: {  	_ =	shalt  }
0x62: {  	_ =	shalt  }
0x63: {  	_ =	shalt  }
0x64: {  	_ =	shalt  }
0x65: {  	_ =	shalt  }
0x66: {  	_ =	shalt  }
0x67: {  	_ =	shalt  }
0x68: {  	_ =	shalt  }
0x69: {  	_ =	shalt  }
0x6a: {  	_ =	shalt  }
0x6b: {  	_ =	shalt  }
0x6c: {  	_ =	shalt  }
0x6d: {  	_ =	shalt  }
0x6e: {  	_ =	shalt  }
0x6f: {  	_ =	shalt  }
0x70: {  	_ =	shalt  }
0x71: {  	_ =	shalt  }
0x72: {  	_ =	shalt  }
0x73: {  	_ =	shalt  }
0x74: {  	_ =	shalt  }
0x75: {  	_ =	shalt  }
0x76: {  	_ =	shalt  }
0x77: {  	_ =	shalt  }
0x78: {  	_ =	shalt  }
0x79: {  	_ =	shalt  }
0x7a: {  	_ =	shalt  }
0x7b: {  	_ =	shalt  }
0x7c: {  	_ =	shalt  }
0x7d: {  	_ =	shalt  }
0x7e: {  	_ =	shalt  }
0x7f: {  	_ =	shalt  }
0x80: {  	_ =	shalt  }
0x81: {  	_ =	shalt  }
0x82: {  	_ =	shalt  }
0x83: {  	_ =	shalt  }
0x84: {  	_ =	shalt  }
0x85: {  	_ =	shalt  }
0x86: {  	_ =	shalt  }
0x87: {  	_ =	shalt  }
.Lfunc_end0:
.L_simem_size_0:
called_computation.3_lowered:
.L_overlay_start_0:
0x88: {  	s2 =	sld [smem:$0x3FD9]  }
0x89: {  	s3 =	sld [smem:$0x3FFE];
	_ =	sdelay $0x1  }
0x8a: {  	s1 =	srdreg.scid  }
0x8b: {  	s0 =	sand.u32 $0x1, s1  }
0x8c: {  	s14 =	sshll.u32 s0, $0xA;
	s2 =	sadd.s32 s3, s2  }
0x8d: {  	s2 =	sadd.s32 s2, s14  }
0x8e: {  	[smem:$0x3FC5] =	sst s2  }
0x8f: {  	_ = 	snop  }
0x90: {  	s2 =	sld [smem:$0x3FD0];
	_ =	sdelay $0x2  }
0x91: {  	s4 =	simm.s32 $0xA;
	s5 =	simm.s32 $0x10;
	s15 =	sld [smem:$0x3FC8]  }
0x92: {  	[smem:s5], [sflag:s4] =	dma.local [hbm:s2], $0x1  }
0x93: {  	_ =	swait.eq [sflag:s4], $0x1  }
0x94: {  	[sflag:s4] =	ssyncset.done $0x0  }
0x95: {  	[sflag:s4] =	ssyncadd.s32 $0xFFFFFFFF  }
0x96: {  	s16 =	sld [smem:$0x10];
	(tm) =	ssettm $0x1  }
0x97: {  	s17 =	sld [smem:$0x3FFB];
	_ =	sdelay $0x3  }
0x98: {  	_ =	strace s17  }
0x99: {  	s4 =	sld [smem:$0x3FFC];
	_ =	sdelay $0x3  }
0x9a: {  	_ =	strace s4  }
0x9b: {  	s4 =	sld [smem:$0x3FFD];
	_ =	sdelay $0x3  }
0x9c: {  	_ =	strace s4  }
0x9d: {  	_ =	strace $0x8FFFFFFF  }
0x9e: {  	s18 =	sld [smem:$0x3FDB];
	_ =	sdelay $0x1  }
0x9f: {  	s19 =	simm.s32 $_scs_section_size  }
0xa0: {  	s6 =	simm.s32 $_size__tile_overlayer_lowered;
	s7 =	simm.s32 $_tile_overlayer_lowered  }
0xa1: {  	s22 =	simm.s32 $0x1BFF;
	s21 =	sshll.u32 s7, $0x1;
	s4 =	sadd.s32 s19, s18  }
0xa2: {  	s8 =	simm.s32 $0x0;
	s20 =	sshll.u32 s6, $0x1;
	s6 =	sadd.s32 s21, s4  }
0xa3: {  	[timem:s8], [sflag:s22] =	dma.local [hbm:s6], s20  }
0xa4: {  	_ =	swait.ge [sflag:s22], s20  }
0xa5: {  	s5 =	ssub.s32 $0x0, s20;
	[sflag:s22] =	ssyncset.done $0x0  }
0xa6: {  	[sflag:s22] =	ssyncadd.s32 s5;
	_ =	sdelay $0x1  }
0xa7: {  	s23 =	simm.s32 $0x1B8B  }
0xa8: {  	_ =	swait.ge [sflag:s23], $0x1  }
0xa9: {  	[sflag:s23] =	ssyncset.done $0x0  }
0xaa: {  	s25 =	simm.s32 $0x1B8E;
	s24 =	sld [smem:$0x3FFE];
	[sflag:s23] =	ssyncadd.s32 $0xFFFFFFFF  }
0xab: {  	s26 =	simm.s32 $execute0_lowered;
	[smem:$0x3FD2] =	sst s25  }
0xac: {  	s6 =	sshll.u32 s26, $0x1;
	_ =	strace $0x8000004F;
	[dreg:$0x1] =	wrdreg $0xFFFFFFFF  }
0xad: {  	s28 =	simm.s32 $_size_execute0_lowered;
	s4 =	sadd.s32 s4, s6;
	[dreg:$0x0] =	wrdreg $0x0  }
0xae: {  	s6 =	sshll.u32 s28, $0x1;
	[dreg:$0x2] =	wrdreg s4  }
0xaf: {  	[dreg:$0x3] =	wrdreg s6  }
0xb0: {  	[dreg:$0x4] =	wrdreg $0xC0  }
0xb1: {  	_ =	task [dreg:s8], $0x5FFFF  }
0xb2: {  	[dreg:$0x1] =	wrdreg $0xFFFFFFFF  }
0xb3: {  	[dreg:$0x0] =	wrdreg $0x60  }
0xb4: {  	[dreg:$0x2] =	wrdreg s24  }
0xb5: {  	[dreg:$0x3] =	wrdreg s15  }
0xb6: {  	[dreg:$0x4] =	wrdreg s16  }
0xb7: {  	[dreg:$0x5] =	wrdreg $0x9  }
0xb8: {  	_ =	task.clear_ibuf [dreg:s8], $0x6FFFF;
	_ =	strace $0x9000004F  }
0xb9: {  	s29 =	simm.s32 $0x9;
	_ =	strace $0x80000051  }
0xba: {  	_ =	swait.ge [sflag:s29], $0x1  }
0xbb: {  	[sflag:s29] =	ssyncadd.s32 $0xFFFFFFFF  }
0xbc: {  	_ =	strace $0x90000051  }
0xbd: {  	_ =	sfence  }
0xbe: {  	s30 =	sld [smem:$0x0];
	_ =	sdelay $0x2  }
0xbf: {  	s31 =	sshll.u32 s1, $0xD;
	s1 =	sshrl.u32 s1, $0x2  }
0xc0: {  	s3 =	sand.u32 $0x4000, s31;
	s1 =	sadd.s32 s1, s30  }
0xc1: {  	s0 =	sor.u32 s3, s0;
	s1 =	sshll.u32 s1, $0x11  }
0xc2: {  	s0 =	sor.u32 s1, s0  }
0xc3: {  	s0 =	sadd.s32 $0x8F2B, s0  }
0xc4: {  	[sflag:s0] =	ssyncadd.remote.s32 $0x1  }
0xc5: {  	_ =	sfence.sel $0xFFFF  }
0xc6: {  	[dreg:$0x0] =	wrdreg $0xFFFFFFFF;
	(pc) =	sbr.abs _section_cstart, $3  }
0xc7: {  	[dreg:$0x1] =	wrdreg $0xFFFFFFFF  }
0xc8: {  	_ =	task.clear_ibuf [dreg:s8], $0x2FFFF;
	_ =	strace $0x9FFFFFFF  }
0xc9: {  	(tm) =	ssettm $0x7FFFFFFF  }
tec
execute0_lowered:
.L_overlay_start_1:
0x0: {  	(tag) =	ssettag $0x1  }
0x1: {  	s4 =	rddreg [dreg:$0x0]  }
0x2: {  	s1 =	srdreg.scid;
	s2 =	rddreg [dreg:$0x1]  }
0x3: {  	s0 =	stileid.u32;
	s6 =	rddreg [dreg:$0x2]  }
0x4: {  	s3 =	simm.s32 $0x0;
	s11 =	simm.s32 $0x3;
	s12 =	simm.s32 $0x80  }
0x5: {  	s13 =	simm.s32 $0x1;
	s5 =	sand.u32 $0x1, s1;
	s30 =	sshll.u32 s0, $0x1  }
0x6: {  	s14 =	simm.s32 $0xC080;
	s15 =	simm.s32 $0x2;
	s7 =	sor.u32 s5, s30  }
0x7: {  	s1 =	rddreg [dreg:$0x3];
	s5 =	ssub.s32 $0x2, s5;
	s8 =	smul.u32 $0x3C000, s7  }
0x8: {  	[smem:$0x7FF] =	sst s3;
	s7 =	smul.u32 $0x5, s7;
	s9 =	sshrl.u32 s5, $0x1  }
0x9: {  	_ =	strace $0x80000050;
	s10 =	ssub.s32 s5, s9;
	s8 =	sshrl.u32 s8, $0x3  }
0xa: {  	s4 =	sadd.s32 s7, s4;
	s10 =	smax.u32 s10, $0x1;
	s31 =	sadd.s32 s6, s8  }
0xb: {  	s4 =	sadd.s32 $0x3E00, s4;
	s5 =	sadd.s32 $0x2D0000, s31;
	s6 =	sadd.s32 $0x2D1800, s31  }
0xc: {  	vm0 =	vmmov $0xff;
	v0 =	vlaneseq.u32;
	s7 =	sadd.s32 $0x2D3000, s31;
	s8 =	sadd.s32 $0x2D4800, s31;
	s9 =	sadd.s32 $0x2D6000, s31  }
.LBB2_1:
0xd: {  	[tilespmem:s3], [sflag:$0x3] =	stream.linear.gather [hbm4b:s4+s3], $0x28, $0x38;
	[tilespmem:$0x18080] =	vst v63  }
0xe: {  	_ =	swait.ge [sflag:s11], $0x28  }
0xf: {  	[sflag:s11] =	ssyncset.done $0x0  }
0x10: {  	[sflag:s11] =	ssyncadd.s32 $0xFFFFFFD8  }
0x11: {  	v1 =	vld.msk [tilespmem:$0x0], $0xff;
	_ =	sdelay $0x4  }
0x12: {  	v1 =	vmul.u32 $0x1800, v1;
	_ =	sdelay $0x1  }
0x13: {  	v1 =	vperm.xlane v1, v0;
	_ =	sdelay $0x5  }
0x14: {  	[tilespmem:s12], [sflag:$0x1] =	stream.indirect_vreg.gather [hbm4b:s2+s3], $0x1800, v1, vm0, $0x38;
	[tilespmem:$0x18080] =	vst v63  }
0x15: {  	_ =	swait.ge [sflag:s13], $0xC000  }
0x16: {  	[sflag:s13] =	ssyncset.done $0x0  }
0x17: {  	[sflag:s13] =	ssyncadd.s32 $0xFFFF4000  }
0x18: {  	v1 =	vld.msk [tilespmem:$0x8], $0xff;
	_ =	sdelay $0x4  }
0x19: {  	v1 =	vmul.u32 $0x1800, v1;
	_ =	sdelay $0x1  }
0x1a: {  	v1 =	vperm.xlane v1, v0;
	_ =	sdelay $0x5  }
0x1b: {  	[tilespmem:s14], [sflag:$0x2] =	stream.indirect_vreg.gather [hbm4b:s2+s3], $0x1800, v1, vm0, $0x38;
	[tilespmem:$0x18080] =	vst v63  }
0x1c: {  	_ = 	snop  }
0x1d: {  	[hbm4b:s5+s3] =	stream.linear.scatter [tilespmem:s12], [sflag:$0x3], $0xC000, $0x38;
	[tilespmem:$0x18080] =	vst v63  }
0x1e: {  	_ =	swait.ge [sflag:s11], $0xC000  }
0x1f: {  	[sflag:s11] =	ssyncset.done $0x0  }
0x20: {  	[sflag:s11] =	ssyncadd.s32 $0xFFFF4000  }
0x21: {  	_ =	swait.ge [sflag:s15], $0xC000  }
0x22: {  	[sflag:s15] =	ssyncset.done $0x0  }
0x23: {  	[sflag:s15] =	ssyncadd.s32 $0xFFFF4000  }
0x24: {  	v1 =	vld.msk [tilespmem:$0x10], $0xff;
	_ =	sdelay $0x4  }
0x25: {  	v1 =	vmul.u32 $0x1800, v1;
	_ =	sdelay $0x1  }
0x26: {  	v1 =	vperm.xlane v1, v0;
	_ =	sdelay $0x5  }
0x27: {  	[tilespmem:s12], [sflag:$0x1] =	stream.indirect_vreg.gather [hbm4b:s2+s3], $0x1800, v1, vm0, $0x38;
	[tilespmem:$0x18080] =	vst v63  }
0x28: {  	_ = 	snop  }
0x29: {  	[hbm4b:s6+s3] =	stream.linear.scatter [tilespmem:s14], [sflag:$0x3], $0xC000, $0x38;
	[tilespmem:$0x18080] =	vst v63  }
0x2a: {  	_ =	swait.ge [sflag:s11], $0xC000  }
0x2b: {  	[sflag:s11] =	ssyncset.done $0x0  }
0x2c: {  	[sflag:s11] =	ssyncadd.s32 $0xFFFF4000  }
0x2d: {  	_ =	swait.ge [sflag:s13], $0xC000  }
0x2e: {  	[sflag:s13] =	ssyncset.done $0x0  }
0x2f: {  	[sflag:s13] =	ssyncadd.s32 $0xFFFF4000  }
0x30: {  	v1 =	vld.msk [tilespmem:$0x18], $0xff;
	_ =	sdelay $0x4  }
0x31: {  	v1 =	vmul.u32 $0x1800, v1;
	_ =	sdelay $0x1  }
0x32: {  	v1 =	vperm.xlane v1, v0;
	_ =	sdelay $0x5  }
0x33: {  	[tilespmem:s14], [sflag:$0x2] =	stream.indirect_vreg.gather [hbm4b:s2+s3], $0x1800, v1, vm0, $0x38;
	[tilespmem:$0x18080] =	vst v63  }
0x34: {  	_ = 	snop  }
0x35: {  	[hbm4b:s7+s3] =	stream.linear.scatter [tilespmem:s12], [sflag:$0x3], $0xC000, $0x38;
	[tilespmem:$0x18080] =	vst v63  }
0x36: {  	_ =	swait.ge [sflag:s11], $0xC000  }
0x37: {  	[sflag:s11] =	ssyncset.done $0x0  }
0x38: {  	[sflag:s11] =	ssyncadd.s32 $0xFFFF4000  }
0x39: {  	_ =	swait.ge [sflag:s15], $0xC000  }
0x3a: {  	[sflag:s15] =	ssyncset.done $0x0  }
0x3b: {  	[sflag:s15] =	ssyncadd.s32 $0xFFFF4000  }
0x3c: {  	v1 =	vld.msk [tilespmem:$0x20], $0xff;
	_ =	sdelay $0x4  }
0x3d: {  	v1 =	vmul.u32 $0x1800, v1;
	_ =	sdelay $0x1  }
0x3e: {  	v1 =	vperm.xlane v1, v0;
	_ =	sdelay $0x5  }
0x3f: {  	[tilespmem:s12], [sflag:$0x1] =	stream.indirect_vreg.gather [hbm4b:s2+s3], $0x1800, v1, vm0, $0x38;
	[tilespmem:$0x18080] =	vst v63  }
0x40: {  	_ = 	snop  }
0x41: {  	[hbm4b:s8+s3] =	stream.linear.scatter [tilespmem:s14], [sflag:$0x3], $0xC000, $0x38;
	[tilespmem:$0x18080] =	vst v63  }
0x42: {  	_ =	swait.ge [sflag:s11], $0xC000  }
0x43: {  	[sflag:s11] =	ssyncset.done $0x0  }
0x44: {  	[sflag:s11] =	ssyncadd.s32 $0xFFFF4000  }
0x45: {  	_ =	swait.ge [sflag:s13], $0xC000  }
0x46: {  	p0 =	sne.s32 s10, $0x1;
	[sflag:s13] =	ssyncset.done $0x0  }
.Ltmp0:
0x47: {  	[sflag:s13] =	ssyncadd.s32 $0xFFFF4000;
	(pc) =	sbr.rel @p0 .LBB2_1-.Ltmp0, $4  }
0x48: {  	[hbm4b:s9+s3] =	stream.linear.scatter [tilespmem:s12], [sflag:$0x3], $0xC000, $0x38;
	[tilespmem:$0x18080] =	vst v63  }
0x49: {  	_ =	swait.ge [sflag:s11], $0xC000  }
0x4a: {  	[sflag:s11] =	ssyncset.done $0x0  }
0x4b: {  	s10 =	sadd.s32 $0xFFFFFFFF, s10;
	[sflag:s11] =	ssyncadd.s32 $0xFFFF4000  }
0x4c: {  	_ =	sfence.sel $0x180000  }
0x4d: {  	[bflag:$0x0] =	sbarrier.arrive $0xFFFF  }
0x4e: {  	p0 =	sne.s32 s0, $0x0;
	_ =	strace $0x90000050  }
0x4f: {  	s0 =	sadd.s32 @!p0 $0x100000, s1;
	[bflag:$0x2] =	sbarrier.arrive $0xFFFF  }
0x50: {  	[sflag:s0] =	ssyncadd.tile.s32 @!p0 $0x1;
	_ =	shalt  }
.Lfunc_end2:
_tile_overlayer_lowered:
.L_overlay_start_2:
0x51: {  	(tag) =	ssettag $0x2  }
0x52: {  	s0 =	rddreg [dreg:$0x0];
	s2 =	stileid.u32  }
0x53: {  	s1 =	rddreg [dreg:$0x1];
	p0 =	sne.s32 s2, $0x0  }
0x54: {  	s3 =	rddreg [dreg:$0x2];
	[bflag:$0x3] =	sbarrier.arrive $0xFFFF;
	s2 =	simm.s32 @!p0 $0x1C03  }
0x55: {  	[timem:s3], [sflag:s2] =	dma.local @!p0 [hbm:s0], s1  }
0x56: {  	s0 =	simm.s32 @!p0 $0x3  }
0x57: {  	_ =	swait.ge @!p0 [sflag:s0], s1  }
0x58: {  	s1 =	ssub.s32 @!p0 $0x0, s1;
	[sflag:s0] =	ssyncset.done @!p0 $0x0  }
0x59: {  	[sflag:s0] =	ssyncadd.s32 @!p0 s1  }
0x5a: {  	[bflag:$0x3] =	sbarrier.arrive $0xFFFF  }
0x5b: {  	_ =	shalt  }

</sc_bundles>
